<compile_context>
chip_gen: v7x
topology: tpu7x:2x2x1
jax: 0.10.2.dev20260603
libtpu: 0.0.44.dev20260713+nightly
codegen_flags: <defaults>
</compile_context>

<pallas_src>
import functools
import math

import jax
import jax.numpy as jnp
from jax import lax
from jax.experimental import pallas as pl
from jax.experimental.pallas import tpu as pltpu
from jax.experimental.pallas import tpu_sc as plsc

NUM_HEADS = 16
NUM_BUCKETS = 32
MAX_DISTANCE = 128

SEQ = 2048
KEY = 2048
TBL = 4224
TBLP = 4352

QT = SEQ // 8
KT = KEY // 128

NC = 2
NS = 16
NW = NC * NS
QT_PER_W = NUM_HEADS * QT // NW
PAIR_STEPS = QT_PER_W // 2


def _table_body(delta_ref, wt_ref, out_ref):
    delta = delta_ref[0]
    col = lax.broadcasted_iota(jnp.int32, (8, TBLP), 1)
    row = lax.broadcasted_iota(jnp.int32, (8, TBLP), 0)
    d = col + (row - 8) - (KEY - 1) + delta
    half = NUM_BUCKETS // 2
    rel = jnp.where(d > 0, half, 0)
    ad = jnp.abs(d)
    max_exact = half // 2
    rp_safe = jnp.maximum(ad, 1)
    lg = max_exact + (
        jnp.log(rp_safe.astype(jnp.float32) / max_exact)
        / math.log(MAX_DISTANCE / max_exact)
        * (half - max_exact)
    ).astype(jnp.int32)
    lg = jnp.minimum(lg, half - 1)
    bkt = rel + jnp.where(ad < max_exact, ad, lg)
    bi = lax.broadcasted_iota(jnp.int32, (NUM_BUCKETS, TBLP), 0)
    for s in range(8):
        onehot = (bkt[s : s + 1, :] == bi).astype(jnp.float32)
        vals = lax.dot_general(
            wt_ref[...], onehot,
            (((1,), (0,)), ((), ())),
            preferred_element_type=jnp.float32,
            precision=lax.Precision.HIGHEST,
        )
        out_ref[s] = vals


def _build_table(weight, delta):
    wt = weight.T
    delta_arr = jnp.asarray(delta, jnp.int32).reshape(1)
    return pl.pallas_call(
        _table_body,
        out_shape=jax.ShapeDtypeStruct((8, NUM_HEADS, TBLP), jnp.float32),
        in_specs=[
            pl.BlockSpec(memory_space=pltpu.SMEM),
            pl.BlockSpec(memory_space=pltpu.VMEM),
        ],
        out_specs=pl.BlockSpec(memory_space=pltpu.VMEM),
    )(delta_arr, wt)


def _expand_body(tbl_hbm, out_hbm, tbl_v, sem):
    wid = lax.axis_index("s") * NC + lax.axis_index("c")
    h = wid // 2
    qt0 = (wid % 2) * QT_PER_W
    stage = []
    for g in range(2):
        for u in range(8):
            stage.append(
                pltpu.async_copy(
                    tbl_hbm.at[7 - u, h, pl.ds(8 - 8 * g, TBL)],
                    tbl_v.at[g, 0, u],
                    sem,
                )
            )
    for c in stage:
        c.wait()

    def step(t, carry):
        copies = []
        for p in range(2):
            qtg = qt0 + 4 * t + 2 * p
            base = (KEY - 8) - 8 * qtg
            for kt in range(KT):
                copies.append(
                    pltpu.async_copy(
                        tbl_v.at[:, :, :, pl.ds(base + 128 * kt, 128)],
                        out_hbm.at[h, pl.ds(qtg, 2), pl.ds(kt, 1)],
                        sem,
                    )
                )
        for c in copies:
            c.wait()
        return carry

    lax.fori_loop(0, PAIR_STEPS // 2, step, 0)


def _expand(tbl):
    mesh = plsc.VectorSubcoreMesh(core_axis_name="c", subcore_axis_name="s")
    run = functools.partial(
        pl.kernel,
        mesh=mesh,
        out_type=jax.ShapeDtypeStruct((NUM_HEADS, QT, KT, 8, 128), jnp.float32),
        scratch_types=[
            pltpu.VMEM((2, 1, 8, TBL), jnp.float32),
            pltpu.SemaphoreType.DMA,
        ],
        compiler_params=pltpu.CompilerParams(use_tc_tiling_on_sc=False),
    )(_expand_body)
    return run(tbl)


def kernel(weight, seq_length, key_length):
    delta = key_length - seq_length
    tbl = _build_table(weight, delta)
    out5 = _expand(tbl)
    return out5.transpose(0, 1, 3, 2, 4).reshape(NUM_HEADS, SEQ, KEY)

# --- scband reference (transcript-rebuilt; emitter-appended) ---
"""Pipeline reference for scband-relative-position-embedding-layer-31585189495402 (READ-ONLY COPY).

The authoritative reference and input builder live on the scoring server;
editing this copy changes nothing except your own understanding.
"""

import jax, jax.numpy as jnp
import numpy as np
import math

NUM_HEADS = 16
NUM_BUCKETS = 32
MAX_DISTANCE = 128
BIDIRECTIONAL = True

SEQ_LENGTH_CONST = 2048
KEY_LENGTH_CONST = 2048


def setup_inputs(seed: int = 0) -> dict:
    key = jax.random.key(seed)
    bound = math.sqrt(6.0 / (NUM_BUCKETS + NUM_HEADS))  # xavier_uniform
    weight = jax.random.uniform(key, (NUM_BUCKETS, NUM_HEADS), dtype=jnp.float32, minval=-bound, maxval=bound)
    return {"weight": weight, "seq_length": 2048, "key_length": 2048}


def _relative_position_bucket(relative_position, bidirectional, num_buckets, max_distance):
    relative_buckets = jnp.zeros_like(relative_position)
    if bidirectional:
        num_buckets = num_buckets // 2
        relative_buckets = relative_buckets + (relative_position > 0).astype(relative_position.dtype) * num_buckets
        relative_position = jnp.abs(relative_position)
    else:
        relative_position = -jnp.minimum(relative_position, jnp.zeros_like(relative_position))
    max_exact = num_buckets // 2
    is_small = relative_position < max_exact
    rp_safe = jnp.maximum(relative_position, 1)  # avoid log(0); masked out by is_small anyway
    relative_position_if_large = max_exact + (
        jnp.log(rp_safe.astype(jnp.float32) / max_exact)
        / math.log(max_distance / max_exact)
        * (num_buckets - max_exact)
    ).astype(relative_position.dtype)
    relative_position_if_large = jnp.minimum(
        relative_position_if_large, jnp.full_like(relative_position_if_large, num_buckets - 1)
    )
    relative_buckets = relative_buckets + jnp.where(is_small, relative_position, relative_position_if_large)
    return relative_buckets.astype(jnp.int32)


def reference(weight, seq_length, key_length):
    # compute_raw_relative_positions
    seq_offset = seq_length - SEQ_LENGTH_CONST
    key_offset = key_length - KEY_LENGTH_CONST
    context_position = (jnp.arange(SEQ_LENGTH_CONST) + seq_offset)[:, None]
    memory_position = (jnp.arange(KEY_LENGTH_CONST) + key_offset)[None, :]
    relative_position = memory_position - context_position
    # bucketize
    buckets = _relative_position_bucket(relative_position, BIDIRECTIONAL, NUM_BUCKETS, MAX_DISTANCE)
    # embedding lookup: [Q, K] -> [Q, K, H]
    values = jnp.take(weight, buckets, axis=0)
    # permute to [H, Q, K]
    position_bias = jnp.transpose(values, (2, 0, 1))
    return position_bias

if __name__ == "__main__":
    import jax
    _d = setup_inputs()
    print(jax.jit(kernel)(*tuple(_d.values())))

</pallas_src>

<mosaic_0001>
#map = affine_map<(d0, d1) -> (0, 0, 0)>
#map1 = affine_map<(d0, d1) -> (0, 0, 0, 0, 0)>
module attributes {stable_mosaic.version = 14 : i64} {
  func.func @_expand_body(%arg0: i32, %arg1: i32, %arg2: memref<8x16x4352xf32, #tpu.memory_space<hbm>>, %arg3: memref<16x256x16x8x128xf32, #tpu.memory_space<hbm>>, %arg4: memref<2x1x8x4224xf32, #tpu.memory_space<vmem>>, %arg5: memref<!tpu.dma_semaphore, #tpu.memory_space<semaphore_mem>>) attributes {dimension_semantics = [#tpu.dimension_semantics<core_parallel>, #tpu.dimension_semantics<subcore_parallel>], iteration_bounds = array<i64: 2, 16>, scalar_prefetch = 0 : i64, scratch_operands = 2 : i64, tpu.core_type = #tpu.core_type<sc_vector_subcore>, window_params = [{transform_indices = #map}, {transform_indices = #map1}]} {
    %mul3A = arith.constant 2 : i32
    %mul3A_0 = arith.muli %arg1, %mul3A : i32
    %add3A = arith.addi %mul3A_0, %arg0 : i32
    %jit3A = arith.constant 2 : i32
    %div3A = arith.divsi %add3A, %jit3A : i32
    %sign3A = arith.constant 0 : i32
    %sign3A_1 = arith.cmpi sgt, %add3A, %sign3A : i32
    %sign3A_2 = arith.extui %sign3A_1 : i1 to i32
    %sign3A_3 = arith.constant 0 : i32
    %sign3A_4 = arith.cmpi slt, %add3A, %sign3A_3 : i32
    %sign3A_5 = arith.extui %sign3A_4 : i1 to i32
    %sign3A_6 = arith.subi %sign3A_2, %sign3A_5 : i32
    %sign3A_7 = arith.constant 0 : i32
    %sign3A_8 = arith.cmpi sgt, %jit3A, %sign3A_7 : i32
    %sign3A_9 = arith.extui %sign3A_8 : i1 to i32
    %sign3A_10 = arith.constant 0 : i32
    %sign3A_11 = arith.cmpi slt, %jit3A, %sign3A_10 : i32
    %sign3A_12 = arith.extui %sign3A_11 : i1 to i32
    %sign3A_13 = arith.subi %sign3A_9, %sign3A_12 : i32
    %ne3A = arith.cmpi ne, %sign3A_6, %sign3A_13 : i32
    %rem3A = arith.remsi %add3A, %jit3A : i32
    %ne3A_14 = arith.constant 0 : i32
    %ne3A_15 = arith.cmpi ne, %rem3A, %ne3A_14 : i32
    %and3A = arith.andi %ne3A, %ne3A_15 : i1
    %sub3A = arith.constant 1 : i32
    %sub3A_16 = arith.subi %div3A, %sub3A : i32
    %select_n3A = arith.select %and3A, %sub3A_16, %div3A : i32
    %jit3A_17 = arith.constant 2 : i32
    %eq3A = arith.constant 0 : i32
    %eq3A_18 = arith.cmpi eq, %jit3A_17, %eq3A : i32
    %jit3A_19 = arith.constant 1 : i32
    %select_n3A_20 = arith.select %eq3A_18, %jit3A_19, %jit3A_17 : i32
    %rem3A_21 = arith.remsi %add3A, %select_n3A_20 : i32
    %ne3A_22 = arith.constant 0 : i32
    %ne3A_23 = arith.cmpi ne, %rem3A_21, %ne3A_22 : i32
    %lt3A = arith.constant 0 : i32
    %lt3A_24 = arith.cmpi slt, %rem3A_21, %lt3A : i32
    %lt3A_25 = arith.constant 0 : i32
    %lt3A_26 = arith.cmpi slt, %select_n3A_20, %lt3A_25 : i32
    %ne3A_27 = arith.xori %lt3A_24, %lt3A_26 : i1
    %and3A_28 = arith.andi %ne3A_27, %ne3A_23 : i1
    %add3A_29 = arith.addi %rem3A_21, %select_n3A_20 : i32
    %select_n3A_30 = arith.select %and3A_28, %add3A_29, %rem3A_21 : i32
    %mul3A_31 = arith.constant 128 : i32
    %mul3A_32 = arith.muli %select_n3A_30, %mul3A_31 : i32
    %dma_start3A = arith.constant 7 : i32
    %dma_start3A_33 = arith.constant 0 : i32
    %dma_start3A_34 = arith.constant 0 : i32
    %dma_start3A_35 = arith.constant 0 : i32
    %dma_start3A_36 = arith.constant 0 : i32
    %dma_start3A_37 = tpu.memref_slice %arg4[%dma_start3A_33, %dma_start3A_34, %dma_start3A_35, %dma_start3A_36] : memref<2x1x8x4224xf32, #tpu.memory_space<vmem>> -> memref<1x1x1x4224xf32, #tpu.memory_space<vmem>>
    %dma_start3A_38 = tpu.memref_squeeze %dma_start3A_37 : memref<1x1x1x4224xf32, #tpu.memory_space<vmem>> -> memref<4224xf32, #tpu.memory_space<vmem>>
    %dma_start3A_39 = arith.constant 8 : i32
    %dma_start3A_40 = tpu.memref_slice %arg2[%dma_start3A, %select_n3A, %dma_start3A_39] : memref<8x16x4352xf32, #tpu.memory_space<hbm>> -> memref<1x1x4224xf32, #tpu.memory_space<hbm>>
    %dma_start3A_41 = tpu.memref_squeeze %dma_start3A_40 : memref<1x1x4224xf32, #tpu.memory_space<hbm>> -> memref<4224xf32, #tpu.memory_space<hbm>>
    %dma_start3A_42 = arith.constant 0 : i32
    %dma_start3A_43 = tpu.memref_slice %arg4[%dma_start3A_33, %dma_start3A_34, %dma_start3A_35, %dma_start3A_42] : memref<2x1x8x4224xf32, #tpu.memory_space<vmem>> -> memref<1x1x1x4224xf32, #tpu.memory_space<vmem>>
    %dma_start3A_44 = tpu.memref_squeeze %dma_start3A_43 : memref<1x1x1x4224xf32, #tpu.memory_space<vmem>> -> memref<4224xf32, #tpu.memory_space<vmem>>
    %dma_start3A_45 = arith.constant 8 : i32
    %dma_start3A_46 = tpu.memref_slice %arg2[%dma_start3A, %select_n3A, %dma_start3A_45] : memref<8x16x4352xf32, #tpu.memory_space<hbm>> -> memref<1x1x4224xf32, #tpu.memory_space<hbm>>
    %dma_start3A_47 = tpu.memref_squeeze %dma_start3A_46 : memref<1x1x4224xf32, #tpu.memory_space<hbm>> -> memref<4224xf32, #tpu.memory_space<hbm>>
    tpu.enqueue_dma source(%dma_start3A_47 : memref<4224xf32, #tpu.memory_space<hbm>>) target(%dma_start3A_44 : memref<4224xf32, #tpu.memory_space<vmem>>) target_semaphore(%arg5 : memref<!tpu.dma_semaphore, #tpu.memory_space<semaphore_mem>>)
    %dma_start3A_48 = arith.constant 6 : i32
    %dma_start3A_49 = arith.constant 0 : i32
    %dma_start3A_50 = arith.constant 0 : i32
    %dma_start3A_51 = arith.constant 1 : i32
    %dma_start3A_52 = arith.constant 0 : i32
    %dma_start3A_53 = tpu.memref_slice %arg4[%dma_start3A_49, %dma_start3A_50, %dma_start3A_51, %dma_start3A_52] : memref<2x1x8x4224xf32, #tpu.memory_space<vmem>> -> memref<1x1x1x4224xf32, #tpu.memory_space<vmem>>
    %dma_start3A_54 = tpu.memref_squeeze %dma_start3A_53 : memref<1x1x1x4224xf32, #tpu.memory_space<vmem>> -> memref<4224xf32, #tpu.memory_space<vmem>>
    %dma_start3A_55 = arith.constant 8 : i32
    %dma_start3A_56 = tpu.memref_slice %arg2[%dma_start3A_48, %select_n3A, %dma_start3A_55] : memref<8x16x4352xf32, #tpu.memory_space<hbm>> -> memref<1x1x4224xf32, #tpu.memory_space<hbm>>
    %dma_start3A_57 = tpu.memref_squeeze %dma_start3A_56 : memref<1x1x4224xf32, #tpu.memory_space<hbm>> -> memref<4224xf32, #tpu.memory_space<hbm>>
    %dma_start3A_58 = arith.constant 0 : i32
    %dma_start3A_59 = tpu.memref_slice %arg4[%dma_start3A_49, %dma_start3A_50, %dma_start3A_51, %dma_start3A_58] : memref<2x1x8x4224xf32, #tpu.memory_space<vmem>> -> memref<1x1x1x4224xf32, #tpu.memory_space<vmem>>
    %dma_start3A_60 = tpu.memref_squeeze %dma_start3A_59 : memref<1x1x1x4224xf32, #tpu.memory_space<vmem>> -> memref<4224xf32, #tpu.memory_space<vmem>>
    %dma_start3A_61 = arith.constant 8 : i32
    %dma_start3A_62 = tpu.memref_slice %arg2[%dma_start3A_48, %select_n3A, %dma_start3A_61] : memref<8x16x4352xf32, #tpu.memory_space<hbm>> -> memref<1x1x4224xf32, #tpu.memory_space<hbm>>
    %dma_start3A_63 = tpu.memref_squeeze %dma_start3A_62 : memref<1x1x4224xf32, #tpu.memory_space<hbm>> -> memref<4224xf32, #tpu.memory_space<hbm>>
    tpu.enqueue_dma source(%dma_start3A_63 : memref<4224xf32, #tpu.memory_space<hbm>>) target(%dma_start3A_60 : memref<4224xf32, #tpu.memory_space<vmem>>) target_semaphore(%arg5 : memref<!tpu.dma_semaphore, #tpu.memory_space<semaphore_mem>>)
    %dma_start3A_64 = arith.constant 5 : i32
    %dma_start3A_65 = arith.constant 0 : i32
    %dma_start3A_66 = arith.constant 0 : i32
    %dma_start3A_67 = arith.constant 2 : i32
    %dma_start3A_68 = arith.constant 0 : i32
    %dma_start3A_69 = tpu.memref_slice %arg4[%dma_start3A_65, %dma_start3A_66, %dma_start3A_67, %dma_start3A_68] : memref<2x1x8x4224xf32, #tpu.memory_space<vmem>> -> memref<1x1x1x4224xf32, #tpu.memory_space<vmem>>
    %dma_start3A_70 = tpu.memref_squeeze %dma_start3A_69 : memref<1x1x1x4224xf32, #tpu.memory_space<vmem>> -> memref<4224xf32, #tpu.memory_space<vmem>>
    %dma_start3A_71 = arith.constant 8 : i32
    %dma_start3A_72 = tpu.memref_slice %arg2[%dma_start3A_64, %select_n3A, %dma_start3A_71] : memref<8x16x4352xf32, #tpu.memory_space<hbm>> -> memref<1x1x4224xf32, #tpu.memory_space<hbm>>
    %dma_start3A_73 = tpu.memref_squeeze %dma_start3A_72 : memref<1x1x4224xf32, #tpu.memory_space<hbm>> -> memref<4224xf32, #tpu.memory_space<hbm>>
    %dma_start3A_74 = arith.constant 0 : i32
    %dma_start3A_75 = tpu.memref_slice %arg4[%dma_start3A_65, %dma_start3A_66, %dma_start3A_67, %dma_start3A_74] : memref<2x1x8x4224xf32, #tpu.memory_space<vmem>> -> memref<1x1x1x4224xf32, #tpu.memory_space<vmem>>
    %dma_start3A_76 = tpu.memref_squeeze %dma_start3A_75 : memref<1x1x1x4224xf32, #tpu.memory_space<vmem>> -> memref<4224xf32, #tpu.memory_space<vmem>>
    %dma_start3A_77 = arith.constant 8 : i32
    %dma_start3A_78 = tpu.memref_slice %arg2[%dma_start3A_64, %select_n3A, %dma_start3A_77] : memref<8x16x4352xf32, #tpu.memory_space<hbm>> -> memref<1x1x4224xf32, #tpu.memory_space<hbm>>
    %dma_start3A_79 = tpu.memref_squeeze %dma_start3A_78 : memref<1x1x4224xf32, #tpu.memory_space<hbm>> -> memref<4224xf32, #tpu.memory_space<hbm>>
    tpu.enqueue_dma source(%dma_start3A_79 : memref<4224xf32, #tpu.memory_space<hbm>>) target(%dma_start3A_76 : memref<4224xf32, #tpu.memory_space<vmem>>) target_semaphore(%arg5 : memref<!tpu.dma_semaphore, #tpu.memory_space<semaphore_mem>>)
    %dma_start3A_80 = arith.constant 4 : i32
    %dma_start3A_81 = arith.constant 0 : i32
    %dma_start3A_82 = arith.constant 0 : i32
    %dma_start3A_83 = arith.constant 3 : i32
    %dma_start3A_84 = arith.constant 0 : i32
    %dma_start3A_85 = tpu.memref_slice %arg4[%dma_start3A_81, %dma_start3A_82, %dma_start3A_83, %dma_start3A_84] : memref<2x1x8x4224xf32, #tpu.memory_space<vmem>> -> memref<1x1x1x4224xf32, #tpu.memory_space<vmem>>
    %dma_start3A_86 = tpu.memref_squeeze %dma_start3A_85 : memref<1x1x1x4224xf32, #tpu.memory_space<vmem>> -> memref<4224xf32, #tpu.memory_space<vmem>>
    %dma_start3A_87 = arith.constant 8 : i32
    %dma_start3A_88 = tpu.memref_slice %arg2[%dma_start3A_80, %select_n3A, %dma_start3A_87] : memref<8x16x4352xf32, #tpu.memory_space<hbm>> -> memref<1x1x4224xf32, #tpu.memory_space<hbm>>
    %dma_start3A_89 = tpu.memref_squeeze %dma_start3A_88 : memref<1x1x4224xf32, #tpu.memory_space<hbm>> -> memref<4224xf32, #tpu.memory_space<hbm>>
    %dma_start3A_90 = arith.constant 0 : i32
    %dma_start3A_91 = tpu.memref_slice %arg4[%dma_start3A_81, %dma_start3A_82, %dma_start3A_83, %dma_start3A_90] : memref<2x1x8x4224xf32, #tpu.memory_space<vmem>> -> memref<1x1x1x4224xf32, #tpu.memory_space<vmem>>
    %dma_start3A_92 = tpu.memref_squeeze %dma_start3A_91 : memref<1x1x1x4224xf32, #tpu.memory_space<vmem>> -> memref<4224xf32, #tpu.memory_space<vmem>>
    %dma_start3A_93 = arith.constant 8 : i32
    %dma_start3A_94 = tpu.memref_slice %arg2[%dma_start3A_80, %select_n3A, %dma_start3A_93] : memref<8x16x4352xf32, #tpu.memory_space<hbm>> -> memref<1x1x4224xf32, #tpu.memory_space<hbm>>
    %dma_start3A_95 = tpu.memref_squeeze %dma_start3A_94 : memref<1x1x4224xf32, #tpu.memory_space<hbm>> -> memref<4224xf32, #tpu.memory_space<hbm>>
    tpu.enqueue_dma source(%dma_start3A_95 : memref<4224xf32, #tpu.memory_space<hbm>>) target(%dma_start3A_92 : memref<4224xf32, #tpu.memory_space<vmem>>) target_semaphore(%arg5 : memref<!tpu.dma_semaphore, #tpu.memory_space<semaphore_mem>>)
    %dma_start3A_96 = arith.constant 3 : i32
    %dma_start3A_97 = arith.constant 0 : i32
    %dma_start3A_98 = arith.constant 0 : i32
    %dma_start3A_99 = arith.constant 4 : i32
    %dma_start3A_100 = arith.constant 0 : i32
    %dma_start3A_101 = tpu.memref_slice %arg4[%dma_start3A_97, %dma_start3A_98, %dma_start3A_99, %dma_start3A_100] : memref<2x1x8x4224xf32, #tpu.memory_space<vmem>> -> memref<1x1x1x4224xf32, #tpu.memory_space<vmem>>
    %dma_start3A_102 = tpu.memref_squeeze %dma_start3A_101 : memref<1x1x1x4224xf32, #tpu.memory_space<vmem>> -> memref<4224xf32, #tpu.memory_space<vmem>>
    %dma_start3A_103 = arith.constant 8 : i32
    %dma_start3A_104 = tpu.memref_slice %arg2[%dma_start3A_96, %select_n3A, %dma_start3A_103] : memref<8x16x4352xf32, #tpu.memory_space<hbm>> -> memref<1x1x4224xf32, #tpu.memory_space<hbm>>
    %dma_start3A_105 = tpu.memref_squeeze %dma_start3A_104 : memref<1x1x4224xf32, #tpu.memory_space<hbm>> -> memref<4224xf32, #tpu.memory_space<hbm>>
    %dma_start3A_106 = arith.constant 0 : i32
    %dma_start3A_107 = tpu.memref_slice %arg4[%dma_start3A_97, %dma_start3A_98, %dma_start3A_99, %dma_start3A_106] : memref<2x1x8x4224xf32, #tpu.memory_space<vmem>> -> memref<1x1x1x4224xf32, #tpu.memory_space<vmem>>
    %dma_start3A_108 = tpu.memref_squeeze %dma_start3A_107 : memref<1x1x1x4224xf32, #tpu.memory_space<vmem>> -> memref<4224xf32, #tpu.memory_space<vmem>>
    %dma_start3A_109 = arith.constant 8 : i32
    %dma_start3A_110 = tpu.memref_slice %arg2[%dma_start3A_96, %select_n3A, %dma_start3A_109] : memref<8x16x4352xf32, #tpu.memory_space<hbm>> -> memref<1x1x4224xf32, #tpu.memory_space<hbm>>
    %dma_start3A_111 = tpu.memref_squeeze %dma_start3A_110 : memref<1x1x4224xf32, #tpu.memory_space<hbm>> -> memref<4224xf32, #tpu.memory_space<hbm>>
    tpu.enqueue_dma source(%dma_start3A_111 : memref<4224xf32, #tpu.memory_space<hbm>>) target(%dma_start3A_108 : memref<4224xf32, #tpu.memory_space<vmem>>) target_semaphore(%arg5 : memref<!tpu.dma_semaphore, #tpu.memory_space<semaphore_mem>>)
    %dma_start3A_112 = arith.constant 2 : i32
    %dma_start3A_113 = arith.constant 0 : i32
    %dma_start3A_114 = arith.constant 0 : i32
    %dma_start3A_115 = arith.constant 5 : i32
    %dma_start3A_116 = arith.constant 0 : i32
    %dma_start3A_117 = tpu.memref_slice %arg4[%dma_start3A_113, %dma_start3A_114, %dma_start3A_115, %dma_start3A_116] : memref<2x1x8x4224xf32, #tpu.memory_space<vmem>> -> memref<1x1x1x4224xf32, #tpu.memory_space<vmem>>
    %dma_start3A_118 = tpu.memref_squeeze %dma_start3A_117 : memref<1x1x1x4224xf32, #tpu.memory_space<vmem>> -> memref<4224xf32, #tpu.memory_space<vmem>>
    %dma_start3A_119 = arith.constant 8 : i32
    %dma_start3A_120 = tpu.memref_slice %arg2[%dma_start3A_112, %select_n3A, %dma_start3A_119] : memref<8x16x4352xf32, #tpu.memory_space<hbm>> -> memref<1x1x4224xf32, #tpu.memory_space<hbm>>
    %dma_start3A_121 = tpu.memref_squeeze %dma_start3A_120 : memref<1x1x4224xf32, #tpu.memory_space<hbm>> -> memref<4224xf32, #tpu.memory_space<hbm>>
    %dma_start3A_122 = arith.constant 0 : i32
    %dma_start3A_123 = tpu.memref_slice %arg4[%dma_start3A_113, %dma_start3A_114, %dma_start3A_115, %dma_start3A_122] : memref<2x1x8x4224xf32, #tpu.memory_space<vmem>> -> memref<1x1x1x4224xf32, #tpu.memory_space<vmem>>
    %dma_start3A_124 = tpu.memref_squeeze %dma_start3A_123 : memref<1x1x1x4224xf32, #tpu.memory_space<vmem>> -> memref<4224xf32, #tpu.memory_space<vmem>>
    %dma_start3A_125 = arith.constant 8 : i32
    %dma_start3A_126 = tpu.memref_slice %arg2[%dma_start3A_112, %select_n3A, %dma_start3A_125] : memref<8x16x4352xf32, #tpu.memory_space<hbm>> -> memref<1x1x4224xf32, #tpu.memory_space<hbm>>
    %dma_start3A_127 = tpu.memref_squeeze %dma_start3A_126 : memref<1x1x4224xf32, #tpu.memory_space<hbm>> -> memref<4224xf32, #tpu.memory_space<hbm>>
    tpu.enqueue_dma source(%dma_start3A_127 : memref<4224xf32, #tpu.memory_space<hbm>>) target(%dma_start3A_124 : memref<4224xf32, #tpu.memory_space<vmem>>) target_semaphore(%arg5 : memref<!tpu.dma_semaphore, #tpu.memory_space<semaphore_mem>>)
    %dma_start3A_128 = arith.constant 1 : i32
    %dma_start3A_129 = arith.constant 0 : i32
    %dma_start3A_130 = arith.constant 0 : i32
    %dma_start3A_131 = arith.constant 6 : i32
    %dma_start3A_132 = arith.constant 0 : i32
    %dma_start3A_133 = tpu.memref_slice %arg4[%dma_start3A_129, %dma_start3A_130, %dma_start3A_131, %dma_start3A_132] : memref<2x1x8x4224xf32, #tpu.memory_space<vmem>> -> memref<1x1x1x4224xf32, #tpu.memory_space<vmem>>
    %dma_start3A_134 = tpu.memref_squeeze %dma_start3A_133 : memref<1x1x1x4224xf32, #tpu.memory_space<vmem>> -> memref<4224xf32, #tpu.memory_space<vmem>>
    %dma_start3A_135 = arith.constant 8 : i32
    %dma_start3A_136 = tpu.memref_slice %arg2[%dma_start3A_128, %select_n3A, %dma_start3A_135] : memref<8x16x4352xf32, #tpu.memory_space<hbm>> -> memref<1x1x4224xf32, #tpu.memory_space<hbm>>
    %dma_start3A_137 = tpu.memref_squeeze %dma_start3A_136 : memref<1x1x4224xf32, #tpu.memory_space<hbm>> -> memref<4224xf32, #tpu.memory_space<hbm>>
    %dma_start3A_138 = arith.constant 0 : i32
    %dma_start3A_139 = tpu.memref_slice %arg4[%dma_start3A_129, %dma_start3A_130, %dma_start3A_131, %dma_start3A_138] : memref<2x1x8x4224xf32, #tpu.memory_space<vmem>> -> memref<1x1x1x4224xf32, #tpu.memory_space<vmem>>
    %dma_start3A_140 = tpu.memref_squeeze %dma_start3A_139 : memref<1x1x1x4224xf32, #tpu.memory_space<vmem>> -> memref<4224xf32, #tpu.memory_space<vmem>>
    %dma_start3A_141 = arith.constant 8 : i32
    %dma_start3A_142 = tpu.memref_slice %arg2[%dma_start3A_128, %select_n3A, %dma_start3A_141] : memref<8x16x4352xf32, #tpu.memory_space<hbm>> -> memref<1x1x4224xf32, #tpu.memory_space<hbm>>
    %dma_start3A_143 = tpu.memref_squeeze %dma_start3A_142 : memref<1x1x4224xf32, #tpu.memory_space<hbm>> -> memref<4224xf32, #tpu.memory_space<hbm>>
    tpu.enqueue_dma source(%dma_start3A_143 : memref<4224xf32, #tpu.memory_space<hbm>>) target(%dma_start3A_140 : memref<4224xf32, #tpu.memory_space<vmem>>) target_semaphore(%arg5 : memref<!tpu.dma_semaphore, #tpu.memory_space<semaphore_mem>>)
    %dma_start3A_144 = arith.constant 0 : i32
    %dma_start3A_145 = arith.constant 0 : i32
    %dma_start3A_146 = arith.constant 0 : i32
    %dma_start3A_147 = arith.constant 7 : i32
    %dma_start3A_148 = arith.constant 0 : i32
    %dma_start3A_149 = tpu.memref_slice %arg4[%dma_start3A_145, %dma_start3A_146, %dma_start3A_147, %dma_start3A_148] : memref<2x1x8x4224xf32, #tpu.memory_space<vmem>> -> memref<1x1x1x4224xf32, #tpu.memory_space<vmem>>
    %dma_start3A_150 = tpu.memref_squeeze %dma_start3A_149 : memref<1x1x1x4224xf32, #tpu.memory_space<vmem>> -> memref<4224xf32, #tpu.memory_space<vmem>>
    %dma_start3A_151 = arith.constant 8 : i32
    %dma_start3A_152 = tpu.memref_slice %arg2[%dma_start3A_144, %select_n3A, %dma_start3A_151] : memref<8x16x4352xf32, #tpu.memory_space<hbm>> -> memref<1x1x4224xf32, #tpu.memory_space<hbm>>
    %dma_start3A_153 = tpu.memref_squeeze %dma_start3A_152 : memref<1x1x4224xf32, #tpu.memory_space<hbm>> -> memref<4224xf32, #tpu.memory_space<hbm>>
    %dma_start3A_154 = arith.constant 0 : i32
    %dma_start3A_155 = tpu.memref_slice %arg4[%dma_start3A_145, %dma_start3A_146, %dma_start3A_147, %dma_start3A_154] : memref<2x1x8x4224xf32, #tpu.memory_space<vmem>> -> memref<1x1x1x4224xf32, #tpu.memory_space<vmem>>
    %dma_start3A_156 = tpu.memref_squeeze %dma_start3A_155 : memref<1x1x1x4224xf32, #tpu.memory_space<vmem>> -> memref<4224xf32, #tpu.memory_space<vmem>>
    %dma_start3A_157 = arith.constant 8 : i32
    %dma_start3A_158 = tpu.memref_slice %arg2[%dma_start3A_144, %select_n3A, %dma_start3A_157] : memref<8x16x4352xf32, #tpu.memory_space<hbm>> -> memref<1x1x4224xf32, #tpu.memory_space<hbm>>
    %dma_start3A_159 = tpu.memref_squeeze %dma_start3A_158 : memref<1x1x4224xf32, #tpu.memory_space<hbm>> -> memref<4224xf32, #tpu.memory_space<hbm>>
    tpu.enqueue_dma source(%dma_start3A_159 : memref<4224xf32, #tpu.memory_space<hbm>>) target(%dma_start3A_156 : memref<4224xf32, #tpu.memory_space<vmem>>) target_semaphore(%arg5 : memref<!tpu.dma_semaphore, #tpu.memory_space<semaphore_mem>>)
    %dma_start3A_160 = arith.constant 7 : i32
    %dma_start3A_161 = arith.constant 1 : i32
    %dma_start3A_162 = arith.constant 0 : i32
    %dma_start3A_163 = arith.constant 0 : i32
    %dma_start3A_164 = arith.constant 0 : i32
    %dma_start3A_165 = tpu.memref_slice %arg4[%dma_start3A_161, %dma_start3A_162, %dma_start3A_163, %dma_start3A_164] : memref<2x1x8x4224xf32, #tpu.memory_space<vmem>> -> memref<1x1x1x4224xf32, #tpu.memory_space<vmem>>
    %dma_start3A_166 = tpu.memref_squeeze %dma_start3A_165 : memref<1x1x1x4224xf32, #tpu.memory_space<vmem>> -> memref<4224xf32, #tpu.memory_space<vmem>>
    %dma_start3A_167 = arith.constant 0 : i32
    %dma_start3A_168 = tpu.memref_slice %arg2[%dma_start3A_160, %select_n3A, %dma_start3A_167] : memref<8x16x4352xf32, #tpu.memory_space<hbm>> -> memref<1x1x4224xf32, #tpu.memory_space<hbm>>
    %dma_start3A_169 = tpu.memref_squeeze %dma_start3A_168 : memref<1x1x4224xf32, #tpu.memory_space<hbm>> -> memref<4224xf32, #tpu.memory_space<hbm>>
    %dma_start3A_170 = arith.constant 0 : i32
    %dma_start3A_171 = tpu.memref_slice %arg4[%dma_start3A_161, %dma_start3A_162, %dma_start3A_163, %dma_start3A_170] : memref<2x1x8x4224xf32, #tpu.memory_space<vmem>> -> memref<1x1x1x4224xf32, #tpu.memory_space<vmem>>
    %dma_start3A_172 = tpu.memref_squeeze %dma_start3A_171 : memref<1x1x1x4224xf32, #tpu.memory_space<vmem>> -> memref<4224xf32, #tpu.memory_space<vmem>>
    %dma_start3A_173 = arith.constant 0 : i32
    %dma_start3A_174 = tpu.memref_slice %arg2[%dma_start3A_160, %select_n3A, %dma_start3A_173] : memref<8x16x4352xf32, #tpu.memory_space<hbm>> -> memref<1x1x4224xf32, #tpu.memory_space<hbm>>
    %dma_start3A_175 = tpu.memref_squeeze %dma_start3A_174 : memref<1x1x4224xf32, #tpu.memory_space<hbm>> -> memref<4224xf32, #tpu.memory_space<hbm>>
    tpu.enqueue_dma source(%dma_start3A_175 : memref<4224xf32, #tpu.memory_space<hbm>>) target(%dma_start3A_172 : memref<4224xf32, #tpu.memory_space<vmem>>) target_semaphore(%arg5 : memref<!tpu.dma_semaphore, #tpu.memory_space<semaphore_mem>>)
    %dma_start3A_176 = arith.constant 6 : i32
    %dma_start3A_177 = arith.constant 1 : i32
    %dma_start3A_178 = arith.constant 0 : i32
    %dma_start3A_179 = arith.constant 1 : i32
    %dma_start3A_180 = arith.constant 0 : i32
    %dma_start3A_181 = tpu.memref_slice %arg4[%dma_start3A_177, %dma_start3A_178, %dma_start3A_179, %dma_start3A_180] : memref<2x1x8x4224xf32, #tpu.memory_space<vmem>> -> memref<1x1x1x4224xf32, #tpu.memory_space<vmem>>
    %dma_start3A_182 = tpu.memref_squeeze %dma_start3A_181 : memref<1x1x1x4224xf32, #tpu.memory_space<vmem>> -> memref<4224xf32, #tpu.memory_space<vmem>>
    %dma_start3A_183 = arith.constant 0 : i32
    %dma_start3A_184 = tpu.memref_slice %arg2[%dma_start3A_176, %select_n3A, %dma_start3A_183] : memref<8x16x4352xf32, #tpu.memory_space<hbm>> -> memref<1x1x4224xf32, #tpu.memory_space<hbm>>
    %dma_start3A_185 = tpu.memref_squeeze %dma_start3A_184 : memref<1x1x4224xf32, #tpu.memory_space<hbm>> -> memref<4224xf32, #tpu.memory_space<hbm>>
    %dma_start3A_186 = arith.constant 0 : i32
    %dma_start3A_187 = tpu.memref_slice %arg4[%dma_start3A_177, %dma_start3A_178, %dma_start3A_179, %dma_start3A_186] : memref<2x1x8x4224xf32, #tpu.memory_space<vmem>> -> memref<1x1x1x4224xf32, #tpu.memory_space<vmem>>
    %dma_start3A_188 = tpu.memref_squeeze %dma_start3A_187 : memref<1x1x1x4224xf32, #tpu.memory_space<vmem>> -> memref<4224xf32, #tpu.memory_space<vmem>>
    %dma_start3A_189 = arith.constant 0 : i32
    %dma_start3A_190 = tpu.memref_slice %arg2[%dma_start3A_176, %select_n3A, %dma_start3A_189] : memref<8x16x4352xf32, #tpu.memory_space<hbm>> -> memref<1x1x4224xf32, #tpu.memory_space<hbm>>
    %dma_start3A_191 = tpu.memref_squeeze %dma_start3A_190 : memref<1x1x4224xf32, #tpu.memory_space<hbm>> -> memref<4224xf32, #tpu.memory_space<hbm>>
    tpu.enqueue_dma source(%dma_start3A_191 : memref<4224xf32, #tpu.memory_space<hbm>>) target(%dma_start3A_188 : memref<4224xf32, #tpu.memory_space<vmem>>) target_semaphore(%arg5 : memref<!tpu.dma_semaphore, #tpu.memory_space<semaphore_mem>>)
    %dma_start3A_192 = arith.constant 5 : i32
    %dma_start3A_193 = arith.constant 1 : i32
    %dma_start3A_194 = arith.constant 0 : i32
    %dma_start3A_195 = arith.constant 2 : i32
    %dma_start3A_196 = arith.constant 0 : i32
    %dma_start3A_197 = tpu.memref_slice %arg4[%dma_start3A_193, %dma_start3A_194, %dma_start3A_195, %dma_start3A_196] : memref<2x1x8x4224xf32, #tpu.memory_space<vmem>> -> memref<1x1x1x4224xf32, #tpu.memory_space<vmem>>
    %dma_start3A_198 = tpu.memref_squeeze %dma_start3A_197 : memref<1x1x1x4224xf32, #tpu.memory_space<vmem>> -> memref<4224xf32, #tpu.memory_space<vmem>>
    %dma_start3A_199 = arith.constant 0 : i32
    %dma_start3A_200 = tpu.memref_slice %arg2[%dma_start3A_192, %select_n3A, %dma_start3A_199] : memref<8x16x4352xf32, #tpu.memory_space<hbm>> -> memref<1x1x4224xf32, #tpu.memory_space<hbm>>
    %dma_start3A_201 = tpu.memref_squeeze %dma_start3A_200 : memref<1x1x4224xf32, #tpu.memory_space<hbm>> -> memref<4224xf32, #tpu.memory_space<hbm>>
    %dma_start3A_202 = arith.constant 0 : i32
    %dma_start3A_203 = tpu.memref_slice %arg4[%dma_start3A_193, %dma_start3A_194, %dma_start3A_195, %dma_start3A_202] : memref<2x1x8x4224xf32, #tpu.memory_space<vmem>> -> memref<1x1x1x4224xf32, #tpu.memory_space<vmem>>
    %dma_start3A_204 = tpu.memref_squeeze %dma_start3A_203 : memref<1x1x1x4224xf32, #tpu.memory_space<vmem>> -> memref<4224xf32, #tpu.memory_space<vmem>>
    %dma_start3A_205 = arith.constant 0 : i32
    %dma_start3A_206 = tpu.memref_slice %arg2[%dma_start3A_192, %select_n3A, %dma_start3A_205] : memref<8x16x4352xf32, #tpu.memory_space<hbm>> -> memref<1x1x4224xf32, #tpu.memory_space<hbm>>
    %dma_start3A_207 = tpu.memref_squeeze %dma_start3A_206 : memref<1x1x4224xf32, #tpu.memory_space<hbm>> -> memref<4224xf32, #tpu.memory_space<hbm>>
    tpu.enqueue_dma source(%dma_start3A_207 : memref<4224xf32, #tpu.memory_space<hbm>>) target(%dma_start3A_204 : memref<4224xf32, #tpu.memory_space<vmem>>) target_semaphore(%arg5 : memref<!tpu.dma_semaphore, #tpu.memory_space<semaphore_mem>>)
    %dma_start3A_208 = arith.constant 4 : i32
    %dma_start3A_209 = arith.constant 1 : i32
    %dma_start3A_210 = arith.constant 0 : i32
    %dma_start3A_211 = arith.constant 3 : i32
    %dma_start3A_212 = arith.constant 0 : i32
    %dma_start3A_213 = tpu.memref_slice %arg4[%dma_start3A_209, %dma_start3A_210, %dma_start3A_211, %dma_start3A_212] : memref<2x1x8x4224xf32, #tpu.memory_space<vmem>> -> memref<1x1x1x4224xf32, #tpu.memory_space<vmem>>
    %dma_start3A_214 = tpu.memref_squeeze %dma_start3A_213 : memref<1x1x1x4224xf32, #tpu.memory_space<vmem>> -> memref<4224xf32, #tpu.memory_space<vmem>>
    %dma_start3A_215 = arith.constant 0 : i32
    %dma_start3A_216 = tpu.memref_slice %arg2[%dma_start3A_208, %select_n3A, %dma_start3A_215] : memref<8x16x4352xf32, #tpu.memory_space<hbm>> -> memref<1x1x4224xf32, #tpu.memory_space<hbm>>
    %dma_start3A_217 = tpu.memref_squeeze %dma_start3A_216 : memref<1x1x4224xf32, #tpu.memory_space<hbm>> -> memref<4224xf32, #tpu.memory_space<hbm>>
    %dma_start3A_218 = arith.constant 0 : i32
    %dma_start3A_219 = tpu.memref_slice %arg4[%dma_start3A_209, %dma_start3A_210, %dma_start3A_211, %dma_start3A_218] : memref<2x1x8x4224xf32, #tpu.memory_space<vmem>> -> memref<1x1x1x4224xf32, #tpu.memory_space<vmem>>
    %dma_start3A_220 = tpu.memref_squeeze %dma_start3A_219 : memref<1x1x1x4224xf32, #tpu.memory_space<vmem>> -> memref<4224xf32, #tpu.memory_space<vmem>>
    %dma_start3A_221 = arith.constant 0 : i32
    %dma_start3A_222 = tpu.memref_slice %arg2[%dma_start3A_208, %select_n3A, %dma_start3A_221] : memref<8x16x4352xf32, #tpu.memory_space<hbm>> -> memref<1x1x4224xf32, #tpu.memory_space<hbm>>
    %dma_start3A_223 = tpu.memref_squeeze %dma_start3A_222 : memref<1x1x4224xf32, #tpu.memory_space<hbm>> -> memref<4224xf32, #tpu.memory_space<hbm>>
    tpu.enqueue_dma source(%dma_start3A_223 : memref<4224xf32, #tpu.memory_space<hbm>>) target(%dma_start3A_220 : memref<4224xf32, #tpu.memory_space<vmem>>) target_semaphore(%arg5 : memref<!tpu.dma_semaphore, #tpu.memory_space<semaphore_mem>>)
    %dma_start3A_224 = arith.constant 3 : i32
    %dma_start3A_225 = arith.constant 1 : i32
    %dma_start3A_226 = arith.constant 0 : i32
    %dma_start3A_227 = arith.constant 4 : i32
    %dma_start3A_228 = arith.constant 0 : i32
    %dma_start3A_229 = tpu.memref_slice %arg4[%dma_start3A_225, %dma_start3A_226, %dma_start3A_227, %dma_start3A_228] : memref<2x1x8x4224xf32, #tpu.memory_space<vmem>> -> memref<1x1x1x4224xf32, #tpu.memory_space<vmem>>
    %dma_start3A_230 = tpu.memref_squeeze %dma_start3A_229 : memref<1x1x1x4224xf32, #tpu.memory_space<vmem>> -> memref<4224xf32, #tpu.memory_space<vmem>>
    %dma_start3A_231 = arith.constant 0 : i32
    %dma_start3A_232 = tpu.memref_slice %arg2[%dma_start3A_224, %select_n3A, %dma_start3A_231] : memref<8x16x4352xf32, #tpu.memory_space<hbm>> -> memref<1x1x4224xf32, #tpu.memory_space<hbm>>
    %dma_start3A_233 = tpu.memref_squeeze %dma_start3A_232 : memref<1x1x4224xf32, #tpu.memory_space<hbm>> -> memref<4224xf32, #tpu.memory_space<hbm>>
    %dma_start3A_234 = arith.constant 0 : i32
    %dma_start3A_235 = tpu.memref_slice %arg4[%dma_start3A_225, %dma_start3A_226, %dma_start3A_227, %dma_start3A_234] : memref<2x1x8x4224xf32, #tpu.memory_space<vmem>> -> memref<1x1x1x4224xf32, #tpu.memory_space<vmem>>
    %dma_start3A_236 = tpu.memref_squeeze %dma_start3A_235 : memref<1x1x1x4224xf32, #tpu.memory_space<vmem>> -> memref<4224xf32, #tpu.memory_space<vmem>>
    %dma_start3A_237 = arith.constant 0 : i32
    %dma_start3A_238 = tpu.memref_slice %arg2[%dma_start3A_224, %select_n3A, %dma_start3A_237] : memref<8x16x4352xf32, #tpu.memory_space<hbm>> -> memref<1x1x4224xf32, #tpu.memory_space<hbm>>
    %dma_start3A_239 = tpu.memref_squeeze %dma_start3A_238 : memref<1x1x4224xf32, #tpu.memory_space<hbm>> -> memref<4224xf32, #tpu.memory_space<hbm>>
    tpu.enqueue_dma source(%dma_start3A_239 : memref<4224xf32, #tpu.memory_space<hbm>>) target(%dma_start3A_236 : memref<4224xf32, #tpu.memory_space<vmem>>) target_semaphore(%arg5 : memref<!tpu.dma_semaphore, #tpu.memory_space<semaphore_mem>>)
    %dma_start3A_240 = arith.constant 2 : i32
    %dma_start3A_241 = arith.constant 1 : i32
    %dma_start3A_242 = arith.constant 0 : i32
    %dma_start3A_243 = arith.constant 5 : i32
    %dma_start3A_244 = arith.constant 0 : i32
    %dma_start3A_245 = tpu.memref_slice %arg4[%dma_start3A_241, %dma_start3A_242, %dma_start3A_243, %dma_start3A_244] : memref<2x1x8x4224xf32, #tpu.memory_space<vmem>> -> memref<1x1x1x4224xf32, #tpu.memory_space<vmem>>
    %dma_start3A_246 = tpu.memref_squeeze %dma_start3A_245 : memref<1x1x1x4224xf32, #tpu.memory_space<vmem>> -> memref<4224xf32, #tpu.memory_space<vmem>>
    %dma_start3A_247 = arith.constant 0 : i32
    %dma_start3A_248 = tpu.memref_slice %arg2[%dma_start3A_240, %select_n3A, %dma_start3A_247] : memref<8x16x4352xf32, #tpu.memory_space<hbm>> -> memref<1x1x4224xf32, #tpu.memory_space<hbm>>
    %dma_start3A_249 = tpu.memref_squeeze %dma_start3A_248 : memref<1x1x4224xf32, #tpu.memory_space<hbm>> -> memref<4224xf32, #tpu.memory_space<hbm>>
    %dma_start3A_250 = arith.constant 0 : i32
    %dma_start3A_251 = tpu.memref_slice %arg4[%dma_start3A_241, %dma_start3A_242, %dma_start3A_243, %dma_start3A_250] : memref<2x1x8x4224xf32, #tpu.memory_space<vmem>> -> memref<1x1x1x4224xf32, #tpu.memory_space<vmem>>
    %dma_start3A_252 = tpu.memref_squeeze %dma_start3A_251 : memref<1x1x1x4224xf32, #tpu.memory_space<vmem>> -> memref<4224xf32, #tpu.memory_space<vmem>>
    %dma_start3A_253 = arith.constant 0 : i32
    %dma_start3A_254 = tpu.memref_slice %arg2[%dma_start3A_240, %select_n3A, %dma_start3A_253] : memref<8x16x4352xf32, #tpu.memory_space<hbm>> -> memref<1x1x4224xf32, #tpu.memory_space<hbm>>
    %dma_start3A_255 = tpu.memref_squeeze %dma_start3A_254 : memref<1x1x4224xf32, #tpu.memory_space<hbm>> -> memref<4224xf32, #tpu.memory_space<hbm>>
    tpu.enqueue_dma source(%dma_start3A_255 : memref<4224xf32, #tpu.memory_space<hbm>>) target(%dma_start3A_252 : memref<4224xf32, #tpu.memory_space<vmem>>) target_semaphore(%arg5 : memref<!tpu.dma_semaphore, #tpu.memory_space<semaphore_mem>>)
    %dma_start3A_256 = arith.constant 1 : i32
    %dma_start3A_257 = arith.constant 1 : i32
    %dma_start3A_258 = arith.constant 0 : i32
    %dma_start3A_259 = arith.constant 6 : i32
    %dma_start3A_260 = arith.constant 0 : i32
    %dma_start3A_261 = tpu.memref_slice %arg4[%dma_start3A_257, %dma_start3A_258, %dma_start3A_259, %dma_start3A_260] : memref<2x1x8x4224xf32, #tpu.memory_space<vmem>> -> memref<1x1x1x4224xf32, #tpu.memory_space<vmem>>
    %dma_start3A_262 = tpu.memref_squeeze %dma_start3A_261 : memref<1x1x1x4224xf32, #tpu.memory_space<vmem>> -> memref<4224xf32, #tpu.memory_space<vmem>>
    %dma_start3A_263 = arith.constant 0 : i32
    %dma_start3A_264 = tpu.memref_slice %arg2[%dma_start3A_256, %select_n3A, %dma_start3A_263] : memref<8x16x4352xf32, #tpu.memory_space<hbm>> -> memref<1x1x4224xf32, #tpu.memory_space<hbm>>
    %dma_start3A_265 = tpu.memref_squeeze %dma_start3A_264 : memref<1x1x4224xf32, #tpu.memory_space<hbm>> -> memref<4224xf32, #tpu.memory_space<hbm>>
    %dma_start3A_266 = arith.constant 0 : i32
    %dma_start3A_267 = tpu.memref_slice %arg4[%dma_start3A_257, %dma_start3A_258, %dma_start3A_259, %dma_start3A_266] : memref<2x1x8x4224xf32, #tpu.memory_space<vmem>> -> memref<1x1x1x4224xf32, #tpu.memory_space<vmem>>
    %dma_start3A_268 = tpu.memref_squeeze %dma_start3A_267 : memref<1x1x1x4224xf32, #tpu.memory_space<vmem>> -> memref<4224xf32, #tpu.memory_space<vmem>>
    %dma_start3A_269 = arith.constant 0 : i32
    %dma_start3A_270 = tpu.memref_slice %arg2[%dma_start3A_256, %select_n3A, %dma_start3A_269] : memref<8x16x4352xf32, #tpu.memory_space<hbm>> -> memref<1x1x4224xf32, #tpu.memory_space<hbm>>
    %dma_start3A_271 = tpu.memref_squeeze %dma_start3A_270 : memref<1x1x4224xf32, #tpu.memory_space<hbm>> -> memref<4224xf32, #tpu.memory_space<hbm>>
    tpu.enqueue_dma source(%dma_start3A_271 : memref<4224xf32, #tpu.memory_space<hbm>>) target(%dma_start3A_268 : memref<4224xf32, #tpu.memory_space<vmem>>) target_semaphore(%arg5 : memref<!tpu.dma_semaphore, #tpu.memory_space<semaphore_mem>>)
    %dma_start3A_272 = arith.constant 0 : i32
    %dma_start3A_273 = arith.constant 1 : i32
    %dma_start3A_274 = arith.constant 0 : i32
    %dma_start3A_275 = arith.constant 7 : i32
    %dma_start3A_276 = arith.constant 0 : i32
    %dma_start3A_277 = tpu.memref_slice %arg4[%dma_start3A_273, %dma_start3A_274, %dma_start3A_275, %dma_start3A_276] : memref<2x1x8x4224xf32, #tpu.memory_space<vmem>> -> memref<1x1x1x4224xf32, #tpu.memory_space<vmem>>
    %dma_start3A_278 = tpu.memref_squeeze %dma_start3A_277 : memref<1x1x1x4224xf32, #tpu.memory_space<vmem>> -> memref<4224xf32, #tpu.memory_space<vmem>>
    %dma_start3A_279 = arith.constant 0 : i32
    %dma_start3A_280 = tpu.memref_slice %arg2[%dma_start3A_272, %select_n3A, %dma_start3A_279] : memref<8x16x4352xf32, #tpu.memory_space<hbm>> -> memref<1x1x4224xf32, #tpu.memory_space<hbm>>
    %dma_start3A_281 = tpu.memref_squeeze %dma_start3A_280 : memref<1x1x4224xf32, #tpu.memory_space<hbm>> -> memref<4224xf32, #tpu.memory_space<hbm>>
    %dma_start3A_282 = arith.constant 0 : i32
    %dma_start3A_283 = tpu.memref_slice %arg4[%dma_start3A_273, %dma_start3A_274, %dma_start3A_275, %dma_start3A_282] : memref<2x1x8x4224xf32, #tpu.memory_space<vmem>> -> memref<1x1x1x4224xf32, #tpu.memory_space<vmem>>
    %dma_start3A_284 = tpu.memref_squeeze %dma_start3A_283 : memref<1x1x1x4224xf32, #tpu.memory_space<vmem>> -> memref<4224xf32, #tpu.memory_space<vmem>>
    %dma_start3A_285 = arith.constant 0 : i32
    %dma_start3A_286 = tpu.memref_slice %arg2[%dma_start3A_272, %select_n3A, %dma_start3A_285] : memref<8x16x4352xf32, #tpu.memory_space<hbm>> -> memref<1x1x4224xf32, #tpu.memory_space<hbm>>
    %dma_start3A_287 = tpu.memref_squeeze %dma_start3A_286 : memref<1x1x4224xf32, #tpu.memory_space<hbm>> -> memref<4224xf32, #tpu.memory_space<hbm>>
    tpu.enqueue_dma source(%dma_start3A_287 : memref<4224xf32, #tpu.memory_space<hbm>>) target(%dma_start3A_284 : memref<4224xf32, #tpu.memory_space<vmem>>) target_semaphore(%arg5 : memref<!tpu.dma_semaphore, #tpu.memory_space<semaphore_mem>>)
    %dma_wait3A = arith.constant 7 : i32
    %dma_wait3A_288 = arith.constant 0 : i32
    %dma_wait3A_289 = arith.constant 0 : i32
    %dma_wait3A_290 = arith.constant 0 : i32
    %dma_wait3A_291 = arith.constant 0 : i32
    %dma_wait3A_292 = tpu.memref_slice %arg4[%dma_wait3A_288, %dma_wait3A_289, %dma_wait3A_290, %dma_wait3A_291] : memref<2x1x8x4224xf32, #tpu.memory_space<vmem>> -> memref<1x1x1x4224xf32, #tpu.memory_space<vmem>>
    %dma_wait3A_293 = tpu.memref_squeeze %dma_wait3A_292 : memref<1x1x1x4224xf32, #tpu.memory_space<vmem>> -> memref<4224xf32, #tpu.memory_space<vmem>>
    %dma_wait3A_294 = arith.constant 8 : i32
    %dma_wait3A_295 = tpu.memref_slice %arg2[%dma_wait3A, %select_n3A, %dma_wait3A_294] : memref<8x16x4352xf32, #tpu.memory_space<hbm>> -> memref<1x1x4224xf32, #tpu.memory_space<hbm>>
    %dma_wait3A_296 = tpu.memref_squeeze %dma_wait3A_295 : memref<1x1x4224xf32, #tpu.memory_space<hbm>> -> memref<4224xf32, #tpu.memory_space<hbm>>
    %dma_wait3A_297 = arith.constant 0 : i32
    %dma_wait3A_298 = tpu.memref_slice %arg4[%dma_wait3A_288, %dma_wait3A_289, %dma_wait3A_290, %dma_wait3A_297] : memref<2x1x8x4224xf32, #tpu.memory_space<vmem>> -> memref<1x1x1x4224xf32, #tpu.memory_space<vmem>>
    %dma_wait3A_299 = tpu.memref_squeeze %dma_wait3A_298 : memref<1x1x1x4224xf32, #tpu.memory_space<vmem>> -> memref<4224xf32, #tpu.memory_space<vmem>>
    %dma_wait3A_300 = arith.constant 8 : i32
    %dma_wait3A_301 = tpu.memref_slice %arg2[%dma_wait3A, %select_n3A, %dma_wait3A_300] : memref<8x16x4352xf32, #tpu.memory_space<hbm>> -> memref<1x1x4224xf32, #tpu.memory_space<hbm>>
    %dma_wait3A_302 = tpu.memref_squeeze %dma_wait3A_301 : memref<1x1x4224xf32, #tpu.memory_space<hbm>> -> memref<4224xf32, #tpu.memory_space<hbm>>
    tpu.wait_dma2 semaphore(%arg5 : memref<!tpu.dma_semaphore, #tpu.memory_space<semaphore_mem>>) src(%dma_wait3A_302 : memref<4224xf32, #tpu.memory_space<hbm>>) dst(%dma_wait3A_299 : memref<4224xf32, #tpu.memory_space<vmem>>)
    %dma_wait3A_303 = arith.constant 6 : i32
    %dma_wait3A_304 = arith.constant 0 : i32
    %dma_wait3A_305 = arith.constant 0 : i32
    %dma_wait3A_306 = arith.constant 1 : i32
    %dma_wait3A_307 = arith.constant 0 : i32
    %dma_wait3A_308 = tpu.memref_slice %arg4[%dma_wait3A_304, %dma_wait3A_305, %dma_wait3A_306, %dma_wait3A_307] : memref<2x1x8x4224xf32, #tpu.memory_space<vmem>> -> memref<1x1x1x4224xf32, #tpu.memory_space<vmem>>
    %dma_wait3A_309 = tpu.memref_squeeze %dma_wait3A_308 : memref<1x1x1x4224xf32, #tpu.memory_space<vmem>> -> memref<4224xf32, #tpu.memory_space<vmem>>
    %dma_wait3A_310 = arith.constant 8 : i32
    %dma_wait3A_311 = tpu.memref_slice %arg2[%dma_wait3A_303, %select_n3A, %dma_wait3A_310] : memref<8x16x4352xf32, #tpu.memory_space<hbm>> -> memref<1x1x4224xf32, #tpu.memory_space<hbm>>
    %dma_wait3A_312 = tpu.memref_squeeze %dma_wait3A_311 : memref<1x1x4224xf32, #tpu.memory_space<hbm>> -> memref<4224xf32, #tpu.memory_space<hbm>>
    %dma_wait3A_313 = arith.constant 0 : i32
    %dma_wait3A_314 = tpu.memref_slice %arg4[%dma_wait3A_304, %dma_wait3A_305, %dma_wait3A_306, %dma_wait3A_313] : memref<2x1x8x4224xf32, #tpu.memory_space<vmem>> -> memref<1x1x1x4224xf32, #tpu.memory_space<vmem>>
    %dma_wait3A_315 = tpu.memref_squeeze %dma_wait3A_314 : memref<1x1x1x4224xf32, #tpu.memory_space<vmem>> -> memref<4224xf32, #tpu.memory_space<vmem>>
    %dma_wait3A_316 = arith.constant 8 : i32
    %dma_wait3A_317 = tpu.memref_slice %arg2[%dma_wait3A_303, %select_n3A, %dma_wait3A_316] : memref<8x16x4352xf32, #tpu.memory_space<hbm>> -> memref<1x1x4224xf32, #tpu.memory_space<hbm>>
    %dma_wait3A_318 = tpu.memref_squeeze %dma_wait3A_317 : memref<1x1x4224xf32, #tpu.memory_space<hbm>> -> memref<4224xf32, #tpu.memory_space<hbm>>
    tpu.wait_dma2 semaphore(%arg5 : memref<!tpu.dma_semaphore, #tpu.memory_space<semaphore_mem>>) src(%dma_wait3A_318 : memref<4224xf32, #tpu.memory_space<hbm>>) dst(%dma_wait3A_315 : memref<4224xf32, #tpu.memory_space<vmem>>)
    %dma_wait3A_319 = arith.constant 5 : i32
    %dma_wait3A_320 = arith.constant 0 : i32
    %dma_wait3A_321 = arith.constant 0 : i32
    %dma_wait3A_322 = arith.constant 2 : i32
    %dma_wait3A_323 = arith.constant 0 : i32
    %dma_wait3A_324 = tpu.memref_slice %arg4[%dma_wait3A_320, %dma_wait3A_321, %dma_wait3A_322, %dma_wait3A_323] : memref<2x1x8x4224xf32, #tpu.memory_space<vmem>> -> memref<1x1x1x4224xf32, #tpu.memory_space<vmem>>
    %dma_wait3A_325 = tpu.memref_squeeze %dma_wait3A_324 : memref<1x1x1x4224xf32, #tpu.memory_space<vmem>> -> memref<4224xf32, #tpu.memory_space<vmem>>
    %dma_wait3A_326 = arith.constant 8 : i32
    %dma_wait3A_327 = tpu.memref_slice %arg2[%dma_wait3A_319, %select_n3A, %dma_wait3A_326] : memref<8x16x4352xf32, #tpu.memory_space<hbm>> -> memref<1x1x4224xf32, #tpu.memory_space<hbm>>
    %dma_wait3A_328 = tpu.memref_squeeze %dma_wait3A_327 : memref<1x1x4224xf32, #tpu.memory_space<hbm>> -> memref<4224xf32, #tpu.memory_space<hbm>>
    %dma_wait3A_329 = arith.constant 0 : i32
    %dma_wait3A_330 = tpu.memref_slice %arg4[%dma_wait3A_320, %dma_wait3A_321, %dma_wait3A_322, %dma_wait3A_329] : memref<2x1x8x4224xf32, #tpu.memory_space<vmem>> -> memref<1x1x1x4224xf32, #tpu.memory_space<vmem>>
    %dma_wait3A_331 = tpu.memref_squeeze %dma_wait3A_330 : memref<1x1x1x4224xf32, #tpu.memory_space<vmem>> -> memref<4224xf32, #tpu.memory_space<vmem>>
    %dma_wait3A_332 = arith.constant 8 : i32
    %dma_wait3A_333 = tpu.memref_slice %arg2[%dma_wait3A_319, %select_n3A, %dma_wait3A_332] : memref<8x16x4352xf32, #tpu.memory_space<hbm>> -> memref<1x1x4224xf32, #tpu.memory_space<hbm>>
    %dma_wait3A_334 = tpu.memref_squeeze %dma_wait3A_333 : memref<1x1x4224xf32, #tpu.memory_space<hbm>> -> memref<4224xf32, #tpu.memory_space<hbm>>
    tpu.wait_dma2 semaphore(%arg5 : memref<!tpu.dma_semaphore, #tpu.memory_space<semaphore_mem>>) src(%dma_wait3A_334 : memref<4224xf32, #tpu.memory_space<hbm>>) dst(%dma_wait3A_331 : memref<4224xf32, #tpu.memory_space<vmem>>)
    %dma_wait3A_335 = arith.constant 4 : i32
    %dma_wait3A_336 = arith.constant 0 : i32
    %dma_wait3A_337 = arith.constant 0 : i32
    %dma_wait3A_338 = arith.constant 3 : i32
    %dma_wait3A_339 = arith.constant 0 : i32
    %dma_wait3A_340 = tpu.memref_slice %arg4[%dma_wait3A_336, %dma_wait3A_337, %dma_wait3A_338, %dma_wait3A_339] : memref<2x1x8x4224xf32, #tpu.memory_space<vmem>> -> memref<1x1x1x4224xf32, #tpu.memory_space<vmem>>
    %dma_wait3A_341 = tpu.memref_squeeze %dma_wait3A_340 : memref<1x1x1x4224xf32, #tpu.memory_space<vmem>> -> memref<4224xf32, #tpu.memory_space<vmem>>
    %dma_wait3A_342 = arith.constant 8 : i32
    %dma_wait3A_343 = tpu.memref_slice %arg2[%dma_wait3A_335, %select_n3A, %dma_wait3A_342] : memref<8x16x4352xf32, #tpu.memory_space<hbm>> -> memref<1x1x4224xf32, #tpu.memory_space<hbm>>
    %dma_wait3A_344 = tpu.memref_squeeze %dma_wait3A_343 : memref<1x1x4224xf32, #tpu.memory_space<hbm>> -> memref<4224xf32, #tpu.memory_space<hbm>>
    %dma_wait3A_345 = arith.constant 0 : i32
    %dma_wait3A_346 = tpu.memref_slice %arg4[%dma_wait3A_336, %dma_wait3A_337, %dma_wait3A_338, %dma_wait3A_345] : memref<2x1x8x4224xf32, #tpu.memory_space<vmem>> -> memref<1x1x1x4224xf32, #tpu.memory_space<vmem>>
    %dma_wait3A_347 = tpu.memref_squeeze %dma_wait3A_346 : memref<1x1x1x4224xf32, #tpu.memory_space<vmem>> -> memref<4224xf32, #tpu.memory_space<vmem>>
    %dma_wait3A_348 = arith.constant 8 : i32
    %dma_wait3A_349 = tpu.memref_slice %arg2[%dma_wait3A_335, %select_n3A, %dma_wait3A_348] : memref<8x16x4352xf32, #tpu.memory_space<hbm>> -> memref<1x1x4224xf32, #tpu.memory_space<hbm>>
    %dma_wait3A_350 = tpu.memref_squeeze %dma_wait3A_349 : memref<1x1x4224xf32, #tpu.memory_space<hbm>> -> memref<4224xf32, #tpu.memory_space<hbm>>
    tpu.wait_dma2 semaphore(%arg5 : memref<!tpu.dma_semaphore, #tpu.memory_space<semaphore_mem>>) src(%dma_wait3A_350 : memref<4224xf32, #tpu.memory_space<hbm>>) dst(%dma_wait3A_347 : memref<4224xf32, #tpu.memory_space<vmem>>)
    %dma_wait3A_351 = arith.constant 3 : i32
    %dma_wait3A_352 = arith.constant 0 : i32
    %dma_wait3A_353 = arith.constant 0 : i32
    %dma_wait3A_354 = arith.constant 4 : i32
    %dma_wait3A_355 = arith.constant 0 : i32
    %dma_wait3A_356 = tpu.memref_slice %arg4[%dma_wait3A_352, %dma_wait3A_353, %dma_wait3A_354, %dma_wait3A_355] : memref<2x1x8x4224xf32, #tpu.memory_space<vmem>> -> memref<1x1x1x4224xf32, #tpu.memory_space<vmem>>
    %dma_wait3A_357 = tpu.memref_squeeze %dma_wait3A_356 : memref<1x1x1x4224xf32, #tpu.memory_space<vmem>> -> memref<4224xf32, #tpu.memory_space<vmem>>
    %dma_wait3A_358 = arith.constant 8 : i32
    %dma_wait3A_359 = tpu.memref_slice %arg2[%dma_wait3A_351, %select_n3A, %dma_wait3A_358] : memref<8x16x4352xf32, #tpu.memory_space<hbm>> -> memref<1x1x4224xf32, #tpu.memory_space<hbm>>
    %dma_wait3A_360 = tpu.memref_squeeze %dma_wait3A_359 : memref<1x1x4224xf32, #tpu.memory_space<hbm>> -> memref<4224xf32, #tpu.memory_space<hbm>>
    %dma_wait3A_361 = arith.constant 0 : i32
    %dma_wait3A_362 = tpu.memref_slice %arg4[%dma_wait3A_352, %dma_wait3A_353, %dma_wait3A_354, %dma_wait3A_361] : memref<2x1x8x4224xf32, #tpu.memory_space<vmem>> -> memref<1x1x1x4224xf32, #tpu.memory_space<vmem>>
    %dma_wait3A_363 = tpu.memref_squeeze %dma_wait3A_362 : memref<1x1x1x4224xf32, #tpu.memory_space<vmem>> -> memref<4224xf32, #tpu.memory_space<vmem>>
    %dma_wait3A_364 = arith.constant 8 : i32
    %dma_wait3A_365 = tpu.memref_slice %arg2[%dma_wait3A_351, %select_n3A, %dma_wait3A_364] : memref<8x16x4352xf32, #tpu.memory_space<hbm>> -> memref<1x1x4224xf32, #tpu.memory_space<hbm>>
    %dma_wait3A_366 = tpu.memref_squeeze %dma_wait3A_365 : memref<1x1x4224xf32, #tpu.memory_space<hbm>> -> memref<4224xf32, #tpu.memory_space<hbm>>
    tpu.wait_dma2 semaphore(%arg5 : memref<!tpu.dma_semaphore, #tpu.memory_space<semaphore_mem>>) src(%dma_wait3A_366 : memref<4224xf32, #tpu.memory_space<hbm>>) dst(%dma_wait3A_363 : memref<4224xf32, #tpu.memory_space<vmem>>)
    %dma_wait3A_367 = arith.constant 2 : i32
    %dma_wait3A_368 = arith.constant 0 : i32
    %dma_wait3A_369 = arith.constant 0 : i32
    %dma_wait3A_370 = arith.constant 5 : i32
    %dma_wait3A_371 = arith.constant 0 : i32
    %dma_wait3A_372 = tpu.memref_slice %arg4[%dma_wait3A_368, %dma_wait3A_369, %dma_wait3A_370, %dma_wait3A_371] : memref<2x1x8x4224xf32, #tpu.memory_space<vmem>> -> memref<1x1x1x4224xf32, #tpu.memory_space<vmem>>
    %dma_wait3A_373 = tpu.memref_squeeze %dma_wait3A_372 : memref<1x1x1x4224xf32, #tpu.memory_space<vmem>> -> memref<4224xf32, #tpu.memory_space<vmem>>
    %dma_wait3A_374 = arith.constant 8 : i32
    %dma_wait3A_375 = tpu.memref_slice %arg2[%dma_wait3A_367, %select_n3A, %dma_wait3A_374] : memref<8x16x4352xf32, #tpu.memory_space<hbm>> -> memref<1x1x4224xf32, #tpu.memory_space<hbm>>
    %dma_wait3A_376 = tpu.memref_squeeze %dma_wait3A_375 : memref<1x1x4224xf32, #tpu.memory_space<hbm>> -> memref<4224xf32, #tpu.memory_space<hbm>>
    %dma_wait3A_377 = arith.constant 0 : i32
    %dma_wait3A_378 = tpu.memref_slice %arg4[%dma_wait3A_368, %dma_wait3A_369, %dma_wait3A_370, %dma_wait3A_377] : memref<2x1x8x4224xf32, #tpu.memory_space<vmem>> -> memref<1x1x1x4224xf32, #tpu.memory_space<vmem>>
    %dma_wait3A_379 = tpu.memref_squeeze %dma_wait3A_378 : memref<1x1x1x4224xf32, #tpu.memory_space<vmem>> -> memref<4224xf32, #tpu.memory_space<vmem>>
    %dma_wait3A_380 = arith.constant 8 : i32
    %dma_wait3A_381 = tpu.memref_slice %arg2[%dma_wait3A_367, %select_n3A, %dma_wait3A_380] : memref<8x16x4352xf32, #tpu.memory_space<hbm>> -> memref<1x1x4224xf32, #tpu.memory_space<hbm>>
    %dma_wait3A_382 = tpu.memref_squeeze %dma_wait3A_381 : memref<1x1x4224xf32, #tpu.memory_space<hbm>> -> memref<4224xf32, #tpu.memory_space<hbm>>
    tpu.wait_dma2 semaphore(%arg5 : memref<!tpu.dma_semaphore, #tpu.memory_space<semaphore_mem>>) src(%dma_wait3A_382 : memref<4224xf32, #tpu.memory_space<hbm>>) dst(%dma_wait3A_379 : memref<4224xf32, #tpu.memory_space<vmem>>)
    %dma_wait3A_383 = arith.constant 1 : i32
    %dma_wait3A_384 = arith.constant 0 : i32
    %dma_wait3A_385 = arith.constant 0 : i32
    %dma_wait3A_386 = arith.constant 6 : i32
    %dma_wait3A_387 = arith.constant 0 : i32
    %dma_wait3A_388 = tpu.memref_slice %arg4[%dma_wait3A_384, %dma_wait3A_385, %dma_wait3A_386, %dma_wait3A_387] : memref<2x1x8x4224xf32, #tpu.memory_space<vmem>> -> memref<1x1x1x4224xf32, #tpu.memory_space<vmem>>
    %dma_wait3A_389 = tpu.memref_squeeze %dma_wait3A_388 : memref<1x1x1x4224xf32, #tpu.memory_space<vmem>> -> memref<4224xf32, #tpu.memory_space<vmem>>
    %dma_wait3A_390 = arith.constant 8 : i32
    %dma_wait3A_391 = tpu.memref_slice %arg2[%dma_wait3A_383, %select_n3A, %dma_wait3A_390] : memref<8x16x4352xf32, #tpu.memory_space<hbm>> -> memref<1x1x4224xf32, #tpu.memory_space<hbm>>
    %dma_wait3A_392 = tpu.memref_squeeze %dma_wait3A_391 : memref<1x1x4224xf32, #tpu.memory_space<hbm>> -> memref<4224xf32, #tpu.memory_space<hbm>>
    %dma_wait3A_393 = arith.constant 0 : i32
    %dma_wait3A_394 = tpu.memref_slice %arg4[%dma_wait3A_384, %dma_wait3A_385, %dma_wait3A_386, %dma_wait3A_393] : memref<2x1x8x4224xf32, #tpu.memory_space<vmem>> -> memref<1x1x1x4224xf32, #tpu.memory_space<vmem>>
    %dma_wait3A_395 = tpu.memref_squeeze %dma_wait3A_394 : memref<1x1x1x4224xf32, #tpu.memory_space<vmem>> -> memref<4224xf32, #tpu.memory_space<vmem>>
    %dma_wait3A_396 = arith.constant 8 : i32
    %dma_wait3A_397 = tpu.memref_slice %arg2[%dma_wait3A_383, %select_n3A, %dma_wait3A_396] : memref<8x16x4352xf32, #tpu.memory_space<hbm>> -> memref<1x1x4224xf32, #tpu.memory_space<hbm>>
    %dma_wait3A_398 = tpu.memref_squeeze %dma_wait3A_397 : memref<1x1x4224xf32, #tpu.memory_space<hbm>> -> memref<4224xf32, #tpu.memory_space<hbm>>
    tpu.wait_dma2 semaphore(%arg5 : memref<!tpu.dma_semaphore, #tpu.memory_space<semaphore_mem>>) src(%dma_wait3A_398 : memref<4224xf32, #tpu.memory_space<hbm>>) dst(%dma_wait3A_395 : memref<4224xf32, #tpu.memory_space<vmem>>)
    %dma_wait3A_399 = arith.constant 0 : i32
    %dma_wait3A_400 = arith.constant 0 : i32
    %dma_wait3A_401 = arith.constant 0 : i32
    %dma_wait3A_402 = arith.constant 7 : i32
    %dma_wait3A_403 = arith.constant 0 : i32
    %dma_wait3A_404 = tpu.memref_slice %arg4[%dma_wait3A_400, %dma_wait3A_401, %dma_wait3A_402, %dma_wait3A_403] : memref<2x1x8x4224xf32, #tpu.memory_space<vmem>> -> memref<1x1x1x4224xf32, #tpu.memory_space<vmem>>
    %dma_wait3A_405 = tpu.memref_squeeze %dma_wait3A_404 : memref<1x1x1x4224xf32, #tpu.memory_space<vmem>> -> memref<4224xf32, #tpu.memory_space<vmem>>
    %dma_wait3A_406 = arith.constant 8 : i32
    %dma_wait3A_407 = tpu.memref_slice %arg2[%dma_wait3A_399, %select_n3A, %dma_wait3A_406] : memref<8x16x4352xf32, #tpu.memory_space<hbm>> -> memref<1x1x4224xf32, #tpu.memory_space<hbm>>
    %dma_wait3A_408 = tpu.memref_squeeze %dma_wait3A_407 : memref<1x1x4224xf32, #tpu.memory_space<hbm>> -> memref<4224xf32, #tpu.memory_space<hbm>>
    %dma_wait3A_409 = arith.constant 0 : i32
    %dma_wait3A_410 = tpu.memref_slice %arg4[%dma_wait3A_400, %dma_wait3A_401, %dma_wait3A_402, %dma_wait3A_409] : memref<2x1x8x4224xf32, #tpu.memory_space<vmem>> -> memref<1x1x1x4224xf32, #tpu.memory_space<vmem>>
    %dma_wait3A_411 = tpu.memref_squeeze %dma_wait3A_410 : memref<1x1x1x4224xf32, #tpu.memory_space<vmem>> -> memref<4224xf32, #tpu.memory_space<vmem>>
    %dma_wait3A_412 = arith.constant 8 : i32
    %dma_wait3A_413 = tpu.memref_slice %arg2[%dma_wait3A_399, %select_n3A, %dma_wait3A_412] : memref<8x16x4352xf32, #tpu.memory_space<hbm>> -> memref<1x1x4224xf32, #tpu.memory_space<hbm>>
    %dma_wait3A_414 = tpu.memref_squeeze %dma_wait3A_413 : memref<1x1x4224xf32, #tpu.memory_space<hbm>> -> memref<4224xf32, #tpu.memory_space<hbm>>
    tpu.wait_dma2 semaphore(%arg5 : memref<!tpu.dma_semaphore, #tpu.memory_space<semaphore_mem>>) src(%dma_wait3A_414 : memref<4224xf32, #tpu.memory_space<hbm>>) dst(%dma_wait3A_411 : memref<4224xf32, #tpu.memory_space<vmem>>)
    %dma_wait3A_415 = arith.constant 7 : i32
    %dma_wait3A_416 = arith.constant 1 : i32
    %dma_wait3A_417 = arith.constant 0 : i32
    %dma_wait3A_418 = arith.constant 0 : i32
    %dma_wait3A_419 = arith.constant 0 : i32
    %dma_wait3A_420 = tpu.memref_slice %arg4[%dma_wait3A_416, %dma_wait3A_417, %dma_wait3A_418, %dma_wait3A_419] : memref<2x1x8x4224xf32, #tpu.memory_space<vmem>> -> memref<1x1x1x4224xf32, #tpu.memory_space<vmem>>
    %dma_wait3A_421 = tpu.memref_squeeze %dma_wait3A_420 : memref<1x1x1x4224xf32, #tpu.memory_space<vmem>> -> memref<4224xf32, #tpu.memory_space<vmem>>
    %dma_wait3A_422 = arith.constant 0 : i32
    %dma_wait3A_423 = tpu.memref_slice %arg2[%dma_wait3A_415, %select_n3A, %dma_wait3A_422] : memref<8x16x4352xf32, #tpu.memory_space<hbm>> -> memref<1x1x4224xf32, #tpu.memory_space<hbm>>
    %dma_wait3A_424 = tpu.memref_squeeze %dma_wait3A_423 : memref<1x1x4224xf32, #tpu.memory_space<hbm>> -> memref<4224xf32, #tpu.memory_space<hbm>>
    %dma_wait3A_425 = arith.constant 0 : i32
    %dma_wait3A_426 = tpu.memref_slice %arg4[%dma_wait3A_416, %dma_wait3A_417, %dma_wait3A_418, %dma_wait3A_425] : memref<2x1x8x4224xf32, #tpu.memory_space<vmem>> -> memref<1x1x1x4224xf32, #tpu.memory_space<vmem>>
    %dma_wait3A_427 = tpu.memref_squeeze %dma_wait3A_426 : memref<1x1x1x4224xf32, #tpu.memory_space<vmem>> -> memref<4224xf32, #tpu.memory_space<vmem>>
    %dma_wait3A_428 = arith.constant 0 : i32
    %dma_wait3A_429 = tpu.memref_slice %arg2[%dma_wait3A_415, %select_n3A, %dma_wait3A_428] : memref<8x16x4352xf32, #tpu.memory_space<hbm>> -> memref<1x1x4224xf32, #tpu.memory_space<hbm>>
    %dma_wait3A_430 = tpu.memref_squeeze %dma_wait3A_429 : memref<1x1x4224xf32, #tpu.memory_space<hbm>> -> memref<4224xf32, #tpu.memory_space<hbm>>
    tpu.wait_dma2 semaphore(%arg5 : memref<!tpu.dma_semaphore, #tpu.memory_space<semaphore_mem>>) src(%dma_wait3A_430 : memref<4224xf32, #tpu.memory_space<hbm>>) dst(%dma_wait3A_427 : memref<4224xf32, #tpu.memory_space<vmem>>)
    %dma_wait3A_431 = arith.constant 6 : i32
    %dma_wait3A_432 = arith.constant 1 : i32
    %dma_wait3A_433 = arith.constant 0 : i32
    %dma_wait3A_434 = arith.constant 1 : i32
    %dma_wait3A_435 = arith.constant 0 : i32
    %dma_wait3A_436 = tpu.memref_slice %arg4[%dma_wait3A_432, %dma_wait3A_433, %dma_wait3A_434, %dma_wait3A_435] : memref<2x1x8x4224xf32, #tpu.memory_space<vmem>> -> memref<1x1x1x4224xf32, #tpu.memory_space<vmem>>
    %dma_wait3A_437 = tpu.memref_squeeze %dma_wait3A_436 : memref<1x1x1x4224xf32, #tpu.memory_space<vmem>> -> memref<4224xf32, #tpu.memory_space<vmem>>
    %dma_wait3A_438 = arith.constant 0 : i32
    %dma_wait3A_439 = tpu.memref_slice %arg2[%dma_wait3A_431, %select_n3A, %dma_wait3A_438] : memref<8x16x4352xf32, #tpu.memory_space<hbm>> -> memref<1x1x4224xf32, #tpu.memory_space<hbm>>
    %dma_wait3A_440 = tpu.memref_squeeze %dma_wait3A_439 : memref<1x1x4224xf32, #tpu.memory_space<hbm>> -> memref<4224xf32, #tpu.memory_space<hbm>>
    %dma_wait3A_441 = arith.constant 0 : i32
    %dma_wait3A_442 = tpu.memref_slice %arg4[%dma_wait3A_432, %dma_wait3A_433, %dma_wait3A_434, %dma_wait3A_441] : memref<2x1x8x4224xf32, #tpu.memory_space<vmem>> -> memref<1x1x1x4224xf32, #tpu.memory_space<vmem>>
    %dma_wait3A_443 = tpu.memref_squeeze %dma_wait3A_442 : memref<1x1x1x4224xf32, #tpu.memory_space<vmem>> -> memref<4224xf32, #tpu.memory_space<vmem>>
    %dma_wait3A_444 = arith.constant 0 : i32
    %dma_wait3A_445 = tpu.memref_slice %arg2[%dma_wait3A_431, %select_n3A, %dma_wait3A_444] : memref<8x16x4352xf32, #tpu.memory_space<hbm>> -> memref<1x1x4224xf32, #tpu.memory_space<hbm>>
    %dma_wait3A_446 = tpu.memref_squeeze %dma_wait3A_445 : memref<1x1x4224xf32, #tpu.memory_space<hbm>> -> memref<4224xf32, #tpu.memory_space<hbm>>
    tpu.wait_dma2 semaphore(%arg5 : memref<!tpu.dma_semaphore, #tpu.memory_space<semaphore_mem>>) src(%dma_wait3A_446 : memref<4224xf32, #tpu.memory_space<hbm>>) dst(%dma_wait3A_443 : memref<4224xf32, #tpu.memory_space<vmem>>)
    %dma_wait3A_447 = arith.constant 5 : i32
    %dma_wait3A_448 = arith.constant 1 : i32
    %dma_wait3A_449 = arith.constant 0 : i32
    %dma_wait3A_450 = arith.constant 2 : i32
    %dma_wait3A_451 = arith.constant 0 : i32
    %dma_wait3A_452 = tpu.memref_slice %arg4[%dma_wait3A_448, %dma_wait3A_449, %dma_wait3A_450, %dma_wait3A_451] : memref<2x1x8x4224xf32, #tpu.memory_space<vmem>> -> memref<1x1x1x4224xf32, #tpu.memory_space<vmem>>
    %dma_wait3A_453 = tpu.memref_squeeze %dma_wait3A_452 : memref<1x1x1x4224xf32, #tpu.memory_space<vmem>> -> memref<4224xf32, #tpu.memory_space<vmem>>
    %dma_wait3A_454 = arith.constant 0 : i32
    %dma_wait3A_455 = tpu.memref_slice %arg2[%dma_wait3A_447, %select_n3A, %dma_wait3A_454] : memref<8x16x4352xf32, #tpu.memory_space<hbm>> -> memref<1x1x4224xf32, #tpu.memory_space<hbm>>
    %dma_wait3A_456 = tpu.memref_squeeze %dma_wait3A_455 : memref<1x1x4224xf32, #tpu.memory_space<hbm>> -> memref<4224xf32, #tpu.memory_space<hbm>>
    %dma_wait3A_457 = arith.constant 0 : i32
    %dma_wait3A_458 = tpu.memref_slice %arg4[%dma_wait3A_448, %dma_wait3A_449, %dma_wait3A_450, %dma_wait3A_457] : memref<2x1x8x4224xf32, #tpu.memory_space<vmem>> -> memref<1x1x1x4224xf32, #tpu.memory_space<vmem>>
    %dma_wait3A_459 = tpu.memref_squeeze %dma_wait3A_458 : memref<1x1x1x4224xf32, #tpu.memory_space<vmem>> -> memref<4224xf32, #tpu.memory_space<vmem>>
    %dma_wait3A_460 = arith.constant 0 : i32
    %dma_wait3A_461 = tpu.memref_slice %arg2[%dma_wait3A_447, %select_n3A, %dma_wait3A_460] : memref<8x16x4352xf32, #tpu.memory_space<hbm>> -> memref<1x1x4224xf32, #tpu.memory_space<hbm>>
    %dma_wait3A_462 = tpu.memref_squeeze %dma_wait3A_461 : memref<1x1x4224xf32, #tpu.memory_space<hbm>> -> memref<4224xf32, #tpu.memory_space<hbm>>
    tpu.wait_dma2 semaphore(%arg5 : memref<!tpu.dma_semaphore, #tpu.memory_space<semaphore_mem>>) src(%dma_wait3A_462 : memref<4224xf32, #tpu.memory_space<hbm>>) dst(%dma_wait3A_459 : memref<4224xf32, #tpu.memory_space<vmem>>)
    %dma_wait3A_463 = arith.constant 4 : i32
    %dma_wait3A_464 = arith.constant 1 : i32
    %dma_wait3A_465 = arith.constant 0 : i32
    %dma_wait3A_466 = arith.constant 3 : i32
    %dma_wait3A_467 = arith.constant 0 : i32
    %dma_wait3A_468 = tpu.memref_slice %arg4[%dma_wait3A_464, %dma_wait3A_465, %dma_wait3A_466, %dma_wait3A_467] : memref<2x1x8x4224xf32, #tpu.memory_space<vmem>> -> memref<1x1x1x4224xf32, #tpu.memory_space<vmem>>
    %dma_wait3A_469 = tpu.memref_squeeze %dma_wait3A_468 : memref<1x1x1x4224xf32, #tpu.memory_space<vmem>> -> memref<4224xf32, #tpu.memory_space<vmem>>
    %dma_wait3A_470 = arith.constant 0 : i32
    %dma_wait3A_471 = tpu.memref_slice %arg2[%dma_wait3A_463, %select_n3A, %dma_wait3A_470] : memref<8x16x4352xf32, #tpu.memory_space<hbm>> -> memref<1x1x4224xf32, #tpu.memory_space<hbm>>
    %dma_wait3A_472 = tpu.memref_squeeze %dma_wait3A_471 : memref<1x1x4224xf32, #tpu.memory_space<hbm>> -> memref<4224xf32, #tpu.memory_space<hbm>>
    %dma_wait3A_473 = arith.constant 0 : i32
    %dma_wait3A_474 = tpu.memref_slice %arg4[%dma_wait3A_464, %dma_wait3A_465, %dma_wait3A_466, %dma_wait3A_473] : memref<2x1x8x4224xf32, #tpu.memory_space<vmem>> -> memref<1x1x1x4224xf32, #tpu.memory_space<vmem>>
    %dma_wait3A_475 = tpu.memref_squeeze %dma_wait3A_474 : memref<1x1x1x4224xf32, #tpu.memory_space<vmem>> -> memref<4224xf32, #tpu.memory_space<vmem>>
    %dma_wait3A_476 = arith.constant 0 : i32
    %dma_wait3A_477 = tpu.memref_slice %arg2[%dma_wait3A_463, %select_n3A, %dma_wait3A_476] : memref<8x16x4352xf32, #tpu.memory_space<hbm>> -> memref<1x1x4224xf32, #tpu.memory_space<hbm>>
    %dma_wait3A_478 = tpu.memref_squeeze %dma_wait3A_477 : memref<1x1x4224xf32, #tpu.memory_space<hbm>> -> memref<4224xf32, #tpu.memory_space<hbm>>
    tpu.wait_dma2 semaphore(%arg5 : memref<!tpu.dma_semaphore, #tpu.memory_space<semaphore_mem>>) src(%dma_wait3A_478 : memref<4224xf32, #tpu.memory_space<hbm>>) dst(%dma_wait3A_475 : memref<4224xf32, #tpu.memory_space<vmem>>)
    %dma_wait3A_479 = arith.constant 3 : i32
    %dma_wait3A_480 = arith.constant 1 : i32
    %dma_wait3A_481 = arith.constant 0 : i32
    %dma_wait3A_482 = arith.constant 4 : i32
    %dma_wait3A_483 = arith.constant 0 : i32
    %dma_wait3A_484 = tpu.memref_slice %arg4[%dma_wait3A_480, %dma_wait3A_481, %dma_wait3A_482, %dma_wait3A_483] : memref<2x1x8x4224xf32, #tpu.memory_space<vmem>> -> memref<1x1x1x4224xf32, #tpu.memory_space<vmem>>
    %dma_wait3A_485 = tpu.memref_squeeze %dma_wait3A_484 : memref<1x1x1x4224xf32, #tpu.memory_space<vmem>> -> memref<4224xf32, #tpu.memory_space<vmem>>
    %dma_wait3A_486 = arith.constant 0 : i32
    %dma_wait3A_487 = tpu.memref_slice %arg2[%dma_wait3A_479, %select_n3A, %dma_wait3A_486] : memref<8x16x4352xf32, #tpu.memory_space<hbm>> -> memref<1x1x4224xf32, #tpu.memory_space<hbm>>
    %dma_wait3A_488 = tpu.memref_squeeze %dma_wait3A_487 : memref<1x1x4224xf32, #tpu.memory_space<hbm>> -> memref<4224xf32, #tpu.memory_space<hbm>>
    %dma_wait3A_489 = arith.constant 0 : i32
    %dma_wait3A_490 = tpu.memref_slice %arg4[%dma_wait3A_480, %dma_wait3A_481, %dma_wait3A_482, %dma_wait3A_489] : memref<2x1x8x4224xf32, #tpu.memory_space<vmem>> -> memref<1x1x1x4224xf32, #tpu.memory_space<vmem>>
    %dma_wait3A_491 = tpu.memref_squeeze %dma_wait3A_490 : memref<1x1x1x4224xf32, #tpu.memory_space<vmem>> -> memref<4224xf32, #tpu.memory_space<vmem>>
    %dma_wait3A_492 = arith.constant 0 : i32
    %dma_wait3A_493 = tpu.memref_slice %arg2[%dma_wait3A_479, %select_n3A, %dma_wait3A_492] : memref<8x16x4352xf32, #tpu.memory_space<hbm>> -> memref<1x1x4224xf32, #tpu.memory_space<hbm>>
    %dma_wait3A_494 = tpu.memref_squeeze %dma_wait3A_493 : memref<1x1x4224xf32, #tpu.memory_space<hbm>> -> memref<4224xf32, #tpu.memory_space<hbm>>
    tpu.wait_dma2 semaphore(%arg5 : memref<!tpu.dma_semaphore, #tpu.memory_space<semaphore_mem>>) src(%dma_wait3A_494 : memref<4224xf32, #tpu.memory_space<hbm>>) dst(%dma_wait3A_491 : memref<4224xf32, #tpu.memory_space<vmem>>)
    %dma_wait3A_495 = arith.constant 2 : i32
    %dma_wait3A_496 = arith.constant 1 : i32
    %dma_wait3A_497 = arith.constant 0 : i32
    %dma_wait3A_498 = arith.constant 5 : i32
    %dma_wait3A_499 = arith.constant 0 : i32
    %dma_wait3A_500 = tpu.memref_slice %arg4[%dma_wait3A_496, %dma_wait3A_497, %dma_wait3A_498, %dma_wait3A_499] : memref<2x1x8x4224xf32, #tpu.memory_space<vmem>> -> memref<1x1x1x4224xf32, #tpu.memory_space<vmem>>
    %dma_wait3A_501 = tpu.memref_squeeze %dma_wait3A_500 : memref<1x1x1x4224xf32, #tpu.memory_space<vmem>> -> memref<4224xf32, #tpu.memory_space<vmem>>
    %dma_wait3A_502 = arith.constant 0 : i32
    %dma_wait3A_503 = tpu.memref_slice %arg2[%dma_wait3A_495, %select_n3A, %dma_wait3A_502] : memref<8x16x4352xf32, #tpu.memory_space<hbm>> -> memref<1x1x4224xf32, #tpu.memory_space<hbm>>
    %dma_wait3A_504 = tpu.memref_squeeze %dma_wait3A_503 : memref<1x1x4224xf32, #tpu.memory_space<hbm>> -> memref<4224xf32, #tpu.memory_space<hbm>>
    %dma_wait3A_505 = arith.constant 0 : i32
    %dma_wait3A_506 = tpu.memref_slice %arg4[%dma_wait3A_496, %dma_wait3A_497, %dma_wait3A_498, %dma_wait3A_505] : memref<2x1x8x4224xf32, #tpu.memory_space<vmem>> -> memref<1x1x1x4224xf32, #tpu.memory_space<vmem>>
    %dma_wait3A_507 = tpu.memref_squeeze %dma_wait3A_506 : memref<1x1x1x4224xf32, #tpu.memory_space<vmem>> -> memref<4224xf32, #tpu.memory_space<vmem>>
    %dma_wait3A_508 = arith.constant 0 : i32
    %dma_wait3A_509 = tpu.memref_slice %arg2[%dma_wait3A_495, %select_n3A, %dma_wait3A_508] : memref<8x16x4352xf32, #tpu.memory_space<hbm>> -> memref<1x1x4224xf32, #tpu.memory_space<hbm>>
    %dma_wait3A_510 = tpu.memref_squeeze %dma_wait3A_509 : memref<1x1x4224xf32, #tpu.memory_space<hbm>> -> memref<4224xf32, #tpu.memory_space<hbm>>
    tpu.wait_dma2 semaphore(%arg5 : memref<!tpu.dma_semaphore, #tpu.memory_space<semaphore_mem>>) src(%dma_wait3A_510 : memref<4224xf32, #tpu.memory_space<hbm>>) dst(%dma_wait3A_507 : memref<4224xf32, #tpu.memory_space<vmem>>)
    %dma_wait3A_511 = arith.constant 1 : i32
    %dma_wait3A_512 = arith.constant 1 : i32
    %dma_wait3A_513 = arith.constant 0 : i32
    %dma_wait3A_514 = arith.constant 6 : i32
    %dma_wait3A_515 = arith.constant 0 : i32
    %dma_wait3A_516 = tpu.memref_slice %arg4[%dma_wait3A_512, %dma_wait3A_513, %dma_wait3A_514, %dma_wait3A_515] : memref<2x1x8x4224xf32, #tpu.memory_space<vmem>> -> memref<1x1x1x4224xf32, #tpu.memory_space<vmem>>
    %dma_wait3A_517 = tpu.memref_squeeze %dma_wait3A_516 : memref<1x1x1x4224xf32, #tpu.memory_space<vmem>> -> memref<4224xf32, #tpu.memory_space<vmem>>
    %dma_wait3A_518 = arith.constant 0 : i32
    %dma_wait3A_519 = tpu.memref_slice %arg2[%dma_wait3A_511, %select_n3A, %dma_wait3A_518] : memref<8x16x4352xf32, #tpu.memory_space<hbm>> -> memref<1x1x4224xf32, #tpu.memory_space<hbm>>
    %dma_wait3A_520 = tpu.memref_squeeze %dma_wait3A_519 : memref<1x1x4224xf32, #tpu.memory_space<hbm>> -> memref<4224xf32, #tpu.memory_space<hbm>>
    %dma_wait3A_521 = arith.constant 0 : i32
    %dma_wait3A_522 = tpu.memref_slice %arg4[%dma_wait3A_512, %dma_wait3A_513, %dma_wait3A_514, %dma_wait3A_521] : memref<2x1x8x4224xf32, #tpu.memory_space<vmem>> -> memref<1x1x1x4224xf32, #tpu.memory_space<vmem>>
    %dma_wait3A_523 = tpu.memref_squeeze %dma_wait3A_522 : memref<1x1x1x4224xf32, #tpu.memory_space<vmem>> -> memref<4224xf32, #tpu.memory_space<vmem>>
    %dma_wait3A_524 = arith.constant 0 : i32
    %dma_wait3A_525 = tpu.memref_slice %arg2[%dma_wait3A_511, %select_n3A, %dma_wait3A_524] : memref<8x16x4352xf32, #tpu.memory_space<hbm>> -> memref<1x1x4224xf32, #tpu.memory_space<hbm>>
    %dma_wait3A_526 = tpu.memref_squeeze %dma_wait3A_525 : memref<1x1x4224xf32, #tpu.memory_space<hbm>> -> memref<4224xf32, #tpu.memory_space<hbm>>
    tpu.wait_dma2 semaphore(%arg5 : memref<!tpu.dma_semaphore, #tpu.memory_space<semaphore_mem>>) src(%dma_wait3A_526 : memref<4224xf32, #tpu.memory_space<hbm>>) dst(%dma_wait3A_523 : memref<4224xf32, #tpu.memory_space<vmem>>)
    %dma_wait3A_527 = arith.constant 0 : i32
    %dma_wait3A_528 = arith.constant 1 : i32
    %dma_wait3A_529 = arith.constant 0 : i32
    %dma_wait3A_530 = arith.constant 7 : i32
    %dma_wait3A_531 = arith.constant 0 : i32
    %dma_wait3A_532 = tpu.memref_slice %arg4[%dma_wait3A_528, %dma_wait3A_529, %dma_wait3A_530, %dma_wait3A_531] : memref<2x1x8x4224xf32, #tpu.memory_space<vmem>> -> memref<1x1x1x4224xf32, #tpu.memory_space<vmem>>
    %dma_wait3A_533 = tpu.memref_squeeze %dma_wait3A_532 : memref<1x1x1x4224xf32, #tpu.memory_space<vmem>> -> memref<4224xf32, #tpu.memory_space<vmem>>
    %dma_wait3A_534 = arith.constant 0 : i32
    %dma_wait3A_535 = tpu.memref_slice %arg2[%dma_wait3A_527, %select_n3A, %dma_wait3A_534] : memref<8x16x4352xf32, #tpu.memory_space<hbm>> -> memref<1x1x4224xf32, #tpu.memory_space<hbm>>
    %dma_wait3A_536 = tpu.memref_squeeze %dma_wait3A_535 : memref<1x1x4224xf32, #tpu.memory_space<hbm>> -> memref<4224xf32, #tpu.memory_space<hbm>>
    %dma_wait3A_537 = arith.constant 0 : i32
    %dma_wait3A_538 = tpu.memref_slice %arg4[%dma_wait3A_528, %dma_wait3A_529, %dma_wait3A_530, %dma_wait3A_537] : memref<2x1x8x4224xf32, #tpu.memory_space<vmem>> -> memref<1x1x1x4224xf32, #tpu.memory_space<vmem>>
    %dma_wait3A_539 = tpu.memref_squeeze %dma_wait3A_538 : memref<1x1x1x4224xf32, #tpu.memory_space<vmem>> -> memref<4224xf32, #tpu.memory_space<vmem>>
    %dma_wait3A_540 = arith.constant 0 : i32
    %dma_wait3A_541 = tpu.memref_slice %arg2[%dma_wait3A_527, %select_n3A, %dma_wait3A_540] : memref<8x16x4352xf32, #tpu.memory_space<hbm>> -> memref<1x1x4224xf32, #tpu.memory_space<hbm>>
    %dma_wait3A_542 = tpu.memref_squeeze %dma_wait3A_541 : memref<1x1x4224xf32, #tpu.memory_space<hbm>> -> memref<4224xf32, #tpu.memory_space<hbm>>
    tpu.wait_dma2 semaphore(%arg5 : memref<!tpu.dma_semaphore, #tpu.memory_space<semaphore_mem>>) src(%dma_wait3A_542 : memref<4224xf32, #tpu.memory_space<hbm>>) dst(%dma_wait3A_539 : memref<4224xf32, #tpu.memory_space<vmem>>)
    %scan3A = arith.constant 0 : i32
    %scan3A_543 = arith.constant 0 : i32
    %scan3A_544 = arith.constant 32 : i32
    %scan3A_545 = arith.addi %scan3A_543, %scan3A_544 : i32
    %scan3A_546 = arith.constant 1 : i32
    scf.for %scan3A_548 = %scan3A_543 to %scan3A_545 step %scan3A_546  : i32 {
      %mul3A_549 = arith.constant 4 : i32
      %mul3A_550 = arith.muli %mul3A_549, %scan3A_548 : i32
      %add3A_551 = arith.addi %mul3A_32, %mul3A_550 : i32
      %add3A_552 = arith.constant 0 : i32
      %add3A_553 = arith.addi %add3A_551, %add3A_552 : i32
      %mul3A_554 = arith.constant 8 : i32
      %mul3A_555 = arith.muli %mul3A_554, %add3A_553 : i32
      %sub3A_556 = arith.constant 2040 : i32
      %sub3A_557 = arith.subi %sub3A_556, %mul3A_555 : i32
      %add3A_558 = arith.constant 0 : i32
      %add3A_559 = arith.addi %sub3A_557, %add3A_558 : i32
      %dma_start3A_560 = arith.constant 0 : i32
      %dma_start3A_561 = arith.constant 0 : i32
      %dma_start3A_562 = arith.constant 0 : i32
      %dma_start3A_563 = tpu.memref_slice %arg4[%dma_start3A_560, %dma_start3A_561, %dma_start3A_562, %add3A_559] : memref<2x1x8x4224xf32, #tpu.memory_space<vmem>> -> memref<2x1x8x128xf32, #tpu.memory_space<vmem>>
      %dma_start3A_564 = arith.constant 0 : i32
      %dma_start3A_565 = arith.constant 0 : i32
      %dma_start3A_566 = arith.constant 0 : i32
      %dma_start3A_567 = tpu.memref_slice %arg3[%select_n3A, %add3A_553, %dma_start3A_564, %dma_start3A_565, %dma_start3A_566] : memref<16x256x16x8x128xf32, #tpu.memory_space<hbm>> -> memref<1x2x1x8x128xf32, #tpu.memory_space<hbm>>
      %dma_start3A_568 = tpu.memref_squeeze %dma_start3A_567 : memref<1x2x1x8x128xf32, #tpu.memory_space<hbm>> -> memref<2x1x8x128xf32, #tpu.memory_space<hbm>>
      %dma_start3A_569 = arith.constant 0 : i32
      %dma_start3A_570 = arith.constant 0 : i32
      %dma_start3A_571 = arith.constant 0 : i32
      %dma_start3A_572 = tpu.memref_slice %arg3[%select_n3A, %add3A_553, %dma_start3A_569, %dma_start3A_570, %dma_start3A_571] : memref<16x256x16x8x128xf32, #tpu.memory_space<hbm>> -> memref<1x2x1x8x128xf32, #tpu.memory_space<hbm>>
      %dma_start3A_573 = tpu.memref_squeeze %dma_start3A_572 : memref<1x2x1x8x128xf32, #tpu.memory_space<hbm>> -> memref<2x1x8x128xf32, #tpu.memory_space<hbm>>
      %dma_start3A_574 = arith.constant 0 : i32
      %dma_start3A_575 = arith.constant 0 : i32
      %dma_start3A_576 = arith.constant 0 : i32
      %dma_start3A_577 = tpu.memref_slice %arg4[%dma_start3A_574, %dma_start3A_575, %dma_start3A_576, %add3A_559] : memref<2x1x8x4224xf32, #tpu.memory_space<vmem>> -> memref<2x1x8x128xf32, #tpu.memory_space<vmem>>
      tpu.enqueue_dma source(%dma_start3A_577 : memref<2x1x8x128xf32, #tpu.memory_space<vmem>>) target(%dma_start3A_573 : memref<2x1x8x128xf32, #tpu.memory_space<hbm>>) target_semaphore(%arg5 : memref<!tpu.dma_semaphore, #tpu.memory_space<semaphore_mem>>)
      %add3A_578 = arith.constant 128 : i32
      %add3A_579 = arith.addi %sub3A_557, %add3A_578 : i32
      %dma_start3A_580 = arith.constant 0 : i32
      %dma_start3A_581 = arith.constant 0 : i32
      %dma_start3A_582 = arith.constant 0 : i32
      %dma_start3A_583 = tpu.memref_slice %arg4[%dma_start3A_580, %dma_start3A_581, %dma_start3A_582, %add3A_579] : memref<2x1x8x4224xf32, #tpu.memory_space<vmem>> -> memref<2x1x8x128xf32, #tpu.memory_space<vmem>>
      %dma_start3A_584 = arith.constant 1 : i32
      %dma_start3A_585 = arith.constant 0 : i32
      %dma_start3A_586 = arith.constant 0 : i32
      %dma_start3A_587 = tpu.memref_slice %arg3[%select_n3A, %add3A_553, %dma_start3A_584, %dma_start3A_585, %dma_start3A_586] : memref<16x256x16x8x128xf32, #tpu.memory_space<hbm>> -> memref<1x2x1x8x128xf32, #tpu.memory_space<hbm>>
      %dma_start3A_588 = tpu.memref_squeeze %dma_start3A_587 : memref<1x2x1x8x128xf32, #tpu.memory_space<hbm>> -> memref<2x1x8x128xf32, #tpu.memory_space<hbm>>
      %dma_start3A_589 = arith.constant 1 : i32
      %dma_start3A_590 = arith.constant 0 : i32
      %dma_start3A_591 = arith.constant 0 : i32
      %dma_start3A_592 = tpu.memref_slice %arg3[%select_n3A, %add3A_553, %dma_start3A_589, %dma_start3A_590, %dma_start3A_591] : memref<16x256x16x8x128xf32, #tpu.memory_space<hbm>> -> memref<1x2x1x8x128xf32, #tpu.memory_space<hbm>>
      %dma_start3A_593 = tpu.memref_squeeze %dma_start3A_592 : memref<1x2x1x8x128xf32, #tpu.memory_space<hbm>> -> memref<2x1x8x128xf32, #tpu.memory_space<hbm>>
      %dma_start3A_594 = arith.constant 0 : i32
      %dma_start3A_595 = arith.constant 0 : i32
      %dma_start3A_596 = arith.constant 0 : i32
      %dma_start3A_597 = tpu.memref_slice %arg4[%dma_start3A_594, %dma_start3A_595, %dma_start3A_596, %add3A_579] : memref<2x1x8x4224xf32, #tpu.memory_space<vmem>> -> memref<2x1x8x128xf32, #tpu.memory_space<vmem>>
      tpu.enqueue_dma source(%dma_start3A_597 : memref<2x1x8x128xf32, #tpu.memory_space<vmem>>) target(%dma_start3A_593 : memref<2x1x8x128xf32, #tpu.memory_space<hbm>>) target_semaphore(%arg5 : memref<!tpu.dma_semaphore, #tpu.memory_space<semaphore_mem>>)
      %add3A_598 = arith.constant 256 : i32
      %add3A_599 = arith.addi %sub3A_557, %add3A_598 : i32
      %dma_start3A_600 = arith.constant 0 : i32
      %dma_start3A_601 = arith.constant 0 : i32
      %dma_start3A_602 = arith.constant 0 : i32
      %dma_start3A_603 = tpu.memref_slice %arg4[%dma_start3A_600, %dma_start3A_601, %dma_start3A_602, %add3A_599] : memref<2x1x8x4224xf32, #tpu.memory_space<vmem>> -> memref<2x1x8x128xf32, #tpu.memory_space<vmem>>
      %dma_start3A_604 = arith.constant 2 : i32
      %dma_start3A_605 = arith.constant 0 : i32
      %dma_start3A_606 = arith.constant 0 : i32
      %dma_start3A_607 = tpu.memref_slice %arg3[%select_n3A, %add3A_553, %dma_start3A_604, %dma_start3A_605, %dma_start3A_606] : memref<16x256x16x8x128xf32, #tpu.memory_space<hbm>> -> memref<1x2x1x8x128xf32, #tpu.memory_space<hbm>>
      %dma_start3A_608 = tpu.memref_squeeze %dma_start3A_607 : memref<1x2x1x8x128xf32, #tpu.memory_space<hbm>> -> memref<2x1x8x128xf32, #tpu.memory_space<hbm>>
      %dma_start3A_609 = arith.constant 2 : i32
      %dma_start3A_610 = arith.constant 0 : i32
      %dma_start3A_611 = arith.constant 0 : i32
      %dma_start3A_612 = tpu.memref_slice %arg3[%select_n3A, %add3A_553, %dma_start3A_609, %dma_start3A_610, %dma_start3A_611] : memref<16x256x16x8x128xf32, #tpu.memory_space<hbm>> -> memref<1x2x1x8x128xf32, #tpu.memory_space<hbm>>
      %dma_start3A_613 = tpu.memref_squeeze %dma_start3A_612 : memref<1x2x1x8x128xf32, #tpu.memory_space<hbm>> -> memref<2x1x8x128xf32, #tpu.memory_space<hbm>>
      %dma_start3A_614 = arith.constant 0 : i32
      %dma_start3A_615 = arith.constant 0 : i32
      %dma_start3A_616 = arith.constant 0 : i32
      %dma_start3A_617 = tpu.memref_slice %arg4[%dma_start3A_614, %dma_start3A_615, %dma_start3A_616, %add3A_599] : memref<2x1x8x4224xf32, #tpu.memory_space<vmem>> -> memref<2x1x8x128xf32, #tpu.memory_space<vmem>>
      tpu.enqueue_dma source(%dma_start3A_617 : memref<2x1x8x128xf32, #tpu.memory_space<vmem>>) target(%dma_start3A_613 : memref<2x1x8x128xf32, #tpu.memory_space<hbm>>) target_semaphore(%arg5 : memref<!tpu.dma_semaphore, #tpu.memory_space<semaphore_mem>>)
      %add3A_618 = arith.constant 384 : i32
      %add3A_619 = arith.addi %sub3A_557, %add3A_618 : i32
      %dma_start3A_620 = arith.constant 0 : i32
      %dma_start3A_621 = arith.constant 0 : i32
      %dma_start3A_622 = arith.constant 0 : i32
      %dma_start3A_623 = tpu.memref_slice %arg4[%dma_start3A_620, %dma_start3A_621, %dma_start3A_622, %add3A_619] : memref<2x1x8x4224xf32, #tpu.memory_space<vmem>> -> memref<2x1x8x128xf32, #tpu.memory_space<vmem>>
      %dma_start3A_624 = arith.constant 3 : i32
      %dma_start3A_625 = arith.constant 0 : i32
      %dma_start3A_626 = arith.constant 0 : i32
      %dma_start3A_627 = tpu.memref_slice %arg3[%select_n3A, %add3A_553, %dma_start3A_624, %dma_start3A_625, %dma_start3A_626] : memref<16x256x16x8x128xf32, #tpu.memory_space<hbm>> -> memref<1x2x1x8x128xf32, #tpu.memory_space<hbm>>
      %dma_start3A_628 = tpu.memref_squeeze %dma_start3A_627 : memref<1x2x1x8x128xf32, #tpu.memory_space<hbm>> -> memref<2x1x8x128xf32, #tpu.memory_space<hbm>>
      %dma_start3A_629 = arith.constant 3 : i32
      %dma_start3A_630 = arith.constant 0 : i32
      %dma_start3A_631 = arith.constant 0 : i32
      %dma_start3A_632 = tpu.memref_slice %arg3[%select_n3A, %add3A_553, %dma_start3A_629, %dma_start3A_630, %dma_start3A_631] : memref<16x256x16x8x128xf32, #tpu.memory_space<hbm>> -> memref<1x2x1x8x128xf32, #tpu.memory_space<hbm>>
      %dma_start3A_633 = tpu.memref_squeeze %dma_start3A_632 : memref<1x2x1x8x128xf32, #tpu.memory_space<hbm>> -> memref<2x1x8x128xf32, #tpu.memory_space<hbm>>
      %dma_start3A_634 = arith.constant 0 : i32
      %dma_start3A_635 = arith.constant 0 : i32
      %dma_start3A_636 = arith.constant 0 : i32
      %dma_start3A_637 = tpu.memref_slice %arg4[%dma_start3A_634, %dma_start3A_635, %dma_start3A_636, %add3A_619] : memref<2x1x8x4224xf32, #tpu.memory_space<vmem>> -> memref<2x1x8x128xf32, #tpu.memory_space<vmem>>
      tpu.enqueue_dma source(%dma_start3A_637 : memref<2x1x8x128xf32, #tpu.memory_space<vmem>>) target(%dma_start3A_633 : memref<2x1x8x128xf32, #tpu.memory_space<hbm>>) target_semaphore(%arg5 : memref<!tpu.dma_semaphore, #tpu.memory_space<semaphore_mem>>)
      %add3A_638 = arith.constant 512 : i32
      %add3A_639 = arith.addi %sub3A_557, %add3A_638 : i32
      %dma_start3A_640 = arith.constant 0 : i32
      %dma_start3A_641 = arith.constant 0 : i32
      %dma_start3A_642 = arith.constant 0 : i32
      %dma_start3A_643 = tpu.memref_slice %arg4[%dma_start3A_640, %dma_start3A_641, %dma_start3A_642, %add3A_639] : memref<2x1x8x4224xf32, #tpu.memory_space<vmem>> -> memref<2x1x8x128xf32, #tpu.memory_space<vmem>>
      %dma_start3A_644 = arith.constant 4 : i32
      %dma_start3A_645 = arith.constant 0 : i32
      %dma_start3A_646 = arith.constant 0 : i32
      %dma_start3A_647 = tpu.memref_slice %arg3[%select_n3A, %add3A_553, %dma_start3A_644, %dma_start3A_645, %dma_start3A_646] : memref<16x256x16x8x128xf32, #tpu.memory_space<hbm>> -> memref<1x2x1x8x128xf32, #tpu.memory_space<hbm>>
      %dma_start3A_648 = tpu.memref_squeeze %dma_start3A_647 : memref<1x2x1x8x128xf32, #tpu.memory_space<hbm>> -> memref<2x1x8x128xf32, #tpu.memory_space<hbm>>
      %dma_start3A_649 = arith.constant 4 : i32
      %dma_start3A_650 = arith.constant 0 : i32
      %dma_start3A_651 = arith.constant 0 : i32
      %dma_start3A_652 = tpu.memref_slice %arg3[%select_n3A, %add3A_553, %dma_start3A_649, %dma_start3A_650, %dma_start3A_651] : memref<16x256x16x8x128xf32, #tpu.memory_space<hbm>> -> memref<1x2x1x8x128xf32, #tpu.memory_space<hbm>>
      %dma_start3A_653 = tpu.memref_squeeze %dma_start3A_652 : memref<1x2x1x8x128xf32, #tpu.memory_space<hbm>> -> memref<2x1x8x128xf32, #tpu.memory_space<hbm>>
      %dma_start3A_654 = arith.constant 0 : i32
      %dma_start3A_655 = arith.constant 0 : i32
      %dma_start3A_656 = arith.constant 0 : i32
      %dma_start3A_657 = tpu.memref_slice %arg4[%dma_start3A_654, %dma_start3A_655, %dma_start3A_656, %add3A_639] : memref<2x1x8x4224xf32, #tpu.memory_space<vmem>> -> memref<2x1x8x128xf32, #tpu.memory_space<vmem>>
      tpu.enqueue_dma source(%dma_start3A_657 : memref<2x1x8x128xf32, #tpu.memory_space<vmem>>) target(%dma_start3A_653 : memref<2x1x8x128xf32, #tpu.memory_space<hbm>>) target_semaphore(%arg5 : memref<!tpu.dma_semaphore, #tpu.memory_space<semaphore_mem>>)
      %add3A_658 = arith.constant 640 : i32
      %add3A_659 = arith.addi %sub3A_557, %add3A_658 : i32
      %dma_start3A_660 = arith.constant 0 : i32
      %dma_start3A_661 = arith.constant 0 : i32
      %dma_start3A_662 = arith.constant 0 : i32
      %dma_start3A_663 = tpu.memref_slice %arg4[%dma_start3A_660, %dma_start3A_661, %dma_start3A_662, %add3A_659] : memref<2x1x8x4224xf32, #tpu.memory_space<vmem>> -> memref<2x1x8x128xf32, #tpu.memory_space<vmem>>
      %dma_start3A_664 = arith.constant 5 : i32
      %dma_start3A_665 = arith.constant 0 : i32
      %dma_start3A_666 = arith.constant 0 : i32
      %dma_start3A_667 = tpu.memref_slice %arg3[%select_n3A, %add3A_553, %dma_start3A_664, %dma_start3A_665, %dma_start3A_666] : memref<16x256x16x8x128xf32, #tpu.memory_space<hbm>> -> memref<1x2x1x8x128xf32, #tpu.memory_space<hbm>>
      %dma_start3A_668 = tpu.memref_squeeze %dma_start3A_667 : memref<1x2x1x8x128xf32, #tpu.memory_space<hbm>> -> memref<2x1x8x128xf32, #tpu.memory_space<hbm>>
      %dma_start3A_669 = arith.constant 5 : i32
      %dma_start3A_670 = arith.constant 0 : i32
      %dma_start3A_671 = arith.constant 0 : i32
      %dma_start3A_672 = tpu.memref_slice %arg3[%select_n3A, %add3A_553, %dma_start3A_669, %dma_start3A_670, %dma_start3A_671] : memref<16x256x16x8x128xf32, #tpu.memory_space<hbm>> -> memref<1x2x1x8x128xf32, #tpu.memory_space<hbm>>
      %dma_start3A_673 = tpu.memref_squeeze %dma_start3A_672 : memref<1x2x1x8x128xf32, #tpu.memory_space<hbm>> -> memref<2x1x8x128xf32, #tpu.memory_space<hbm>>
      %dma_start3A_674 = arith.constant 0 : i32
      %dma_start3A_675 = arith.constant 0 : i32
      %dma_start3A_676 = arith.constant 0 : i32
      %dma_start3A_677 = tpu.memref_slice %arg4[%dma_start3A_674, %dma_start3A_675, %dma_start3A_676, %add3A_659] : memref<2x1x8x4224xf32, #tpu.memory_space<vmem>> -> memref<2x1x8x128xf32, #tpu.memory_space<vmem>>
      tpu.enqueue_dma source(%dma_start3A_677 : memref<2x1x8x128xf32, #tpu.memory_space<vmem>>) target(%dma_start3A_673 : memref<2x1x8x128xf32, #tpu.memory_space<hbm>>) target_semaphore(%arg5 : memref<!tpu.dma_semaphore, #tpu.memory_space<semaphore_mem>>)
      %add3A_678 = arith.constant 768 : i32
      %add3A_679 = arith.addi %sub3A_557, %add3A_678 : i32
      %dma_start3A_680 = arith.constant 0 : i32
      %dma_start3A_681 = arith.constant 0 : i32
      %dma_start3A_682 = arith.constant 0 : i32
      %dma_start3A_683 = tpu.memref_slice %arg4[%dma_start3A_680, %dma_start3A_681, %dma_start3A_682, %add3A_679] : memref<2x1x8x4224xf32, #tpu.memory_space<vmem>> -> memref<2x1x8x128xf32, #tpu.memory_space<vmem>>
      %dma_start3A_684 = arith.constant 6 : i32
      %dma_start3A_685 = arith.constant 0 : i32
      %dma_start3A_686 = arith.constant 0 : i32
      %dma_start3A_687 = tpu.memref_slice %arg3[%select_n3A, %add3A_553, %dma_start3A_684, %dma_start3A_685, %dma_start3A_686] : memref<16x256x16x8x128xf32, #tpu.memory_space<hbm>> -> memref<1x2x1x8x128xf32, #tpu.memory_space<hbm>>
      %dma_start3A_688 = tpu.memref_squeeze %dma_start3A_687 : memref<1x2x1x8x128xf32, #tpu.memory_space<hbm>> -> memref<2x1x8x128xf32, #tpu.memory_space<hbm>>
      %dma_start3A_689 = arith.constant 6 : i32
      %dma_start3A_690 = arith.constant 0 : i32
      %dma_start3A_691 = arith.constant 0 : i32
      %dma_start3A_692 = tpu.memref_slice %arg3[%select_n3A, %add3A_553, %dma_start3A_689, %dma_start3A_690, %dma_start3A_691] : memref<16x256x16x8x128xf32, #tpu.memory_space<hbm>> -> memref<1x2x1x8x128xf32, #tpu.memory_space<hbm>>
      %dma_start3A_693 = tpu.memref_squeeze %dma_start3A_692 : memref<1x2x1x8x128xf32, #tpu.memory_space<hbm>> -> memref<2x1x8x128xf32, #tpu.memory_space<hbm>>
      %dma_start3A_694 = arith.constant 0 : i32
      %dma_start3A_695 = arith.constant 0 : i32
      %dma_start3A_696 = arith.constant 0 : i32
      %dma_start3A_697 = tpu.memref_slice %arg4[%dma_start3A_694, %dma_start3A_695, %dma_start3A_696, %add3A_679] : memref<2x1x8x4224xf32, #tpu.memory_space<vmem>> -> memref<2x1x8x128xf32, #tpu.memory_space<vmem>>
      tpu.enqueue_dma source(%dma_start3A_697 : memref<2x1x8x128xf32, #tpu.memory_space<vmem>>) target(%dma_start3A_693 : memref<2x1x8x128xf32, #tpu.memory_space<hbm>>) target_semaphore(%arg5 : memref<!tpu.dma_semaphore, #tpu.memory_space<semaphore_mem>>)
      %add3A_698 = arith.constant 896 : i32
      %add3A_699 = arith.addi %sub3A_557, %add3A_698 : i32
      %dma_start3A_700 = arith.constant 0 : i32
      %dma_start3A_701 = arith.constant 0 : i32
      %dma_start3A_702 = arith.constant 0 : i32
      %dma_start3A_703 = tpu.memref_slice %arg4[%dma_start3A_700, %dma_start3A_701, %dma_start3A_702, %add3A_699] : memref<2x1x8x4224xf32, #tpu.memory_space<vmem>> -> memref<2x1x8x128xf32, #tpu.memory_space<vmem>>
      %dma_start3A_704 = arith.constant 7 : i32
      %dma_start3A_705 = arith.constant 0 : i32
      %dma_start3A_706 = arith.constant 0 : i32
      %dma_start3A_707 = tpu.memref_slice %arg3[%select_n3A, %add3A_553, %dma_start3A_704, %dma_start3A_705, %dma_start3A_706] : memref<16x256x16x8x128xf32, #tpu.memory_space<hbm>> -> memref<1x2x1x8x128xf32, #tpu.memory_space<hbm>>
      %dma_start3A_708 = tpu.memref_squeeze %dma_start3A_707 : memref<1x2x1x8x128xf32, #tpu.memory_space<hbm>> -> memref<2x1x8x128xf32, #tpu.memory_space<hbm>>
      %dma_start3A_709 = arith.constant 7 : i32
      %dma_start3A_710 = arith.constant 0 : i32
      %dma_start3A_711 = arith.constant 0 : i32
      %dma_start3A_712 = tpu.memref_slice %arg3[%select_n3A, %add3A_553, %dma_start3A_709, %dma_start3A_710, %dma_start3A_711] : memref<16x256x16x8x128xf32, #tpu.memory_space<hbm>> -> memref<1x2x1x8x128xf32, #tpu.memory_space<hbm>>
      %dma_start3A_713 = tpu.memref_squeeze %dma_start3A_712 : memref<1x2x1x8x128xf32, #tpu.memory_space<hbm>> -> memref<2x1x8x128xf32, #tpu.memory_space<hbm>>
      %dma_start3A_714 = arith.constant 0 : i32
      %dma_start3A_715 = arith.constant 0 : i32
      %dma_start3A_716 = arith.constant 0 : i32
      %dma_start3A_717 = tpu.memref_slice %arg4[%dma_start3A_714, %dma_start3A_715, %dma_start3A_716, %add3A_699] : memref<2x1x8x4224xf32, #tpu.memory_space<vmem>> -> memref<2x1x8x128xf32, #tpu.memory_space<vmem>>
      tpu.enqueue_dma source(%dma_start3A_717 : memref<2x1x8x128xf32, #tpu.memory_space<vmem>>) target(%dma_start3A_713 : memref<2x1x8x128xf32, #tpu.memory_space<hbm>>) target_semaphore(%arg5 : memref<!tpu.dma_semaphore, #tpu.memory_space<semaphore_mem>>)
      %add3A_718 = arith.constant 1024 : i32
      %add3A_719 = arith.addi %sub3A_557, %add3A_718 : i32
      %dma_start3A_720 = arith.constant 0 : i32
      %dma_start3A_721 = arith.constant 0 : i32
      %dma_start3A_722 = arith.constant 0 : i32
      %dma_start3A_723 = tpu.memref_slice %arg4[%dma_start3A_720, %dma_start3A_721, %dma_start3A_722, %add3A_719] : memref<2x1x8x4224xf32, #tpu.memory_space<vmem>> -> memref<2x1x8x128xf32, #tpu.memory_space<vmem>>
      %dma_start3A_724 = arith.constant 8 : i32
      %dma_start3A_725 = arith.constant 0 : i32
      %dma_start3A_726 = arith.constant 0 : i32
      %dma_start3A_727 = tpu.memref_slice %arg3[%select_n3A, %add3A_553, %dma_start3A_724, %dma_start3A_725, %dma_start3A_726] : memref<16x256x16x8x128xf32, #tpu.memory_space<hbm>> -> memref<1x2x1x8x128xf32, #tpu.memory_space<hbm>>
      %dma_start3A_728 = tpu.memref_squeeze %dma_start3A_727 : memref<1x2x1x8x128xf32, #tpu.memory_space<hbm>> -> memref<2x1x8x128xf32, #tpu.memory_space<hbm>>
      %dma_start3A_729 = arith.constant 8 : i32
      %dma_start3A_730 = arith.constant 0 : i32
      %dma_start3A_731 = arith.constant 0 : i32
      %dma_start3A_732 = tpu.memref_slice %arg3[%select_n3A, %add3A_553, %dma_start3A_729, %dma_start3A_730, %dma_start3A_731] : memref<16x256x16x8x128xf32, #tpu.memory_space<hbm>> -> memref<1x2x1x8x128xf32, #tpu.memory_space<hbm>>
      %dma_start3A_733 = tpu.memref_squeeze %dma_start3A_732 : memref<1x2x1x8x128xf32, #tpu.memory_space<hbm>> -> memref<2x1x8x128xf32, #tpu.memory_space<hbm>>
      %dma_start3A_734 = arith.constant 0 : i32
      %dma_start3A_735 = arith.constant 0 : i32
      %dma_start3A_736 = arith.constant 0 : i32
      %dma_start3A_737 = tpu.memref_slice %arg4[%dma_start3A_734, %dma_start3A_735, %dma_start3A_736, %add3A_719] : memref<2x1x8x4224xf32, #tpu.memory_space<vmem>> -> memref<2x1x8x128xf32, #tpu.memory_space<vmem>>
      tpu.enqueue_dma source(%dma_start3A_737 : memref<2x1x8x128xf32, #tpu.memory_space<vmem>>) target(%dma_start3A_733 : memref<2x1x8x128xf32, #tpu.memory_space<hbm>>) target_semaphore(%arg5 : memref<!tpu.dma_semaphore, #tpu.memory_space<semaphore_mem>>)
      %add3A_738 = arith.constant 1152 : i32
      %add3A_739 = arith.addi %sub3A_557, %add3A_738 : i32
      %dma_start3A_740 = arith.constant 0 : i32
      %dma_start3A_741 = arith.constant 0 : i32
      %dma_start3A_742 = arith.constant 0 : i32
      %dma_start3A_743 = tpu.memref_slice %arg4[%dma_start3A_740, %dma_start3A_741, %dma_start3A_742, %add3A_739] : memref<2x1x8x4224xf32, #tpu.memory_space<vmem>> -> memref<2x1x8x128xf32, #tpu.memory_space<vmem>>
      %dma_start3A_744 = arith.constant 9 : i32
      %dma_start3A_745 = arith.constant 0 : i32
      %dma_start3A_746 = arith.constant 0 : i32
      %dma_start3A_747 = tpu.memref_slice %arg3[%select_n3A, %add3A_553, %dma_start3A_744, %dma_start3A_745, %dma_start3A_746] : memref<16x256x16x8x128xf32, #tpu.memory_space<hbm>> -> memref<1x2x1x8x128xf32, #tpu.memory_space<hbm>>
      %dma_start3A_748 = tpu.memref_squeeze %dma_start3A_747 : memref<1x2x1x8x128xf32, #tpu.memory_space<hbm>> -> memref<2x1x8x128xf32, #tpu.memory_space<hbm>>
      %dma_start3A_749 = arith.constant 9 : i32
      %dma_start3A_750 = arith.constant 0 : i32
      %dma_start3A_751 = arith.constant 0 : i32
      %dma_start3A_752 = tpu.memref_slice %arg3[%select_n3A, %add3A_553, %dma_start3A_749, %dma_start3A_750, %dma_start3A_751] : memref<16x256x16x8x128xf32, #tpu.memory_space<hbm>> -> memref<1x2x1x8x128xf32, #tpu.memory_space<hbm>>
      %dma_start3A_753 = tpu.memref_squeeze %dma_start3A_752 : memref<1x2x1x8x128xf32, #tpu.memory_space<hbm>> -> memref<2x1x8x128xf32, #tpu.memory_space<hbm>>
      %dma_start3A_754 = arith.constant 0 : i32
      %dma_start3A_755 = arith.constant 0 : i32
      %dma_start3A_756 = arith.constant 0 : i32
      %dma_start3A_757 = tpu.memref_slice %arg4[%dma_start3A_754, %dma_start3A_755, %dma_start3A_756, %add3A_739] : memref<2x1x8x4224xf32, #tpu.memory_space<vmem>> -> memref<2x1x8x128xf32, #tpu.memory_space<vmem>>
      tpu.enqueue_dma source(%dma_start3A_757 : memref<2x1x8x128xf32, #tpu.memory_space<vmem>>) target(%dma_start3A_753 : memref<2x1x8x128xf32, #tpu.memory_space<hbm>>) target_semaphore(%arg5 : memref<!tpu.dma_semaphore, #tpu.memory_space<semaphore_mem>>)
      %add3A_758 = arith.constant 1280 : i32
      %add3A_759 = arith.addi %sub3A_557, %add3A_758 : i32
      %dma_start3A_760 = arith.constant 0 : i32
      %dma_start3A_761 = arith.constant 0 : i32
      %dma_start3A_762 = arith.constant 0 : i32
      %dma_start3A_763 = tpu.memref_slice %arg4[%dma_start3A_760, %dma_start3A_761, %dma_start3A_762, %add3A_759] : memref<2x1x8x4224xf32, #tpu.memory_space<vmem>> -> memref<2x1x8x128xf32, #tpu.memory_space<vmem>>
      %dma_start3A_764 = arith.constant 10 : i32
      %dma_start3A_765 = arith.constant 0 : i32
      %dma_start3A_766 = arith.constant 0 : i32
      %dma_start3A_767 = tpu.memref_slice %arg3[%select_n3A, %add3A_553, %dma_start3A_764, %dma_start3A_765, %dma_start3A_766] : memref<16x256x16x8x128xf32, #tpu.memory_space<hbm>> -> memref<1x2x1x8x128xf32, #tpu.memory_space<hbm>>
      %dma_start3A_768 = tpu.memref_squeeze %dma_start3A_767 : memref<1x2x1x8x128xf32, #tpu.memory_space<hbm>> -> memref<2x1x8x128xf32, #tpu.memory_space<hbm>>
      %dma_start3A_769 = arith.constant 10 : i32
      %dma_start3A_770 = arith.constant 0 : i32
      %dma_start3A_771 = arith.constant 0 : i32
      %dma_start3A_772 = tpu.memref_slice %arg3[%select_n3A, %add3A_553, %dma_start3A_769, %dma_start3A_770, %dma_start3A_771] : memref<16x256x16x8x128xf32, #tpu.memory_space<hbm>> -> memref<1x2x1x8x128xf32, #tpu.memory_space<hbm>>
      %dma_start3A_773 = tpu.memref_squeeze %dma_start3A_772 : memref<1x2x1x8x128xf32, #tpu.memory_space<hbm>> -> memref<2x1x8x128xf32, #tpu.memory_space<hbm>>
      %dma_start3A_774 = arith.constant 0 : i32
      %dma_start3A_775 = arith.constant 0 : i32
      %dma_start3A_776 = arith.constant 0 : i32
      %dma_start3A_777 = tpu.memref_slice %arg4[%dma_start3A_774, %dma_start3A_775, %dma_start3A_776, %add3A_759] : memref<2x1x8x4224xf32, #tpu.memory_space<vmem>> -> memref<2x1x8x128xf32, #tpu.memory_space<vmem>>
      tpu.enqueue_dma source(%dma_start3A_777 : memref<2x1x8x128xf32, #tpu.memory_space<vmem>>) target(%dma_start3A_773 : memref<2x1x8x128xf32, #tpu.memory_space<hbm>>) target_semaphore(%arg5 : memref<!tpu.dma_semaphore, #tpu.memory_space<semaphore_mem>>)
      %add3A_778 = arith.constant 1408 : i32
      %add3A_779 = arith.addi %sub3A_557, %add3A_778 : i32
      %dma_start3A_780 = arith.constant 0 : i32
      %dma_start3A_781 = arith.constant 0 : i32
      %dma_start3A_782 = arith.constant 0 : i32
      %dma_start3A_783 = tpu.memref_slice %arg4[%dma_start3A_780, %dma_start3A_781, %dma_start3A_782, %add3A_779] : memref<2x1x8x4224xf32, #tpu.memory_space<vmem>> -> memref<2x1x8x128xf32, #tpu.memory_space<vmem>>
      %dma_start3A_784 = arith.constant 11 : i32
      %dma_start3A_785 = arith.constant 0 : i32
      %dma_start3A_786 = arith.constant 0 : i32
      %dma_start3A_787 = tpu.memref_slice %arg3[%select_n3A, %add3A_553, %dma_start3A_784, %dma_start3A_785, %dma_start3A_786] : memref<16x256x16x8x128xf32, #tpu.memory_space<hbm>> -> memref<1x2x1x8x128xf32, #tpu.memory_space<hbm>>
      %dma_start3A_788 = tpu.memref_squeeze %dma_start3A_787 : memref<1x2x1x8x128xf32, #tpu.memory_space<hbm>> -> memref<2x1x8x128xf32, #tpu.memory_space<hbm>>
      %dma_start3A_789 = arith.constant 11 : i32
      %dma_start3A_790 = arith.constant 0 : i32
      %dma_start3A_791 = arith.constant 0 : i32
      %dma_start3A_792 = tpu.memref_slice %arg3[%select_n3A, %add3A_553, %dma_start3A_789, %dma_start3A_790, %dma_start3A_791] : memref<16x256x16x8x128xf32, #tpu.memory_space<hbm>> -> memref<1x2x1x8x128xf32, #tpu.memory_space<hbm>>
      %dma_start3A_793 = tpu.memref_squeeze %dma_start3A_792 : memref<1x2x1x8x128xf32, #tpu.memory_space<hbm>> -> memref<2x1x8x128xf32, #tpu.memory_space<hbm>>
      %dma_start3A_794 = arith.constant 0 : i32
      %dma_start3A_795 = arith.constant 0 : i32
      %dma_start3A_796 = arith.constant 0 : i32
      %dma_start3A_797 = tpu.memref_slice %arg4[%dma_start3A_794, %dma_start3A_795, %dma_start3A_796, %add3A_779] : memref<2x1x8x4224xf32, #tpu.memory_space<vmem>> -> memref<2x1x8x128xf32, #tpu.memory_space<vmem>>
      tpu.enqueue_dma source(%dma_start3A_797 : memref<2x1x8x128xf32, #tpu.memory_space<vmem>>) target(%dma_start3A_793 : memref<2x1x8x128xf32, #tpu.memory_space<hbm>>) target_semaphore(%arg5 : memref<!tpu.dma_semaphore, #tpu.memory_space<semaphore_mem>>)
      %add3A_798 = arith.constant 1536 : i32
      %add3A_799 = arith.addi %sub3A_557, %add3A_798 : i32
      %dma_start3A_800 = arith.constant 0 : i32
      %dma_start3A_801 = arith.constant 0 : i32
      %dma_start3A_802 = arith.constant 0 : i32
      %dma_start3A_803 = tpu.memref_slice %arg4[%dma_start3A_800, %dma_start3A_801, %dma_start3A_802, %add3A_799] : memref<2x1x8x4224xf32, #tpu.memory_space<vmem>> -> memref<2x1x8x128xf32, #tpu.memory_space<vmem>>
      %dma_start3A_804 = arith.constant 12 : i32
      %dma_start3A_805 = arith.constant 0 : i32
      %dma_start3A_806 = arith.constant 0 : i32
      %dma_start3A_807 = tpu.memref_slice %arg3[%select_n3A, %add3A_553, %dma_start3A_804, %dma_start3A_805, %dma_start3A_806] : memref<16x256x16x8x128xf32, #tpu.memory_space<hbm>> -> memref<1x2x1x8x128xf32, #tpu.memory_space<hbm>>
      %dma_start3A_808 = tpu.memref_squeeze %dma_start3A_807 : memref<1x2x1x8x128xf32, #tpu.memory_space<hbm>> -> memref<2x1x8x128xf32, #tpu.memory_space<hbm>>
      %dma_start3A_809 = arith.constant 12 : i32
      %dma_start3A_810 = arith.constant 0 : i32
      %dma_start3A_811 = arith.constant 0 : i32
      %dma_start3A_812 = tpu.memref_slice %arg3[%select_n3A, %add3A_553, %dma_start3A_809, %dma_start3A_810, %dma_start3A_811] : memref<16x256x16x8x128xf32, #tpu.memory_space<hbm>> -> memref<1x2x1x8x128xf32, #tpu.memory_space<hbm>>
      %dma_start3A_813 = tpu.memref_squeeze %dma_start3A_812 : memref<1x2x1x8x128xf32, #tpu.memory_space<hbm>> -> memref<2x1x8x128xf32, #tpu.memory_space<hbm>>
      %dma_start3A_814 = arith.constant 0 : i32
      %dma_start3A_815 = arith.constant 0 : i32
      %dma_start3A_816 = arith.constant 0 : i32
      %dma_start3A_817 = tpu.memref_slice %arg4[%dma_start3A_814, %dma_start3A_815, %dma_start3A_816, %add3A_799] : memref<2x1x8x4224xf32, #tpu.memory_space<vmem>> -> memref<2x1x8x128xf32, #tpu.memory_space<vmem>>
      tpu.enqueue_dma source(%dma_start3A_817 : memref<2x1x8x128xf32, #tpu.memory_space<vmem>>) target(%dma_start3A_813 : memref<2x1x8x128xf32, #tpu.memory_space<hbm>>) target_semaphore(%arg5 : memref<!tpu.dma_semaphore, #tpu.memory_space<semaphore_mem>>)
      %add3A_818 = arith.constant 1664 : i32
      %add3A_819 = arith.addi %sub3A_557, %add3A_818 : i32
      %dma_start3A_820 = arith.constant 0 : i32
      %dma_start3A_821 = arith.constant 0 : i32
      %dma_start3A_822 = arith.constant 0 : i32
      %dma_start3A_823 = tpu.memref_slice %arg4[%dma_start3A_820, %dma_start3A_821, %dma_start3A_822, %add3A_819] : memref<2x1x8x4224xf32, #tpu.memory_space<vmem>> -> memref<2x1x8x128xf32, #tpu.memory_space<vmem>>
      %dma_start3A_824 = arith.constant 13 : i32
      %dma_start3A_825 = arith.constant 0 : i32
      %dma_start3A_826 = arith.constant 0 : i32
      %dma_start3A_827 = tpu.memref_slice %arg3[%select_n3A, %add3A_553, %dma_start3A_824, %dma_start3A_825, %dma_start3A_826] : memref<16x256x16x8x128xf32, #tpu.memory_space<hbm>> -> memref<1x2x1x8x128xf32, #tpu.memory_space<hbm>>
      %dma_start3A_828 = tpu.memref_squeeze %dma_start3A_827 : memref<1x2x1x8x128xf32, #tpu.memory_space<hbm>> -> memref<2x1x8x128xf32, #tpu.memory_space<hbm>>
      %dma_start3A_829 = arith.constant 13 : i32
      %dma_start3A_830 = arith.constant 0 : i32
      %dma_start3A_831 = arith.constant 0 : i32
      %dma_start3A_832 = tpu.memref_slice %arg3[%select_n3A, %add3A_553, %dma_start3A_829, %dma_start3A_830, %dma_start3A_831] : memref<16x256x16x8x128xf32, #tpu.memory_space<hbm>> -> memref<1x2x1x8x128xf32, #tpu.memory_space<hbm>>
      %dma_start3A_833 = tpu.memref_squeeze %dma_start3A_832 : memref<1x2x1x8x128xf32, #tpu.memory_space<hbm>> -> memref<2x1x8x128xf32, #tpu.memory_space<hbm>>
      %dma_start3A_834 = arith.constant 0 : i32
      %dma_start3A_835 = arith.constant 0 : i32
      %dma_start3A_836 = arith.constant 0 : i32
      %dma_start3A_837 = tpu.memref_slice %arg4[%dma_start3A_834, %dma_start3A_835, %dma_start3A_836, %add3A_819] : memref<2x1x8x4224xf32, #tpu.memory_space<vmem>> -> memref<2x1x8x128xf32, #tpu.memory_space<vmem>>
      tpu.enqueue_dma source(%dma_start3A_837 : memref<2x1x8x128xf32, #tpu.memory_space<vmem>>) target(%dma_start3A_833 : memref<2x1x8x128xf32, #tpu.memory_space<hbm>>) target_semaphore(%arg5 : memref<!tpu.dma_semaphore, #tpu.memory_space<semaphore_mem>>)
      %add3A_838 = arith.constant 1792 : i32
      %add3A_839 = arith.addi %sub3A_557, %add3A_838 : i32
      %dma_start3A_840 = arith.constant 0 : i32
      %dma_start3A_841 = arith.constant 0 : i32
      %dma_start3A_842 = arith.constant 0 : i32
      %dma_start3A_843 = tpu.memref_slice %arg4[%dma_start3A_840, %dma_start3A_841, %dma_start3A_842, %add3A_839] : memref<2x1x8x4224xf32, #tpu.memory_space<vmem>> -> memref<2x1x8x128xf32, #tpu.memory_space<vmem>>
      %dma_start3A_844 = arith.constant 14 : i32
      %dma_start3A_845 = arith.constant 0 : i32
      %dma_start3A_846 = arith.constant 0 : i32
      %dma_start3A_847 = tpu.memref_slice %arg3[%select_n3A, %add3A_553, %dma_start3A_844, %dma_start3A_845, %dma_start3A_846] : memref<16x256x16x8x128xf32, #tpu.memory_space<hbm>> -> memref<1x2x1x8x128xf32, #tpu.memory_space<hbm>>
      %dma_start3A_848 = tpu.memref_squeeze %dma_start3A_847 : memref<1x2x1x8x128xf32, #tpu.memory_space<hbm>> -> memref<2x1x8x128xf32, #tpu.memory_space<hbm>>
      %dma_start3A_849 = arith.constant 14 : i32
      %dma_start3A_850 = arith.constant 0 : i32
      %dma_start3A_851 = arith.constant 0 : i32
      %dma_start3A_852 = tpu.memref_slice %arg3[%select_n3A, %add3A_553, %dma_start3A_849, %dma_start3A_850, %dma_start3A_851] : memref<16x256x16x8x128xf32, #tpu.memory_space<hbm>> -> memref<1x2x1x8x128xf32, #tpu.memory_space<hbm>>
      %dma_start3A_853 = tpu.memref_squeeze %dma_start3A_852 : memref<1x2x1x8x128xf32, #tpu.memory_space<hbm>> -> memref<2x1x8x128xf32, #tpu.memory_space<hbm>>
      %dma_start3A_854 = arith.constant 0 : i32
      %dma_start3A_855 = arith.constant 0 : i32
      %dma_start3A_856 = arith.constant 0 : i32
      %dma_start3A_857 = tpu.memref_slice %arg4[%dma_start3A_854, %dma_start3A_855, %dma_start3A_856, %add3A_839] : memref<2x1x8x4224xf32, #tpu.memory_space<vmem>> -> memref<2x1x8x128xf32, #tpu.memory_space<vmem>>
      tpu.enqueue_dma source(%dma_start3A_857 : memref<2x1x8x128xf32, #tpu.memory_space<vmem>>) target(%dma_start3A_853 : memref<2x1x8x128xf32, #tpu.memory_space<hbm>>) target_semaphore(%arg5 : memref<!tpu.dma_semaphore, #tpu.memory_space<semaphore_mem>>)
      %add3A_858 = arith.constant 1920 : i32
      %add3A_859 = arith.addi %sub3A_557, %add3A_858 : i32
      %dma_start3A_860 = arith.constant 0 : i32
      %dma_start3A_861 = arith.constant 0 : i32
      %dma_start3A_862 = arith.constant 0 : i32
      %dma_start3A_863 = tpu.memref_slice %arg4[%dma_start3A_860, %dma_start3A_861, %dma_start3A_862, %add3A_859] : memref<2x1x8x4224xf32, #tpu.memory_space<vmem>> -> memref<2x1x8x128xf32, #tpu.memory_space<vmem>>
      %dma_start3A_864 = arith.constant 15 : i32
      %dma_start3A_865 = arith.constant 0 : i32
      %dma_start3A_866 = arith.constant 0 : i32
      %dma_start3A_867 = tpu.memref_slice %arg3[%select_n3A, %add3A_553, %dma_start3A_864, %dma_start3A_865, %dma_start3A_866] : memref<16x256x16x8x128xf32, #tpu.memory_space<hbm>> -> memref<1x2x1x8x128xf32, #tpu.memory_space<hbm>>
      %dma_start3A_868 = tpu.memref_squeeze %dma_start3A_867 : memref<1x2x1x8x128xf32, #tpu.memory_space<hbm>> -> memref<2x1x8x128xf32, #tpu.memory_space<hbm>>
      %dma_start3A_869 = arith.constant 15 : i32
      %dma_start3A_870 = arith.constant 0 : i32
      %dma_start3A_871 = arith.constant 0 : i32
      %dma_start3A_872 = tpu.memref_slice %arg3[%select_n3A, %add3A_553, %dma_start3A_869, %dma_start3A_870, %dma_start3A_871] : memref<16x256x16x8x128xf32, #tpu.memory_space<hbm>> -> memref<1x2x1x8x128xf32, #tpu.memory_space<hbm>>
      %dma_start3A_873 = tpu.memref_squeeze %dma_start3A_872 : memref<1x2x1x8x128xf32, #tpu.memory_space<hbm>> -> memref<2x1x8x128xf32, #tpu.memory_space<hbm>>
      %dma_start3A_874 = arith.constant 0 : i32
      %dma_start3A_875 = arith.constant 0 : i32
      %dma_start3A_876 = arith.constant 0 : i32
      %dma_start3A_877 = tpu.memref_slice %arg4[%dma_start3A_874, %dma_start3A_875, %dma_start3A_876, %add3A_859] : memref<2x1x8x4224xf32, #tpu.memory_space<vmem>> -> memref<2x1x8x128xf32, #tpu.memory_space<vmem>>
      tpu.enqueue_dma source(%dma_start3A_877 : memref<2x1x8x128xf32, #tpu.memory_space<vmem>>) target(%dma_start3A_873 : memref<2x1x8x128xf32, #tpu.memory_space<hbm>>) target_semaphore(%arg5 : memref<!tpu.dma_semaphore, #tpu.memory_space<semaphore_mem>>)
      %mul3A_878 = arith.constant 4 : i32
      %mul3A_879 = arith.muli %mul3A_878, %scan3A_548 : i32
      %add3A_880 = arith.addi %mul3A_32, %mul3A_879 : i32
      %add3A_881 = arith.constant 2 : i32
      %add3A_882 = arith.addi %add3A_880, %add3A_881 : i32
      %mul3A_883 = arith.constant 8 : i32
      %mul3A_884 = arith.muli %mul3A_883, %add3A_882 : i32
      %sub3A_885 = arith.constant 2040 : i32
      %sub3A_886 = arith.subi %sub3A_885, %mul3A_884 : i32
      %add3A_887 = arith.constant 0 : i32
      %add3A_888 = arith.addi %sub3A_886, %add3A_887 : i32
      %dma_start3A_889 = arith.constant 0 : i32
      %dma_start3A_890 = arith.constant 0 : i32
      %dma_start3A_891 = arith.constant 0 : i32
      %dma_start3A_892 = tpu.memref_slice %arg4[%dma_start3A_889, %dma_start3A_890, %dma_start3A_891, %add3A_888] : memref<2x1x8x4224xf32, #tpu.memory_space<vmem>> -> memref<2x1x8x128xf32, #tpu.memory_space<vmem>>
      %dma_start3A_893 = arith.constant 0 : i32
      %dma_start3A_894 = arith.constant 0 : i32
      %dma_start3A_895 = arith.constant 0 : i32
      %dma_start3A_896 = tpu.memref_slice %arg3[%select_n3A, %add3A_882, %dma_start3A_893, %dma_start3A_894, %dma_start3A_895] : memref<16x256x16x8x128xf32, #tpu.memory_space<hbm>> -> memref<1x2x1x8x128xf32, #tpu.memory_space<hbm>>
      %dma_start3A_897 = tpu.memref_squeeze %dma_start3A_896 : memref<1x2x1x8x128xf32, #tpu.memory_space<hbm>> -> memref<2x1x8x128xf32, #tpu.memory_space<hbm>>
      %dma_start3A_898 = arith.constant 0 : i32
      %dma_start3A_899 = arith.constant 0 : i32
      %dma_start3A_900 = arith.constant 0 : i32
      %dma_start3A_901 = tpu.memref_slice %arg3[%select_n3A, %add3A_882, %dma_start3A_898, %dma_start3A_899, %dma_start3A_900] : memref<16x256x16x8x128xf32, #tpu.memory_space<hbm>> -> memref<1x2x1x8x128xf32, #tpu.memory_space<hbm>>
      %dma_start3A_902 = tpu.memref_squeeze %dma_start3A_901 : memref<1x2x1x8x128xf32, #tpu.memory_space<hbm>> -> memref<2x1x8x128xf32, #tpu.memory_space<hbm>>
      %dma_start3A_903 = arith.constant 0 : i32
      %dma_start3A_904 = arith.constant 0 : i32
      %dma_start3A_905 = arith.constant 0 : i32
      %dma_start3A_906 = tpu.memref_slice %arg4[%dma_start3A_903, %dma_start3A_904, %dma_start3A_905, %add3A_888] : memref<2x1x8x4224xf32, #tpu.memory_space<vmem>> -> memref<2x1x8x128xf32, #tpu.memory_space<vmem>>
      tpu.enqueue_dma source(%dma_start3A_906 : memref<2x1x8x128xf32, #tpu.memory_space<vmem>>) target(%dma_start3A_902 : memref<2x1x8x128xf32, #tpu.memory_space<hbm>>) target_semaphore(%arg5 : memref<!tpu.dma_semaphore, #tpu.memory_space<semaphore_mem>>)
      %add3A_907 = arith.constant 128 : i32
      %add3A_908 = arith.addi %sub3A_886, %add3A_907 : i32
      %dma_start3A_909 = arith.constant 0 : i32
      %dma_start3A_910 = arith.constant 0 : i32
      %dma_start3A_911 = arith.constant 0 : i32
      %dma_start3A_912 = tpu.memref_slice %arg4[%dma_start3A_909, %dma_start3A_910, %dma_start3A_911, %add3A_908] : memref<2x1x8x4224xf32, #tpu.memory_space<vmem>> -> memref<2x1x8x128xf32, #tpu.memory_space<vmem>>
      %dma_start3A_913 = arith.constant 1 : i32
      %dma_start3A_914 = arith.constant 0 : i32
      %dma_start3A_915 = arith.constant 0 : i32
      %dma_start3A_916 = tpu.memref_slice %arg3[%select_n3A, %add3A_882, %dma_start3A_913, %dma_start3A_914, %dma_start3A_915] : memref<16x256x16x8x128xf32, #tpu.memory_space<hbm>> -> memref<1x2x1x8x128xf32, #tpu.memory_space<hbm>>
      %dma_start3A_917 = tpu.memref_squeeze %dma_start3A_916 : memref<1x2x1x8x128xf32, #tpu.memory_space<hbm>> -> memref<2x1x8x128xf32, #tpu.memory_space<hbm>>
      %dma_start3A_918 = arith.constant 1 : i32
      %dma_start3A_919 = arith.constant 0 : i32
      %dma_start3A_920 = arith.constant 0 : i32
      %dma_start3A_921 = tpu.memref_slice %arg3[%select_n3A, %add3A_882, %dma_start3A_918, %dma_start3A_919, %dma_start3A_920] : memref<16x256x16x8x128xf32, #tpu.memory_space<hbm>> -> memref<1x2x1x8x128xf32, #tpu.memory_space<hbm>>
      %dma_start3A_922 = tpu.memref_squeeze %dma_start3A_921 : memref<1x2x1x8x128xf32, #tpu.memory_space<hbm>> -> memref<2x1x8x128xf32, #tpu.memory_space<hbm>>
      %dma_start3A_923 = arith.constant 0 : i32
      %dma_start3A_924 = arith.constant 0 : i32
      %dma_start3A_925 = arith.constant 0 : i32
      %dma_start3A_926 = tpu.memref_slice %arg4[%dma_start3A_923, %dma_start3A_924, %dma_start3A_925, %add3A_908] : memref<2x1x8x4224xf32, #tpu.memory_space<vmem>> -> memref<2x1x8x128xf32, #tpu.memory_space<vmem>>
      tpu.enqueue_dma source(%dma_start3A_926 : memref<2x1x8x128xf32, #tpu.memory_space<vmem>>) target(%dma_start3A_922 : memref<2x1x8x128xf32, #tpu.memory_space<hbm>>) target_semaphore(%arg5 : memref<!tpu.dma_semaphore, #tpu.memory_space<semaphore_mem>>)
      %add3A_927 = arith.constant 256 : i32
      %add3A_928 = arith.addi %sub3A_886, %add3A_927 : i32
      %dma_start3A_929 = arith.constant 0 : i32
      %dma_start3A_930 = arith.constant 0 : i32
      %dma_start3A_931 = arith.constant 0 : i32
      %dma_start3A_932 = tpu.memref_slice %arg4[%dma_start3A_929, %dma_start3A_930, %dma_start3A_931, %add3A_928] : memref<2x1x8x4224xf32, #tpu.memory_space<vmem>> -> memref<2x1x8x128xf32, #tpu.memory_space<vmem>>
      %dma_start3A_933 = arith.constant 2 : i32
      %dma_start3A_934 = arith.constant 0 : i32
      %dma_start3A_935 = arith.constant 0 : i32
      %dma_start3A_936 = tpu.memref_slice %arg3[%select_n3A, %add3A_882, %dma_start3A_933, %dma_start3A_934, %dma_start3A_935] : memref<16x256x16x8x128xf32, #tpu.memory_space<hbm>> -> memref<1x2x1x8x128xf32, #tpu.memory_space<hbm>>
      %dma_start3A_937 = tpu.memref_squeeze %dma_start3A_936 : memref<1x2x1x8x128xf32, #tpu.memory_space<hbm>> -> memref<2x1x8x128xf32, #tpu.memory_space<hbm>>
      %dma_start3A_938 = arith.constant 2 : i32
      %dma_start3A_939 = arith.constant 0 : i32
      %dma_start3A_940 = arith.constant 0 : i32
      %dma_start3A_941 = tpu.memref_slice %arg3[%select_n3A, %add3A_882, %dma_start3A_938, %dma_start3A_939, %dma_start3A_940] : memref<16x256x16x8x128xf32, #tpu.memory_space<hbm>> -> memref<1x2x1x8x128xf32, #tpu.memory_space<hbm>>
      %dma_start3A_942 = tpu.memref_squeeze %dma_start3A_941 : memref<1x2x1x8x128xf32, #tpu.memory_space<hbm>> -> memref<2x1x8x128xf32, #tpu.memory_space<hbm>>
      %dma_start3A_943 = arith.constant 0 : i32
      %dma_start3A_944 = arith.constant 0 : i32
      %dma_start3A_945 = arith.constant 0 : i32
      %dma_start3A_946 = tpu.memref_slice %arg4[%dma_start3A_943, %dma_start3A_944, %dma_start3A_945, %add3A_928] : memref<2x1x8x4224xf32, #tpu.memory_space<vmem>> -> memref<2x1x8x128xf32, #tpu.memory_space<vmem>>
      tpu.enqueue_dma source(%dma_start3A_946 : memref<2x1x8x128xf32, #tpu.memory_space<vmem>>) target(%dma_start3A_942 : memref<2x1x8x128xf32, #tpu.memory_space<hbm>>) target_semaphore(%arg5 : memref<!tpu.dma_semaphore, #tpu.memory_space<semaphore_mem>>)
      %add3A_947 = arith.constant 384 : i32
      %add3A_948 = arith.addi %sub3A_886, %add3A_947 : i32
      %dma_start3A_949 = arith.constant 0 : i32
      %dma_start3A_950 = arith.constant 0 : i32
      %dma_start3A_951 = arith.constant 0 : i32
      %dma_start3A_952 = tpu.memref_slice %arg4[%dma_start3A_949, %dma_start3A_950, %dma_start3A_951, %add3A_948] : memref<2x1x8x4224xf32, #tpu.memory_space<vmem>> -> memref<2x1x8x128xf32, #tpu.memory_space<vmem>>
      %dma_start3A_953 = arith.constant 3 : i32
      %dma_start3A_954 = arith.constant 0 : i32
      %dma_start3A_955 = arith.constant 0 : i32
      %dma_start3A_956 = tpu.memref_slice %arg3[%select_n3A, %add3A_882, %dma_start3A_953, %dma_start3A_954, %dma_start3A_955] : memref<16x256x16x8x128xf32, #tpu.memory_space<hbm>> -> memref<1x2x1x8x128xf32, #tpu.memory_space<hbm>>
      %dma_start3A_957 = tpu.memref_squeeze %dma_start3A_956 : memref<1x2x1x8x128xf32, #tpu.memory_space<hbm>> -> memref<2x1x8x128xf32, #tpu.memory_space<hbm>>
      %dma_start3A_958 = arith.constant 3 : i32
      %dma_start3A_959 = arith.constant 0 : i32
      %dma_start3A_960 = arith.constant 0 : i32
      %dma_start3A_961 = tpu.memref_slice %arg3[%select_n3A, %add3A_882, %dma_start3A_958, %dma_start3A_959, %dma_start3A_960] : memref<16x256x16x8x128xf32, #tpu.memory_space<hbm>> -> memref<1x2x1x8x128xf32, #tpu.memory_space<hbm>>
      %dma_start3A_962 = tpu.memref_squeeze %dma_start3A_961 : memref<1x2x1x8x128xf32, #tpu.memory_space<hbm>> -> memref<2x1x8x128xf32, #tpu.memory_space<hbm>>
      %dma_start3A_963 = arith.constant 0 : i32
      %dma_start3A_964 = arith.constant 0 : i32
      %dma_start3A_965 = arith.constant 0 : i32
      %dma_start3A_966 = tpu.memref_slice %arg4[%dma_start3A_963, %dma_start3A_964, %dma_start3A_965, %add3A_948] : memref<2x1x8x4224xf32, #tpu.memory_space<vmem>> -> memref<2x1x8x128xf32, #tpu.memory_space<vmem>>
      tpu.enqueue_dma source(%dma_start3A_966 : memref<2x1x8x128xf32, #tpu.memory_space<vmem>>) target(%dma_start3A_962 : memref<2x1x8x128xf32, #tpu.memory_space<hbm>>) target_semaphore(%arg5 : memref<!tpu.dma_semaphore, #tpu.memory_space<semaphore_mem>>)
      %add3A_967 = arith.constant 512 : i32
      %add3A_968 = arith.addi %sub3A_886, %add3A_967 : i32
      %dma_start3A_969 = arith.constant 0 : i32
      %dma_start3A_970 = arith.constant 0 : i32
      %dma_start3A_971 = arith.constant 0 : i32
      %dma_start3A_972 = tpu.memref_slice %arg4[%dma_start3A_969, %dma_start3A_970, %dma_start3A_971, %add3A_968] : memref<2x1x8x4224xf32, #tpu.memory_space<vmem>> -> memref<2x1x8x128xf32, #tpu.memory_space<vmem>>
      %dma_start3A_973 = arith.constant 4 : i32
      %dma_start3A_974 = arith.constant 0 : i32
      %dma_start3A_975 = arith.constant 0 : i32
      %dma_start3A_976 = tpu.memref_slice %arg3[%select_n3A, %add3A_882, %dma_start3A_973, %dma_start3A_974, %dma_start3A_975] : memref<16x256x16x8x128xf32, #tpu.memory_space<hbm>> -> memref<1x2x1x8x128xf32, #tpu.memory_space<hbm>>
      %dma_start3A_977 = tpu.memref_squeeze %dma_start3A_976 : memref<1x2x1x8x128xf32, #tpu.memory_space<hbm>> -> memref<2x1x8x128xf32, #tpu.memory_space<hbm>>
      %dma_start3A_978 = arith.constant 4 : i32
      %dma_start3A_979 = arith.constant 0 : i32
      %dma_start3A_980 = arith.constant 0 : i32
      %dma_start3A_981 = tpu.memref_slice %arg3[%select_n3A, %add3A_882, %dma_start3A_978, %dma_start3A_979, %dma_start3A_980] : memref<16x256x16x8x128xf32, #tpu.memory_space<hbm>> -> memref<1x2x1x8x128xf32, #tpu.memory_space<hbm>>
      %dma_start3A_982 = tpu.memref_squeeze %dma_start3A_981 : memref<1x2x1x8x128xf32, #tpu.memory_space<hbm>> -> memref<2x1x8x128xf32, #tpu.memory_space<hbm>>
      %dma_start3A_983 = arith.constant 0 : i32
      %dma_start3A_984 = arith.constant 0 : i32
      %dma_start3A_985 = arith.constant 0 : i32
      %dma_start3A_986 = tpu.memref_slice %arg4[%dma_start3A_983, %dma_start3A_984, %dma_start3A_985, %add3A_968] : memref<2x1x8x4224xf32, #tpu.memory_space<vmem>> -> memref<2x1x8x128xf32, #tpu.memory_space<vmem>>
      tpu.enqueue_dma source(%dma_start3A_986 : memref<2x1x8x128xf32, #tpu.memory_space<vmem>>) target(%dma_start3A_982 : memref<2x1x8x128xf32, #tpu.memory_space<hbm>>) target_semaphore(%arg5 : memref<!tpu.dma_semaphore, #tpu.memory_space<semaphore_mem>>)
      %add3A_987 = arith.constant 640 : i32
      %add3A_988 = arith.addi %sub3A_886, %add3A_987 : i32
      %dma_start3A_989 = arith.constant 0 : i32
      %dma_start3A_990 = arith.constant 0 : i32
      %dma_start3A_991 = arith.constant 0 : i32
      %dma_start3A_992 = tpu.memref_slice %arg4[%dma_start3A_989, %dma_start3A_990, %dma_start3A_991, %add3A_988] : memref<2x1x8x4224xf32, #tpu.memory_space<vmem>> -> memref<2x1x8x128xf32, #tpu.memory_space<vmem>>
      %dma_start3A_993 = arith.constant 5 : i32
      %dma_start3A_994 = arith.constant 0 : i32
      %dma_start3A_995 = arith.constant 0 : i32
      %dma_start3A_996 = tpu.memref_slice %arg3[%select_n3A, %add3A_882, %dma_start3A_993, %dma_start3A_994, %dma_start3A_995] : memref<16x256x16x8x128xf32, #tpu.memory_space<hbm>> -> memref<1x2x1x8x128xf32, #tpu.memory_space<hbm>>
      %dma_start3A_997 = tpu.memref_squeeze %dma_start3A_996 : memref<1x2x1x8x128xf32, #tpu.memory_space<hbm>> -> memref<2x1x8x128xf32, #tpu.memory_space<hbm>>
      %dma_start3A_998 = arith.constant 5 : i32
      %dma_start3A_999 = arith.constant 0 : i32
      %dma_start3A_1000 = arith.constant 0 : i32
      %dma_start3A_1001 = tpu.memref_slice %arg3[%select_n3A, %add3A_882, %dma_start3A_998, %dma_start3A_999, %dma_start3A_1000] : memref<16x256x16x8x128xf32, #tpu.memory_space<hbm>> -> memref<1x2x1x8x128xf32, #tpu.memory_space<hbm>>
      %dma_start3A_1002 = tpu.memref_squeeze %dma_start3A_1001 : memref<1x2x1x8x128xf32, #tpu.memory_space<hbm>> -> memref<2x1x8x128xf32, #tpu.memory_space<hbm>>
      %dma_start3A_1003 = arith.constant 0 : i32
      %dma_start3A_1004 = arith.constant 0 : i32
      %dma_start3A_1005 = arith.constant 0 : i32
      %dma_start3A_1006 = tpu.memref_slice %arg4[%dma_start3A_1003, %dma_start3A_1004, %dma_start3A_1005, %add3A_988] : memref<2x1x8x4224xf32, #tpu.memory_space<vmem>> -> memref<2x1x8x128xf32, #tpu.memory_space<vmem>>
      tpu.enqueue_dma source(%dma_start3A_1006 : memref<2x1x8x128xf32, #tpu.memory_space<vmem>>) target(%dma_start3A_1002 : memref<2x1x8x128xf32, #tpu.memory_space<hbm>>) target_semaphore(%arg5 : memref<!tpu.dma_semaphore, #tpu.memory_space<semaphore_mem>>)
      %add3A_1007 = arith.constant 768 : i32
      %add3A_1008 = arith.addi %sub3A_886, %add3A_1007 : i32
      %dma_start3A_1009 = arith.constant 0 : i32
      %dma_start3A_1010 = arith.constant 0 : i32
      %dma_start3A_1011 = arith.constant 0 : i32
      %dma_start3A_1012 = tpu.memref_slice %arg4[%dma_start3A_1009, %dma_start3A_1010, %dma_start3A_1011, %add3A_1008] : memref<2x1x8x4224xf32, #tpu.memory_space<vmem>> -> memref<2x1x8x128xf32, #tpu.memory_space<vmem>>
      %dma_start3A_1013 = arith.constant 6 : i32
      %dma_start3A_1014 = arith.constant 0 : i32
      %dma_start3A_1015 = arith.constant 0 : i32
      %dma_start3A_1016 = tpu.memref_slice %arg3[%select_n3A, %add3A_882, %dma_start3A_1013, %dma_start3A_1014, %dma_start3A_1015] : memref<16x256x16x8x128xf32, #tpu.memory_space<hbm>> -> memref<1x2x1x8x128xf32, #tpu.memory_space<hbm>>
      %dma_start3A_1017 = tpu.memref_squeeze %dma_start3A_1016 : memref<1x2x1x8x128xf32, #tpu.memory_space<hbm>> -> memref<2x1x8x128xf32, #tpu.memory_space<hbm>>
      %dma_start3A_1018 = arith.constant 6 : i32
      %dma_start3A_1019 = arith.constant 0 : i32
      %dma_start3A_1020 = arith.constant 0 : i32
      %dma_start3A_1021 = tpu.memref_slice %arg3[%select_n3A, %add3A_882, %dma_start3A_1018, %dma_start3A_1019, %dma_start3A_1020] : memref<16x256x16x8x128xf32, #tpu.memory_space<hbm>> -> memref<1x2x1x8x128xf32, #tpu.memory_space<hbm>>
      %dma_start3A_1022 = tpu.memref_squeeze %dma_start3A_1021 : memref<1x2x1x8x128xf32, #tpu.memory_space<hbm>> -> memref<2x1x8x128xf32, #tpu.memory_space<hbm>>
      %dma_start3A_1023 = arith.constant 0 : i32
      %dma_start3A_1024 = arith.constant 0 : i32
      %dma_start3A_1025 = arith.constant 0 : i32
      %dma_start3A_1026 = tpu.memref_slice %arg4[%dma_start3A_1023, %dma_start3A_1024, %dma_start3A_1025, %add3A_1008] : memref<2x1x8x4224xf32, #tpu.memory_space<vmem>> -> memref<2x1x8x128xf32, #tpu.memory_space<vmem>>
      tpu.enqueue_dma source(%dma_start3A_1026 : memref<2x1x8x128xf32, #tpu.memory_space<vmem>>) target(%dma_start3A_1022 : memref<2x1x8x128xf32, #tpu.memory_space<hbm>>) target_semaphore(%arg5 : memref<!tpu.dma_semaphore, #tpu.memory_space<semaphore_mem>>)
      %add3A_1027 = arith.constant 896 : i32
      %add3A_1028 = arith.addi %sub3A_886, %add3A_1027 : i32
      %dma_start3A_1029 = arith.constant 0 : i32
      %dma_start3A_1030 = arith.constant 0 : i32
      %dma_start3A_1031 = arith.constant 0 : i32
      %dma_start3A_1032 = tpu.memref_slice %arg4[%dma_start3A_1029, %dma_start3A_1030, %dma_start3A_1031, %add3A_1028] : memref<2x1x8x4224xf32, #tpu.memory_space<vmem>> -> memref<2x1x8x128xf32, #tpu.memory_space<vmem>>
      %dma_start3A_1033 = arith.constant 7 : i32
      %dma_start3A_1034 = arith.constant 0 : i32
      %dma_start3A_1035 = arith.constant 0 : i32
      %dma_start3A_1036 = tpu.memref_slice %arg3[%select_n3A, %add3A_882, %dma_start3A_1033, %dma_start3A_1034, %dma_start3A_1035] : memref<16x256x16x8x128xf32, #tpu.memory_space<hbm>> -> memref<1x2x1x8x128xf32, #tpu.memory_space<hbm>>
      %dma_start3A_1037 = tpu.memref_squeeze %dma_start3A_1036 : memref<1x2x1x8x128xf32, #tpu.memory_space<hbm>> -> memref<2x1x8x128xf32, #tpu.memory_space<hbm>>
      %dma_start3A_1038 = arith.constant 7 : i32
      %dma_start3A_1039 = arith.constant 0 : i32
      %dma_start3A_1040 = arith.constant 0 : i32
      %dma_start3A_1041 = tpu.memref_slice %arg3[%select_n3A, %add3A_882, %dma_start3A_1038, %dma_start3A_1039, %dma_start3A_1040] : memref<16x256x16x8x128xf32, #tpu.memory_space<hbm>> -> memref<1x2x1x8x128xf32, #tpu.memory_space<hbm>>
      %dma_start3A_1042 = tpu.memref_squeeze %dma_start3A_1041 : memref<1x2x1x8x128xf32, #tpu.memory_space<hbm>> -> memref<2x1x8x128xf32, #tpu.memory_space<hbm>>
      %dma_start3A_1043 = arith.constant 0 : i32
      %dma_start3A_1044 = arith.constant 0 : i32
      %dma_start3A_1045 = arith.constant 0 : i32
      %dma_start3A_1046 = tpu.memref_slice %arg4[%dma_start3A_1043, %dma_start3A_1044, %dma_start3A_1045, %add3A_1028] : memref<2x1x8x4224xf32, #tpu.memory_space<vmem>> -> memref<2x1x8x128xf32, #tpu.memory_space<vmem>>
      tpu.enqueue_dma source(%dma_start3A_1046 : memref<2x1x8x128xf32, #tpu.memory_space<vmem>>) target(%dma_start3A_1042 : memref<2x1x8x128xf32, #tpu.memory_space<hbm>>) target_semaphore(%arg5 : memref<!tpu.dma_semaphore, #tpu.memory_space<semaphore_mem>>)
      %add3A_1047 = arith.constant 1024 : i32
      %add3A_1048 = arith.addi %sub3A_886, %add3A_1047 : i32
      %dma_start3A_1049 = arith.constant 0 : i32
      %dma_start3A_1050 = arith.constant 0 : i32
      %dma_start3A_1051 = arith.constant 0 : i32
      %dma_start3A_1052 = tpu.memref_slice %arg4[%dma_start3A_1049, %dma_start3A_1050, %dma_start3A_1051, %add3A_1048] : memref<2x1x8x4224xf32, #tpu.memory_space<vmem>> -> memref<2x1x8x128xf32, #tpu.memory_space<vmem>>
      %dma_start3A_1053 = arith.constant 8 : i32
      %dma_start3A_1054 = arith.constant 0 : i32
      %dma_start3A_1055 = arith.constant 0 : i32
      %dma_start3A_1056 = tpu.memref_slice %arg3[%select_n3A, %add3A_882, %dma_start3A_1053, %dma_start3A_1054, %dma_start3A_1055] : memref<16x256x16x8x128xf32, #tpu.memory_space<hbm>> -> memref<1x2x1x8x128xf32, #tpu.memory_space<hbm>>
      %dma_start3A_1057 = tpu.memref_squeeze %dma_start3A_1056 : memref<1x2x1x8x128xf32, #tpu.memory_space<hbm>> -> memref<2x1x8x128xf32, #tpu.memory_space<hbm>>
      %dma_start3A_1058 = arith.constant 8 : i32
      %dma_start3A_1059 = arith.constant 0 : i32
      %dma_start3A_1060 = arith.constant 0 : i32
      %dma_start3A_1061 = tpu.memref_slice %arg3[%select_n3A, %add3A_882, %dma_start3A_1058, %dma_start3A_1059, %dma_start3A_1060] : memref<16x256x16x8x128xf32, #tpu.memory_space<hbm>> -> memref<1x2x1x8x128xf32, #tpu.memory_space<hbm>>
      %dma_start3A_1062 = tpu.memref_squeeze %dma_start3A_1061 : memref<1x2x1x8x128xf32, #tpu.memory_space<hbm>> -> memref<2x1x8x128xf32, #tpu.memory_space<hbm>>
      %dma_start3A_1063 = arith.constant 0 : i32
      %dma_start3A_1064 = arith.constant 0 : i32
      %dma_start3A_1065 = arith.constant 0 : i32
      %dma_start3A_1066 = tpu.memref_slice %arg4[%dma_start3A_1063, %dma_start3A_1064, %dma_start3A_1065, %add3A_1048] : memref<2x1x8x4224xf32, #tpu.memory_space<vmem>> -> memref<2x1x8x128xf32, #tpu.memory_space<vmem>>
      tpu.enqueue_dma source(%dma_start3A_1066 : memref<2x1x8x128xf32, #tpu.memory_space<vmem>>) target(%dma_start3A_1062 : memref<2x1x8x128xf32, #tpu.memory_space<hbm>>) target_semaphore(%arg5 : memref<!tpu.dma_semaphore, #tpu.memory_space<semaphore_mem>>)
      %add3A_1067 = arith.constant 1152 : i32
      %add3A_1068 = arith.addi %sub3A_886, %add3A_1067 : i32
      %dma_start3A_1069 = arith.constant 0 : i32
      %dma_start3A_1070 = arith.constant 0 : i32
      %dma_start3A_1071 = arith.constant 0 : i32
      %dma_start3A_1072 = tpu.memref_slice %arg4[%dma_start3A_1069, %dma_start3A_1070, %dma_start3A_1071, %add3A_1068] : memref<2x1x8x4224xf32, #tpu.memory_space<vmem>> -> memref<2x1x8x128xf32, #tpu.memory_space<vmem>>
      %dma_start3A_1073 = arith.constant 9 : i32
      %dma_start3A_1074 = arith.constant 0 : i32
      %dma_start3A_1075 = arith.constant 0 : i32
      %dma_start3A_1076 = tpu.memref_slice %arg3[%select_n3A, %add3A_882, %dma_start3A_1073, %dma_start3A_1074, %dma_start3A_1075] : memref<16x256x16x8x128xf32, #tpu.memory_space<hbm>> -> memref<1x2x1x8x128xf32, #tpu.memory_space<hbm>>
      %dma_start3A_1077 = tpu.memref_squeeze %dma_start3A_1076 : memref<1x2x1x8x128xf32, #tpu.memory_space<hbm>> -> memref<2x1x8x128xf32, #tpu.memory_space<hbm>>
      %dma_start3A_1078 = arith.constant 9 : i32
      %dma_start3A_1079 = arith.constant 0 : i32
      %dma_start3A_1080 = arith.constant 0 : i32
      %dma_start3A_1081 = tpu.memref_slice %arg3[%select_n3A, %add3A_882, %dma_start3A_1078, %dma_start3A_1079, %dma_start3A_1080] : memref<16x256x16x8x128xf32, #tpu.memory_space<hbm>> -> memref<1x2x1x8x128xf32, #tpu.memory_space<hbm>>
      %dma_start3A_1082 = tpu.memref_squeeze %dma_start3A_1081 : memref<1x2x1x8x128xf32, #tpu.memory_space<hbm>> -> memref<2x1x8x128xf32, #tpu.memory_space<hbm>>
      %dma_start3A_1083 = arith.constant 0 : i32
      %dma_start3A_1084 = arith.constant 0 : i32
      %dma_start3A_1085 = arith.constant 0 : i32
      %dma_start3A_1086 = tpu.memref_slice %arg4[%dma_start3A_1083, %dma_start3A_1084, %dma_start3A_1085, %add3A_1068] : memref<2x1x8x4224xf32, #tpu.memory_space<vmem>> -> memref<2x1x8x128xf32, #tpu.memory_space<vmem>>
      tpu.enqueue_dma source(%dma_start3A_1086 : memref<2x1x8x128xf32, #tpu.memory_space<vmem>>) target(%dma_start3A_1082 : memref<2x1x8x128xf32, #tpu.memory_space<hbm>>) target_semaphore(%arg5 : memref<!tpu.dma_semaphore, #tpu.memory_space<semaphore_mem>>)
      %add3A_1087 = arith.constant 1280 : i32
      %add3A_1088 = arith.addi %sub3A_886, %add3A_1087 : i32
      %dma_start3A_1089 = arith.constant 0 : i32
      %dma_start3A_1090 = arith.constant 0 : i32
      %dma_start3A_1091 = arith.constant 0 : i32
      %dma_start3A_1092 = tpu.memref_slice %arg4[%dma_start3A_1089, %dma_start3A_1090, %dma_start3A_1091, %add3A_1088] : memref<2x1x8x4224xf32, #tpu.memory_space<vmem>> -> memref<2x1x8x128xf32, #tpu.memory_space<vmem>>
      %dma_start3A_1093 = arith.constant 10 : i32
      %dma_start3A_1094 = arith.constant 0 : i32
      %dma_start3A_1095 = arith.constant 0 : i32
      %dma_start3A_1096 = tpu.memref_slice %arg3[%select_n3A, %add3A_882, %dma_start3A_1093, %dma_start3A_1094, %dma_start3A_1095] : memref<16x256x16x8x128xf32, #tpu.memory_space<hbm>> -> memref<1x2x1x8x128xf32, #tpu.memory_space<hbm>>
      %dma_start3A_1097 = tpu.memref_squeeze %dma_start3A_1096 : memref<1x2x1x8x128xf32, #tpu.memory_space<hbm>> -> memref<2x1x8x128xf32, #tpu.memory_space<hbm>>
      %dma_start3A_1098 = arith.constant 10 : i32
      %dma_start3A_1099 = arith.constant 0 : i32
      %dma_start3A_1100 = arith.constant 0 : i32
      %dma_start3A_1101 = tpu.memref_slice %arg3[%select_n3A, %add3A_882, %dma_start3A_1098, %dma_start3A_1099, %dma_start3A_1100] : memref<16x256x16x8x128xf32, #tpu.memory_space<hbm>> -> memref<1x2x1x8x128xf32, #tpu.memory_space<hbm>>
      %dma_start3A_1102 = tpu.memref_squeeze %dma_start3A_1101 : memref<1x2x1x8x128xf32, #tpu.memory_space<hbm>> -> memref<2x1x8x128xf32, #tpu.memory_space<hbm>>
      %dma_start3A_1103 = arith.constant 0 : i32
      %dma_start3A_1104 = arith.constant 0 : i32
      %dma_start3A_1105 = arith.constant 0 : i32
      %dma_start3A_1106 = tpu.memref_slice %arg4[%dma_start3A_1103, %dma_start3A_1104, %dma_start3A_1105, %add3A_1088] : memref<2x1x8x4224xf32, #tpu.memory_space<vmem>> -> memref<2x1x8x128xf32, #tpu.memory_space<vmem>>
      tpu.enqueue_dma source(%dma_start3A_1106 : memref<2x1x8x128xf32, #tpu.memory_space<vmem>>) target(%dma_start3A_1102 : memref<2x1x8x128xf32, #tpu.memory_space<hbm>>) target_semaphore(%arg5 : memref<!tpu.dma_semaphore, #tpu.memory_space<semaphore_mem>>)
      %add3A_1107 = arith.constant 1408 : i32
      %add3A_1108 = arith.addi %sub3A_886, %add3A_1107 : i32
      %dma_start3A_1109 = arith.constant 0 : i32
      %dma_start3A_1110 = arith.constant 0 : i32
      %dma_start3A_1111 = arith.constant 0 : i32
      %dma_start3A_1112 = tpu.memref_slice %arg4[%dma_start3A_1109, %dma_start3A_1110, %dma_start3A_1111, %add3A_1108] : memref<2x1x8x4224xf32, #tpu.memory_space<vmem>> -> memref<2x1x8x128xf32, #tpu.memory_space<vmem>>
      %dma_start3A_1113 = arith.constant 11 : i32
      %dma_start3A_1114 = arith.constant 0 : i32
      %dma_start3A_1115 = arith.constant 0 : i32
      %dma_start3A_1116 = tpu.memref_slice %arg3[%select_n3A, %add3A_882, %dma_start3A_1113, %dma_start3A_1114, %dma_start3A_1115] : memref<16x256x16x8x128xf32, #tpu.memory_space<hbm>> -> memref<1x2x1x8x128xf32, #tpu.memory_space<hbm>>
      %dma_start3A_1117 = tpu.memref_squeeze %dma_start3A_1116 : memref<1x2x1x8x128xf32, #tpu.memory_space<hbm>> -> memref<2x1x8x128xf32, #tpu.memory_space<hbm>>
      %dma_start3A_1118 = arith.constant 11 : i32
      %dma_start3A_1119 = arith.constant 0 : i32
      %dma_start3A_1120 = arith.constant 0 : i32
      %dma_start3A_1121 = tpu.memref_slice %arg3[%select_n3A, %add3A_882, %dma_start3A_1118, %dma_start3A_1119, %dma_start3A_1120] : memref<16x256x16x8x128xf32, #tpu.memory_space<hbm>> -> memref<1x2x1x8x128xf32, #tpu.memory_space<hbm>>
      %dma_start3A_1122 = tpu.memref_squeeze %dma_start3A_1121 : memref<1x2x1x8x128xf32, #tpu.memory_space<hbm>> -> memref<2x1x8x128xf32, #tpu.memory_space<hbm>>
      %dma_start3A_1123 = arith.constant 0 : i32
      %dma_start3A_1124 = arith.constant 0 : i32
      %dma_start3A_1125 = arith.constant 0 : i32
      %dma_start3A_1126 = tpu.memref_slice %arg4[%dma_start3A_1123, %dma_start3A_1124, %dma_start3A_1125, %add3A_1108] : memref<2x1x8x4224xf32, #tpu.memory_space<vmem>> -> memref<2x1x8x128xf32, #tpu.memory_space<vmem>>
      tpu.enqueue_dma source(%dma_start3A_1126 : memref<2x1x8x128xf32, #tpu.memory_space<vmem>>) target(%dma_start3A_1122 : memref<2x1x8x128xf32, #tpu.memory_space<hbm>>) target_semaphore(%arg5 : memref<!tpu.dma_semaphore, #tpu.memory_space<semaphore_mem>>)
      %add3A_1127 = arith.constant 1536 : i32
      %add3A_1128 = arith.addi %sub3A_886, %add3A_1127 : i32
      %dma_start3A_1129 = arith.constant 0 : i32
      %dma_start3A_1130 = arith.constant 0 : i32
      %dma_start3A_1131 = arith.constant 0 : i32
      %dma_start3A_1132 = tpu.memref_slice %arg4[%dma_start3A_1129, %dma_start3A_1130, %dma_start3A_1131, %add3A_1128] : memref<2x1x8x4224xf32, #tpu.memory_space<vmem>> -> memref<2x1x8x128xf32, #tpu.memory_space<vmem>>
      %dma_start3A_1133 = arith.constant 12 : i32
      %dma_start3A_1134 = arith.constant 0 : i32
      %dma_start3A_1135 = arith.constant 0 : i32
      %dma_start3A_1136 = tpu.memref_slice %arg3[%select_n3A, %add3A_882, %dma_start3A_1133, %dma_start3A_1134, %dma_start3A_1135] : memref<16x256x16x8x128xf32, #tpu.memory_space<hbm>> -> memref<1x2x1x8x128xf32, #tpu.memory_space<hbm>>
      %dma_start3A_1137 = tpu.memref_squeeze %dma_start3A_1136 : memref<1x2x1x8x128xf32, #tpu.memory_space<hbm>> -> memref<2x1x8x128xf32, #tpu.memory_space<hbm>>
      %dma_start3A_1138 = arith.constant 12 : i32
      %dma_start3A_1139 = arith.constant 0 : i32
      %dma_start3A_1140 = arith.constant 0 : i32
      %dma_start3A_1141 = tpu.memref_slice %arg3[%select_n3A, %add3A_882, %dma_start3A_1138, %dma_start3A_1139, %dma_start3A_1140] : memref<16x256x16x8x128xf32, #tpu.memory_space<hbm>> -> memref<1x2x1x8x128xf32, #tpu.memory_space<hbm>>
      %dma_start3A_1142 = tpu.memref_squeeze %dma_start3A_1141 : memref<1x2x1x8x128xf32, #tpu.memory_space<hbm>> -> memref<2x1x8x128xf32, #tpu.memory_space<hbm>>
      %dma_start3A_1143 = arith.constant 0 : i32
      %dma_start3A_1144 = arith.constant 0 : i32
      %dma_start3A_1145 = arith.constant 0 : i32
      %dma_start3A_1146 = tpu.memref_slice %arg4[%dma_start3A_1143, %dma_start3A_1144, %dma_start3A_1145, %add3A_1128] : memref<2x1x8x4224xf32, #tpu.memory_space<vmem>> -> memref<2x1x8x128xf32, #tpu.memory_space<vmem>>
      tpu.enqueue_dma source(%dma_start3A_1146 : memref<2x1x8x128xf32, #tpu.memory_space<vmem>>) target(%dma_start3A_1142 : memref<2x1x8x128xf32, #tpu.memory_space<hbm>>) target_semaphore(%arg5 : memref<!tpu.dma_semaphore, #tpu.memory_space<semaphore_mem>>)
      %add3A_1147 = arith.constant 1664 : i32
      %add3A_1148 = arith.addi %sub3A_886, %add3A_1147 : i32
      %dma_start3A_1149 = arith.constant 0 : i32
      %dma_start3A_1150 = arith.constant 0 : i32
      %dma_start3A_1151 = arith.constant 0 : i32
      %dma_start3A_1152 = tpu.memref_slice %arg4[%dma_start3A_1149, %dma_start3A_1150, %dma_start3A_1151, %add3A_1148] : memref<2x1x8x4224xf32, #tpu.memory_space<vmem>> -> memref<2x1x8x128xf32, #tpu.memory_space<vmem>>
      %dma_start3A_1153 = arith.constant 13 : i32
      %dma_start3A_1154 = arith.constant 0 : i32
      %dma_start3A_1155 = arith.constant 0 : i32
      %dma_start3A_1156 = tpu.memref_slice %arg3[%select_n3A, %add3A_882, %dma_start3A_1153, %dma_start3A_1154, %dma_start3A_1155] : memref<16x256x16x8x128xf32, #tpu.memory_space<hbm>> -> memref<1x2x1x8x128xf32, #tpu.memory_space<hbm>>
      %dma_start3A_1157 = tpu.memref_squeeze %dma_start3A_1156 : memref<1x2x1x8x128xf32, #tpu.memory_space<hbm>> -> memref<2x1x8x128xf32, #tpu.memory_space<hbm>>
      %dma_start3A_1158 = arith.constant 13 : i32
      %dma_start3A_1159 = arith.constant 0 : i32
      %dma_start3A_1160 = arith.constant 0 : i32
      %dma_start3A_1161 = tpu.memref_slice %arg3[%select_n3A, %add3A_882, %dma_start3A_1158, %dma_start3A_1159, %dma_start3A_1160] : memref<16x256x16x8x128xf32, #tpu.memory_space<hbm>> -> memref<1x2x1x8x128xf32, #tpu.memory_space<hbm>>
      %dma_start3A_1162 = tpu.memref_squeeze %dma_start3A_1161 : memref<1x2x1x8x128xf32, #tpu.memory_space<hbm>> -> memref<2x1x8x128xf32, #tpu.memory_space<hbm>>
      %dma_start3A_1163 = arith.constant 0 : i32
      %dma_start3A_1164 = arith.constant 0 : i32
      %dma_start3A_1165 = arith.constant 0 : i32
      %dma_start3A_1166 = tpu.memref_slice %arg4[%dma_start3A_1163, %dma_start3A_1164, %dma_start3A_1165, %add3A_1148] : memref<2x1x8x4224xf32, #tpu.memory_space<vmem>> -> memref<2x1x8x128xf32, #tpu.memory_space<vmem>>
      tpu.enqueue_dma source(%dma_start3A_1166 : memref<2x1x8x128xf32, #tpu.memory_space<vmem>>) target(%dma_start3A_1162 : memref<2x1x8x128xf32, #tpu.memory_space<hbm>>) target_semaphore(%arg5 : memref<!tpu.dma_semaphore, #tpu.memory_space<semaphore_mem>>)
      %add3A_1167 = arith.constant 1792 : i32
      %add3A_1168 = arith.addi %sub3A_886, %add3A_1167 : i32
      %dma_start3A_1169 = arith.constant 0 : i32
      %dma_start3A_1170 = arith.constant 0 : i32
      %dma_start3A_1171 = arith.constant 0 : i32
      %dma_start3A_1172 = tpu.memref_slice %arg4[%dma_start3A_1169, %dma_start3A_1170, %dma_start3A_1171, %add3A_1168] : memref<2x1x8x4224xf32, #tpu.memory_space<vmem>> -> memref<2x1x8x128xf32, #tpu.memory_space<vmem>>
      %dma_start3A_1173 = arith.constant 14 : i32
      %dma_start3A_1174 = arith.constant 0 : i32
      %dma_start3A_1175 = arith.constant 0 : i32
      %dma_start3A_1176 = tpu.memref_slice %arg3[%select_n3A, %add3A_882, %dma_start3A_1173, %dma_start3A_1174, %dma_start3A_1175] : memref<16x256x16x8x128xf32, #tpu.memory_space<hbm>> -> memref<1x2x1x8x128xf32, #tpu.memory_space<hbm>>
      %dma_start3A_1177 = tpu.memref_squeeze %dma_start3A_1176 : memref<1x2x1x8x128xf32, #tpu.memory_space<hbm>> -> memref<2x1x8x128xf32, #tpu.memory_space<hbm>>
      %dma_start3A_1178 = arith.constant 14 : i32
      %dma_start3A_1179 = arith.constant 0 : i32
      %dma_start3A_1180 = arith.constant 0 : i32
      %dma_start3A_1181 = tpu.memref_slice %arg3[%select_n3A, %add3A_882, %dma_start3A_1178, %dma_start3A_1179, %dma_start3A_1180] : memref<16x256x16x8x128xf32, #tpu.memory_space<hbm>> -> memref<1x2x1x8x128xf32, #tpu.memory_space<hbm>>
      %dma_start3A_1182 = tpu.memref_squeeze %dma_start3A_1181 : memref<1x2x1x8x128xf32, #tpu.memory_space<hbm>> -> memref<2x1x8x128xf32, #tpu.memory_space<hbm>>
      %dma_start3A_1183 = arith.constant 0 : i32
      %dma_start3A_1184 = arith.constant 0 : i32
      %dma_start3A_1185 = arith.constant 0 : i32
      %dma_start3A_1186 = tpu.memref_slice %arg4[%dma_start3A_1183, %dma_start3A_1184, %dma_start3A_1185, %add3A_1168] : memref<2x1x8x4224xf32, #tpu.memory_space<vmem>> -> memref<2x1x8x128xf32, #tpu.memory_space<vmem>>
      tpu.enqueue_dma source(%dma_start3A_1186 : memref<2x1x8x128xf32, #tpu.memory_space<vmem>>) target(%dma_start3A_1182 : memref<2x1x8x128xf32, #tpu.memory_space<hbm>>) target_semaphore(%arg5 : memref<!tpu.dma_semaphore, #tpu.memory_space<semaphore_mem>>)
      %add3A_1187 = arith.constant 1920 : i32
      %add3A_1188 = arith.addi %sub3A_886, %add3A_1187 : i32
      %dma_start3A_1189 = arith.constant 0 : i32
      %dma_start3A_1190 = arith.constant 0 : i32
      %dma_start3A_1191 = arith.constant 0 : i32
      %dma_start3A_1192 = tpu.memref_slice %arg4[%dma_start3A_1189, %dma_start3A_1190, %dma_start3A_1191, %add3A_1188] : memref<2x1x8x4224xf32, #tpu.memory_space<vmem>> -> memref<2x1x8x128xf32, #tpu.memory_space<vmem>>
      %dma_start3A_1193 = arith.constant 15 : i32
      %dma_start3A_1194 = arith.constant 0 : i32
      %dma_start3A_1195 = arith.constant 0 : i32
      %dma_start3A_1196 = tpu.memref_slice %arg3[%select_n3A, %add3A_882, %dma_start3A_1193, %dma_start3A_1194, %dma_start3A_1195] : memref<16x256x16x8x128xf32, #tpu.memory_space<hbm>> -> memref<1x2x1x8x128xf32, #tpu.memory_space<hbm>>
      %dma_start3A_1197 = tpu.memref_squeeze %dma_start3A_1196 : memref<1x2x1x8x128xf32, #tpu.memory_space<hbm>> -> memref<2x1x8x128xf32, #tpu.memory_space<hbm>>
      %dma_start3A_1198 = arith.constant 15 : i32
      %dma_start3A_1199 = arith.constant 0 : i32
      %dma_start3A_1200 = arith.constant 0 : i32
      %dma_start3A_1201 = tpu.memref_slice %arg3[%select_n3A, %add3A_882, %dma_start3A_1198, %dma_start3A_1199, %dma_start3A_1200] : memref<16x256x16x8x128xf32, #tpu.memory_space<hbm>> -> memref<1x2x1x8x128xf32, #tpu.memory_space<hbm>>
      %dma_start3A_1202 = tpu.memref_squeeze %dma_start3A_1201 : memref<1x2x1x8x128xf32, #tpu.memory_space<hbm>> -> memref<2x1x8x128xf32, #tpu.memory_space<hbm>>
      %dma_start3A_1203 = arith.constant 0 : i32
      %dma_start3A_1204 = arith.constant 0 : i32
      %dma_start3A_1205 = arith.constant 0 : i32
      %dma_start3A_1206 = tpu.memref_slice %arg4[%dma_start3A_1203, %dma_start3A_1204, %dma_start3A_1205, %add3A_1188] : memref<2x1x8x4224xf32, #tpu.memory_space<vmem>> -> memref<2x1x8x128xf32, #tpu.memory_space<vmem>>
      tpu.enqueue_dma source(%dma_start3A_1206 : memref<2x1x8x128xf32, #tpu.memory_space<vmem>>) target(%dma_start3A_1202 : memref<2x1x8x128xf32, #tpu.memory_space<hbm>>) target_semaphore(%arg5 : memref<!tpu.dma_semaphore, #tpu.memory_space<semaphore_mem>>)
      %dma_wait3A_1207 = arith.constant 0 : i32
      %dma_wait3A_1208 = arith.constant 0 : i32
      %dma_wait3A_1209 = arith.constant 0 : i32
      %dma_wait3A_1210 = tpu.memref_slice %arg4[%dma_wait3A_1207, %dma_wait3A_1208, %dma_wait3A_1209, %add3A_559] : memref<2x1x8x4224xf32, #tpu.memory_space<vmem>> -> memref<2x1x8x128xf32, #tpu.memory_space<vmem>>
      %dma_wait3A_1211 = arith.constant 0 : i32
      %dma_wait3A_1212 = arith.constant 0 : i32
      %dma_wait3A_1213 = arith.constant 0 : i32
      %dma_wait3A_1214 = tpu.memref_slice %arg3[%select_n3A, %add3A_553, %dma_wait3A_1211, %dma_wait3A_1212, %dma_wait3A_1213] : memref<16x256x16x8x128xf32, #tpu.memory_space<hbm>> -> memref<1x2x1x8x128xf32, #tpu.memory_space<hbm>>
      %dma_wait3A_1215 = tpu.memref_squeeze %dma_wait3A_1214 : memref<1x2x1x8x128xf32, #tpu.memory_space<hbm>> -> memref<2x1x8x128xf32, #tpu.memory_space<hbm>>
      %dma_wait3A_1216 = arith.constant 0 : i32
      %dma_wait3A_1217 = arith.constant 0 : i32
      %dma_wait3A_1218 = arith.constant 0 : i32
      %dma_wait3A_1219 = tpu.memref_slice %arg3[%select_n3A, %add3A_553, %dma_wait3A_1216, %dma_wait3A_1217, %dma_wait3A_1218] : memref<16x256x16x8x128xf32, #tpu.memory_space<hbm>> -> memref<1x2x1x8x128xf32, #tpu.memory_space<hbm>>
      %dma_wait3A_1220 = tpu.memref_squeeze %dma_wait3A_1219 : memref<1x2x1x8x128xf32, #tpu.memory_space<hbm>> -> memref<2x1x8x128xf32, #tpu.memory_space<hbm>>
      %dma_wait3A_1221 = arith.constant 0 : i32
      %dma_wait3A_1222 = arith.constant 0 : i32
      %dma_wait3A_1223 = arith.constant 0 : i32
      %dma_wait3A_1224 = tpu.memref_slice %arg4[%dma_wait3A_1221, %dma_wait3A_1222, %dma_wait3A_1223, %add3A_559] : memref<2x1x8x4224xf32, #tpu.memory_space<vmem>> -> memref<2x1x8x128xf32, #tpu.memory_space<vmem>>
      tpu.wait_dma2 semaphore(%arg5 : memref<!tpu.dma_semaphore, #tpu.memory_space<semaphore_mem>>) src(%dma_wait3A_1224 : memref<2x1x8x128xf32, #tpu.memory_space<vmem>>) dst(%dma_wait3A_1220 : memref<2x1x8x128xf32, #tpu.memory_space<hbm>>)
      %dma_wait3A_1225 = arith.constant 0 : i32
      %dma_wait3A_1226 = arith.constant 0 : i32
      %dma_wait3A_1227 = arith.constant 0 : i32
      %dma_wait3A_1228 = tpu.memref_slice %arg4[%dma_wait3A_1225, %dma_wait3A_1226, %dma_wait3A_1227, %add3A_579] : memref<2x1x8x4224xf32, #tpu.memory_space<vmem>> -> memref<2x1x8x128xf32, #tpu.memory_space<vmem>>
      %dma_wait3A_1229 = arith.constant 1 : i32
      %dma_wait3A_1230 = arith.constant 0 : i32
      %dma_wait3A_1231 = arith.constant 0 : i32
      %dma_wait3A_1232 = tpu.memref_slice %arg3[%select_n3A, %add3A_553, %dma_wait3A_1229, %dma_wait3A_1230, %dma_wait3A_1231] : memref<16x256x16x8x128xf32, #tpu.memory_space<hbm>> -> memref<1x2x1x8x128xf32, #tpu.memory_space<hbm>>
      %dma_wait3A_1233 = tpu.memref_squeeze %dma_wait3A_1232 : memref<1x2x1x8x128xf32, #tpu.memory_space<hbm>> -> memref<2x1x8x128xf32, #tpu.memory_space<hbm>>
      %dma_wait3A_1234 = arith.constant 1 : i32
      %dma_wait3A_1235 = arith.constant 0 : i32
      %dma_wait3A_1236 = arith.constant 0 : i32
      %dma_wait3A_1237 = tpu.memref_slice %arg3[%select_n3A, %add3A_553, %dma_wait3A_1234, %dma_wait3A_1235, %dma_wait3A_1236] : memref<16x256x16x8x128xf32, #tpu.memory_space<hbm>> -> memref<1x2x1x8x128xf32, #tpu.memory_space<hbm>>
      %dma_wait3A_1238 = tpu.memref_squeeze %dma_wait3A_1237 : memref<1x2x1x8x128xf32, #tpu.memory_space<hbm>> -> memref<2x1x8x128xf32, #tpu.memory_space<hbm>>
      %dma_wait3A_1239 = arith.constant 0 : i32
      %dma_wait3A_1240 = arith.constant 0 : i32
      %dma_wait3A_1241 = arith.constant 0 : i32
      %dma_wait3A_1242 = tpu.memref_slice %arg4[%dma_wait3A_1239, %dma_wait3A_1240, %dma_wait3A_1241, %add3A_579] : memref<2x1x8x4224xf32, #tpu.memory_space<vmem>> -> memref<2x1x8x128xf32, #tpu.memory_space<vmem>>
      tpu.wait_dma2 semaphore(%arg5 : memref<!tpu.dma_semaphore, #tpu.memory_space<semaphore_mem>>) src(%dma_wait3A_1242 : memref<2x1x8x128xf32, #tpu.memory_space<vmem>>) dst(%dma_wait3A_1238 : memref<2x1x8x128xf32, #tpu.memory_space<hbm>>)
      %dma_wait3A_1243 = arith.constant 0 : i32
      %dma_wait3A_1244 = arith.constant 0 : i32
      %dma_wait3A_1245 = arith.constant 0 : i32
      %dma_wait3A_1246 = tpu.memref_slice %arg4[%dma_wait3A_1243, %dma_wait3A_1244, %dma_wait3A_1245, %add3A_599] : memref<2x1x8x4224xf32, #tpu.memory_space<vmem>> -> memref<2x1x8x128xf32, #tpu.memory_space<vmem>>
      %dma_wait3A_1247 = arith.constant 2 : i32
      %dma_wait3A_1248 = arith.constant 0 : i32
      %dma_wait3A_1249 = arith.constant 0 : i32
      %dma_wait3A_1250 = tpu.memref_slice %arg3[%select_n3A, %add3A_553, %dma_wait3A_1247, %dma_wait3A_1248, %dma_wait3A_1249] : memref<16x256x16x8x128xf32, #tpu.memory_space<hbm>> -> memref<1x2x1x8x128xf32, #tpu.memory_space<hbm>>
      %dma_wait3A_1251 = tpu.memref_squeeze %dma_wait3A_1250 : memref<1x2x1x8x128xf32, #tpu.memory_space<hbm>> -> memref<2x1x8x128xf32, #tpu.memory_space<hbm>>
      %dma_wait3A_1252 = arith.constant 2 : i32
      %dma_wait3A_1253 = arith.constant 0 : i32
      %dma_wait3A_1254 = arith.constant 0 : i32
      %dma_wait3A_1255 = tpu.memref_slice %arg3[%select_n3A, %add3A_553, %dma_wait3A_1252, %dma_wait3A_1253, %dma_wait3A_1254] : memref<16x256x16x8x128xf32, #tpu.memory_space<hbm>> -> memref<1x2x1x8x128xf32, #tpu.memory_space<hbm>>
      %dma_wait3A_1256 = tpu.memref_squeeze %dma_wait3A_1255 : memref<1x2x1x8x128xf32, #tpu.memory_space<hbm>> -> memref<2x1x8x128xf32, #tpu.memory_space<hbm>>
      %dma_wait3A_1257 = arith.constant 0 : i32
      %dma_wait3A_1258 = arith.constant 0 : i32
      %dma_wait3A_1259 = arith.constant 0 : i32
      %dma_wait3A_1260 = tpu.memref_slice %arg4[%dma_wait3A_1257, %dma_wait3A_1258, %dma_wait3A_1259, %add3A_599] : memref<2x1x8x4224xf32, #tpu.memory_space<vmem>> -> memref<2x1x8x128xf32, #tpu.memory_space<vmem>>
      tpu.wait_dma2 semaphore(%arg5 : memref<!tpu.dma_semaphore, #tpu.memory_space<semaphore_mem>>) src(%dma_wait3A_1260 : memref<2x1x8x128xf32, #tpu.memory_space<vmem>>) dst(%dma_wait3A_1256 : memref<2x1x8x128xf32, #tpu.memory_space<hbm>>)
      %dma_wait3A_1261 = arith.constant 0 : i32
      %dma_wait3A_1262 = arith.constant 0 : i32
      %dma_wait3A_1263 = arith.constant 0 : i32
      %dma_wait3A_1264 = tpu.memref_slice %arg4[%dma_wait3A_1261, %dma_wait3A_1262, %dma_wait3A_1263, %add3A_619] : memref<2x1x8x4224xf32, #tpu.memory_space<vmem>> -> memref<2x1x8x128xf32, #tpu.memory_space<vmem>>
      %dma_wait3A_1265 = arith.constant 3 : i32
      %dma_wait3A_1266 = arith.constant 0 : i32
      %dma_wait3A_1267 = arith.constant 0 : i32
      %dma_wait3A_1268 = tpu.memref_slice %arg3[%select_n3A, %add3A_553, %dma_wait3A_1265, %dma_wait3A_1266, %dma_wait3A_1267] : memref<16x256x16x8x128xf32, #tpu.memory_space<hbm>> -> memref<1x2x1x8x128xf32, #tpu.memory_space<hbm>>
      %dma_wait3A_1269 = tpu.memref_squeeze %dma_wait3A_1268 : memref<1x2x1x8x128xf32, #tpu.memory_space<hbm>> -> memref<2x1x8x128xf32, #tpu.memory_space<hbm>>
      %dma_wait3A_1270 = arith.constant 3 : i32
      %dma_wait3A_1271 = arith.constant 0 : i32
      %dma_wait3A_1272 = arith.constant 0 : i32
      %dma_wait3A_1273 = tpu.memref_slice %arg3[%select_n3A, %add3A_553, %dma_wait3A_1270, %dma_wait3A_1271, %dma_wait3A_1272] : memref<16x256x16x8x128xf32, #tpu.memory_space<hbm>> -> memref<1x2x1x8x128xf32, #tpu.memory_space<hbm>>
      %dma_wait3A_1274 = tpu.memref_squeeze %dma_wait3A_1273 : memref<1x2x1x8x128xf32, #tpu.memory_space<hbm>> -> memref<2x1x8x128xf32, #tpu.memory_space<hbm>>
      %dma_wait3A_1275 = arith.constant 0 : i32
      %dma_wait3A_1276 = arith.constant 0 : i32
      %dma_wait3A_1277 = arith.constant 0 : i32
      %dma_wait3A_1278 = tpu.memref_slice %arg4[%dma_wait3A_1275, %dma_wait3A_1276, %dma_wait3A_1277, %add3A_619] : memref<2x1x8x4224xf32, #tpu.memory_space<vmem>> -> memref<2x1x8x128xf32, #tpu.memory_space<vmem>>
      tpu.wait_dma2 semaphore(%arg5 : memref<!tpu.dma_semaphore, #tpu.memory_space<semaphore_mem>>) src(%dma_wait3A_1278 : memref<2x1x8x128xf32, #tpu.memory_space<vmem>>) dst(%dma_wait3A_1274 : memref<2x1x8x128xf32, #tpu.memory_space<hbm>>)
      %dma_wait3A_1279 = arith.constant 0 : i32
      %dma_wait3A_1280 = arith.constant 0 : i32
      %dma_wait3A_1281 = arith.constant 0 : i32
      %dma_wait3A_1282 = tpu.memref_slice %arg4[%dma_wait3A_1279, %dma_wait3A_1280, %dma_wait3A_1281, %add3A_639] : memref<2x1x8x4224xf32, #tpu.memory_space<vmem>> -> memref<2x1x8x128xf32, #tpu.memory_space<vmem>>
      %dma_wait3A_1283 = arith.constant 4 : i32
      %dma_wait3A_1284 = arith.constant 0 : i32
      %dma_wait3A_1285 = arith.constant 0 : i32
      %dma_wait3A_1286 = tpu.memref_slice %arg3[%select_n3A, %add3A_553, %dma_wait3A_1283, %dma_wait3A_1284, %dma_wait3A_1285] : memref<16x256x16x8x128xf32, #tpu.memory_space<hbm>> -> memref<1x2x1x8x128xf32, #tpu.memory_space<hbm>>
      %dma_wait3A_1287 = tpu.memref_squeeze %dma_wait3A_1286 : memref<1x2x1x8x128xf32, #tpu.memory_space<hbm>> -> memref<2x1x8x128xf32, #tpu.memory_space<hbm>>
      %dma_wait3A_1288 = arith.constant 4 : i32
      %dma_wait3A_1289 = arith.constant 0 : i32
      %dma_wait3A_1290 = arith.constant 0 : i32
      %dma_wait3A_1291 = tpu.memref_slice %arg3[%select_n3A, %add3A_553, %dma_wait3A_1288, %dma_wait3A_1289, %dma_wait3A_1290] : memref<16x256x16x8x128xf32, #tpu.memory_space<hbm>> -> memref<1x2x1x8x128xf32, #tpu.memory_space<hbm>>
      %dma_wait3A_1292 = tpu.memref_squeeze %dma_wait3A_1291 : memref<1x2x1x8x128xf32, #tpu.memory_space<hbm>> -> memref<2x1x8x128xf32, #tpu.memory_space<hbm>>
      %dma_wait3A_1293 = arith.constant 0 : i32
      %dma_wait3A_1294 = arith.constant 0 : i32
      %dma_wait3A_1295 = arith.constant 0 : i32
      %dma_wait3A_1296 = tpu.memref_slice %arg4[%dma_wait3A_1293, %dma_wait3A_1294, %dma_wait3A_1295, %add3A_639] : memref<2x1x8x4224xf32, #tpu.memory_space<vmem>> -> memref<2x1x8x128xf32, #tpu.memory_space<vmem>>
      tpu.wait_dma2 semaphore(%arg5 : memref<!tpu.dma_semaphore, #tpu.memory_space<semaphore_mem>>) src(%dma_wait3A_1296 : memref<2x1x8x128xf32, #tpu.memory_space<vmem>>) dst(%dma_wait3A_1292 : memref<2x1x8x128xf32, #tpu.memory_space<hbm>>)
      %dma_wait3A_1297 = arith.constant 0 : i32
      %dma_wait3A_1298 = arith.constant 0 : i32
      %dma_wait3A_1299 = arith.constant 0 : i32
      %dma_wait3A_1300 = tpu.memref_slice %arg4[%dma_wait3A_1297, %dma_wait3A_1298, %dma_wait3A_1299, %add3A_659] : memref<2x1x8x4224xf32, #tpu.memory_space<vmem>> -> memref<2x1x8x128xf32, #tpu.memory_space<vmem>>
      %dma_wait3A_1301 = arith.constant 5 : i32
      %dma_wait3A_1302 = arith.constant 0 : i32
      %dma_wait3A_1303 = arith.constant 0 : i32
      %dma_wait3A_1304 = tpu.memref_slice %arg3[%select_n3A, %add3A_553, %dma_wait3A_1301, %dma_wait3A_1302, %dma_wait3A_1303] : memref<16x256x16x8x128xf32, #tpu.memory_space<hbm>> -> memref<1x2x1x8x128xf32, #tpu.memory_space<hbm>>
      %dma_wait3A_1305 = tpu.memref_squeeze %dma_wait3A_1304 : memref<1x2x1x8x128xf32, #tpu.memory_space<hbm>> -> memref<2x1x8x128xf32, #tpu.memory_space<hbm>>
      %dma_wait3A_1306 = arith.constant 5 : i32
      %dma_wait3A_1307 = arith.constant 0 : i32
      %dma_wait3A_1308 = arith.constant 0 : i32
      %dma_wait3A_1309 = tpu.memref_slice %arg3[%select_n3A, %add3A_553, %dma_wait3A_1306, %dma_wait3A_1307, %dma_wait3A_1308] : memref<16x256x16x8x128xf32, #tpu.memory_space<hbm>> -> memref<1x2x1x8x128xf32, #tpu.memory_space<hbm>>
      %dma_wait3A_1310 = tpu.memref_squeeze %dma_wait3A_1309 : memref<1x2x1x8x128xf32, #tpu.memory_space<hbm>> -> memref<2x1x8x128xf32, #tpu.memory_space<hbm>>
      %dma_wait3A_1311 = arith.constant 0 : i32
      %dma_wait3A_1312 = arith.constant 0 : i32
      %dma_wait3A_1313 = arith.constant 0 : i32
      %dma_wait3A_1314 = tpu.memref_slice %arg4[%dma_wait3A_1311, %dma_wait3A_1312, %dma_wait3A_1313, %add3A_659] : memref<2x1x8x4224xf32, #tpu.memory_space<vmem>> -> memref<2x1x8x128xf32, #tpu.memory_space<vmem>>
      tpu.wait_dma2 semaphore(%arg5 : memref<!tpu.dma_semaphore, #tpu.memory_space<semaphore_mem>>) src(%dma_wait3A_1314 : memref<2x1x8x128xf32, #tpu.memory_space<vmem>>) dst(%dma_wait3A_1310 : memref<2x1x8x128xf32, #tpu.memory_space<hbm>>)
      %dma_wait3A_1315 = arith.constant 0 : i32
      %dma_wait3A_1316 = arith.constant 0 : i32
      %dma_wait3A_1317 = arith.constant 0 : i32
      %dma_wait3A_1318 = tpu.memref_slice %arg4[%dma_wait3A_1315, %dma_wait3A_1316, %dma_wait3A_1317, %add3A_679] : memref<2x1x8x4224xf32, #tpu.memory_space<vmem>> -> memref<2x1x8x128xf32, #tpu.memory_space<vmem>>
      %dma_wait3A_1319 = arith.constant 6 : i32
      %dma_wait3A_1320 = arith.constant 0 : i32
      %dma_wait3A_1321 = arith.constant 0 : i32
      %dma_wait3A_1322 = tpu.memref_slice %arg3[%select_n3A, %add3A_553, %dma_wait3A_1319, %dma_wait3A_1320, %dma_wait3A_1321] : memref<16x256x16x8x128xf32, #tpu.memory_space<hbm>> -> memref<1x2x1x8x128xf32, #tpu.memory_space<hbm>>
      %dma_wait3A_1323 = tpu.memref_squeeze %dma_wait3A_1322 : memref<1x2x1x8x128xf32, #tpu.memory_space<hbm>> -> memref<2x1x8x128xf32, #tpu.memory_space<hbm>>
      %dma_wait3A_1324 = arith.constant 6 : i32
      %dma_wait3A_1325 = arith.constant 0 : i32
      %dma_wait3A_1326 = arith.constant 0 : i32
      %dma_wait3A_1327 = tpu.memref_slice %arg3[%select_n3A, %add3A_553, %dma_wait3A_1324, %dma_wait3A_1325, %dma_wait3A_1326] : memref<16x256x16x8x128xf32, #tpu.memory_space<hbm>> -> memref<1x2x1x8x128xf32, #tpu.memory_space<hbm>>
      %dma_wait3A_1328 = tpu.memref_squeeze %dma_wait3A_1327 : memref<1x2x1x8x128xf32, #tpu.memory_space<hbm>> -> memref<2x1x8x128xf32, #tpu.memory_space<hbm>>
      %dma_wait3A_1329 = arith.constant 0 : i32
      %dma_wait3A_1330 = arith.constant 0 : i32
      %dma_wait3A_1331 = arith.constant 0 : i32
      %dma_wait3A_1332 = tpu.memref_slice %arg4[%dma_wait3A_1329, %dma_wait3A_1330, %dma_wait3A_1331, %add3A_679] : memref<2x1x8x4224xf32, #tpu.memory_space<vmem>> -> memref<2x1x8x128xf32, #tpu.memory_space<vmem>>
      tpu.wait_dma2 semaphore(%arg5 : memref<!tpu.dma_semaphore, #tpu.memory_space<semaphore_mem>>) src(%dma_wait3A_1332 : memref<2x1x8x128xf32, #tpu.memory_space<vmem>>) dst(%dma_wait3A_1328 : memref<2x1x8x128xf32, #tpu.memory_space<hbm>>)
      %dma_wait3A_1333 = arith.constant 0 : i32
      %dma_wait3A_1334 = arith.constant 0 : i32
      %dma_wait3A_1335 = arith.constant 0 : i32
      %dma_wait3A_1336 = tpu.memref_slice %arg4[%dma_wait3A_1333, %dma_wait3A_1334, %dma_wait3A_1335, %add3A_699] : memref<2x1x8x4224xf32, #tpu.memory_space<vmem>> -> memref<2x1x8x128xf32, #tpu.memory_space<vmem>>
      %dma_wait3A_1337 = arith.constant 7 : i32
      %dma_wait3A_1338 = arith.constant 0 : i32
      %dma_wait3A_1339 = arith.constant 0 : i32
      %dma_wait3A_1340 = tpu.memref_slice %arg3[%select_n3A, %add3A_553, %dma_wait3A_1337, %dma_wait3A_1338, %dma_wait3A_1339] : memref<16x256x16x8x128xf32, #tpu.memory_space<hbm>> -> memref<1x2x1x8x128xf32, #tpu.memory_space<hbm>>
      %dma_wait3A_1341 = tpu.memref_squeeze %dma_wait3A_1340 : memref<1x2x1x8x128xf32, #tpu.memory_space<hbm>> -> memref<2x1x8x128xf32, #tpu.memory_space<hbm>>
      %dma_wait3A_1342 = arith.constant 7 : i32
      %dma_wait3A_1343 = arith.constant 0 : i32
      %dma_wait3A_1344 = arith.constant 0 : i32
      %dma_wait3A_1345 = tpu.memref_slice %arg3[%select_n3A, %add3A_553, %dma_wait3A_1342, %dma_wait3A_1343, %dma_wait3A_1344] : memref<16x256x16x8x128xf32, #tpu.memory_space<hbm>> -> memref<1x2x1x8x128xf32, #tpu.memory_space<hbm>>
      %dma_wait3A_1346 = tpu.memref_squeeze %dma_wait3A_1345 : memref<1x2x1x8x128xf32, #tpu.memory_space<hbm>> -> memref<2x1x8x128xf32, #tpu.memory_space<hbm>>
      %dma_wait3A_1347 = arith.constant 0 : i32
      %dma_wait3A_1348 = arith.constant 0 : i32
      %dma_wait3A_1349 = arith.constant 0 : i32
      %dma_wait3A_1350 = tpu.memref_slice %arg4[%dma_wait3A_1347, %dma_wait3A_1348, %dma_wait3A_1349, %add3A_699] : memref<2x1x8x4224xf32, #tpu.memory_space<vmem>> -> memref<2x1x8x128xf32, #tpu.memory_space<vmem>>
      tpu.wait_dma2 semaphore(%arg5 : memref<!tpu.dma_semaphore, #tpu.memory_space<semaphore_mem>>) src(%dma_wait3A_1350 : memref<2x1x8x128xf32, #tpu.memory_space<vmem>>) dst(%dma_wait3A_1346 : memref<2x1x8x128xf32, #tpu.memory_space<hbm>>)
      %dma_wait3A_1351 = arith.constant 0 : i32
      %dma_wait3A_1352 = arith.constant 0 : i32
      %dma_wait3A_1353 = arith.constant 0 : i32
      %dma_wait3A_1354 = tpu.memref_slice %arg4[%dma_wait3A_1351, %dma_wait3A_1352, %dma_wait3A_1353, %add3A_719] : memref<2x1x8x4224xf32, #tpu.memory_space<vmem>> -> memref<2x1x8x128xf32, #tpu.memory_space<vmem>>
      %dma_wait3A_1355 = arith.constant 8 : i32
      %dma_wait3A_1356 = arith.constant 0 : i32
      %dma_wait3A_1357 = arith.constant 0 : i32
      %dma_wait3A_1358 = tpu.memref_slice %arg3[%select_n3A, %add3A_553, %dma_wait3A_1355, %dma_wait3A_1356, %dma_wait3A_1357] : memref<16x256x16x8x128xf32, #tpu.memory_space<hbm>> -> memref<1x2x1x8x128xf32, #tpu.memory_space<hbm>>
      %dma_wait3A_1359 = tpu.memref_squeeze %dma_wait3A_1358 : memref<1x2x1x8x128xf32, #tpu.memory_space<hbm>> -> memref<2x1x8x128xf32, #tpu.memory_space<hbm>>
      %dma_wait3A_1360 = arith.constant 8 : i32
      %dma_wait3A_1361 = arith.constant 0 : i32
      %dma_wait3A_1362 = arith.constant 0 : i32
      %dma_wait3A_1363 = tpu.memref_slice %arg3[%select_n3A, %add3A_553, %dma_wait3A_1360, %dma_wait3A_1361, %dma_wait3A_1362] : memref<16x256x16x8x128xf32, #tpu.memory_space<hbm>> -> memref<1x2x1x8x128xf32, #tpu.memory_space<hbm>>
      %dma_wait3A_1364 = tpu.memref_squeeze %dma_wait3A_1363 : memref<1x2x1x8x128xf32, #tpu.memory_space<hbm>> -> memref<2x1x8x128xf32, #tpu.memory_space<hbm>>
      %dma_wait3A_1365 = arith.constant 0 : i32
      %dma_wait3A_1366 = arith.constant 0 : i32
      %dma_wait3A_1367 = arith.constant 0 : i32
      %dma_wait3A_1368 = tpu.memref_slice %arg4[%dma_wait3A_1365, %dma_wait3A_1366, %dma_wait3A_1367, %add3A_719] : memref<2x1x8x4224xf32, #tpu.memory_space<vmem>> -> memref<2x1x8x128xf32, #tpu.memory_space<vmem>>
      tpu.wait_dma2 semaphore(%arg5 : memref<!tpu.dma_semaphore, #tpu.memory_space<semaphore_mem>>) src(%dma_wait3A_1368 : memref<2x1x8x128xf32, #tpu.memory_space<vmem>>) dst(%dma_wait3A_1364 : memref<2x1x8x128xf32, #tpu.memory_space<hbm>>)
      %dma_wait3A_1369 = arith.constant 0 : i32
      %dma_wait3A_1370 = arith.constant 0 : i32
      %dma_wait3A_1371 = arith.constant 0 : i32
      %dma_wait3A_1372 = tpu.memref_slice %arg4[%dma_wait3A_1369, %dma_wait3A_1370, %dma_wait3A_1371, %add3A_739] : memref<2x1x8x4224xf32, #tpu.memory_space<vmem>> -> memref<2x1x8x128xf32, #tpu.memory_space<vmem>>
      %dma_wait3A_1373 = arith.constant 9 : i32
      %dma_wait3A_1374 = arith.constant 0 : i32
      %dma_wait3A_1375 = arith.constant 0 : i32
      %dma_wait3A_1376 = tpu.memref_slice %arg3[%select_n3A, %add3A_553, %dma_wait3A_1373, %dma_wait3A_1374, %dma_wait3A_1375] : memref<16x256x16x8x128xf32, #tpu.memory_space<hbm>> -> memref<1x2x1x8x128xf32, #tpu.memory_space<hbm>>
      %dma_wait3A_1377 = tpu.memref_squeeze %dma_wait3A_1376 : memref<1x2x1x8x128xf32, #tpu.memory_space<hbm>> -> memref<2x1x8x128xf32, #tpu.memory_space<hbm>>
      %dma_wait3A_1378 = arith.constant 9 : i32
      %dma_wait3A_1379 = arith.constant 0 : i32
      %dma_wait3A_1380 = arith.constant 0 : i32
      %dma_wait3A_1381 = tpu.memref_slice %arg3[%select_n3A, %add3A_553, %dma_wait3A_1378, %dma_wait3A_1379, %dma_wait3A_1380] : memref<16x256x16x8x128xf32, #tpu.memory_space<hbm>> -> memref<1x2x1x8x128xf32, #tpu.memory_space<hbm>>
      %dma_wait3A_1382 = tpu.memref_squeeze %dma_wait3A_1381 : memref<1x2x1x8x128xf32, #tpu.memory_space<hbm>> -> memref<2x1x8x128xf32, #tpu.memory_space<hbm>>
      %dma_wait3A_1383 = arith.constant 0 : i32
      %dma_wait3A_1384 = arith.constant 0 : i32
      %dma_wait3A_1385 = arith.constant 0 : i32
      %dma_wait3A_1386 = tpu.memref_slice %arg4[%dma_wait3A_1383, %dma_wait3A_1384, %dma_wait3A_1385, %add3A_739] : memref<2x1x8x4224xf32, #tpu.memory_space<vmem>> -> memref<2x1x8x128xf32, #tpu.memory_space<vmem>>
      tpu.wait_dma2 semaphore(%arg5 : memref<!tpu.dma_semaphore, #tpu.memory_space<semaphore_mem>>) src(%dma_wait3A_1386 : memref<2x1x8x128xf32, #tpu.memory_space<vmem>>) dst(%dma_wait3A_1382 : memref<2x1x8x128xf32, #tpu.memory_space<hbm>>)
      %dma_wait3A_1387 = arith.constant 0 : i32
      %dma_wait3A_1388 = arith.constant 0 : i32
      %dma_wait3A_1389 = arith.constant 0 : i32
      %dma_wait3A_1390 = tpu.memref_slice %arg4[%dma_wait3A_1387, %dma_wait3A_1388, %dma_wait3A_1389, %add3A_759] : memref<2x1x8x4224xf32, #tpu.memory_space<vmem>> -> memref<2x1x8x128xf32, #tpu.memory_space<vmem>>
      %dma_wait3A_1391 = arith.constant 10 : i32
      %dma_wait3A_1392 = arith.constant 0 : i32
      %dma_wait3A_1393 = arith.constant 0 : i32
      %dma_wait3A_1394 = tpu.memref_slice %arg3[%select_n3A, %add3A_553, %dma_wait3A_1391, %dma_wait3A_1392, %dma_wait3A_1393] : memref<16x256x16x8x128xf32, #tpu.memory_space<hbm>> -> memref<1x2x1x8x128xf32, #tpu.memory_space<hbm>>
      %dma_wait3A_1395 = tpu.memref_squeeze %dma_wait3A_1394 : memref<1x2x1x8x128xf32, #tpu.memory_space<hbm>> -> memref<2x1x8x128xf32, #tpu.memory_space<hbm>>
      %dma_wait3A_1396 = arith.constant 10 : i32
      %dma_wait3A_1397 = arith.constant 0 : i32
      %dma_wait3A_1398 = arith.constant 0 : i32
      %dma_wait3A_1399 = tpu.memref_slice %arg3[%select_n3A, %add3A_553, %dma_wait3A_1396, %dma_wait3A_1397, %dma_wait3A_1398] : memref<16x256x16x8x128xf32, #tpu.memory_space<hbm>> -> memref<1x2x1x8x128xf32, #tpu.memory_space<hbm>>
      %dma_wait3A_1400 = tpu.memref_squeeze %dma_wait3A_1399 : memref<1x2x1x8x128xf32, #tpu.memory_space<hbm>> -> memref<2x1x8x128xf32, #tpu.memory_space<hbm>>
      %dma_wait3A_1401 = arith.constant 0 : i32
      %dma_wait3A_1402 = arith.constant 0 : i32
      %dma_wait3A_1403 = arith.constant 0 : i32
      %dma_wait3A_1404 = tpu.memref_slice %arg4[%dma_wait3A_1401, %dma_wait3A_1402, %dma_wait3A_1403, %add3A_759] : memref<2x1x8x4224xf32, #tpu.memory_space<vmem>> -> memref<2x1x8x128xf32, #tpu.memory_space<vmem>>
      tpu.wait_dma2 semaphore(%arg5 : memref<!tpu.dma_semaphore, #tpu.memory_space<semaphore_mem>>) src(%dma_wait3A_1404 : memref<2x1x8x128xf32, #tpu.memory_space<vmem>>) dst(%dma_wait3A_1400 : memref<2x1x8x128xf32, #tpu.memory_space<hbm>>)
      %dma_wait3A_1405 = arith.constant 0 : i32
      %dma_wait3A_1406 = arith.constant 0 : i32
      %dma_wait3A_1407 = arith.constant 0 : i32
      %dma_wait3A_1408 = tpu.memref_slice %arg4[%dma_wait3A_1405, %dma_wait3A_1406, %dma_wait3A_1407, %add3A_779] : memref<2x1x8x4224xf32, #tpu.memory_space<vmem>> -> memref<2x1x8x128xf32, #tpu.memory_space<vmem>>
      %dma_wait3A_1409 = arith.constant 11 : i32
      %dma_wait3A_1410 = arith.constant 0 : i32
      %dma_wait3A_1411 = arith.constant 0 : i32
      %dma_wait3A_1412 = tpu.memref_slice %arg3[%select_n3A, %add3A_553, %dma_wait3A_1409, %dma_wait3A_1410, %dma_wait3A_1411] : memref<16x256x16x8x128xf32, #tpu.memory_space<hbm>> -> memref<1x2x1x8x128xf32, #tpu.memory_space<hbm>>
      %dma_wait3A_1413 = tpu.memref_squeeze %dma_wait3A_1412 : memref<1x2x1x8x128xf32, #tpu.memory_space<hbm>> -> memref<2x1x8x128xf32, #tpu.memory_space<hbm>>
      %dma_wait3A_1414 = arith.constant 11 : i32
      %dma_wait3A_1415 = arith.constant 0 : i32
      %dma_wait3A_1416 = arith.constant 0 : i32
      %dma_wait3A_1417 = tpu.memref_slice %arg3[%select_n3A, %add3A_553, %dma_wait3A_1414, %dma_wait3A_1415, %dma_wait3A_1416] : memref<16x256x16x8x128xf32, #tpu.memory_space<hbm>> -> memref<1x2x1x8x128xf32, #tpu.memory_space<hbm>>
      %dma_wait3A_1418 = tpu.memref_squeeze %dma_wait3A_1417 : memref<1x2x1x8x128xf32, #tpu.memory_space<hbm>> -> memref<2x1x8x128xf32, #tpu.memory_space<hbm>>
      %dma_wait3A_1419 = arith.constant 0 : i32
      %dma_wait3A_1420 = arith.constant 0 : i32
      %dma_wait3A_1421 = arith.constant 0 : i32
      %dma_wait3A_1422 = tpu.memref_slice %arg4[%dma_wait3A_1419, %dma_wait3A_1420, %dma_wait3A_1421, %add3A_779] : memref<2x1x8x4224xf32, #tpu.memory_space<vmem>> -> memref<2x1x8x128xf32, #tpu.memory_space<vmem>>
      tpu.wait_dma2 semaphore(%arg5 : memref<!tpu.dma_semaphore, #tpu.memory_space<semaphore_mem>>) src(%dma_wait3A_1422 : memref<2x1x8x128xf32, #tpu.memory_space<vmem>>) dst(%dma_wait3A_1418 : memref<2x1x8x128xf32, #tpu.memory_space<hbm>>)
      %dma_wait3A_1423 = arith.constant 0 : i32
      %dma_wait3A_1424 = arith.constant 0 : i32
      %dma_wait3A_1425 = arith.constant 0 : i32
      %dma_wait3A_1426 = tpu.memref_slice %arg4[%dma_wait3A_1423, %dma_wait3A_1424, %dma_wait3A_1425, %add3A_799] : memref<2x1x8x4224xf32, #tpu.memory_space<vmem>> -> memref<2x1x8x128xf32, #tpu.memory_space<vmem>>
      %dma_wait3A_1427 = arith.constant 12 : i32
      %dma_wait3A_1428 = arith.constant 0 : i32
      %dma_wait3A_1429 = arith.constant 0 : i32
      %dma_wait3A_1430 = tpu.memref_slice %arg3[%select_n3A, %add3A_553, %dma_wait3A_1427, %dma_wait3A_1428, %dma_wait3A_1429] : memref<16x256x16x8x128xf32, #tpu.memory_space<hbm>> -> memref<1x2x1x8x128xf32, #tpu.memory_space<hbm>>
      %dma_wait3A_1431 = tpu.memref_squeeze %dma_wait3A_1430 : memref<1x2x1x8x128xf32, #tpu.memory_space<hbm>> -> memref<2x1x8x128xf32, #tpu.memory_space<hbm>>
      %dma_wait3A_1432 = arith.constant 12 : i32
      %dma_wait3A_1433 = arith.constant 0 : i32
      %dma_wait3A_1434 = arith.constant 0 : i32
      %dma_wait3A_1435 = tpu.memref_slice %arg3[%select_n3A, %add3A_553, %dma_wait3A_1432, %dma_wait3A_1433, %dma_wait3A_1434] : memref<16x256x16x8x128xf32, #tpu.memory_space<hbm>> -> memref<1x2x1x8x128xf32, #tpu.memory_space<hbm>>
      %dma_wait3A_1436 = tpu.memref_squeeze %dma_wait3A_1435 : memref<1x2x1x8x128xf32, #tpu.memory_space<hbm>> -> memref<2x1x8x128xf32, #tpu.memory_space<hbm>>
      %dma_wait3A_1437 = arith.constant 0 : i32
      %dma_wait3A_1438 = arith.constant 0 : i32
      %dma_wait3A_1439 = arith.constant 0 : i32
      %dma_wait3A_1440 = tpu.memref_slice %arg4[%dma_wait3A_1437, %dma_wait3A_1438, %dma_wait3A_1439, %add3A_799] : memref<2x1x8x4224xf32, #tpu.memory_space<vmem>> -> memref<2x1x8x128xf32, #tpu.memory_space<vmem>>
      tpu.wait_dma2 semaphore(%arg5 : memref<!tpu.dma_semaphore, #tpu.memory_space<semaphore_mem>>) src(%dma_wait3A_1440 : memref<2x1x8x128xf32, #tpu.memory_space<vmem>>) dst(%dma_wait3A_1436 : memref<2x1x8x128xf32, #tpu.memory_space<hbm>>)
      %dma_wait3A_1441 = arith.constant 0 : i32
      %dma_wait3A_1442 = arith.constant 0 : i32
      %dma_wait3A_1443 = arith.constant 0 : i32
      %dma_wait3A_1444 = tpu.memref_slice %arg4[%dma_wait3A_1441, %dma_wait3A_1442, %dma_wait3A_1443, %add3A_819] : memref<2x1x8x4224xf32, #tpu.memory_space<vmem>> -> memref<2x1x8x128xf32, #tpu.memory_space<vmem>>
      %dma_wait3A_1445 = arith.constant 13 : i32
      %dma_wait3A_1446 = arith.constant 0 : i32
      %dma_wait3A_1447 = arith.constant 0 : i32
      %dma_wait3A_1448 = tpu.memref_slice %arg3[%select_n3A, %add3A_553, %dma_wait3A_1445, %dma_wait3A_1446, %dma_wait3A_1447] : memref<16x256x16x8x128xf32, #tpu.memory_space<hbm>> -> memref<1x2x1x8x128xf32, #tpu.memory_space<hbm>>
      %dma_wait3A_1449 = tpu.memref_squeeze %dma_wait3A_1448 : memref<1x2x1x8x128xf32, #tpu.memory_space<hbm>> -> memref<2x1x8x128xf32, #tpu.memory_space<hbm>>
      %dma_wait3A_1450 = arith.constant 13 : i32
      %dma_wait3A_1451 = arith.constant 0 : i32
      %dma_wait3A_1452 = arith.constant 0 : i32
      %dma_wait3A_1453 = tpu.memref_slice %arg3[%select_n3A, %add3A_553, %dma_wait3A_1450, %dma_wait3A_1451, %dma_wait3A_1452] : memref<16x256x16x8x128xf32, #tpu.memory_space<hbm>> -> memref<1x2x1x8x128xf32, #tpu.memory_space<hbm>>
      %dma_wait3A_1454 = tpu.memref_squeeze %dma_wait3A_1453 : memref<1x2x1x8x128xf32, #tpu.memory_space<hbm>> -> memref<2x1x8x128xf32, #tpu.memory_space<hbm>>
      %dma_wait3A_1455 = arith.constant 0 : i32
      %dma_wait3A_1456 = arith.constant 0 : i32
      %dma_wait3A_1457 = arith.constant 0 : i32
      %dma_wait3A_1458 = tpu.memref_slice %arg4[%dma_wait3A_1455, %dma_wait3A_1456, %dma_wait3A_1457, %add3A_819] : memref<2x1x8x4224xf32, #tpu.memory_space<vmem>> -> memref<2x1x8x128xf32, #tpu.memory_space<vmem>>
      tpu.wait_dma2 semaphore(%arg5 : memref<!tpu.dma_semaphore, #tpu.memory_space<semaphore_mem>>) src(%dma_wait3A_1458 : memref<2x1x8x128xf32, #tpu.memory_space<vmem>>) dst(%dma_wait3A_1454 : memref<2x1x8x128xf32, #tpu.memory_space<hbm>>)
      %dma_wait3A_1459 = arith.constant 0 : i32
      %dma_wait3A_1460 = arith.constant 0 : i32
      %dma_wait3A_1461 = arith.constant 0 : i32
      %dma_wait3A_1462 = tpu.memref_slice %arg4[%dma_wait3A_1459, %dma_wait3A_1460, %dma_wait3A_1461, %add3A_839] : memref<2x1x8x4224xf32, #tpu.memory_space<vmem>> -> memref<2x1x8x128xf32, #tpu.memory_space<vmem>>
      %dma_wait3A_1463 = arith.constant 14 : i32
      %dma_wait3A_1464 = arith.constant 0 : i32
      %dma_wait3A_1465 = arith.constant 0 : i32
      %dma_wait3A_1466 = tpu.memref_slice %arg3[%select_n3A, %add3A_553, %dma_wait3A_1463, %dma_wait3A_1464, %dma_wait3A_1465] : memref<16x256x16x8x128xf32, #tpu.memory_space<hbm>> -> memref<1x2x1x8x128xf32, #tpu.memory_space<hbm>>
      %dma_wait3A_1467 = tpu.memref_squeeze %dma_wait3A_1466 : memref<1x2x1x8x128xf32, #tpu.memory_space<hbm>> -> memref<2x1x8x128xf32, #tpu.memory_space<hbm>>
      %dma_wait3A_1468 = arith.constant 14 : i32
      %dma_wait3A_1469 = arith.constant 0 : i32
      %dma_wait3A_1470 = arith.constant 0 : i32
      %dma_wait3A_1471 = tpu.memref_slice %arg3[%select_n3A, %add3A_553, %dma_wait3A_1468, %dma_wait3A_1469, %dma_wait3A_1470] : memref<16x256x16x8x128xf32, #tpu.memory_space<hbm>> -> memref<1x2x1x8x128xf32, #tpu.memory_space<hbm>>
      %dma_wait3A_1472 = tpu.memref_squeeze %dma_wait3A_1471 : memref<1x2x1x8x128xf32, #tpu.memory_space<hbm>> -> memref<2x1x8x128xf32, #tpu.memory_space<hbm>>
      %dma_wait3A_1473 = arith.constant 0 : i32
      %dma_wait3A_1474 = arith.constant 0 : i32
      %dma_wait3A_1475 = arith.constant 0 : i32
      %dma_wait3A_1476 = tpu.memref_slice %arg4[%dma_wait3A_1473, %dma_wait3A_1474, %dma_wait3A_1475, %add3A_839] : memref<2x1x8x4224xf32, #tpu.memory_space<vmem>> -> memref<2x1x8x128xf32, #tpu.memory_space<vmem>>
      tpu.wait_dma2 semaphore(%arg5 : memref<!tpu.dma_semaphore, #tpu.memory_space<semaphore_mem>>) src(%dma_wait3A_1476 : memref<2x1x8x128xf32, #tpu.memory_space<vmem>>) dst(%dma_wait3A_1472 : memref<2x1x8x128xf32, #tpu.memory_space<hbm>>)
      %dma_wait3A_1477 = arith.constant 0 : i32
      %dma_wait3A_1478 = arith.constant 0 : i32
      %dma_wait3A_1479 = arith.constant 0 : i32
      %dma_wait3A_1480 = tpu.memref_slice %arg4[%dma_wait3A_1477, %dma_wait3A_1478, %dma_wait3A_1479, %add3A_859] : memref<2x1x8x4224xf32, #tpu.memory_space<vmem>> -> memref<2x1x8x128xf32, #tpu.memory_space<vmem>>
      %dma_wait3A_1481 = arith.constant 15 : i32
      %dma_wait3A_1482 = arith.constant 0 : i32
      %dma_wait3A_1483 = arith.constant 0 : i32
      %dma_wait3A_1484 = tpu.memref_slice %arg3[%select_n3A, %add3A_553, %dma_wait3A_1481, %dma_wait3A_1482, %dma_wait3A_1483] : memref<16x256x16x8x128xf32, #tpu.memory_space<hbm>> -> memref<1x2x1x8x128xf32, #tpu.memory_space<hbm>>
      %dma_wait3A_1485 = tpu.memref_squeeze %dma_wait3A_1484 : memref<1x2x1x8x128xf32, #tpu.memory_space<hbm>> -> memref<2x1x8x128xf32, #tpu.memory_space<hbm>>
      %dma_wait3A_1486 = arith.constant 15 : i32
      %dma_wait3A_1487 = arith.constant 0 : i32
      %dma_wait3A_1488 = arith.constant 0 : i32
      %dma_wait3A_1489 = tpu.memref_slice %arg3[%select_n3A, %add3A_553, %dma_wait3A_1486, %dma_wait3A_1487, %dma_wait3A_1488] : memref<16x256x16x8x128xf32, #tpu.memory_space<hbm>> -> memref<1x2x1x8x128xf32, #tpu.memory_space<hbm>>
      %dma_wait3A_1490 = tpu.memref_squeeze %dma_wait3A_1489 : memref<1x2x1x8x128xf32, #tpu.memory_space<hbm>> -> memref<2x1x8x128xf32, #tpu.memory_space<hbm>>
      %dma_wait3A_1491 = arith.constant 0 : i32
      %dma_wait3A_1492 = arith.constant 0 : i32
      %dma_wait3A_1493 = arith.constant 0 : i32
      %dma_wait3A_1494 = tpu.memref_slice %arg4[%dma_wait3A_1491, %dma_wait3A_1492, %dma_wait3A_1493, %add3A_859] : memref<2x1x8x4224xf32, #tpu.memory_space<vmem>> -> memref<2x1x8x128xf32, #tpu.memory_space<vmem>>
      tpu.wait_dma2 semaphore(%arg5 : memref<!tpu.dma_semaphore, #tpu.memory_space<semaphore_mem>>) src(%dma_wait3A_1494 : memref<2x1x8x128xf32, #tpu.memory_space<vmem>>) dst(%dma_wait3A_1490 : memref<2x1x8x128xf32, #tpu.memory_space<hbm>>)
      %dma_wait3A_1495 = arith.constant 0 : i32
      %dma_wait3A_1496 = arith.constant 0 : i32
      %dma_wait3A_1497 = arith.constant 0 : i32
      %dma_wait3A_1498 = tpu.memref_slice %arg4[%dma_wait3A_1495, %dma_wait3A_1496, %dma_wait3A_1497, %add3A_888] : memref<2x1x8x4224xf32, #tpu.memory_space<vmem>> -> memref<2x1x8x128xf32, #tpu.memory_space<vmem>>
      %dma_wait3A_1499 = arith.constant 0 : i32
      %dma_wait3A_1500 = arith.constant 0 : i32
      %dma_wait3A_1501 = arith.constant 0 : i32
      %dma_wait3A_1502 = tpu.memref_slice %arg3[%select_n3A, %add3A_882, %dma_wait3A_1499, %dma_wait3A_1500, %dma_wait3A_1501] : memref<16x256x16x8x128xf32, #tpu.memory_space<hbm>> -> memref<1x2x1x8x128xf32, #tpu.memory_space<hbm>>
      %dma_wait3A_1503 = tpu.memref_squeeze %dma_wait3A_1502 : memref<1x2x1x8x128xf32, #tpu.memory_space<hbm>> -> memref<2x1x8x128xf32, #tpu.memory_space<hbm>>
      %dma_wait3A_1504 = arith.constant 0 : i32
      %dma_wait3A_1505 = arith.constant 0 : i32
      %dma_wait3A_1506 = arith.constant 0 : i32
      %dma_wait3A_1507 = tpu.memref_slice %arg3[%select_n3A, %add3A_882, %dma_wait3A_1504, %dma_wait3A_1505, %dma_wait3A_1506] : memref<16x256x16x8x128xf32, #tpu.memory_space<hbm>> -> memref<1x2x1x8x128xf32, #tpu.memory_space<hbm>>
      %dma_wait3A_1508 = tpu.memref_squeeze %dma_wait3A_1507 : memref<1x2x1x8x128xf32, #tpu.memory_space<hbm>> -> memref<2x1x8x128xf32, #tpu.memory_space<hbm>>
      %dma_wait3A_1509 = arith.constant 0 : i32
      %dma_wait3A_1510 = arith.constant 0 : i32
      %dma_wait3A_1511 = arith.constant 0 : i32
      %dma_wait3A_1512 = tpu.memref_slice %arg4[%dma_wait3A_1509, %dma_wait3A_1510, %dma_wait3A_1511, %add3A_888] : memref<2x1x8x4224xf32, #tpu.memory_space<vmem>> -> memref<2x1x8x128xf32, #tpu.memory_space<vmem>>
      tpu.wait_dma2 semaphore(%arg5 : memref<!tpu.dma_semaphore, #tpu.memory_space<semaphore_mem>>) src(%dma_wait3A_1512 : memref<2x1x8x128xf32, #tpu.memory_space<vmem>>) dst(%dma_wait3A_1508 : memref<2x1x8x128xf32, #tpu.memory_space<hbm>>)
      %dma_wait3A_1513 = arith.constant 0 : i32
      %dma_wait3A_1514 = arith.constant 0 : i32
      %dma_wait3A_1515 = arith.constant 0 : i32
      %dma_wait3A_1516 = tpu.memref_slice %arg4[%dma_wait3A_1513, %dma_wait3A_1514, %dma_wait3A_1515, %add3A_908] : memref<2x1x8x4224xf32, #tpu.memory_space<vmem>> -> memref<2x1x8x128xf32, #tpu.memory_space<vmem>>
      %dma_wait3A_1517 = arith.constant 1 : i32
      %dma_wait3A_1518 = arith.constant 0 : i32
      %dma_wait3A_1519 = arith.constant 0 : i32
      %dma_wait3A_1520 = tpu.memref_slice %arg3[%select_n3A, %add3A_882, %dma_wait3A_1517, %dma_wait3A_1518, %dma_wait3A_1519] : memref<16x256x16x8x128xf32, #tpu.memory_space<hbm>> -> memref<1x2x1x8x128xf32, #tpu.memory_space<hbm>>
      %dma_wait3A_1521 = tpu.memref_squeeze %dma_wait3A_1520 : memref<1x2x1x8x128xf32, #tpu.memory_space<hbm>> -> memref<2x1x8x128xf32, #tpu.memory_space<hbm>>
      %dma_wait3A_1522 = arith.constant 1 : i32
      %dma_wait3A_1523 = arith.constant 0 : i32
      %dma_wait3A_1524 = arith.constant 0 : i32
      %dma_wait3A_1525 = tpu.memref_slice %arg3[%select_n3A, %add3A_882, %dma_wait3A_1522, %dma_wait3A_1523, %dma_wait3A_1524] : memref<16x256x16x8x128xf32, #tpu.memory_space<hbm>> -> memref<1x2x1x8x128xf32, #tpu.memory_space<hbm>>
      %dma_wait3A_1526 = tpu.memref_squeeze %dma_wait3A_1525 : memref<1x2x1x8x128xf32, #tpu.memory_space<hbm>> -> memref<2x1x8x128xf32, #tpu.memory_space<hbm>>
      %dma_wait3A_1527 = arith.constant 0 : i32
      %dma_wait3A_1528 = arith.constant 0 : i32
      %dma_wait3A_1529 = arith.constant 0 : i32
      %dma_wait3A_1530 = tpu.memref_slice %arg4[%dma_wait3A_1527, %dma_wait3A_1528, %dma_wait3A_1529, %add3A_908] : memref<2x1x8x4224xf32, #tpu.memory_space<vmem>> -> memref<2x1x8x128xf32, #tpu.memory_space<vmem>>
      tpu.wait_dma2 semaphore(%arg5 : memref<!tpu.dma_semaphore, #tpu.memory_space<semaphore_mem>>) src(%dma_wait3A_1530 : memref<2x1x8x128xf32, #tpu.memory_space<vmem>>) dst(%dma_wait3A_1526 : memref<2x1x8x128xf32, #tpu.memory_space<hbm>>)
      %dma_wait3A_1531 = arith.constant 0 : i32
      %dma_wait3A_1532 = arith.constant 0 : i32
      %dma_wait3A_1533 = arith.constant 0 : i32
      %dma_wait3A_1534 = tpu.memref_slice %arg4[%dma_wait3A_1531, %dma_wait3A_1532, %dma_wait3A_1533, %add3A_928] : memref<2x1x8x4224xf32, #tpu.memory_space<vmem>> -> memref<2x1x8x128xf32, #tpu.memory_space<vmem>>
      %dma_wait3A_1535 = arith.constant 2 : i32
      %dma_wait3A_1536 = arith.constant 0 : i32
      %dma_wait3A_1537 = arith.constant 0 : i32
      %dma_wait3A_1538 = tpu.memref_slice %arg3[%select_n3A, %add3A_882, %dma_wait3A_1535, %dma_wait3A_1536, %dma_wait3A_1537] : memref<16x256x16x8x128xf32, #tpu.memory_space<hbm>> -> memref<1x2x1x8x128xf32, #tpu.memory_space<hbm>>
      %dma_wait3A_1539 = tpu.memref_squeeze %dma_wait3A_1538 : memref<1x2x1x8x128xf32, #tpu.memory_space<hbm>> -> memref<2x1x8x128xf32, #tpu.memory_space<hbm>>
      %dma_wait3A_1540 = arith.constant 2 : i32
      %dma_wait3A_1541 = arith.constant 0 : i32
      %dma_wait3A_1542 = arith.constant 0 : i32
      %dma_wait3A_1543 = tpu.memref_slice %arg3[%select_n3A, %add3A_882, %dma_wait3A_1540, %dma_wait3A_1541, %dma_wait3A_1542] : memref<16x256x16x8x128xf32, #tpu.memory_space<hbm>> -> memref<1x2x1x8x128xf32, #tpu.memory_space<hbm>>
      %dma_wait3A_1544 = tpu.memref_squeeze %dma_wait3A_1543 : memref<1x2x1x8x128xf32, #tpu.memory_space<hbm>> -> memref<2x1x8x128xf32, #tpu.memory_space<hbm>>
      %dma_wait3A_1545 = arith.constant 0 : i32
      %dma_wait3A_1546 = arith.constant 0 : i32
      %dma_wait3A_1547 = arith.constant 0 : i32
      %dma_wait3A_1548 = tpu.memref_slice %arg4[%dma_wait3A_1545, %dma_wait3A_1546, %dma_wait3A_1547, %add3A_928] : memref<2x1x8x4224xf32, #tpu.memory_space<vmem>> -> memref<2x1x8x128xf32, #tpu.memory_space<vmem>>
      tpu.wait_dma2 semaphore(%arg5 : memref<!tpu.dma_semaphore, #tpu.memory_space<semaphore_mem>>) src(%dma_wait3A_1548 : memref<2x1x8x128xf32, #tpu.memory_space<vmem>>) dst(%dma_wait3A_1544 : memref<2x1x8x128xf32, #tpu.memory_space<hbm>>)
      %dma_wait3A_1549 = arith.constant 0 : i32
      %dma_wait3A_1550 = arith.constant 0 : i32
      %dma_wait3A_1551 = arith.constant 0 : i32
      %dma_wait3A_1552 = tpu.memref_slice %arg4[%dma_wait3A_1549, %dma_wait3A_1550, %dma_wait3A_1551, %add3A_948] : memref<2x1x8x4224xf32, #tpu.memory_space<vmem>> -> memref<2x1x8x128xf32, #tpu.memory_space<vmem>>
      %dma_wait3A_1553 = arith.constant 3 : i32
      %dma_wait3A_1554 = arith.constant 0 : i32
      %dma_wait3A_1555 = arith.constant 0 : i32
      %dma_wait3A_1556 = tpu.memref_slice %arg3[%select_n3A, %add3A_882, %dma_wait3A_1553, %dma_wait3A_1554, %dma_wait3A_1555] : memref<16x256x16x8x128xf32, #tpu.memory_space<hbm>> -> memref<1x2x1x8x128xf32, #tpu.memory_space<hbm>>
      %dma_wait3A_1557 = tpu.memref_squeeze %dma_wait3A_1556 : memref<1x2x1x8x128xf32, #tpu.memory_space<hbm>> -> memref<2x1x8x128xf32, #tpu.memory_space<hbm>>
      %dma_wait3A_1558 = arith.constant 3 : i32
      %dma_wait3A_1559 = arith.constant 0 : i32
      %dma_wait3A_1560 = arith.constant 0 : i32
      %dma_wait3A_1561 = tpu.memref_slice %arg3[%select_n3A, %add3A_882, %dma_wait3A_1558, %dma_wait3A_1559, %dma_wait3A_1560] : memref<16x256x16x8x128xf32, #tpu.memory_space<hbm>> -> memref<1x2x1x8x128xf32, #tpu.memory_space<hbm>>
      %dma_wait3A_1562 = tpu.memref_squeeze %dma_wait3A_1561 : memref<1x2x1x8x128xf32, #tpu.memory_space<hbm>> -> memref<2x1x8x128xf32, #tpu.memory_space<hbm>>
      %dma_wait3A_1563 = arith.constant 0 : i32
      %dma_wait3A_1564 = arith.constant 0 : i32
      %dma_wait3A_1565 = arith.constant 0 : i32
      %dma_wait3A_1566 = tpu.memref_slice %arg4[%dma_wait3A_1563, %dma_wait3A_1564, %dma_wait3A_1565, %add3A_948] : memref<2x1x8x4224xf32, #tpu.memory_space<vmem>> -> memref<2x1x8x128xf32, #tpu.memory_space<vmem>>
      tpu.wait_dma2 semaphore(%arg5 : memref<!tpu.dma_semaphore, #tpu.memory_space<semaphore_mem>>) src(%dma_wait3A_1566 : memref<2x1x8x128xf32, #tpu.memory_space<vmem>>) dst(%dma_wait3A_1562 : memref<2x1x8x128xf32, #tpu.memory_space<hbm>>)
      %dma_wait3A_1567 = arith.constant 0 : i32
      %dma_wait3A_1568 = arith.constant 0 : i32
      %dma_wait3A_1569 = arith.constant 0 : i32
      %dma_wait3A_1570 = tpu.memref_slice %arg4[%dma_wait3A_1567, %dma_wait3A_1568, %dma_wait3A_1569, %add3A_968] : memref<2x1x8x4224xf32, #tpu.memory_space<vmem>> -> memref<2x1x8x128xf32, #tpu.memory_space<vmem>>
      %dma_wait3A_1571 = arith.constant 4 : i32
      %dma_wait3A_1572 = arith.constant 0 : i32
      %dma_wait3A_1573 = arith.constant 0 : i32
      %dma_wait3A_1574 = tpu.memref_slice %arg3[%select_n3A, %add3A_882, %dma_wait3A_1571, %dma_wait3A_1572, %dma_wait3A_1573] : memref<16x256x16x8x128xf32, #tpu.memory_space<hbm>> -> memref<1x2x1x8x128xf32, #tpu.memory_space<hbm>>
      %dma_wait3A_1575 = tpu.memref_squeeze %dma_wait3A_1574 : memref<1x2x1x8x128xf32, #tpu.memory_space<hbm>> -> memref<2x1x8x128xf32, #tpu.memory_space<hbm>>
      %dma_wait3A_1576 = arith.constant 4 : i32
      %dma_wait3A_1577 = arith.constant 0 : i32
      %dma_wait3A_1578 = arith.constant 0 : i32
      %dma_wait3A_1579 = tpu.memref_slice %arg3[%select_n3A, %add3A_882, %dma_wait3A_1576, %dma_wait3A_1577, %dma_wait3A_1578] : memref<16x256x16x8x128xf32, #tpu.memory_space<hbm>> -> memref<1x2x1x8x128xf32, #tpu.memory_space<hbm>>
      %dma_wait3A_1580 = tpu.memref_squeeze %dma_wait3A_1579 : memref<1x2x1x8x128xf32, #tpu.memory_space<hbm>> -> memref<2x1x8x128xf32, #tpu.memory_space<hbm>>
      %dma_wait3A_1581 = arith.constant 0 : i32
      %dma_wait3A_1582 = arith.constant 0 : i32
      %dma_wait3A_1583 = arith.constant 0 : i32
      %dma_wait3A_1584 = tpu.memref_slice %arg4[%dma_wait3A_1581, %dma_wait3A_1582, %dma_wait3A_1583, %add3A_968] : memref<2x1x8x4224xf32, #tpu.memory_space<vmem>> -> memref<2x1x8x128xf32, #tpu.memory_space<vmem>>
      tpu.wait_dma2 semaphore(%arg5 : memref<!tpu.dma_semaphore, #tpu.memory_space<semaphore_mem>>) src(%dma_wait3A_1584 : memref<2x1x8x128xf32, #tpu.memory_space<vmem>>) dst(%dma_wait3A_1580 : memref<2x1x8x128xf32, #tpu.memory_space<hbm>>)
      %dma_wait3A_1585 = arith.constant 0 : i32
      %dma_wait3A_1586 = arith.constant 0 : i32
      %dma_wait3A_1587 = arith.constant 0 : i32
      %dma_wait3A_1588 = tpu.memref_slice %arg4[%dma_wait3A_1585, %dma_wait3A_1586, %dma_wait3A_1587, %add3A_988] : memref<2x1x8x4224xf32, #tpu.memory_space<vmem>> -> memref<2x1x8x128xf32, #tpu.memory_space<vmem>>
      %dma_wait3A_1589 = arith.constant 5 : i32
      %dma_wait3A_1590 = arith.constant 0 : i32
      %dma_wait3A_1591 = arith.constant 0 : i32
      %dma_wait3A_1592 = tpu.memref_slice %arg3[%select_n3A, %add3A_882, %dma_wait3A_1589, %dma_wait3A_1590, %dma_wait3A_1591] : memref<16x256x16x8x128xf32, #tpu.memory_space<hbm>> -> memref<1x2x1x8x128xf32, #tpu.memory_space<hbm>>
      %dma_wait3A_1593 = tpu.memref_squeeze %dma_wait3A_1592 : memref<1x2x1x8x128xf32, #tpu.memory_space<hbm>> -> memref<2x1x8x128xf32, #tpu.memory_space<hbm>>
      %dma_wait3A_1594 = arith.constant 5 : i32
      %dma_wait3A_1595 = arith.constant 0 : i32
      %dma_wait3A_1596 = arith.constant 0 : i32
      %dma_wait3A_1597 = tpu.memref_slice %arg3[%select_n3A, %add3A_882, %dma_wait3A_1594, %dma_wait3A_1595, %dma_wait3A_1596] : memref<16x256x16x8x128xf32, #tpu.memory_space<hbm>> -> memref<1x2x1x8x128xf32, #tpu.memory_space<hbm>>
      %dma_wait3A_1598 = tpu.memref_squeeze %dma_wait3A_1597 : memref<1x2x1x8x128xf32, #tpu.memory_space<hbm>> -> memref<2x1x8x128xf32, #tpu.memory_space<hbm>>
      %dma_wait3A_1599 = arith.constant 0 : i32
      %dma_wait3A_1600 = arith.constant 0 : i32
      %dma_wait3A_1601 = arith.constant 0 : i32
      %dma_wait3A_1602 = tpu.memref_slice %arg4[%dma_wait3A_1599, %dma_wait3A_1600, %dma_wait3A_1601, %add3A_988] : memref<2x1x8x4224xf32, #tpu.memory_space<vmem>> -> memref<2x1x8x128xf32, #tpu.memory_space<vmem>>
      tpu.wait_dma2 semaphore(%arg5 : memref<!tpu.dma_semaphore, #tpu.memory_space<semaphore_mem>>) src(%dma_wait3A_1602 : memref<2x1x8x128xf32, #tpu.memory_space<vmem>>) dst(%dma_wait3A_1598 : memref<2x1x8x128xf32, #tpu.memory_space<hbm>>)
      %dma_wait3A_1603 = arith.constant 0 : i32
      %dma_wait3A_1604 = arith.constant 0 : i32
      %dma_wait3A_1605 = arith.constant 0 : i32
      %dma_wait3A_1606 = tpu.memref_slice %arg4[%dma_wait3A_1603, %dma_wait3A_1604, %dma_wait3A_1605, %add3A_1008] : memref<2x1x8x4224xf32, #tpu.memory_space<vmem>> -> memref<2x1x8x128xf32, #tpu.memory_space<vmem>>
      %dma_wait3A_1607 = arith.constant 6 : i32
      %dma_wait3A_1608 = arith.constant 0 : i32
      %dma_wait3A_1609 = arith.constant 0 : i32
      %dma_wait3A_1610 = tpu.memref_slice %arg3[%select_n3A, %add3A_882, %dma_wait3A_1607, %dma_wait3A_1608, %dma_wait3A_1609] : memref<16x256x16x8x128xf32, #tpu.memory_space<hbm>> -> memref<1x2x1x8x128xf32, #tpu.memory_space<hbm>>
      %dma_wait3A_1611 = tpu.memref_squeeze %dma_wait3A_1610 : memref<1x2x1x8x128xf32, #tpu.memory_space<hbm>> -> memref<2x1x8x128xf32, #tpu.memory_space<hbm>>
      %dma_wait3A_1612 = arith.constant 6 : i32
      %dma_wait3A_1613 = arith.constant 0 : i32
      %dma_wait3A_1614 = arith.constant 0 : i32
      %dma_wait3A_1615 = tpu.memref_slice %arg3[%select_n3A, %add3A_882, %dma_wait3A_1612, %dma_wait3A_1613, %dma_wait3A_1614] : memref<16x256x16x8x128xf32, #tpu.memory_space<hbm>> -> memref<1x2x1x8x128xf32, #tpu.memory_space<hbm>>
      %dma_wait3A_1616 = tpu.memref_squeeze %dma_wait3A_1615 : memref<1x2x1x8x128xf32, #tpu.memory_space<hbm>> -> memref<2x1x8x128xf32, #tpu.memory_space<hbm>>
      %dma_wait3A_1617 = arith.constant 0 : i32
      %dma_wait3A_1618 = arith.constant 0 : i32
      %dma_wait3A_1619 = arith.constant 0 : i32
      %dma_wait3A_1620 = tpu.memref_slice %arg4[%dma_wait3A_1617, %dma_wait3A_1618, %dma_wait3A_1619, %add3A_1008] : memref<2x1x8x4224xf32, #tpu.memory_space<vmem>> -> memref<2x1x8x128xf32, #tpu.memory_space<vmem>>
      tpu.wait_dma2 semaphore(%arg5 : memref<!tpu.dma_semaphore, #tpu.memory_space<semaphore_mem>>) src(%dma_wait3A_1620 : memref<2x1x8x128xf32, #tpu.memory_space<vmem>>) dst(%dma_wait3A_1616 : memref<2x1x8x128xf32, #tpu.memory_space<hbm>>)
      %dma_wait3A_1621 = arith.constant 0 : i32
      %dma_wait3A_1622 = arith.constant 0 : i32
      %dma_wait3A_1623 = arith.constant 0 : i32
      %dma_wait3A_1624 = tpu.memref_slice %arg4[%dma_wait3A_1621, %dma_wait3A_1622, %dma_wait3A_1623, %add3A_1028] : memref<2x1x8x4224xf32, #tpu.memory_space<vmem>> -> memref<2x1x8x128xf32, #tpu.memory_space<vmem>>
      %dma_wait3A_1625 = arith.constant 7 : i32
      %dma_wait3A_1626 = arith.constant 0 : i32
      %dma_wait3A_1627 = arith.constant 0 : i32
      %dma_wait3A_1628 = tpu.memref_slice %arg3[%select_n3A, %add3A_882, %dma_wait3A_1625, %dma_wait3A_1626, %dma_wait3A_1627] : memref<16x256x16x8x128xf32, #tpu.memory_space<hbm>> -> memref<1x2x1x8x128xf32, #tpu.memory_space<hbm>>
      %dma_wait3A_1629 = tpu.memref_squeeze %dma_wait3A_1628 : memref<1x2x1x8x128xf32, #tpu.memory_space<hbm>> -> memref<2x1x8x128xf32, #tpu.memory_space<hbm>>
      %dma_wait3A_1630 = arith.constant 7 : i32
      %dma_wait3A_1631 = arith.constant 0 : i32
      %dma_wait3A_1632 = arith.constant 0 : i32
      %dma_wait3A_1633 = tpu.memref_slice %arg3[%select_n3A, %add3A_882, %dma_wait3A_1630, %dma_wait3A_1631, %dma_wait3A_1632] : memref<16x256x16x8x128xf32, #tpu.memory_space<hbm>> -> memref<1x2x1x8x128xf32, #tpu.memory_space<hbm>>
      %dma_wait3A_1634 = tpu.memref_squeeze %dma_wait3A_1633 : memref<1x2x1x8x128xf32, #tpu.memory_space<hbm>> -> memref<2x1x8x128xf32, #tpu.memory_space<hbm>>
      %dma_wait3A_1635 = arith.constant 0 : i32
      %dma_wait3A_1636 = arith.constant 0 : i32
      %dma_wait3A_1637 = arith.constant 0 : i32
      %dma_wait3A_1638 = tpu.memref_slice %arg4[%dma_wait3A_1635, %dma_wait3A_1636, %dma_wait3A_1637, %add3A_1028] : memref<2x1x8x4224xf32, #tpu.memory_space<vmem>> -> memref<2x1x8x128xf32, #tpu.memory_space<vmem>>
      tpu.wait_dma2 semaphore(%arg5 : memref<!tpu.dma_semaphore, #tpu.memory_space<semaphore_mem>>) src(%dma_wait3A_1638 : memref<2x1x8x128xf32, #tpu.memory_space<vmem>>) dst(%dma_wait3A_1634 : memref<2x1x8x128xf32, #tpu.memory_space<hbm>>)
      %dma_wait3A_1639 = arith.constant 0 : i32
      %dma_wait3A_1640 = arith.constant 0 : i32
      %dma_wait3A_1641 = arith.constant 0 : i32
      %dma_wait3A_1642 = tpu.memref_slice %arg4[%dma_wait3A_1639, %dma_wait3A_1640, %dma_wait3A_1641, %add3A_1048] : memref<2x1x8x4224xf32, #tpu.memory_space<vmem>> -> memref<2x1x8x128xf32, #tpu.memory_space<vmem>>
      %dma_wait3A_1643 = arith.constant 8 : i32
      %dma_wait3A_1644 = arith.constant 0 : i32
      %dma_wait3A_1645 = arith.constant 0 : i32
      %dma_wait3A_1646 = tpu.memref_slice %arg3[%select_n3A, %add3A_882, %dma_wait3A_1643, %dma_wait3A_1644, %dma_wait3A_1645] : memref<16x256x16x8x128xf32, #tpu.memory_space<hbm>> -> memref<1x2x1x8x128xf32, #tpu.memory_space<hbm>>
      %dma_wait3A_1647 = tpu.memref_squeeze %dma_wait3A_1646 : memref<1x2x1x8x128xf32, #tpu.memory_space<hbm>> -> memref<2x1x8x128xf32, #tpu.memory_space<hbm>>
      %dma_wait3A_1648 = arith.constant 8 : i32
      %dma_wait3A_1649 = arith.constant 0 : i32
      %dma_wait3A_1650 = arith.constant 0 : i32
      %dma_wait3A_1651 = tpu.memref_slice %arg3[%select_n3A, %add3A_882, %dma_wait3A_1648, %dma_wait3A_1649, %dma_wait3A_1650] : memref<16x256x16x8x128xf32, #tpu.memory_space<hbm>> -> memref<1x2x1x8x128xf32, #tpu.memory_space<hbm>>
      %dma_wait3A_1652 = tpu.memref_squeeze %dma_wait3A_1651 : memref<1x2x1x8x128xf32, #tpu.memory_space<hbm>> -> memref<2x1x8x128xf32, #tpu.memory_space<hbm>>
      %dma_wait3A_1653 = arith.constant 0 : i32
      %dma_wait3A_1654 = arith.constant 0 : i32
      %dma_wait3A_1655 = arith.constant 0 : i32
      %dma_wait3A_1656 = tpu.memref_slice %arg4[%dma_wait3A_1653, %dma_wait3A_1654, %dma_wait3A_1655, %add3A_1048] : memref<2x1x8x4224xf32, #tpu.memory_space<vmem>> -> memref<2x1x8x128xf32, #tpu.memory_space<vmem>>
      tpu.wait_dma2 semaphore(%arg5 : memref<!tpu.dma_semaphore, #tpu.memory_space<semaphore_mem>>) src(%dma_wait3A_1656 : memref<2x1x8x128xf32, #tpu.memory_space<vmem>>) dst(%dma_wait3A_1652 : memref<2x1x8x128xf32, #tpu.memory_space<hbm>>)
      %dma_wait3A_1657 = arith.constant 0 : i32
      %dma_wait3A_1658 = arith.constant 0 : i32
      %dma_wait3A_1659 = arith.constant 0 : i32
      %dma_wait3A_1660 = tpu.memref_slice %arg4[%dma_wait3A_1657, %dma_wait3A_1658, %dma_wait3A_1659, %add3A_1068] : memref<2x1x8x4224xf32, #tpu.memory_space<vmem>> -> memref<2x1x8x128xf32, #tpu.memory_space<vmem>>
      %dma_wait3A_1661 = arith.constant 9 : i32
      %dma_wait3A_1662 = arith.constant 0 : i32
      %dma_wait3A_1663 = arith.constant 0 : i32
      %dma_wait3A_1664 = tpu.memref_slice %arg3[%select_n3A, %add3A_882, %dma_wait3A_1661, %dma_wait3A_1662, %dma_wait3A_1663] : memref<16x256x16x8x128xf32, #tpu.memory_space<hbm>> -> memref<1x2x1x8x128xf32, #tpu.memory_space<hbm>>
      %dma_wait3A_1665 = tpu.memref_squeeze %dma_wait3A_1664 : memref<1x2x1x8x128xf32, #tpu.memory_space<hbm>> -> memref<2x1x8x128xf32, #tpu.memory_space<hbm>>
      %dma_wait3A_1666 = arith.constant 9 : i32
      %dma_wait3A_1667 = arith.constant 0 : i32
      %dma_wait3A_1668 = arith.constant 0 : i32
      %dma_wait3A_1669 = tpu.memref_slice %arg3[%select_n3A, %add3A_882, %dma_wait3A_1666, %dma_wait3A_1667, %dma_wait3A_1668] : memref<16x256x16x8x128xf32, #tpu.memory_space<hbm>> -> memref<1x2x1x8x128xf32, #tpu.memory_space<hbm>>
      %dma_wait3A_1670 = tpu.memref_squeeze %dma_wait3A_1669 : memref<1x2x1x8x128xf32, #tpu.memory_space<hbm>> -> memref<2x1x8x128xf32, #tpu.memory_space<hbm>>
      %dma_wait3A_1671 = arith.constant 0 : i32
      %dma_wait3A_1672 = arith.constant 0 : i32
      %dma_wait3A_1673 = arith.constant 0 : i32
      %dma_wait3A_1674 = tpu.memref_slice %arg4[%dma_wait3A_1671, %dma_wait3A_1672, %dma_wait3A_1673, %add3A_1068] : memref<2x1x8x4224xf32, #tpu.memory_space<vmem>> -> memref<2x1x8x128xf32, #tpu.memory_space<vmem>>
      tpu.wait_dma2 semaphore(%arg5 : memref<!tpu.dma_semaphore, #tpu.memory_space<semaphore_mem>>) src(%dma_wait3A_1674 : memref<2x1x8x128xf32, #tpu.memory_space<vmem>>) dst(%dma_wait3A_1670 : memref<2x1x8x128xf32, #tpu.memory_space<hbm>>)
      %dma_wait3A_1675 = arith.constant 0 : i32
      %dma_wait3A_1676 = arith.constant 0 : i32
      %dma_wait3A_1677 = arith.constant 0 : i32
      %dma_wait3A_1678 = tpu.memref_slice %arg4[%dma_wait3A_1675, %dma_wait3A_1676, %dma_wait3A_1677, %add3A_1088] : memref<2x1x8x4224xf32, #tpu.memory_space<vmem>> -> memref<2x1x8x128xf32, #tpu.memory_space<vmem>>
      %dma_wait3A_1679 = arith.constant 10 : i32
      %dma_wait3A_1680 = arith.constant 0 : i32
      %dma_wait3A_1681 = arith.constant 0 : i32
      %dma_wait3A_1682 = tpu.memref_slice %arg3[%select_n3A, %add3A_882, %dma_wait3A_1679, %dma_wait3A_1680, %dma_wait3A_1681] : memref<16x256x16x8x128xf32, #tpu.memory_space<hbm>> -> memref<1x2x1x8x128xf32, #tpu.memory_space<hbm>>
      %dma_wait3A_1683 = tpu.memref_squeeze %dma_wait3A_1682 : memref<1x2x1x8x128xf32, #tpu.memory_space<hbm>> -> memref<2x1x8x128xf32, #tpu.memory_space<hbm>>
      %dma_wait3A_1684 = arith.constant 10 : i32
      %dma_wait3A_1685 = arith.constant 0 : i32
      %dma_wait3A_1686 = arith.constant 0 : i32
      %dma_wait3A_1687 = tpu.memref_slice %arg3[%select_n3A, %add3A_882, %dma_wait3A_1684, %dma_wait3A_1685, %dma_wait3A_1686] : memref<16x256x16x8x128xf32, #tpu.memory_space<hbm>> -> memref<1x2x1x8x128xf32, #tpu.memory_space<hbm>>
      %dma_wait3A_1688 = tpu.memref_squeeze %dma_wait3A_1687 : memref<1x2x1x8x128xf32, #tpu.memory_space<hbm>> -> memref<2x1x8x128xf32, #tpu.memory_space<hbm>>
      %dma_wait3A_1689 = arith.constant 0 : i32
      %dma_wait3A_1690 = arith.constant 0 : i32
      %dma_wait3A_1691 = arith.constant 0 : i32
      %dma_wait3A_1692 = tpu.memref_slice %arg4[%dma_wait3A_1689, %dma_wait3A_1690, %dma_wait3A_1691, %add3A_1088] : memref<2x1x8x4224xf32, #tpu.memory_space<vmem>> -> memref<2x1x8x128xf32, #tpu.memory_space<vmem>>
      tpu.wait_dma2 semaphore(%arg5 : memref<!tpu.dma_semaphore, #tpu.memory_space<semaphore_mem>>) src(%dma_wait3A_1692 : memref<2x1x8x128xf32, #tpu.memory_space<vmem>>) dst(%dma_wait3A_1688 : memref<2x1x8x128xf32, #tpu.memory_space<hbm>>)
      %dma_wait3A_1693 = arith.constant 0 : i32
      %dma_wait3A_1694 = arith.constant 0 : i32
      %dma_wait3A_1695 = arith.constant 0 : i32
      %dma_wait3A_1696 = tpu.memref_slice %arg4[%dma_wait3A_1693, %dma_wait3A_1694, %dma_wait3A_1695, %add3A_1108] : memref<2x1x8x4224xf32, #tpu.memory_space<vmem>> -> memref<2x1x8x128xf32, #tpu.memory_space<vmem>>
      %dma_wait3A_1697 = arith.constant 11 : i32
      %dma_wait3A_1698 = arith.constant 0 : i32
      %dma_wait3A_1699 = arith.constant 0 : i32
      %dma_wait3A_1700 = tpu.memref_slice %arg3[%select_n3A, %add3A_882, %dma_wait3A_1697, %dma_wait3A_1698, %dma_wait3A_1699] : memref<16x256x16x8x128xf32, #tpu.memory_space<hbm>> -> memref<1x2x1x8x128xf32, #tpu.memory_space<hbm>>
      %dma_wait3A_1701 = tpu.memref_squeeze %dma_wait3A_1700 : memref<1x2x1x8x128xf32, #tpu.memory_space<hbm>> -> memref<2x1x8x128xf32, #tpu.memory_space<hbm>>
      %dma_wait3A_1702 = arith.constant 11 : i32
      %dma_wait3A_1703 = arith.constant 0 : i32
      %dma_wait3A_1704 = arith.constant 0 : i32
      %dma_wait3A_1705 = tpu.memref_slice %arg3[%select_n3A, %add3A_882, %dma_wait3A_1702, %dma_wait3A_1703, %dma_wait3A_1704] : memref<16x256x16x8x128xf32, #tpu.memory_space<hbm>> -> memref<1x2x1x8x128xf32, #tpu.memory_space<hbm>>
      %dma_wait3A_1706 = tpu.memref_squeeze %dma_wait3A_1705 : memref<1x2x1x8x128xf32, #tpu.memory_space<hbm>> -> memref<2x1x8x128xf32, #tpu.memory_space<hbm>>
      %dma_wait3A_1707 = arith.constant 0 : i32
      %dma_wait3A_1708 = arith.constant 0 : i32
      %dma_wait3A_1709 = arith.constant 0 : i32
      %dma_wait3A_1710 = tpu.memref_slice %arg4[%dma_wait3A_1707, %dma_wait3A_1708, %dma_wait3A_1709, %add3A_1108] : memref<2x1x8x4224xf32, #tpu.memory_space<vmem>> -> memref<2x1x8x128xf32, #tpu.memory_space<vmem>>
      tpu.wait_dma2 semaphore(%arg5 : memref<!tpu.dma_semaphore, #tpu.memory_space<semaphore_mem>>) src(%dma_wait3A_1710 : memref<2x1x8x128xf32, #tpu.memory_space<vmem>>) dst(%dma_wait3A_1706 : memref<2x1x8x128xf32, #tpu.memory_space<hbm>>)
      %dma_wait3A_1711 = arith.constant 0 : i32
      %dma_wait3A_1712 = arith.constant 0 : i32
      %dma_wait3A_1713 = arith.constant 0 : i32
      %dma_wait3A_1714 = tpu.memref_slice %arg4[%dma_wait3A_1711, %dma_wait3A_1712, %dma_wait3A_1713, %add3A_1128] : memref<2x1x8x4224xf32, #tpu.memory_space<vmem>> -> memref<2x1x8x128xf32, #tpu.memory_space<vmem>>
      %dma_wait3A_1715 = arith.constant 12 : i32
      %dma_wait3A_1716 = arith.constant 0 : i32
      %dma_wait3A_1717 = arith.constant 0 : i32
      %dma_wait3A_1718 = tpu.memref_slice %arg3[%select_n3A, %add3A_882, %dma_wait3A_1715, %dma_wait3A_1716, %dma_wait3A_1717] : memref<16x256x16x8x128xf32, #tpu.memory_space<hbm>> -> memref<1x2x1x8x128xf32, #tpu.memory_space<hbm>>
      %dma_wait3A_1719 = tpu.memref_squeeze %dma_wait3A_1718 : memref<1x2x1x8x128xf32, #tpu.memory_space<hbm>> -> memref<2x1x8x128xf32, #tpu.memory_space<hbm>>
      %dma_wait3A_1720 = arith.constant 12 : i32
      %dma_wait3A_1721 = arith.constant 0 : i32
      %dma_wait3A_1722 = arith.constant 0 : i32
      %dma_wait3A_1723 = tpu.memref_slice %arg3[%select_n3A, %add3A_882, %dma_wait3A_1720, %dma_wait3A_1721, %dma_wait3A_1722] : memref<16x256x16x8x128xf32, #tpu.memory_space<hbm>> -> memref<1x2x1x8x128xf32, #tpu.memory_space<hbm>>
      %dma_wait3A_1724 = tpu.memref_squeeze %dma_wait3A_1723 : memref<1x2x1x8x128xf32, #tpu.memory_space<hbm>> -> memref<2x1x8x128xf32, #tpu.memory_space<hbm>>
      %dma_wait3A_1725 = arith.constant 0 : i32
      %dma_wait3A_1726 = arith.constant 0 : i32
      %dma_wait3A_1727 = arith.constant 0 : i32
      %dma_wait3A_1728 = tpu.memref_slice %arg4[%dma_wait3A_1725, %dma_wait3A_1726, %dma_wait3A_1727, %add3A_1128] : memref<2x1x8x4224xf32, #tpu.memory_space<vmem>> -> memref<2x1x8x128xf32, #tpu.memory_space<vmem>>
      tpu.wait_dma2 semaphore(%arg5 : memref<!tpu.dma_semaphore, #tpu.memory_space<semaphore_mem>>) src(%dma_wait3A_1728 : memref<2x1x8x128xf32, #tpu.memory_space<vmem>>) dst(%dma_wait3A_1724 : memref<2x1x8x128xf32, #tpu.memory_space<hbm>>)
      %dma_wait3A_1729 = arith.constant 0 : i32
      %dma_wait3A_1730 = arith.constant 0 : i32
      %dma_wait3A_1731 = arith.constant 0 : i32
      %dma_wait3A_1732 = tpu.memref_slice %arg4[%dma_wait3A_1729, %dma_wait3A_1730, %dma_wait3A_1731, %add3A_1148] : memref<2x1x8x4224xf32, #tpu.memory_space<vmem>> -> memref<2x1x8x128xf32, #tpu.memory_space<vmem>>
      %dma_wait3A_1733 = arith.constant 13 : i32
      %dma_wait3A_1734 = arith.constant 0 : i32
      %dma_wait3A_1735 = arith.constant 0 : i32
      %dma_wait3A_1736 = tpu.memref_slice %arg3[%select_n3A, %add3A_882, %dma_wait3A_1733, %dma_wait3A_1734, %dma_wait3A_1735] : memref<16x256x16x8x128xf32, #tpu.memory_space<hbm>> -> memref<1x2x1x8x128xf32, #tpu.memory_space<hbm>>
      %dma_wait3A_1737 = tpu.memref_squeeze %dma_wait3A_1736 : memref<1x2x1x8x128xf32, #tpu.memory_space<hbm>> -> memref<2x1x8x128xf32, #tpu.memory_space<hbm>>
      %dma_wait3A_1738 = arith.constant 13 : i32
      %dma_wait3A_1739 = arith.constant 0 : i32
      %dma_wait3A_1740 = arith.constant 0 : i32
      %dma_wait3A_1741 = tpu.memref_slice %arg3[%select_n3A, %add3A_882, %dma_wait3A_1738, %dma_wait3A_1739, %dma_wait3A_1740] : memref<16x256x16x8x128xf32, #tpu.memory_space<hbm>> -> memref<1x2x1x8x128xf32, #tpu.memory_space<hbm>>
      %dma_wait3A_1742 = tpu.memref_squeeze %dma_wait3A_1741 : memref<1x2x1x8x128xf32, #tpu.memory_space<hbm>> -> memref<2x1x8x128xf32, #tpu.memory_space<hbm>>
      %dma_wait3A_1743 = arith.constant 0 : i32
      %dma_wait3A_1744 = arith.constant 0 : i32
      %dma_wait3A_1745 = arith.constant 0 : i32
      %dma_wait3A_1746 = tpu.memref_slice %arg4[%dma_wait3A_1743, %dma_wait3A_1744, %dma_wait3A_1745, %add3A_1148] : memref<2x1x8x4224xf32, #tpu.memory_space<vmem>> -> memref<2x1x8x128xf32, #tpu.memory_space<vmem>>
      tpu.wait_dma2 semaphore(%arg5 : memref<!tpu.dma_semaphore, #tpu.memory_space<semaphore_mem>>) src(%dma_wait3A_1746 : memref<2x1x8x128xf32, #tpu.memory_space<vmem>>) dst(%dma_wait3A_1742 : memref<2x1x8x128xf32, #tpu.memory_space<hbm>>)
      %dma_wait3A_1747 = arith.constant 0 : i32
      %dma_wait3A_1748 = arith.constant 0 : i32
      %dma_wait3A_1749 = arith.constant 0 : i32
      %dma_wait3A_1750 = tpu.memref_slice %arg4[%dma_wait3A_1747, %dma_wait3A_1748, %dma_wait3A_1749, %add3A_1168] : memref<2x1x8x4224xf32, #tpu.memory_space<vmem>> -> memref<2x1x8x128xf32, #tpu.memory_space<vmem>>
      %dma_wait3A_1751 = arith.constant 14 : i32
      %dma_wait3A_1752 = arith.constant 0 : i32
      %dma_wait3A_1753 = arith.constant 0 : i32
      %dma_wait3A_1754 = tpu.memref_slice %arg3[%select_n3A, %add3A_882, %dma_wait3A_1751, %dma_wait3A_1752, %dma_wait3A_1753] : memref<16x256x16x8x128xf32, #tpu.memory_space<hbm>> -> memref<1x2x1x8x128xf32, #tpu.memory_space<hbm>>
      %dma_wait3A_1755 = tpu.memref_squeeze %dma_wait3A_1754 : memref<1x2x1x8x128xf32, #tpu.memory_space<hbm>> -> memref<2x1x8x128xf32, #tpu.memory_space<hbm>>
      %dma_wait3A_1756 = arith.constant 14 : i32
      %dma_wait3A_1757 = arith.constant 0 : i32
      %dma_wait3A_1758 = arith.constant 0 : i32
      %dma_wait3A_1759 = tpu.memref_slice %arg3[%select_n3A, %add3A_882, %dma_wait3A_1756, %dma_wait3A_1757, %dma_wait3A_1758] : memref<16x256x16x8x128xf32, #tpu.memory_space<hbm>> -> memref<1x2x1x8x128xf32, #tpu.memory_space<hbm>>
      %dma_wait3A_1760 = tpu.memref_squeeze %dma_wait3A_1759 : memref<1x2x1x8x128xf32, #tpu.memory_space<hbm>> -> memref<2x1x8x128xf32, #tpu.memory_space<hbm>>
      %dma_wait3A_1761 = arith.constant 0 : i32
      %dma_wait3A_1762 = arith.constant 0 : i32
      %dma_wait3A_1763 = arith.constant 0 : i32
      %dma_wait3A_1764 = tpu.memref_slice %arg4[%dma_wait3A_1761, %dma_wait3A_1762, %dma_wait3A_1763, %add3A_1168] : memref<2x1x8x4224xf32, #tpu.memory_space<vmem>> -> memref<2x1x8x128xf32, #tpu.memory_space<vmem>>
      tpu.wait_dma2 semaphore(%arg5 : memref<!tpu.dma_semaphore, #tpu.memory_space<semaphore_mem>>) src(%dma_wait3A_1764 : memref<2x1x8x128xf32, #tpu.memory_space<vmem>>) dst(%dma_wait3A_1760 : memref<2x1x8x128xf32, #tpu.memory_space<hbm>>)
      %dma_wait3A_1765 = arith.constant 0 : i32
      %dma_wait3A_1766 = arith.constant 0 : i32
      %dma_wait3A_1767 = arith.constant 0 : i32
      %dma_wait3A_1768 = tpu.memref_slice %arg4[%dma_wait3A_1765, %dma_wait3A_1766, %dma_wait3A_1767, %add3A_1188] : memref<2x1x8x4224xf32, #tpu.memory_space<vmem>> -> memref<2x1x8x128xf32, #tpu.memory_space<vmem>>
      %dma_wait3A_1769 = arith.constant 15 : i32
      %dma_wait3A_1770 = arith.constant 0 : i32
      %dma_wait3A_1771 = arith.constant 0 : i32
      %dma_wait3A_1772 = tpu.memref_slice %arg3[%select_n3A, %add3A_882, %dma_wait3A_1769, %dma_wait3A_1770, %dma_wait3A_1771] : memref<16x256x16x8x128xf32, #tpu.memory_space<hbm>> -> memref<1x2x1x8x128xf32, #tpu.memory_space<hbm>>
      %dma_wait3A_1773 = tpu.memref_squeeze %dma_wait3A_1772 : memref<1x2x1x8x128xf32, #tpu.memory_space<hbm>> -> memref<2x1x8x128xf32, #tpu.memory_space<hbm>>
      %dma_wait3A_1774 = arith.constant 15 : i32
      %dma_wait3A_1775 = arith.constant 0 : i32
      %dma_wait3A_1776 = arith.constant 0 : i32
      %dma_wait3A_1777 = tpu.memref_slice %arg3[%select_n3A, %add3A_882, %dma_wait3A_1774, %dma_wait3A_1775, %dma_wait3A_1776] : memref<16x256x16x8x128xf32, #tpu.memory_space<hbm>> -> memref<1x2x1x8x128xf32, #tpu.memory_space<hbm>>
      %dma_wait3A_1778 = tpu.memref_squeeze %dma_wait3A_1777 : memref<1x2x1x8x128xf32, #tpu.memory_space<hbm>> -> memref<2x1x8x128xf32, #tpu.memory_space<hbm>>
      %dma_wait3A_1779 = arith.constant 0 : i32
      %dma_wait3A_1780 = arith.constant 0 : i32
      %dma_wait3A_1781 = arith.constant 0 : i32
      %dma_wait3A_1782 = tpu.memref_slice %arg4[%dma_wait3A_1779, %dma_wait3A_1780, %dma_wait3A_1781, %add3A_1188] : memref<2x1x8x4224xf32, #tpu.memory_space<vmem>> -> memref<2x1x8x128xf32, #tpu.memory_space<vmem>>
      tpu.wait_dma2 semaphore(%arg5 : memref<!tpu.dma_semaphore, #tpu.memory_space<semaphore_mem>>) src(%dma_wait3A_1782 : memref<2x1x8x128xf32, #tpu.memory_space<vmem>>) dst(%dma_wait3A_1778 : memref<2x1x8x128xf32, #tpu.memory_space<hbm>>)
    }
    %scan3A_547 = arith.constant 32 : i32
    return
  }
}

module attributes {stable_mosaic.version = 14 : i64} {
  func.func @_table_body(%arg0: memref<1xi32, #tpu.memory_space<smem>>, %arg1: memref<16x32xf32, #tpu.memory_space<vmem>>, %arg2: memref<8x16x4352xf32, #tpu.memory_space<vmem>>) attributes {dimension_semantics = [], scalar_prefetch = 0 : i64, scratch_operands = 0 : i64, tpu.core_type = #tpu.core_type<tc>} {
    %get3A = arith.constant 0 : index
    %get3A_0 = memref.load %arg0[%get3A] : memref<1xi32, #tpu.memory_space<smem>>
    %iota3A = tpu.iota {dimensions = array<i32: 1>} : vector<8x4352xi32>
    %iota3A_1 = tpu.iota {dimensions = array<i32: 0>} : vector<8x4352xi32>
    %sub3A = arith.constant 8 : i32
    %sub3A_2 = vector.broadcast %sub3A : i32 to vector<8x4352xi32>
    %sub3A_3 = arith.subi %iota3A_1, %sub3A_2 : vector<8x4352xi32>
    %add3A = arith.addi %iota3A, %sub3A_3 : vector<8x4352xi32>
    %sub3A_4 = arith.constant 2047 : i32
    %sub3A_5 = vector.broadcast %sub3A_4 : i32 to vector<8x4352xi32>
    %sub3A_6 = arith.subi %add3A, %sub3A_5 : vector<8x4352xi32>
    %add3A_7 = vector.broadcast %get3A_0 : i32 to vector<8x4352xi32>
    %add3A_8 = arith.addi %sub3A_6, %add3A_7 : vector<8x4352xi32>
    %gt3A = arith.constant 0 : i32
    %gt3A_9 = vector.broadcast %gt3A : i32 to vector<8x4352xi32>
    %gt3A_10 = arith.cmpi sgt, %add3A_8, %gt3A_9 : vector<8x4352xi32>
    %jit3A = arith.constant 16 : i32
    %jit3A_11 = arith.constant 0 : i32
    %broadcast_in_dim3A = vector.broadcast %jit3A : i32 to vector<8x4352xi32>
    %broadcast_in_dim3A_12 = vector.broadcast %jit3A_11 : i32 to vector<8x4352xi32>
    %select_n3A = arith.select %gt3A_10, %broadcast_in_dim3A, %broadcast_in_dim3A_12 : vector<8x4352xi1>, vector<8x4352xi32>
    %abs3A = math.absi %add3A_8 : vector<8x4352xi32>
    %max3A = arith.constant 1 : i32
    %max3A_13 = vector.broadcast %max3A : i32 to vector<8x4352xi32>
    %max3A_14 = arith.maxsi %abs3A, %max3A_13 : vector<8x4352xi32>
    %convert_element_type3A = arith.sitofp %max3A_14 : vector<8x4352xi32> to vector<8x4352xf32>
    %div3A = arith.constant 8.000000e+00 : f32
    %div3A_15 = vector.broadcast %div3A : f32 to vector<8x4352xf32>
    %div3A_16 = arith.divf %convert_element_type3A, %div3A_15 : vector<8x4352xf32>
    %log3A = math.log %div3A_16 : vector<8x4352xf32>
    %div3A_17 = arith.constant 2.77258873 : f32
    %div3A_18 = vector.broadcast %div3A_17 : f32 to vector<8x4352xf32>
    %div3A_19 = arith.divf %log3A, %div3A_18 : vector<8x4352xf32>
    %mul3A = arith.constant 8.000000e+00 : f32
    %mul3A_20 = vector.broadcast %mul3A : f32 to vector<8x4352xf32>
    %mul3A_21 = arith.mulf %div3A_19, %mul3A_20 : vector<8x4352xf32>
    %convert_element_type3A_22 = arith.fptosi %mul3A_21 : vector<8x4352xf32> to vector<8x4352xi32>
    %add3A_23 = arith.constant 8 : i32
    %add3A_24 = vector.broadcast %add3A_23 : i32 to vector<8x4352xi32>
    %add3A_25 = arith.addi %add3A_24, %convert_element_type3A_22 : vector<8x4352xi32>
    %min3A = arith.constant 15 : i32
    %min3A_26 = vector.broadcast %min3A : i32 to vector<8x4352xi32>
    %min3A_27 = arith.minsi %add3A_25, %min3A_26 : vector<8x4352xi32>
    %lt3A = arith.constant 8 : i32
    %lt3A_28 = vector.broadcast %lt3A : i32 to vector<8x4352xi32>
    %lt3A_29 = arith.cmpi slt, %abs3A, %lt3A_28 : vector<8x4352xi32>
    %select_n3A_30 = arith.select %lt3A_29, %abs3A, %min3A_27 : vector<8x4352xi1>, vector<8x4352xi32>
    %add3A_31 = arith.addi %select_n3A, %select_n3A_30 : vector<8x4352xi32>
    %iota3A_32 = tpu.iota {dimensions = array<i32: 0>} : vector<32x4352xi32>
    %slice3A = vector.extract_strided_slice %add3A_31 {offsets = [0, 0], sizes = [1, 4352], strides = [1, 1]} : vector<8x4352xi32> to vector<1x4352xi32>
    %eq3A = vector.broadcast %slice3A : vector<1x4352xi32> to vector<32x4352xi32>
    %eq3A_33 = arith.cmpi eq, %eq3A, %iota3A_32 : vector<32x4352xi32>
    %convert_element_type3A_34 = arith.extui %eq3A_33 : vector<32x4352xi1> to vector<32x4352xi32>
    %convert_element_type3A_35 = arith.sitofp %convert_element_type3A_34 : vector<32x4352xi32> to vector<32x4352xf32>
    %get3A_36 = arith.constant 0 : index
    %get3A_37 = arith.constant 0 : index
    %get3A_38 = vector.load %arg1[%get3A_36, %get3A_37] : memref<16x32xf32, #tpu.memory_space<vmem>>, vector<16x32xf32>
    %dot_general3A = arith.constant dense<0.000000e+00> : vector<16x4352xf32>
    %dot_general3A_39 = tpu.matmul %get3A_38, %convert_element_type3A_35, %dot_general3A {dimension_numbers = #tpu.dot_dimension_numbers<[1], [0], [0], [1], [0, 0, 1, 1], [], []>, precision = #tpu.contract_precision<fp32>, transpose_lhs_hint = false} : vector<16x32xf32>, vector<32x4352xf32>, vector<16x4352xf32> -> vector<16x4352xf32>
    %swap3A = arith.constant 0 : index
    %swap3A_40 = arith.constant 0 : index
    %swap3A_41 = arith.constant 0 : index
    %swap3A_42 = vector.load %arg2[%swap3A, %swap3A_40, %swap3A_41] : memref<8x16x4352xf32, #tpu.memory_space<vmem>>, vector<1x16x4352xf32>
    %swap3A_43 = vector.shape_cast %swap3A_42 : vector<1x16x4352xf32> to vector<16x4352xf32>
    %swap3A_44 = vector.shape_cast %dot_general3A_39 : vector<16x4352xf32> to vector<1x16x4352xf32>
    tpu.vector_store %arg2[%swap3A, %swap3A_40, %swap3A_41], %swap3A_44 {strides = array<i32>} : memref<8x16x4352xf32, #tpu.memory_space<vmem>>, vector<1x16x4352xf32>,
    %slice3A_45 = vector.extract_strided_slice %add3A_31 {offsets = [1, 0], sizes = [1, 4352], strides = [1, 1]} : vector<8x4352xi32> to vector<1x4352xi32>
    %eq3A_46 = vector.broadcast %slice3A_45 : vector<1x4352xi32> to vector<32x4352xi32>
    %eq3A_47 = arith.cmpi eq, %eq3A_46, %iota3A_32 : vector<32x4352xi32>
    %convert_element_type3A_48 = arith.extui %eq3A_47 : vector<32x4352xi1> to vector<32x4352xi32>
    %convert_element_type3A_49 = arith.sitofp %convert_element_type3A_48 : vector<32x4352xi32> to vector<32x4352xf32>
    %get3A_50 = arith.constant 0 : index
    %get3A_51 = arith.constant 0 : index
    %get3A_52 = vector.load %arg1[%get3A_50, %get3A_51] : memref<16x32xf32, #tpu.memory_space<vmem>>, vector<16x32xf32>
    %dot_general3A_53 = arith.constant dense<0.000000e+00> : vector<16x4352xf32>
    %dot_general3A_54 = tpu.matmul %get3A_52, %convert_element_type3A_49, %dot_general3A_53 {dimension_numbers = #tpu.dot_dimension_numbers<[1], [0], [0], [1], [0, 0, 1, 1], [], []>, precision = #tpu.contract_precision<fp32>, transpose_lhs_hint = false} : vector<16x32xf32>, vector<32x4352xf32>, vector<16x4352xf32> -> vector<16x4352xf32>
    %swap3A_55 = arith.constant 1 : index
    %swap3A_56 = arith.constant 0 : index
    %swap3A_57 = arith.constant 0 : index
    %swap3A_58 = vector.load %arg2[%swap3A_55, %swap3A_56, %swap3A_57] : memref<8x16x4352xf32, #tpu.memory_space<vmem>>, vector<1x16x4352xf32>
    %swap3A_59 = vector.shape_cast %swap3A_58 : vector<1x16x4352xf32> to vector<16x4352xf32>
    %swap3A_60 = vector.shape_cast %dot_general3A_54 : vector<16x4352xf32> to vector<1x16x4352xf32>
    tpu.vector_store %arg2[%swap3A_55, %swap3A_56, %swap3A_57], %swap3A_60 {strides = array<i32>} : memref<8x16x4352xf32, #tpu.memory_space<vmem>>, vector<1x16x4352xf32>,
    %slice3A_61 = vector.extract_strided_slice %add3A_31 {offsets = [2, 0], sizes = [1, 4352], strides = [1, 1]} : vector<8x4352xi32> to vector<1x4352xi32>
    %eq3A_62 = vector.broadcast %slice3A_61 : vector<1x4352xi32> to vector<32x4352xi32>
    %eq3A_63 = arith.cmpi eq, %eq3A_62, %iota3A_32 : vector<32x4352xi32>
    %convert_element_type3A_64 = arith.extui %eq3A_63 : vector<32x4352xi1> to vector<32x4352xi32>
    %convert_element_type3A_65 = arith.sitofp %convert_element_type3A_64 : vector<32x4352xi32> to vector<32x4352xf32>
    %get3A_66 = arith.constant 0 : index
    %get3A_67 = arith.constant 0 : index
    %get3A_68 = vector.load %arg1[%get3A_66, %get3A_67] : memref<16x32xf32, #tpu.memory_space<vmem>>, vector<16x32xf32>
    %dot_general3A_69 = arith.constant dense<0.000000e+00> : vector<16x4352xf32>
    %dot_general3A_70 = tpu.matmul %get3A_68, %convert_element_type3A_65, %dot_general3A_69 {dimension_numbers = #tpu.dot_dimension_numbers<[1], [0], [0], [1], [0, 0, 1, 1], [], []>, precision = #tpu.contract_precision<fp32>, transpose_lhs_hint = false} : vector<16x32xf32>, vector<32x4352xf32>, vector<16x4352xf32> -> vector<16x4352xf32>
    %swap3A_71 = arith.constant 2 : index
    %swap3A_72 = arith.constant 0 : index
    %swap3A_73 = arith.constant 0 : index
    %swap3A_74 = vector.load %arg2[%swap3A_71, %swap3A_72, %swap3A_73] : memref<8x16x4352xf32, #tpu.memory_space<vmem>>, vector<1x16x4352xf32>
    %swap3A_75 = vector.shape_cast %swap3A_74 : vector<1x16x4352xf32> to vector<16x4352xf32>
    %swap3A_76 = vector.shape_cast %dot_general3A_70 : vector<16x4352xf32> to vector<1x16x4352xf32>
    tpu.vector_store %arg2[%swap3A_71, %swap3A_72, %swap3A_73], %swap3A_76 {strides = array<i32>} : memref<8x16x4352xf32, #tpu.memory_space<vmem>>, vector<1x16x4352xf32>,
    %slice3A_77 = vector.extract_strided_slice %add3A_31 {offsets = [3, 0], sizes = [1, 4352], strides = [1, 1]} : vector<8x4352xi32> to vector<1x4352xi32>
    %eq3A_78 = vector.broadcast %slice3A_77 : vector<1x4352xi32> to vector<32x4352xi32>
    %eq3A_79 = arith.cmpi eq, %eq3A_78, %iota3A_32 : vector<32x4352xi32>
    %convert_element_type3A_80 = arith.extui %eq3A_79 : vector<32x4352xi1> to vector<32x4352xi32>
    %convert_element_type3A_81 = arith.sitofp %convert_element_type3A_80 : vector<32x4352xi32> to vector<32x4352xf32>
    %get3A_82 = arith.constant 0 : index
    %get3A_83 = arith.constant 0 : index
    %get3A_84 = vector.load %arg1[%get3A_82, %get3A_83] : memref<16x32xf32, #tpu.memory_space<vmem>>, vector<16x32xf32>
    %dot_general3A_85 = arith.constant dense<0.000000e+00> : vector<16x4352xf32>
    %dot_general3A_86 = tpu.matmul %get3A_84, %convert_element_type3A_81, %dot_general3A_85 {dimension_numbers = #tpu.dot_dimension_numbers<[1], [0], [0], [1], [0, 0, 1, 1], [], []>, precision = #tpu.contract_precision<fp32>, transpose_lhs_hint = false} : vector<16x32xf32>, vector<32x4352xf32>, vector<16x4352xf32> -> vector<16x4352xf32>
    %swap3A_87 = arith.constant 3 : index
    %swap3A_88 = arith.constant 0 : index
    %swap3A_89 = arith.constant 0 : index
    %swap3A_90 = vector.load %arg2[%swap3A_87, %swap3A_88, %swap3A_89] : memref<8x16x4352xf32, #tpu.memory_space<vmem>>, vector<1x16x4352xf32>
    %swap3A_91 = vector.shape_cast %swap3A_90 : vector<1x16x4352xf32> to vector<16x4352xf32>
    %swap3A_92 = vector.shape_cast %dot_general3A_86 : vector<16x4352xf32> to vector<1x16x4352xf32>
    tpu.vector_store %arg2[%swap3A_87, %swap3A_88, %swap3A_89], %swap3A_92 {strides = array<i32>} : memref<8x16x4352xf32, #tpu.memory_space<vmem>>, vector<1x16x4352xf32>,
    %slice3A_93 = vector.extract_strided_slice %add3A_31 {offsets = [4, 0], sizes = [1, 4352], strides = [1, 1]} : vector<8x4352xi32> to vector<1x4352xi32>
    %eq3A_94 = vector.broadcast %slice3A_93 : vector<1x4352xi32> to vector<32x4352xi32>
    %eq3A_95 = arith.cmpi eq, %eq3A_94, %iota3A_32 : vector<32x4352xi32>
    %convert_element_type3A_96 = arith.extui %eq3A_95 : vector<32x4352xi1> to vector<32x4352xi32>
    %convert_element_type3A_97 = arith.sitofp %convert_element_type3A_96 : vector<32x4352xi32> to vector<32x4352xf32>
    %get3A_98 = arith.constant 0 : index
    %get3A_99 = arith.constant 0 : index
    %get3A_100 = vector.load %arg1[%get3A_98, %get3A_99] : memref<16x32xf32, #tpu.memory_space<vmem>>, vector<16x32xf32>
    %dot_general3A_101 = arith.constant dense<0.000000e+00> : vector<16x4352xf32>
    %dot_general3A_102 = tpu.matmul %get3A_100, %convert_element_type3A_97, %dot_general3A_101 {dimension_numbers = #tpu.dot_dimension_numbers<[1], [0], [0], [1], [0, 0, 1, 1], [], []>, precision = #tpu.contract_precision<fp32>, transpose_lhs_hint = false} : vector<16x32xf32>, vector<32x4352xf32>, vector<16x4352xf32> -> vector<16x4352xf32>
    %swap3A_103 = arith.constant 4 : index
    %swap3A_104 = arith.constant 0 : index
    %swap3A_105 = arith.constant 0 : index
    %swap3A_106 = vector.load %arg2[%swap3A_103, %swap3A_104, %swap3A_105] : memref<8x16x4352xf32, #tpu.memory_space<vmem>>, vector<1x16x4352xf32>
    %swap3A_107 = vector.shape_cast %swap3A_106 : vector<1x16x4352xf32> to vector<16x4352xf32>
    %swap3A_108 = vector.shape_cast %dot_general3A_102 : vector<16x4352xf32> to vector<1x16x4352xf32>
    tpu.vector_store %arg2[%swap3A_103, %swap3A_104, %swap3A_105], %swap3A_108 {strides = array<i32>} : memref<8x16x4352xf32, #tpu.memory_space<vmem>>, vector<1x16x4352xf32>,
    %slice3A_109 = vector.extract_strided_slice %add3A_31 {offsets = [5, 0], sizes = [1, 4352], strides = [1, 1]} : vector<8x4352xi32> to vector<1x4352xi32>
    %eq3A_110 = vector.broadcast %slice3A_109 : vector<1x4352xi32> to vector<32x4352xi32>
    %eq3A_111 = arith.cmpi eq, %eq3A_110, %iota3A_32 : vector<32x4352xi32>
    %convert_element_type3A_112 = arith.extui %eq3A_111 : vector<32x4352xi1> to vector<32x4352xi32>
    %convert_element_type3A_113 = arith.sitofp %convert_element_type3A_112 : vector<32x4352xi32> to vector<32x4352xf32>
    %get3A_114 = arith.constant 0 : index
    %get3A_115 = arith.constant 0 : index
    %get3A_116 = vector.load %arg1[%get3A_114, %get3A_115] : memref<16x32xf32, #tpu.memory_space<vmem>>, vector<16x32xf32>
    %dot_general3A_117 = arith.constant dense<0.000000e+00> : vector<16x4352xf32>
    %dot_general3A_118 = tpu.matmul %get3A_116, %convert_element_type3A_113, %dot_general3A_117 {dimension_numbers = #tpu.dot_dimension_numbers<[1], [0], [0], [1], [0, 0, 1, 1], [], []>, precision = #tpu.contract_precision<fp32>, transpose_lhs_hint = false} : vector<16x32xf32>, vector<32x4352xf32>, vector<16x4352xf32> -> vector<16x4352xf32>
    %swap3A_119 = arith.constant 5 : index
    %swap3A_120 = arith.constant 0 : index
    %swap3A_121 = arith.constant 0 : index
    %swap3A_122 = vector.load %arg2[%swap3A_119, %swap3A_120, %swap3A_121] : memref<8x16x4352xf32, #tpu.memory_space<vmem>>, vector<1x16x4352xf32>
    %swap3A_123 = vector.shape_cast %swap3A_122 : vector<1x16x4352xf32> to vector<16x4352xf32>
    %swap3A_124 = vector.shape_cast %dot_general3A_118 : vector<16x4352xf32> to vector<1x16x4352xf32>
    tpu.vector_store %arg2[%swap3A_119, %swap3A_120, %swap3A_121], %swap3A_124 {strides = array<i32>} : memref<8x16x4352xf32, #tpu.memory_space<vmem>>, vector<1x16x4352xf32>,
    %slice3A_125 = vector.extract_strided_slice %add3A_31 {offsets = [6, 0], sizes = [1, 4352], strides = [1, 1]} : vector<8x4352xi32> to vector<1x4352xi32>
    %eq3A_126 = vector.broadcast %slice3A_125 : vector<1x4352xi32> to vector<32x4352xi32>
    %eq3A_127 = arith.cmpi eq, %eq3A_126, %iota3A_32 : vector<32x4352xi32>
    %convert_element_type3A_128 = arith.extui %eq3A_127 : vector<32x4352xi1> to vector<32x4352xi32>
    %convert_element_type3A_129 = arith.sitofp %convert_element_type3A_128 : vector<32x4352xi32> to vector<32x4352xf32>
    %get3A_130 = arith.constant 0 : index
    %get3A_131 = arith.constant 0 : index
    %get3A_132 = vector.load %arg1[%get3A_130, %get3A_131] : memref<16x32xf32, #tpu.memory_space<vmem>>, vector<16x32xf32>
    %dot_general3A_133 = arith.constant dense<0.000000e+00> : vector<16x4352xf32>
    %dot_general3A_134 = tpu.matmul %get3A_132, %convert_element_type3A_129, %dot_general3A_133 {dimension_numbers = #tpu.dot_dimension_numbers<[1], [0], [0], [1], [0, 0, 1, 1], [], []>, precision = #tpu.contract_precision<fp32>, transpose_lhs_hint = false} : vector<16x32xf32>, vector<32x4352xf32>, vector<16x4352xf32> -> vector<16x4352xf32>
    %swap3A_135 = arith.constant 6 : index
    %swap3A_136 = arith.constant 0 : index
    %swap3A_137 = arith.constant 0 : index
    %swap3A_138 = vector.load %arg2[%swap3A_135, %swap3A_136, %swap3A_137] : memref<8x16x4352xf32, #tpu.memory_space<vmem>>, vector<1x16x4352xf32>
    %swap3A_139 = vector.shape_cast %swap3A_138 : vector<1x16x4352xf32> to vector<16x4352xf32>
    %swap3A_140 = vector.shape_cast %dot_general3A_134 : vector<16x4352xf32> to vector<1x16x4352xf32>
    tpu.vector_store %arg2[%swap3A_135, %swap3A_136, %swap3A_137], %swap3A_140 {strides = array<i32>} : memref<8x16x4352xf32, #tpu.memory_space<vmem>>, vector<1x16x4352xf32>,
    %slice3A_141 = vector.extract_strided_slice %add3A_31 {offsets = [7, 0], sizes = [1, 4352], strides = [1, 1]} : vector<8x4352xi32> to vector<1x4352xi32>
    %eq3A_142 = vector.broadcast %slice3A_141 : vector<1x4352xi32> to vector<32x4352xi32>
    %eq3A_143 = arith.cmpi eq, %eq3A_142, %iota3A_32 : vector<32x4352xi32>
    %convert_element_type3A_144 = arith.extui %eq3A_143 : vector<32x4352xi1> to vector<32x4352xi32>
    %convert_element_type3A_145 = arith.sitofp %convert_element_type3A_144 : vector<32x4352xi32> to vector<32x4352xf32>
    %get3A_146 = arith.constant 0 : index
    %get3A_147 = arith.constant 0 : index
    %get3A_148 = vector.load %arg1[%get3A_146, %get3A_147] : memref<16x32xf32, #tpu.memory_space<vmem>>, vector<16x32xf32>
    %dot_general3A_149 = arith.constant dense<0.000000e+00> : vector<16x4352xf32>
    %dot_general3A_150 = tpu.matmul %get3A_148, %convert_element_type3A_145, %dot_general3A_149 {dimension_numbers = #tpu.dot_dimension_numbers<[1], [0], [0], [1], [0, 0, 1, 1], [], []>, precision = #tpu.contract_precision<fp32>, transpose_lhs_hint = false} : vector<16x32xf32>, vector<32x4352xf32>, vector<16x4352xf32> -> vector<16x4352xf32>
    %swap3A_151 = arith.constant 7 : index
    %swap3A_152 = arith.constant 0 : index
    %swap3A_153 = arith.constant 0 : index
    %swap3A_154 = vector.load %arg2[%swap3A_151, %swap3A_152, %swap3A_153] : memref<8x16x4352xf32, #tpu.memory_space<vmem>>, vector<1x16x4352xf32>
    %swap3A_155 = vector.shape_cast %swap3A_154 : vector<1x16x4352xf32> to vector<16x4352xf32>
    %swap3A_156 = vector.shape_cast %dot_general3A_150 : vector<16x4352xf32> to vector<1x16x4352xf32>
    tpu.vector_store %arg2[%swap3A_151, %swap3A_152, %swap3A_153], %swap3A_156 {strides = array<i32>} : memref<8x16x4352xf32, #tpu.memory_space<vmem>>, vector<1x16x4352xf32>,
    return
  }
}

</mosaic_0001>

<sc_bundles>
// kernel: kernel.4.cloned.1.call-start
scs
__scs_entry_jumppad:
0x0: {  	(pc) =	sbr.rel $0x88, $3  }
0x1: {  	(tag) =	ssettag $0x0;
	lr =	simm.s32 $0x1  }
0x2: {  	[smem:$0x3F9E] =	sst lr;
	_ =	strace $0xD0000000  }
0x3: {  	_ = 	snop  }
0x4: {  	_ = 	snop  }
0x5: {  	_ = 	snop  }
0x6: {  	_ = 	snop  }
0x7: {  	_ = 	snop  }
__scs_overlays_trampoline_lowered:
0x8: {  	[smem:$0x3FAD] =	sst s0  }
0x9: {  	[smem:$0x3FAE] =	sst s1  }
0xa: {  	[smem:$0x3FAF] =	sst s2  }
0xb: {  	[smem:$0x3FB0] =	sst s3  }
0xc: {  	[smem:$0x3FB1] =	sst s4  }
0xd: {  	[smem:$0x3FB2] =	sst s5  }
0xe: {  	[smem:$0x3FB3] =	sst s6  }
0xf: {  	[smem:$0x3FB4] =	sst s7  }
0x10: {  	[smem:$0x3FB5] =	sst s8  }
0x11: {  	[smem:$0x3FB6] =	sst s9;
	s0 =	simm.s32 @!p0 $0x0  }
0x12: {  	s1 =	sld [smem:$0x3F9C];
	s0 =	simm.s32 @p0 $0x1  }
0x13: {  	[smem:$0x3FB7] =	sst s0;
	s0 =	simm.s32 @!p1 $0x0  }
0x14: {  	s2 =	sld [smem:$0x3F9B];
	s0 =	simm.s32 @p1 $0x1  }
0x15: {  	[smem:$0x3FB8] =	sst s0;
	s0 =	simm.s32 @!p2 $0x0  }
0x16: {  	s3 =	sld [smem:$0x3FDB];
	s0 =	simm.s32 @p2 $0x1  }
0x17: {  	s4 =	simm.s32 $0x1BF5;
	[smem:$0x3FBA] =	sst s0  }
0x18: {  	s0 =	sld [smem:$0x3F9D];
	_ =	swait.ge [sflag:s4], $0x0  }
0x19: {  	s7 =	sld [smem:$0x3F9E]  }
0x1a: {  	s8 =	sadd.s32 $0xFFFFE003, lr  }
0x1b: {  	s9 =	sadd.s32 $0xFFFFFEF7, lr;
	s5 =	simm.s32 $0xFFFFFFFF;
	p2 =	slt.u32 s8, $0xFFFFF086  }
0x1c: {  	p1 =	slt.u32 s9, $0xF7A;
	s5 =	simm.s32 @!p2 $0x0  }
0x1d: {  	s5 =	simm.s32 @p1 $0x1;
	p0 =	seq.s32 s7, s2  }
0x1e: {  	s7 =	smul.u32 @!p0 $0xF7A, s2;
	p2 =	seq.s32 @!p0 s5, $0x0  }
0x1f: {  	s9 =	smul.u32 $0xF7A, s1;
	s8 =	simm.s32 @!p0 $0x1BF5;
	p2 =	por !p2, p0  }
0x20: {  	[sflag:s8] =	ssyncset.s32 @!p0 $0xFFFFF086;
	s6 =	sadd.s32 @!p0 s3, s7;
	s7 =	simm.s32 @!p0 $0x108  }
0x21: {  	s3 =	sadd.s32 s3, s9;
	s6 =	sadd.s32 @!p0 $0x88, s6;
	s7 =	simm.s32 @p2 $0x1082  }
0x22: {  	[simem:s7], [sflag:s8] =	dma.local @!p0 [hbm:s6], $0xF7A  }
0x23: {  	s9 =	sor.u32 $0xD0000000, s2;
	s6 =	simm.s32 $0x108;
	_ =	swait.ge @!p0 [sflag:s8], $0x0  }
0x24: {  	s3 =	sadd.s32 $0x88, s3;
	s6 =	simm.s32 @!p1 $0x1082;
	[sflag:s4] =	ssyncset.s32 $0xFFFFF086  }
0x25: {  	[simem:s6], [sflag:s4] =	dma.local [hbm:s3], $0xF7A  }
0x26: {  	[smem:$0x3F9E] =	sst s1;
	(tag) =	ssettag s2;
	_ =	strace s9  }
0x27: {  	s1 =	sld [smem:$0x3FAE]  }
0x28: {  	s2 =	sld [smem:$0x3FAF]  }
0x29: {  	s4 =	sld [smem:$0x3FB1]  }
0x2a: {  	p0 =	seq.s32 s5, $0x0;
	s5 =	sld [smem:$0x3FB2]  }
0x2b: {  	s6 =	sld [smem:$0x3FB3]  }
0x2c: {  	s7 =	sld [smem:$0x3FB4]  }
0x2d: {  	s3 =	simm.s32 $0x108;
	s8 =	sld [smem:$0x3FB5]  }
0x2e: {  	s3 =	simm.s32 @!p0 $0x1082;
	s9 =	sld [smem:$0x3FB6]  }
0x2f: {  	lr =	sadd.s32 s0, s3;
	s0 =	sld [smem:$0x3FAD]  }
0x30: {  	s3 =	sld [smem:$0x3FB0]  }
0x31: {  	[smem:$0x3FB9] =	sst s10  }
0x32: {  	s10 =	sld [smem:$0x3FB7];
	_ =	sdelay $0x3  }
0x33: {  	p0 =	seq.s32 s10, $0x1;
	s10 =	sld [smem:$0x3FB9];
	_ =	sdelay $0x3  }
0x34: {  	[smem:$0x3FB9] =	sst s10  }
0x35: {  	s10 =	sld [smem:$0x3FB8];
	_ =	sdelay $0x3  }
0x36: {  	p1 =	seq.s32 s10, $0x1;
	s10 =	sld [smem:$0x3FB9];
	_ =	sdelay $0x3  }
0x37: {  	[smem:$0x3FB9] =	sst s10  }
0x38: {  	s10 =	sld [smem:$0x3FBA]  }
0x39: {  	_ = 	snop;
	(pc) =	sbr.ind lr, $3  }
0x3a: {  	_ = 	snop  }
0x3b: {  	_ = 	snop  }
0x3c: {  	p2 =	seq.s32 s10, $0x1;
	s10 =	sld [smem:$0x3FB9]  }
0x3d: {  	_ =	shalt  }
0x3e: {  	_ =	shalt  }
0x3f: {  	_ =	shalt  }
0x40: {  	_ =	shalt  }
0x41: {  	_ =	shalt  }
0x42: {  	_ =	shalt  }
0x43: {  	_ =	shalt  }
0x44: {  	_ =	shalt  }
0x45: {  	_ =	shalt  }
0x46: {  	_ =	shalt  }
0x47: {  	_ =	shalt  }
0x48: {  	_ =	shalt  }
0x49: {  	_ =	shalt  }
0x4a: {  	_ =	shalt  }
0x4b: {  	_ =	shalt  }
0x4c: {  	_ =	shalt  }
0x4d: {  	_ =	shalt  }
0x4e: {  	_ =	shalt  }
0x4f: {  	_ =	shalt  }
0x50: {  	_ =	shalt  }
0x51: {  	_ =	shalt  }
0x52: {  	_ =	shalt  }
0x53: {  	_ =	shalt  }
0x54: {  	_ =	shalt  }
0x55: {  	_ =	shalt  }
0x56: {  	_ =	shalt  }
0x57: {  	_ =	shalt  }
0x58: {  	_ =	shalt  }
0x59: {  	_ =	shalt  }
0x5a: {  	_ =	shalt  }
0x5b: {  	_ =	shalt  }
0x5c: {  	_ =	shalt  }
0x5d: {  	_ =	shalt  }
0x5e: {  	_ =	shalt  }
0x5f: {  	_ =	shalt  }
0x60: {  	_ =	shalt  }
0x61: {  	_ =	shalt  }
0x62: {  	_ =	shalt  }
0x63: {  	_ =	shalt  }
0x64: {  	_ =	shalt  }
0x65: {  	_ =	shalt  }
0x66: {  	_ =	shalt  }
0x67: {  	_ =	shalt  }
0x68: {  	_ =	shalt  }
0x69: {  	_ =	shalt  }
0x6a: {  	_ =	shalt  }
0x6b: {  	_ =	shalt  }
0x6c: {  	_ =	shalt  }
0x6d: {  	_ =	shalt  }
0x6e: {  	_ =	shalt  }
0x6f: {  	_ =	shalt  }
0x70: {  	_ =	shalt  }
0x71: {  	_ =	shalt  }
0x72: {  	_ =	shalt  }
0x73: {  	_ =	shalt  }
0x74: {  	_ =	shalt  }
0x75: {  	_ =	shalt  }
0x76: {  	_ =	shalt  }
0x77: {  	_ =	shalt  }
0x78: {  	_ =	shalt  }
0x79: {  	_ =	shalt  }
0x7a: {  	_ =	shalt  }
0x7b: {  	_ =	shalt  }
0x7c: {  	_ =	shalt  }
0x7d: {  	_ =	shalt  }
0x7e: {  	_ =	shalt  }
0x7f: {  	_ =	shalt  }
0x80: {  	_ =	shalt  }
0x81: {  	_ =	shalt  }
0x82: {  	_ =	shalt  }
0x83: {  	_ =	shalt  }
0x84: {  	_ =	shalt  }
0x85: {  	_ =	shalt  }
0x86: {  	_ =	shalt  }
0x87: {  	_ =	shalt  }
.Lfunc_end0:
.L_simem_size_0:
called_computation_lowered:
.L_overlay_start_0:
0x88: {  	s2 =	sld [smem:$0x3FD9]  }
0x89: {  	s3 =	sld [smem:$0x3FFE];
	_ =	sdelay $0x1  }
0x8a: {  	s1 =	srdreg.scid  }
0x8b: {  	s0 =	sand.u32 $0x1, s1  }
0x8c: {  	s17 =	sshll.u32 s0, $0xA;
	s2 =	sadd.s32 s3, s2  }
0x8d: {  	s2 =	sadd.s32 s2, s17  }
0x8e: {  	[smem:$0x3FC5] =	sst s2  }
0x8f: {  	_ = 	snop  }
0x90: {  	s2 =	sld [smem:$0x3FD0];
	(tm) =	ssettm $0x1  }
0x91: {  	s18 =	sld [smem:$0x3FFB];
	_ =	sdelay $0x3  }
0x92: {  	_ =	strace s18  }
0x93: {  	s3 =	sld [smem:$0x3FFC];
	_ =	sdelay $0x3  }
0x94: {  	_ =	strace s3  }
0x95: {  	s3 =	sld [smem:$0x3FFD];
	_ =	sdelay $0x3  }
0x96: {  	_ =	strace s3  }
0x97: {  	_ =	strace $0x8FFFFFFF  }
0x98: {  	s19 =	sld [smem:$0x3FDB];
	_ =	sdelay $0x1  }
0x99: {  	s4 =	simm.s32 $_scs_section_size  }
0x9a: {  	s5 =	simm.s32 $_size__tile_overlayer_lowered;
	s6 =	simm.s32 $_tile_overlayer_lowered  }
0x9b: {  	s22 =	simm.s32 $0x1BFF;
	s21 =	sshll.u32 s6, $0x1;
	s3 =	sadd.s32 s4, s19  }
0x9c: {  	s7 =	simm.s32 $0x0;
	s20 =	sshll.u32 s5, $0x1;
	s5 =	sadd.s32 s21, s3  }
0x9d: {  	[timem:s7], [sflag:s22] =	dma.local [hbm:s5], s20  }
0x9e: {  	_ =	swait.ge [sflag:s22], s20  }
0x9f: {  	s4 =	ssub.s32 $0x0, s20;
	[sflag:s22] =	ssyncset.done $0x0  }
0xa0: {  	[sflag:s22] =	ssyncadd.s32 s4;
	_ =	sdelay $0x1  }
0xa1: {  	s23 =	simm.s32 $0x1B8B  }
0xa2: {  	_ =	swait.ge [sflag:s23], $0x1  }
0xa3: {  	[sflag:s23] =	ssyncset.done $0x0  }
0xa4: {  	s25 =	simm.s32 $0x1B8E;
	s24 =	sld [smem:$0x3FFE];
	[sflag:s23] =	ssyncadd.s32 $0xFFFFFFFF  }
0xa5: {  	s26 =	simm.s32 $execute0_lowered;
	[smem:$0x3FD2] =	sst s25  }
0xa6: {  	s5 =	sshll.u32 s26, $0x1;
	_ =	strace $0x80000046;
	[dreg:$0x1] =	wrdreg $0xFFFFFFFF  }
0xa7: {  	s28 =	simm.s32 $_size_execute0_lowered;
	s3 =	sadd.s32 s3, s5;
	[dreg:$0x0] =	wrdreg $0x0  }
0xa8: {  	s5 =	sshll.u32 s28, $0x1;
	[dreg:$0x2] =	wrdreg s3  }
0xa9: {  	[dreg:$0x3] =	wrdreg s5  }
0xaa: {  	[dreg:$0x4] =	wrdreg $0xC0  }
0xab: {  	_ =	task [dreg:s7], $0x5FFFF  }
0xac: {  	[dreg:$0x1] =	wrdreg $0xFFFFFFFF  }
0xad: {  	[dreg:$0x0] =	wrdreg $0x60  }
0xae: {  	[dreg:$0x2] =	wrdreg s24  }
0xaf: {  	[dreg:$0x3] =	wrdreg s2  }
0xb0: {  	[dreg:$0x4] =	wrdreg $0x9  }
0xb1: {  	_ =	task.clear_ibuf [dreg:s7], $0x5FFFF;
	_ =	strace $0x90000046  }
0xb2: {  	s29 =	simm.s32 $0x9;
	_ =	strace $0x80000048  }
0xb3: {  	_ =	swait.ge [sflag:s29], $0x1  }
0xb4: {  	[sflag:s29] =	ssyncadd.s32 $0xFFFFFFFF  }
0xb5: {  	_ =	strace $0x90000048  }
0xb6: {  	_ =	sfence  }
0xb7: {  	s30 =	sld [smem:$0x0];
	_ =	sdelay $0x2  }
0xb8: {  	s31 =	sshll.u32 s1, $0xD;
	s1 =	sshrl.u32 s1, $0x2  }
0xb9: {  	s3 =	sand.u32 $0x4000, s31;
	s1 =	sadd.s32 s1, s30  }
0xba: {  	s0 =	sor.u32 s3, s0;
	s1 =	sshll.u32 s1, $0x11  }
0xbb: {  	s0 =	sor.u32 s1, s0  }
0xbc: {  	s0 =	sadd.s32 $0x8F2B, s0  }
0xbd: {  	[sflag:s0] =	ssyncadd.remote.s32 $0x1  }
0xbe: {  	_ =	sfence.sel $0xFFFF  }
0xbf: {  	[dreg:$0x0] =	wrdreg $0xFFFFFFFF;
	(pc) =	sbr.abs _section_cstart, $3  }
0xc0: {  	[dreg:$0x1] =	wrdreg $0xFFFFFFFF  }
0xc1: {  	_ =	task.clear_ibuf [dreg:s7], $0x2FFFF;
	_ =	strace $0x9FFFFFFF  }
0xc2: {  	(tm) =	ssettm $0x7FFFFFFF  }
0xc3: {  	_ =	shalt  }
tec
execute0_lowered:
.L_overlay_start_1:
0x0: {  	(tag) =	ssettag $0x1  }
0x1: {  	s0 =	srdreg.scid  }
0x2: {  	s6 =	stileid.u32;
	s1 =	rddreg [dreg:$0x0];
	s0 =	sand.u32 $0x1, s0  }
0x3: {  	s2 =	rddreg [dreg:$0x1];
	s4 =	simm.s32 $0x1;
	s3 =	sor.u32 s0, s6  }
0x4: {  	s1 =	sadd.s32 $0x600, s1;
	p1 =	seq.s32 s0, $0x1;
	p0 =	seq.s32 s3, $0x0  }
0x5: {  	s28 =	sadd.s32 $0x280, s2;
	s29 =	sadd.s32 $0x300, s2;
	p0 =	por !p0, !p1  }
0x6: {  	s30 =	sadd.s32 $0x380, s2;
	s31 =	sadd.s32 $0x400, s2;
	p0 =	por !p0, !p0  }
0x7: {  	s5 =	ssub.s32 $0x2, s0;
	s0 =	sshll.u32 s0, $0x7;
	s4 =	simm.s32 @!p0 $0x0  }
0x8: {  	s3 =	simm.s32 $0x0;
	s24 =	sshrl.u32 s5, $0x1;
	s6 =	ssub.s32 s6, s4  }
0x9: {  	[smem:$0x7FF] =	sst s3;
	s5 =	ssub.s32 s5, s24;
	s7 =	smul.u32 $0x1100, s6  }
0xa: {  	_ =	strace $0x80000047;
	[dreg:$0x3] =	wrdreg s0;
	s4 =	simm.s32 $0x1  }
0xb: {  	s25 =	sadd.s32 $0x77008, s7;
	s8 =	sadd.s32 $0x66008, s7;
	s9 =	sadd.s32 $0x55008, s7  }
0xc: {  	s10 =	sadd.s32 $0x33008, s7;
	s11 =	sadd.s32 $0x22008, s7;
	s14 =	sadd.s32 $0x11008, s7  }
0xd: {  	s15 =	sshrl.u32 s7, $0x3;
	s16 =	sadd.s32 $0x77000, s7;
	s20 =	sadd.s32 $0x66000, s7  }
0xe: {  	s21 =	sadd.s32 $0x55000, s7;
	s22 =	sadd.s32 $0x44000, s7;
	s0 =	sshrl.u32 s25, $0x3  }
0xf: {  	s8 =	sshrl.u32 s8, $0x3;
	s9 =	sshrl.u32 s9, $0x3;
	s0 =	sadd.s32 s1, s0  }
0x10: {  	s17 =	sshrl.u32 s16, $0x3;
	s26 =	sadd.s32 s1, s8;
	[dreg:$0x4] =	wrdreg s0  }
0x11: {  	s25 =	sadd.s32 $0x33000, s7;
	s8 =	sadd.s32 s1, s9;
	[dreg:$0x5] =	wrdreg s26  }
0x12: {  	s9 =	sadd.s32 $0x44008, s7;
	s19 =	sadd.s32 s1, s17;
	[dreg:$0x6] =	wrdreg s8  }
0x13: {  	s0 =	sshrl.u32 s9, $0x3;
	s8 =	sshrl.u32 s10, $0x3;
	s9 =	sshrl.u32 s11, $0x3  }
0x14: {  	s11 =	sadd.s32 s1, s15;
	[dreg:$0xc] =	wrdreg s19;
	s26 =	sadd.s32 $0x22000, s7  }
0x15: {  	s7 =	sadd.s32 $0x11000, s7;
	s10 =	simm.s32 $0x0;
	s0 =	sadd.s32 s1, s0  }
0x16: {  	s12 =	sadd.s32 s1, s8;
	s13 =	sadd.s32 s1, s9;
	s18 =	sadd.s32 $0x1, s11  }
0x17: {  	s8 =	sshrl.u32 s21, $0x3;
	s9 =	sshrl.u32 s22, $0x3;
	[dreg:$0x7] =	wrdreg s0  }
0x18: {  	s7 =	sshrl.u32 s7, $0x3;
	s21 =	sshll.u32 s6, $0x16;
	[dreg:$0x8] =	wrdreg s12  }
0x19: {  	s22 =	sadd.s32 $0x80, s2;
	s6 =	sadd.s32 $0x600, s2;
	[dreg:$0x9] =	wrdreg s13  }
0x1a: {  	s0 =	sshrl.u32 s14, $0x3;
	[dreg:$0xb] =	wrdreg s18;
	s23 =	sadd.s32 s1, s8  }
0x1b: {  	s24 =	sadd.s32 s1, s9;
	s8 =	sshrl.u32 s26, $0x3;
	s26 =	sadd.s32 $0x200, s2  }
0x1c: {  	s9 =	sadd.s32 $0x780, s2;
	s0 =	sadd.s32 s1, s0;
	[dreg:$0xe] =	wrdreg s23  }
0x1d: {  	[dreg:$0xf] =	wrdreg s24;
	s19 =	sadd.s32 s1, s8;
	s23 =	sadd.s32 $0x100, s2  }
0x1e: {  	s24 =	sadd.s32 $0x180, s2;
	[dreg:$0xa] =	wrdreg s0;
	s0 =	sshrl.u32 s20, $0x3  }
0x1f: {  	s8 =	sadd.s32 $0x700, s2;
	s20 =	sadd.s32 s1, s7;
	s0 =	sadd.s32 s1, s0  }
0x20: {  	s7 =	sadd.s32 $0x680, s2;
	[dreg:$0xd] =	wrdreg s0;
	s0 =	sshrl.u32 s25, $0x3  }
0x21: {  	s25 =	smax.u32 s5, $0x1;
	s5 =	sadd.s32 $0x580, s2;
	s0 =	sadd.s32 s1, s0  }
0x22: {  	s1 =	sadd.s32 $0x480, s2;
	[dreg:$0x10] =	wrdreg s0;
	s0 =	sadd.s32 $0x500, s2  }
.LBB2_1:
0x23: {  	s12 =	rddreg [dreg:$0x4]  }
0x24: {  	[tilespmem:s3], [sflag:$0x1] =	stream.linear.gather [hbm4b:s12+s3], $0x1080, $0x38;
	[tilespmem:$0x10800] =	vst v63  }
0x25: {  	s16 =	rddreg [dreg:$0x5];
	s13 =	simm.s32 $0x1080  }
0x26: {  	[tilespmem:s13], [sflag:$0x1] =	stream.linear.gather [hbm4b:s16+s3], $0x1080, $0x38;
	[tilespmem:$0x10800] =	vst v63  }
0x27: {  	s17 =	rddreg [dreg:$0x6];
	s18 =	simm.s32 $0x2100  }
0x28: {  	[tilespmem:s18], [sflag:$0x1] =	stream.linear.gather [hbm4b:s17+s3], $0x1080, $0x38;
	[tilespmem:$0x10800] =	vst v63  }
0x29: {  	s14 =	simm.s32 $0x3180;
	s13 =	rddreg [dreg:$0x7]  }
0x2a: {  	[tilespmem:s14], [sflag:$0x1] =	stream.linear.gather [hbm4b:s13+s3], $0x1080, $0x38;
	[tilespmem:$0x10800] =	vst v63  }
0x2b: {  	s15 =	rddreg [dreg:$0x8];
	s16 =	simm.s32 $0x4200  }
0x2c: {  	[tilespmem:s16], [sflag:$0x1] =	stream.linear.gather [hbm4b:s15+s3], $0x1080, $0x38;
	[tilespmem:$0x10800] =	vst v63  }
0x2d: {  	s17 =	rddreg [dreg:$0x9];
	s18 =	simm.s32 $0x5280  }
0x2e: {  	[tilespmem:s18], [sflag:$0x1] =	stream.linear.gather [hbm4b:s17+s3], $0x1080, $0x38;
	[tilespmem:$0x10800] =	vst v63  }
0x2f: {  	s13 =	rddreg [dreg:$0xa];
	s14 =	simm.s32 $0x6300  }
0x30: {  	[tilespmem:s14], [sflag:$0x1] =	stream.linear.gather [hbm4b:s13+s3], $0x1080, $0x38;
	[tilespmem:$0x10800] =	vst v63  }
0x31: {  	s15 =	rddreg [dreg:$0xb];
	s16 =	simm.s32 $0x7380  }
0x32: {  	[tilespmem:s16], [sflag:$0x1] =	stream.linear.gather [hbm4b:s15+s3], $0x1080, $0x38;
	[tilespmem:$0x10800] =	vst v63  }
0x33: {  	s17 =	rddreg [dreg:$0xc];
	s18 =	simm.s32 $0x8400  }
0x34: {  	[tilespmem:s18], [sflag:$0x1] =	stream.linear.gather [hbm4b:s17+s3], $0x1080, $0x38;
	[tilespmem:$0x10800] =	vst v63  }
0x35: {  	s13 =	rddreg [dreg:$0xd];
	s14 =	simm.s32 $0x9480  }
0x36: {  	[tilespmem:s14], [sflag:$0x1] =	stream.linear.gather [hbm4b:s13+s3], $0x1080, $0x38;
	[tilespmem:$0x10800] =	vst v63  }
0x37: {  	s15 =	rddreg [dreg:$0xe];
	s16 =	simm.s32 $0xA500  }
0x38: {  	[tilespmem:s16], [sflag:$0x1] =	stream.linear.gather [hbm4b:s15+s3], $0x1080, $0x38;
	[tilespmem:$0x10800] =	vst v63  }
0x39: {  	s17 =	rddreg [dreg:$0xf];
	s18 =	simm.s32 $0xB580  }
0x3a: {  	[tilespmem:s18], [sflag:$0x1] =	stream.linear.gather [hbm4b:s17+s3], $0x1080, $0x38;
	[tilespmem:$0x10800] =	vst v63  }
0x3b: {  	s14 =	rddreg [dreg:$0x10];
	s15 =	simm.s32 $0xC600  }
0x3c: {  	[tilespmem:s15], [sflag:$0x1] =	stream.linear.gather [hbm4b:s14+s3], $0x1080, $0x38;
	[tilespmem:$0x10800] =	vst v63  }
0x3d: {  	s16 =	simm.s32 $0xD680  }
0x3e: {  	[tilespmem:s16], [sflag:$0x1] =	stream.linear.gather [hbm4b:s19+s3], $0x1080, $0x38;
	[tilespmem:$0x10800] =	vst v63  }
0x3f: {  	s17 =	simm.s32 $0xE700  }
0x40: {  	[tilespmem:s17], [sflag:$0x1] =	stream.linear.gather [hbm4b:s20+s3], $0x1080, $0x38;
	[tilespmem:$0x10800] =	vst v63  }
0x41: {  	s18 =	simm.s32 $0xF780  }
0x42: {  	[tilespmem:s18], [sflag:$0x1] =	stream.linear.gather [hbm4b:s11+s3], $0x1080, $0x38;
	[tilespmem:$0x10800] =	vst v63  }
0x43: {  	_ =	swait.ge [sflag:s4], $0x1080  }
0x44: {  	[sflag:s4] =	ssyncset.done $0x0  }
0x45: {  	[sflag:s4] =	ssyncadd.s32 $0xFFFFEF80  }
0x46: {  	_ =	swait.ge [sflag:s4], $0x1080  }
0x47: {  	[sflag:s4] =	ssyncset.done $0x0  }
0x48: {  	[sflag:s4] =	ssyncadd.s32 $0xFFFFEF80  }
0x49: {  	_ =	swait.ge [sflag:s4], $0x1080  }
0x4a: {  	[sflag:s4] =	ssyncset.done $0x0  }
0x4b: {  	[sflag:s4] =	ssyncadd.s32 $0xFFFFEF80  }
0x4c: {  	_ =	swait.ge [sflag:s4], $0x1080  }
0x4d: {  	[sflag:s4] =	ssyncset.done $0x0  }
0x4e: {  	[sflag:s4] =	ssyncadd.s32 $0xFFFFEF80  }
0x4f: {  	_ =	swait.ge [sflag:s4], $0x1080  }
0x50: {  	[sflag:s4] =	ssyncset.done $0x0  }
0x51: {  	[sflag:s4] =	ssyncadd.s32 $0xFFFFEF80  }
0x52: {  	_ =	swait.ge [sflag:s4], $0x1080  }
0x53: {  	[sflag:s4] =	ssyncset.done $0x0  }
0x54: {  	[sflag:s4] =	ssyncadd.s32 $0xFFFFEF80  }
0x55: {  	_ =	swait.ge [sflag:s4], $0x1080  }
0x56: {  	[sflag:s4] =	ssyncset.done $0x0  }
0x57: {  	[sflag:s4] =	ssyncadd.s32 $0xFFFFEF80  }
0x58: {  	_ =	swait.ge [sflag:s4], $0x1080  }
0x59: {  	[sflag:s4] =	ssyncset.done $0x0  }
0x5a: {  	[sflag:s4] =	ssyncadd.s32 $0xFFFFEF80  }
0x5b: {  	_ =	swait.ge [sflag:s4], $0x1080  }
0x5c: {  	[sflag:s4] =	ssyncset.done $0x0  }
0x5d: {  	[sflag:s4] =	ssyncadd.s32 $0xFFFFEF80  }
0x5e: {  	_ =	swait.ge [sflag:s4], $0x1080  }
0x5f: {  	[sflag:s4] =	ssyncset.done $0x0  }
0x60: {  	[sflag:s4] =	ssyncadd.s32 $0xFFFFEF80  }
0x61: {  	_ =	swait.ge [sflag:s4], $0x1080  }
0x62: {  	[sflag:s4] =	ssyncset.done $0x0  }
0x63: {  	[sflag:s4] =	ssyncadd.s32 $0xFFFFEF80  }
0x64: {  	_ =	swait.ge [sflag:s4], $0x1080  }
0x65: {  	[sflag:s4] =	ssyncset.done $0x0  }
0x66: {  	[sflag:s4] =	ssyncadd.s32 $0xFFFFEF80  }
0x67: {  	_ =	swait.ge [sflag:s4], $0x1080  }
0x68: {  	[sflag:s4] =	ssyncset.done $0x0  }
0x69: {  	[sflag:s4] =	ssyncadd.s32 $0xFFFFEF80  }
0x6a: {  	_ =	swait.ge [sflag:s4], $0x1080  }
0x6b: {  	[sflag:s4] =	ssyncset.done $0x0  }
0x6c: {  	[sflag:s4] =	ssyncadd.s32 $0xFFFFEF80  }
0x6d: {  	_ =	swait.ge [sflag:s4], $0x1080  }
0x6e: {  	[sflag:s4] =	ssyncset.done $0x0  }
0x6f: {  	[sflag:s4] =	ssyncadd.s32 $0xFFFFEF80  }
0x70: {  	_ =	swait.ge [sflag:s4], $0x1080  }
0x71: {  	[sflag:s4] =	ssyncset.done $0x0  }
0x72: {  	s12 =	simm.s32 $0x0;
	[sflag:s4] =	ssyncadd.s32 $0xFFFFEF80  }
.LBB2_2:
0x73: {  	s13 =	rddreg [dreg:$0x3];
	s14 =	sshll.u32 s12, $0x2  }
0x74: {  	s13 =	sadd.s32 s13, s14  }
0x75: {  	s14 =	sshll.u32 s13, $0xE  }
0x76: {  	s15 =	sadd.s32 s21, s14  }
0x77: {  	s14 =	sshll.u32 s13, $0x3;
	s15 =	sshrl.u32 s15, $0x3  }
0x78: {  	s16 =	ssub.s32 $0x7F8, s14;
	s17 =	sadd.s32 s2, s15  }
0x79: {  	[hbm4b:s17+s3] =	stream.linear.scatter [tilespmem:s16], [sflag:$0x1], $0x80, $0x38;
	[tilespmem:$0x10800] =	vst v63  }
0x7a: {  	s16 =	ssub.s32 $0x1878, s14;
	s18 =	sadd.s32 $0x10, s17  }
0x7b: {  	[hbm4b:s18+s3] =	stream.linear.scatter [tilespmem:s16], [sflag:$0x1], $0x80, $0x38;
	[tilespmem:$0x10800] =	vst v63  }
0x7c: {  	s16 =	ssub.s32 $0x28F8, s14;
	s18 =	sadd.s32 $0x20, s17  }
0x7d: {  	[hbm4b:s18+s3] =	stream.linear.scatter [tilespmem:s16], [sflag:$0x1], $0x80, $0x38;
	[tilespmem:$0x10800] =	vst v63  }
0x7e: {  	s16 =	ssub.s32 $0x3978, s14;
	s18 =	sadd.s32 $0x30, s17  }
0x7f: {  	[hbm4b:s18+s3] =	stream.linear.scatter [tilespmem:s16], [sflag:$0x1], $0x80, $0x38;
	[tilespmem:$0x10800] =	vst v63  }
0x80: {  	s16 =	ssub.s32 $0x49F8, s14;
	s18 =	sadd.s32 $0x40, s17  }
0x81: {  	[hbm4b:s18+s3] =	stream.linear.scatter [tilespmem:s16], [sflag:$0x1], $0x80, $0x38;
	[tilespmem:$0x10800] =	vst v63  }
0x82: {  	s16 =	ssub.s32 $0x5A78, s14;
	s18 =	sadd.s32 $0x50, s17  }
0x83: {  	[hbm4b:s18+s3] =	stream.linear.scatter [tilespmem:s16], [sflag:$0x1], $0x80, $0x38;
	[tilespmem:$0x10800] =	vst v63  }
0x84: {  	s16 =	ssub.s32 $0x6AF8, s14;
	s18 =	sadd.s32 $0x60, s17  }
0x85: {  	[hbm4b:s18+s3] =	stream.linear.scatter [tilespmem:s16], [sflag:$0x1], $0x80, $0x38;
	[tilespmem:$0x10800] =	vst v63  }
0x86: {  	s16 =	ssub.s32 $0x7B78, s14;
	s18 =	sadd.s32 $0x70, s17  }
0x87: {  	[hbm4b:s18+s3] =	stream.linear.scatter [tilespmem:s16], [sflag:$0x1], $0x80, $0x38;
	[tilespmem:$0x10800] =	vst v63  }
0x88: {  	s16 =	ssub.s32 $0x8BF8, s14;
	s18 =	sadd.s32 $0x800, s17  }
0x89: {  	[hbm4b:s18+s3] =	stream.linear.scatter [tilespmem:s16], [sflag:$0x1], $0x80, $0x38;
	[tilespmem:$0x10800] =	vst v63  }
0x8a: {  	s16 =	ssub.s32 $0x9C78, s14;
	s18 =	sadd.s32 $0x810, s17  }
0x8b: {  	[hbm4b:s18+s3] =	stream.linear.scatter [tilespmem:s16], [sflag:$0x1], $0x80, $0x38;
	[tilespmem:$0x10800] =	vst v63  }
0x8c: {  	s16 =	ssub.s32 $0xACF8, s14;
	s18 =	sadd.s32 $0x820, s17  }
0x8d: {  	[hbm4b:s18+s3] =	stream.linear.scatter [tilespmem:s16], [sflag:$0x1], $0x80, $0x38;
	[tilespmem:$0x10800] =	vst v63  }
0x8e: {  	s16 =	ssub.s32 $0xBD78, s14;
	s18 =	sadd.s32 $0x830, s17  }
0x8f: {  	[hbm4b:s18+s3] =	stream.linear.scatter [tilespmem:s16], [sflag:$0x1], $0x80, $0x38;
	[tilespmem:$0x10800] =	vst v63  }
0x90: {  	s16 =	ssub.s32 $0xCDF8, s14;
	s18 =	sadd.s32 $0x840, s17  }
0x91: {  	[hbm4b:s18+s3] =	stream.linear.scatter [tilespmem:s16], [sflag:$0x1], $0x80, $0x38;
	[tilespmem:$0x10800] =	vst v63  }
0x92: {  	s16 =	ssub.s32 $0xDE78, s14;
	s18 =	sadd.s32 $0x850, s17  }
0x93: {  	[hbm4b:s18+s3] =	stream.linear.scatter [tilespmem:s16], [sflag:$0x1], $0x80, $0x38;
	[tilespmem:$0x10800] =	vst v63  }
0x94: {  	s16 =	ssub.s32 $0xEEF8, s14;
	s18 =	sadd.s32 $0x860, s17  }
0x95: {  	[hbm4b:s18+s3] =	stream.linear.scatter [tilespmem:s16], [sflag:$0x1], $0x80, $0x38;
	[tilespmem:$0x10800] =	vst v63  }
0x96: {  	s17 =	sadd.s32 $0x870, s17;
	s18 =	ssub.s32 $0xFF78, s14  }
0x97: {  	[hbm4b:s17+s3] =	stream.linear.scatter [tilespmem:s18], [sflag:$0x1], $0x80, $0x38;
	[tilespmem:$0x10800] =	vst v63  }
0x98: {  	s18 =	ssub.s32 $0x878, s14;
	s17 =	sadd.s32 s15, s22  }
0x99: {  	[hbm4b:s17+s3] =	stream.linear.scatter [tilespmem:s18], [sflag:$0x1], $0x80, $0x38;
	[tilespmem:$0x10800] =	vst v63  }
0x9a: {  	s16 =	ssub.s32 $0x18F8, s14;
	s18 =	sadd.s32 $0x10, s17  }
0x9b: {  	[hbm4b:s18+s3] =	stream.linear.scatter [tilespmem:s16], [sflag:$0x1], $0x80, $0x38;
	[tilespmem:$0x10800] =	vst v63  }
0x9c: {  	s16 =	ssub.s32 $0x2978, s14;
	s18 =	sadd.s32 $0x20, s17  }
0x9d: {  	[hbm4b:s18+s3] =	stream.linear.scatter [tilespmem:s16], [sflag:$0x1], $0x80, $0x38;
	[tilespmem:$0x10800] =	vst v63  }
0x9e: {  	s16 =	ssub.s32 $0x39F8, s14;
	s18 =	sadd.s32 $0x30, s17  }
0x9f: {  	[hbm4b:s18+s3] =	stream.linear.scatter [tilespmem:s16], [sflag:$0x1], $0x80, $0x38;
	[tilespmem:$0x10800] =	vst v63  }
0xa0: {  	s16 =	ssub.s32 $0x4A78, s14;
	s18 =	sadd.s32 $0x40, s17  }
0xa1: {  	[hbm4b:s18+s3] =	stream.linear.scatter [tilespmem:s16], [sflag:$0x1], $0x80, $0x38;
	[tilespmem:$0x10800] =	vst v63  }
0xa2: {  	s16 =	ssub.s32 $0x5AF8, s14;
	s18 =	sadd.s32 $0x50, s17  }
0xa3: {  	[hbm4b:s18+s3] =	stream.linear.scatter [tilespmem:s16], [sflag:$0x1], $0x80, $0x38;
	[tilespmem:$0x10800] =	vst v63  }
0xa4: {  	s16 =	ssub.s32 $0x6B78, s14;
	s18 =	sadd.s32 $0x60, s17  }
0xa5: {  	[hbm4b:s18+s3] =	stream.linear.scatter [tilespmem:s16], [sflag:$0x1], $0x80, $0x38;
	[tilespmem:$0x10800] =	vst v63  }
0xa6: {  	s16 =	ssub.s32 $0x7BF8, s14;
	s18 =	sadd.s32 $0x70, s17  }
0xa7: {  	[hbm4b:s18+s3] =	stream.linear.scatter [tilespmem:s16], [sflag:$0x1], $0x80, $0x38;
	[tilespmem:$0x10800] =	vst v63  }
0xa8: {  	s16 =	ssub.s32 $0x8C78, s14;
	s18 =	sadd.s32 $0x800, s17  }
0xa9: {  	[hbm4b:s18+s3] =	stream.linear.scatter [tilespmem:s16], [sflag:$0x1], $0x80, $0x38;
	[tilespmem:$0x10800] =	vst v63  }
0xaa: {  	s16 =	ssub.s32 $0x9CF8, s14;
	s18 =	sadd.s32 $0x810, s17  }
0xab: {  	[hbm4b:s18+s3] =	stream.linear.scatter [tilespmem:s16], [sflag:$0x1], $0x80, $0x38;
	[tilespmem:$0x10800] =	vst v63  }
0xac: {  	s16 =	ssub.s32 $0xAD78, s14;
	s18 =	sadd.s32 $0x820, s17  }
0xad: {  	[hbm4b:s18+s3] =	stream.linear.scatter [tilespmem:s16], [sflag:$0x1], $0x80, $0x38;
	[tilespmem:$0x10800] =	vst v63  }
0xae: {  	s16 =	ssub.s32 $0xBDF8, s14;
	s18 =	sadd.s32 $0x830, s17  }
0xaf: {  	[hbm4b:s18+s3] =	stream.linear.scatter [tilespmem:s16], [sflag:$0x1], $0x80, $0x38;
	[tilespmem:$0x10800] =	vst v63  }
0xb0: {  	s16 =	ssub.s32 $0xCE78, s14;
	s18 =	sadd.s32 $0x840, s17  }
0xb1: {  	[hbm4b:s18+s3] =	stream.linear.scatter [tilespmem:s16], [sflag:$0x1], $0x80, $0x38;
	[tilespmem:$0x10800] =	vst v63  }
0xb2: {  	s16 =	ssub.s32 $0xDEF8, s14;
	s18 =	sadd.s32 $0x850, s17  }
0xb3: {  	[hbm4b:s18+s3] =	stream.linear.scatter [tilespmem:s16], [sflag:$0x1], $0x80, $0x38;
	[tilespmem:$0x10800] =	vst v63  }
0xb4: {  	s16 =	ssub.s32 $0xEF78, s14;
	s18 =	sadd.s32 $0x860, s17  }
0xb5: {  	[hbm4b:s18+s3] =	stream.linear.scatter [tilespmem:s16], [sflag:$0x1], $0x80, $0x38;
	[tilespmem:$0x10800] =	vst v63  }
0xb6: {  	s17 =	sadd.s32 $0x870, s17;
	s18 =	ssub.s32 $0xFFF8, s14  }
0xb7: {  	[hbm4b:s17+s3] =	stream.linear.scatter [tilespmem:s18], [sflag:$0x1], $0x80, $0x38;
	[tilespmem:$0x10800] =	vst v63  }
0xb8: {  	s18 =	ssub.s32 $0x8F8, s14;
	s17 =	sadd.s32 s15, s23  }
0xb9: {  	[hbm4b:s17+s3] =	stream.linear.scatter [tilespmem:s18], [sflag:$0x1], $0x80, $0x38;
	[tilespmem:$0x10800] =	vst v63  }
0xba: {  	s16 =	ssub.s32 $0x1978, s14;
	s18 =	sadd.s32 $0x10, s17  }
0xbb: {  	[hbm4b:s18+s3] =	stream.linear.scatter [tilespmem:s16], [sflag:$0x1], $0x80, $0x38;
	[tilespmem:$0x10800] =	vst v63  }
0xbc: {  	s16 =	ssub.s32 $0x29F8, s14;
	s18 =	sadd.s32 $0x20, s17  }
0xbd: {  	[hbm4b:s18+s3] =	stream.linear.scatter [tilespmem:s16], [sflag:$0x1], $0x80, $0x38;
	[tilespmem:$0x10800] =	vst v63  }
0xbe: {  	s16 =	ssub.s32 $0x3A78, s14;
	s18 =	sadd.s32 $0x30, s17  }
0xbf: {  	[hbm4b:s18+s3] =	stream.linear.scatter [tilespmem:s16], [sflag:$0x1], $0x80, $0x38;
	[tilespmem:$0x10800] =	vst v63  }
0xc0: {  	s16 =	ssub.s32 $0x4AF8, s14;
	s18 =	sadd.s32 $0x40, s17  }
0xc1: {  	[hbm4b:s18+s3] =	stream.linear.scatter [tilespmem:s16], [sflag:$0x1], $0x80, $0x38;
	[tilespmem:$0x10800] =	vst v63  }
0xc2: {  	s16 =	ssub.s32 $0x5B78, s14;
	s18 =	sadd.s32 $0x50, s17  }
0xc3: {  	[hbm4b:s18+s3] =	stream.linear.scatter [tilespmem:s16], [sflag:$0x1], $0x80, $0x38;
	[tilespmem:$0x10800] =	vst v63  }
0xc4: {  	s16 =	ssub.s32 $0x6BF8, s14;
	s18 =	sadd.s32 $0x60, s17  }
0xc5: {  	[hbm4b:s18+s3] =	stream.linear.scatter [tilespmem:s16], [sflag:$0x1], $0x80, $0x38;
	[tilespmem:$0x10800] =	vst v63  }
0xc6: {  	s16 =	ssub.s32 $0x7C78, s14;
	s18 =	sadd.s32 $0x70, s17  }
0xc7: {  	[hbm4b:s18+s3] =	stream.linear.scatter [tilespmem:s16], [sflag:$0x1], $0x80, $0x38;
	[tilespmem:$0x10800] =	vst v63  }
0xc8: {  	s16 =	ssub.s32 $0x8CF8, s14;
	s18 =	sadd.s32 $0x800, s17  }
0xc9: {  	[hbm4b:s18+s3] =	stream.linear.scatter [tilespmem:s16], [sflag:$0x1], $0x80, $0x38;
	[tilespmem:$0x10800] =	vst v63  }
0xca: {  	s16 =	ssub.s32 $0x9D78, s14;
	s18 =	sadd.s32 $0x810, s17  }
0xcb: {  	[hbm4b:s18+s3] =	stream.linear.scatter [tilespmem:s16], [sflag:$0x1], $0x80, $0x38;
	[tilespmem:$0x10800] =	vst v63  }
0xcc: {  	s16 =	ssub.s32 $0xADF8, s14;
	s18 =	sadd.s32 $0x820, s17  }
0xcd: {  	[hbm4b:s18+s3] =	stream.linear.scatter [tilespmem:s16], [sflag:$0x1], $0x80, $0x38;
	[tilespmem:$0x10800] =	vst v63  }
0xce: {  	s16 =	ssub.s32 $0xBE78, s14;
	s18 =	sadd.s32 $0x830, s17  }
0xcf: {  	[hbm4b:s18+s3] =	stream.linear.scatter [tilespmem:s16], [sflag:$0x1], $0x80, $0x38;
	[tilespmem:$0x10800] =	vst v63  }
0xd0: {  	s16 =	ssub.s32 $0xCEF8, s14;
	s18 =	sadd.s32 $0x840, s17  }
0xd1: {  	[hbm4b:s18+s3] =	stream.linear.scatter [tilespmem:s16], [sflag:$0x1], $0x80, $0x38;
	[tilespmem:$0x10800] =	vst v63  }
0xd2: {  	s16 =	ssub.s32 $0xDF78, s14;
	s18 =	sadd.s32 $0x850, s17  }
0xd3: {  	[hbm4b:s18+s3] =	stream.linear.scatter [tilespmem:s16], [sflag:$0x1], $0x80, $0x38;
	[tilespmem:$0x10800] =	vst v63  }
0xd4: {  	s16 =	ssub.s32 $0xEFF8, s14;
	s18 =	sadd.s32 $0x860, s17  }
0xd5: {  	[hbm4b:s18+s3] =	stream.linear.scatter [tilespmem:s16], [sflag:$0x1], $0x80, $0x38;
	[tilespmem:$0x10800] =	vst v63  }
0xd6: {  	s17 =	sadd.s32 $0x870, s17;
	s18 =	ssub.s32 $0x10078, s14  }
0xd7: {  	[hbm4b:s17+s3] =	stream.linear.scatter [tilespmem:s18], [sflag:$0x1], $0x80, $0x38;
	[tilespmem:$0x10800] =	vst v63  }
0xd8: {  	s18 =	ssub.s32 $0x978, s14;
	s17 =	sadd.s32 s15, s24  }
0xd9: {  	[hbm4b:s17+s3] =	stream.linear.scatter [tilespmem:s18], [sflag:$0x1], $0x80, $0x38;
	[tilespmem:$0x10800] =	vst v63  }
0xda: {  	s16 =	ssub.s32 $0x19F8, s14;
	s18 =	sadd.s32 $0x10, s17  }
0xdb: {  	[hbm4b:s18+s3] =	stream.linear.scatter [tilespmem:s16], [sflag:$0x1], $0x80, $0x38;
	[tilespmem:$0x10800] =	vst v63  }
0xdc: {  	s16 =	ssub.s32 $0x2A78, s14;
	s18 =	sadd.s32 $0x20, s17  }
0xdd: {  	[hbm4b:s18+s3] =	stream.linear.scatter [tilespmem:s16], [sflag:$0x1], $0x80, $0x38;
	[tilespmem:$0x10800] =	vst v63  }
0xde: {  	s16 =	ssub.s32 $0x3AF8, s14;
	s18 =	sadd.s32 $0x30, s17  }
0xdf: {  	[hbm4b:s18+s3] =	stream.linear.scatter [tilespmem:s16], [sflag:$0x1], $0x80, $0x38;
	[tilespmem:$0x10800] =	vst v63  }
0xe0: {  	s16 =	ssub.s32 $0x4B78, s14;
	s18 =	sadd.s32 $0x40, s17  }
0xe1: {  	[hbm4b:s18+s3] =	stream.linear.scatter [tilespmem:s16], [sflag:$0x1], $0x80, $0x38;
	[tilespmem:$0x10800] =	vst v63  }
0xe2: {  	s16 =	ssub.s32 $0x5BF8, s14;
	s18 =	sadd.s32 $0x50, s17  }
0xe3: {  	[hbm4b:s18+s3] =	stream.linear.scatter [tilespmem:s16], [sflag:$0x1], $0x80, $0x38;
	[tilespmem:$0x10800] =	vst v63  }
0xe4: {  	s16 =	ssub.s32 $0x6C78, s14;
	s18 =	sadd.s32 $0x60, s17  }
0xe5: {  	[hbm4b:s18+s3] =	stream.linear.scatter [tilespmem:s16], [sflag:$0x1], $0x80, $0x38;
	[tilespmem:$0x10800] =	vst v63  }
0xe6: {  	s16 =	ssub.s32 $0x7CF8, s14;
	s18 =	sadd.s32 $0x70, s17  }
0xe7: {  	[hbm4b:s18+s3] =	stream.linear.scatter [tilespmem:s16], [sflag:$0x1], $0x80, $0x38;
	[tilespmem:$0x10800] =	vst v63  }
0xe8: {  	s16 =	ssub.s32 $0x8D78, s14;
	s18 =	sadd.s32 $0x800, s17  }
0xe9: {  	[hbm4b:s18+s3] =	stream.linear.scatter [tilespmem:s16], [sflag:$0x1], $0x80, $0x38;
	[tilespmem:$0x10800] =	vst v63  }
0xea: {  	s16 =	ssub.s32 $0x9DF8, s14;
	s18 =	sadd.s32 $0x810, s17  }
0xeb: {  	[hbm4b:s18+s3] =	stream.linear.scatter [tilespmem:s16], [sflag:$0x1], $0x80, $0x38;
	[tilespmem:$0x10800] =	vst v63  }
0xec: {  	s16 =	ssub.s32 $0xAE78, s14;
	s18 =	sadd.s32 $0x820, s17  }
0xed: {  	[hbm4b:s18+s3] =	stream.linear.scatter [tilespmem:s16], [sflag:$0x1], $0x80, $0x38;
	[tilespmem:$0x10800] =	vst v63  }
0xee: {  	s16 =	ssub.s32 $0xBEF8, s14;
	s18 =	sadd.s32 $0x830, s17  }
0xef: {  	[hbm4b:s18+s3] =	stream.linear.scatter [tilespmem:s16], [sflag:$0x1], $0x80, $0x38;
	[tilespmem:$0x10800] =	vst v63  }
0xf0: {  	s16 =	ssub.s32 $0xCF78, s14;
	s18 =	sadd.s32 $0x840, s17  }
0xf1: {  	[hbm4b:s18+s3] =	stream.linear.scatter [tilespmem:s16], [sflag:$0x1], $0x80, $0x38;
	[tilespmem:$0x10800] =	vst v63  }
0xf2: {  	s16 =	ssub.s32 $0xDFF8, s14;
	s18 =	sadd.s32 $0x850, s17  }
0xf3: {  	[hbm4b:s18+s3] =	stream.linear.scatter [tilespmem:s16], [sflag:$0x1], $0x80, $0x38;
	[tilespmem:$0x10800] =	vst v63  }
0xf4: {  	s16 =	ssub.s32 $0xF078, s14;
	s18 =	sadd.s32 $0x860, s17  }
0xf5: {  	[hbm4b:s18+s3] =	stream.linear.scatter [tilespmem:s16], [sflag:$0x1], $0x80, $0x38;
	[tilespmem:$0x10800] =	vst v63  }
0xf6: {  	s17 =	sadd.s32 $0x870, s17;
	s18 =	ssub.s32 $0x100F8, s14  }
0xf7: {  	[hbm4b:s17+s3] =	stream.linear.scatter [tilespmem:s18], [sflag:$0x1], $0x80, $0x38;
	[tilespmem:$0x10800] =	vst v63  }
0xf8: {  	s18 =	ssub.s32 $0x9F8, s14;
	s17 =	sadd.s32 s15, s26  }
0xf9: {  	[hbm4b:s17+s3] =	stream.linear.scatter [tilespmem:s18], [sflag:$0x1], $0x80, $0x38;
	[tilespmem:$0x10800] =	vst v63  }
0xfa: {  	s16 =	ssub.s32 $0x1A78, s14;
	s18 =	sadd.s32 $0x10, s17  }
0xfb: {  	[hbm4b:s18+s3] =	stream.linear.scatter [tilespmem:s16], [sflag:$0x1], $0x80, $0x38;
	[tilespmem:$0x10800] =	vst v63  }
0xfc: {  	s16 =	ssub.s32 $0x2AF8, s14;
	s18 =	sadd.s32 $0x20, s17  }
0xfd: {  	[hbm4b:s18+s3] =	stream.linear.scatter [tilespmem:s16], [sflag:$0x1], $0x80, $0x38;
	[tilespmem:$0x10800] =	vst v63  }
0xfe: {  	s16 =	ssub.s32 $0x3B78, s14;
	s18 =	sadd.s32 $0x30, s17  }
0xff: {  	[hbm4b:s18+s3] =	stream.linear.scatter [tilespmem:s16], [sflag:$0x1], $0x80, $0x38;
	[tilespmem:$0x10800] =	vst v63  }
0x100: {  	s16 =	ssub.s32 $0x4BF8, s14;
	s18 =	sadd.s32 $0x40, s17  }
0x101: {  	[hbm4b:s18+s3] =	stream.linear.scatter [tilespmem:s16], [sflag:$0x1], $0x80, $0x38;
	[tilespmem:$0x10800] =	vst v63  }
0x102: {  	s16 =	ssub.s32 $0x5C78, s14;
	s18 =	sadd.s32 $0x50, s17  }
0x103: {  	[hbm4b:s18+s3] =	stream.linear.scatter [tilespmem:s16], [sflag:$0x1], $0x80, $0x38;
	[tilespmem:$0x10800] =	vst v63  }
0x104: {  	s16 =	ssub.s32 $0x6CF8, s14;
	s18 =	sadd.s32 $0x60, s17  }
0x105: {  	[hbm4b:s18+s3] =	stream.linear.scatter [tilespmem:s16], [sflag:$0x1], $0x80, $0x38;
	[tilespmem:$0x10800] =	vst v63  }
0x106: {  	s16 =	ssub.s32 $0x7D78, s14;
	s18 =	sadd.s32 $0x70, s17  }
0x107: {  	[hbm4b:s18+s3] =	stream.linear.scatter [tilespmem:s16], [sflag:$0x1], $0x80, $0x38;
	[tilespmem:$0x10800] =	vst v63  }
0x108: {  	s16 =	ssub.s32 $0x8DF8, s14;
	s18 =	sadd.s32 $0x800, s17  }
0x109: {  	[hbm4b:s18+s3] =	stream.linear.scatter [tilespmem:s16], [sflag:$0x1], $0x80, $0x38;
	[tilespmem:$0x10800] =	vst v63  }
0x10a: {  	s16 =	ssub.s32 $0x9E78, s14;
	s18 =	sadd.s32 $0x810, s17  }
0x10b: {  	[hbm4b:s18+s3] =	stream.linear.scatter [tilespmem:s16], [sflag:$0x1], $0x80, $0x38;
	[tilespmem:$0x10800] =	vst v63  }
0x10c: {  	s16 =	ssub.s32 $0xAEF8, s14;
	s18 =	sadd.s32 $0x820, s17  }
0x10d: {  	[hbm4b:s18+s3] =	stream.linear.scatter [tilespmem:s16], [sflag:$0x1], $0x80, $0x38;
	[tilespmem:$0x10800] =	vst v63  }
0x10e: {  	s16 =	ssub.s32 $0xBF78, s14;
	s18 =	sadd.s32 $0x830, s17  }
0x10f: {  	[hbm4b:s18+s3] =	stream.linear.scatter [tilespmem:s16], [sflag:$0x1], $0x80, $0x38;
	[tilespmem:$0x10800] =	vst v63  }
0x110: {  	s16 =	ssub.s32 $0xCFF8, s14;
	s18 =	sadd.s32 $0x840, s17  }
0x111: {  	[hbm4b:s18+s3] =	stream.linear.scatter [tilespmem:s16], [sflag:$0x1], $0x80, $0x38;
	[tilespmem:$0x10800] =	vst v63  }
0x112: {  	s16 =	ssub.s32 $0xE078, s14;
	s18 =	sadd.s32 $0x850, s17  }
0x113: {  	[hbm4b:s18+s3] =	stream.linear.scatter [tilespmem:s16], [sflag:$0x1], $0x80, $0x38;
	[tilespmem:$0x10800] =	vst v63  }
0x114: {  	s16 =	ssub.s32 $0xF0F8, s14;
	s18 =	sadd.s32 $0x860, s17  }
0x115: {  	[hbm4b:s18+s3] =	stream.linear.scatter [tilespmem:s16], [sflag:$0x1], $0x80, $0x38;
	[tilespmem:$0x10800] =	vst v63  }
0x116: {  	s17 =	sadd.s32 $0x870, s17;
	s18 =	ssub.s32 $0x10178, s14  }
0x117: {  	[hbm4b:s17+s3] =	stream.linear.scatter [tilespmem:s18], [sflag:$0x1], $0x80, $0x38;
	[tilespmem:$0x10800] =	vst v63  }
0x118: {  	s18 =	ssub.s32 $0xA78, s14;
	s17 =	sadd.s32 s15, s28  }
0x119: {  	[hbm4b:s17+s3] =	stream.linear.scatter [tilespmem:s18], [sflag:$0x1], $0x80, $0x38;
	[tilespmem:$0x10800] =	vst v63  }
0x11a: {  	s16 =	ssub.s32 $0x1AF8, s14;
	s18 =	sadd.s32 $0x10, s17  }
0x11b: {  	[hbm4b:s18+s3] =	stream.linear.scatter [tilespmem:s16], [sflag:$0x1], $0x80, $0x38;
	[tilespmem:$0x10800] =	vst v63  }
0x11c: {  	s16 =	ssub.s32 $0x2B78, s14;
	s18 =	sadd.s32 $0x20, s17  }
0x11d: {  	[hbm4b:s18+s3] =	stream.linear.scatter [tilespmem:s16], [sflag:$0x1], $0x80, $0x38;
	[tilespmem:$0x10800] =	vst v63  }
0x11e: {  	s16 =	ssub.s32 $0x3BF8, s14;
	s18 =	sadd.s32 $0x30, s17  }
0x11f: {  	[hbm4b:s18+s3] =	stream.linear.scatter [tilespmem:s16], [sflag:$0x1], $0x80, $0x38;
	[tilespmem:$0x10800] =	vst v63  }
0x120: {  	s16 =	ssub.s32 $0x4C78, s14;
	s18 =	sadd.s32 $0x40, s17  }
0x121: {  	[hbm4b:s18+s3] =	stream.linear.scatter [tilespmem:s16], [sflag:$0x1], $0x80, $0x38;
	[tilespmem:$0x10800] =	vst v63  }
0x122: {  	s16 =	ssub.s32 $0x5CF8, s14;
	s18 =	sadd.s32 $0x50, s17  }
0x123: {  	[hbm4b:s18+s3] =	stream.linear.scatter [tilespmem:s16], [sflag:$0x1], $0x80, $0x38;
	[tilespmem:$0x10800] =	vst v63  }
0x124: {  	s16 =	ssub.s32 $0x6D78, s14;
	s18 =	sadd.s32 $0x60, s17  }
0x125: {  	[hbm4b:s18+s3] =	stream.linear.scatter [tilespmem:s16], [sflag:$0x1], $0x80, $0x38;
	[tilespmem:$0x10800] =	vst v63  }
0x126: {  	s16 =	ssub.s32 $0x7DF8, s14;
	s18 =	sadd.s32 $0x70, s17  }
0x127: {  	[hbm4b:s18+s3] =	stream.linear.scatter [tilespmem:s16], [sflag:$0x1], $0x80, $0x38;
	[tilespmem:$0x10800] =	vst v63  }
0x128: {  	s16 =	ssub.s32 $0x8E78, s14;
	s18 =	sadd.s32 $0x800, s17  }
0x129: {  	[hbm4b:s18+s3] =	stream.linear.scatter [tilespmem:s16], [sflag:$0x1], $0x80, $0x38;
	[tilespmem:$0x10800] =	vst v63  }
0x12a: {  	s16 =	ssub.s32 $0x9EF8, s14;
	s18 =	sadd.s32 $0x810, s17  }
0x12b: {  	[hbm4b:s18+s3] =	stream.linear.scatter [tilespmem:s16], [sflag:$0x1], $0x80, $0x38;
	[tilespmem:$0x10800] =	vst v63  }
0x12c: {  	s16 =	ssub.s32 $0xAF78, s14;
	s18 =	sadd.s32 $0x820, s17  }
0x12d: {  	[hbm4b:s18+s3] =	stream.linear.scatter [tilespmem:s16], [sflag:$0x1], $0x80, $0x38;
	[tilespmem:$0x10800] =	vst v63  }
0x12e: {  	s16 =	ssub.s32 $0xBFF8, s14;
	s18 =	sadd.s32 $0x830, s17  }
0x12f: {  	[hbm4b:s18+s3] =	stream.linear.scatter [tilespmem:s16], [sflag:$0x1], $0x80, $0x38;
	[tilespmem:$0x10800] =	vst v63  }
0x130: {  	s16 =	ssub.s32 $0xD078, s14;
	s18 =	sadd.s32 $0x840, s17  }
0x131: {  	[hbm4b:s18+s3] =	stream.linear.scatter [tilespmem:s16], [sflag:$0x1], $0x80, $0x38;
	[tilespmem:$0x10800] =	vst v63  }
0x132: {  	s16 =	ssub.s32 $0xE0F8, s14;
	s18 =	sadd.s32 $0x850, s17  }
0x133: {  	[hbm4b:s18+s3] =	stream.linear.scatter [tilespmem:s16], [sflag:$0x1], $0x80, $0x38;
	[tilespmem:$0x10800] =	vst v63  }
0x134: {  	s16 =	ssub.s32 $0xF178, s14;
	s18 =	sadd.s32 $0x860, s17  }
0x135: {  	[hbm4b:s18+s3] =	stream.linear.scatter [tilespmem:s16], [sflag:$0x1], $0x80, $0x38;
	[tilespmem:$0x10800] =	vst v63  }
0x136: {  	s17 =	sadd.s32 $0x870, s17;
	s18 =	ssub.s32 $0x101F8, s14  }
0x137: {  	[hbm4b:s17+s3] =	stream.linear.scatter [tilespmem:s18], [sflag:$0x1], $0x80, $0x38;
	[tilespmem:$0x10800] =	vst v63  }
0x138: {  	s18 =	ssub.s32 $0xAF8, s14;
	s17 =	sadd.s32 s15, s29  }
0x139: {  	[hbm4b:s17+s3] =	stream.linear.scatter [tilespmem:s18], [sflag:$0x1], $0x80, $0x38;
	[tilespmem:$0x10800] =	vst v63  }
0x13a: {  	s16 =	ssub.s32 $0x1B78, s14;
	s18 =	sadd.s32 $0x10, s17  }
0x13b: {  	[hbm4b:s18+s3] =	stream.linear.scatter [tilespmem:s16], [sflag:$0x1], $0x80, $0x38;
	[tilespmem:$0x10800] =	vst v63  }
0x13c: {  	s16 =	ssub.s32 $0x2BF8, s14;
	s18 =	sadd.s32 $0x20, s17  }
0x13d: {  	[hbm4b:s18+s3] =	stream.linear.scatter [tilespmem:s16], [sflag:$0x1], $0x80, $0x38;
	[tilespmem:$0x10800] =	vst v63  }
0x13e: {  	s16 =	ssub.s32 $0x3C78, s14;
	s18 =	sadd.s32 $0x30, s17  }
0x13f: {  	[hbm4b:s18+s3] =	stream.linear.scatter [tilespmem:s16], [sflag:$0x1], $0x80, $0x38;
	[tilespmem:$0x10800] =	vst v63  }
0x140: {  	s16 =	ssub.s32 $0x4CF8, s14;
	s18 =	sadd.s32 $0x40, s17  }
0x141: {  	[hbm4b:s18+s3] =	stream.linear.scatter [tilespmem:s16], [sflag:$0x1], $0x80, $0x38;
	[tilespmem:$0x10800] =	vst v63  }
0x142: {  	s16 =	ssub.s32 $0x5D78, s14;
	s18 =	sadd.s32 $0x50, s17  }
0x143: {  	[hbm4b:s18+s3] =	stream.linear.scatter [tilespmem:s16], [sflag:$0x1], $0x80, $0x38;
	[tilespmem:$0x10800] =	vst v63  }
0x144: {  	s16 =	ssub.s32 $0x6DF8, s14;
	s18 =	sadd.s32 $0x60, s17  }
0x145: {  	[hbm4b:s18+s3] =	stream.linear.scatter [tilespmem:s16], [sflag:$0x1], $0x80, $0x38;
	[tilespmem:$0x10800] =	vst v63  }
0x146: {  	s16 =	ssub.s32 $0x7E78, s14;
	s18 =	sadd.s32 $0x70, s17  }
0x147: {  	[hbm4b:s18+s3] =	stream.linear.scatter [tilespmem:s16], [sflag:$0x1], $0x80, $0x38;
	[tilespmem:$0x10800] =	vst v63  }
0x148: {  	s16 =	ssub.s32 $0x8EF8, s14;
	s18 =	sadd.s32 $0x800, s17  }
0x149: {  	[hbm4b:s18+s3] =	stream.linear.scatter [tilespmem:s16], [sflag:$0x1], $0x80, $0x38;
	[tilespmem:$0x10800] =	vst v63  }
0x14a: {  	s16 =	ssub.s32 $0x9F78, s14;
	s18 =	sadd.s32 $0x810, s17  }
0x14b: {  	[hbm4b:s18+s3] =	stream.linear.scatter [tilespmem:s16], [sflag:$0x1], $0x80, $0x38;
	[tilespmem:$0x10800] =	vst v63  }
0x14c: {  	s16 =	ssub.s32 $0xAFF8, s14;
	s18 =	sadd.s32 $0x820, s17  }
0x14d: {  	[hbm4b:s18+s3] =	stream.linear.scatter [tilespmem:s16], [sflag:$0x1], $0x80, $0x38;
	[tilespmem:$0x10800] =	vst v63  }
0x14e: {  	s16 =	ssub.s32 $0xC078, s14;
	s18 =	sadd.s32 $0x830, s17  }
0x14f: {  	[hbm4b:s18+s3] =	stream.linear.scatter [tilespmem:s16], [sflag:$0x1], $0x80, $0x38;
	[tilespmem:$0x10800] =	vst v63  }
0x150: {  	s16 =	ssub.s32 $0xD0F8, s14;
	s18 =	sadd.s32 $0x840, s17  }
0x151: {  	[hbm4b:s18+s3] =	stream.linear.scatter [tilespmem:s16], [sflag:$0x1], $0x80, $0x38;
	[tilespmem:$0x10800] =	vst v63  }
0x152: {  	s16 =	ssub.s32 $0xE178, s14;
	s18 =	sadd.s32 $0x850, s17  }
0x153: {  	[hbm4b:s18+s3] =	stream.linear.scatter [tilespmem:s16], [sflag:$0x1], $0x80, $0x38;
	[tilespmem:$0x10800] =	vst v63  }
0x154: {  	s16 =	ssub.s32 $0xF1F8, s14;
	s18 =	sadd.s32 $0x860, s17  }
0x155: {  	[hbm4b:s18+s3] =	stream.linear.scatter [tilespmem:s16], [sflag:$0x1], $0x80, $0x38;
	[tilespmem:$0x10800] =	vst v63  }
0x156: {  	s17 =	sadd.s32 $0x870, s17;
	s18 =	ssub.s32 $0x10278, s14  }
0x157: {  	[hbm4b:s17+s3] =	stream.linear.scatter [tilespmem:s18], [sflag:$0x1], $0x80, $0x38;
	[tilespmem:$0x10800] =	vst v63  }
0x158: {  	s18 =	ssub.s32 $0xB78, s14;
	s17 =	sadd.s32 s15, s30  }
0x159: {  	[hbm4b:s17+s3] =	stream.linear.scatter [tilespmem:s18], [sflag:$0x1], $0x80, $0x38;
	[tilespmem:$0x10800] =	vst v63  }
0x15a: {  	s16 =	ssub.s32 $0x1BF8, s14;
	s18 =	sadd.s32 $0x10, s17  }
0x15b: {  	[hbm4b:s18+s3] =	stream.linear.scatter [tilespmem:s16], [sflag:$0x1], $0x80, $0x38;
	[tilespmem:$0x10800] =	vst v63  }
0x15c: {  	s16 =	ssub.s32 $0x2C78, s14;
	s18 =	sadd.s32 $0x20, s17  }
0x15d: {  	[hbm4b:s18+s3] =	stream.linear.scatter [tilespmem:s16], [sflag:$0x1], $0x80, $0x38;
	[tilespmem:$0x10800] =	vst v63  }
0x15e: {  	s16 =	ssub.s32 $0x3CF8, s14;
	s18 =	sadd.s32 $0x30, s17  }
0x15f: {  	[hbm4b:s18+s3] =	stream.linear.scatter [tilespmem:s16], [sflag:$0x1], $0x80, $0x38;
	[tilespmem:$0x10800] =	vst v63  }
0x160: {  	s16 =	ssub.s32 $0x4D78, s14;
	s18 =	sadd.s32 $0x40, s17  }
0x161: {  	[hbm4b:s18+s3] =	stream.linear.scatter [tilespmem:s16], [sflag:$0x1], $0x80, $0x38;
	[tilespmem:$0x10800] =	vst v63  }
0x162: {  	s16 =	ssub.s32 $0x5DF8, s14;
	s18 =	sadd.s32 $0x50, s17  }
0x163: {  	[hbm4b:s18+s3] =	stream.linear.scatter [tilespmem:s16], [sflag:$0x1], $0x80, $0x38;
	[tilespmem:$0x10800] =	vst v63  }
0x164: {  	s16 =	ssub.s32 $0x6E78, s14;
	s18 =	sadd.s32 $0x60, s17  }
0x165: {  	[hbm4b:s18+s3] =	stream.linear.scatter [tilespmem:s16], [sflag:$0x1], $0x80, $0x38;
	[tilespmem:$0x10800] =	vst v63  }
0x166: {  	s16 =	ssub.s32 $0x7EF8, s14;
	s18 =	sadd.s32 $0x70, s17  }
0x167: {  	[hbm4b:s18+s3] =	stream.linear.scatter [tilespmem:s16], [sflag:$0x1], $0x80, $0x38;
	[tilespmem:$0x10800] =	vst v63  }
0x168: {  	s16 =	ssub.s32 $0x8F78, s14;
	s18 =	sadd.s32 $0x800, s17  }
0x169: {  	[hbm4b:s18+s3] =	stream.linear.scatter [tilespmem:s16], [sflag:$0x1], $0x80, $0x38;
	[tilespmem:$0x10800] =	vst v63  }
0x16a: {  	s16 =	ssub.s32 $0x9FF8, s14;
	s18 =	sadd.s32 $0x810, s17  }
0x16b: {  	[hbm4b:s18+s3] =	stream.linear.scatter [tilespmem:s16], [sflag:$0x1], $0x80, $0x38;
	[tilespmem:$0x10800] =	vst v63  }
0x16c: {  	s16 =	ssub.s32 $0xB078, s14;
	s18 =	sadd.s32 $0x820, s17  }
0x16d: {  	[hbm4b:s18+s3] =	stream.linear.scatter [tilespmem:s16], [sflag:$0x1], $0x80, $0x38;
	[tilespmem:$0x10800] =	vst v63  }
0x16e: {  	s16 =	ssub.s32 $0xC0F8, s14;
	s18 =	sadd.s32 $0x830, s17  }
0x16f: {  	[hbm4b:s18+s3] =	stream.linear.scatter [tilespmem:s16], [sflag:$0x1], $0x80, $0x38;
	[tilespmem:$0x10800] =	vst v63  }
0x170: {  	s16 =	ssub.s32 $0xD178, s14;
	s18 =	sadd.s32 $0x840, s17  }
0x171: {  	[hbm4b:s18+s3] =	stream.linear.scatter [tilespmem:s16], [sflag:$0x1], $0x80, $0x38;
	[tilespmem:$0x10800] =	vst v63  }
0x172: {  	s16 =	ssub.s32 $0xE1F8, s14;
	s18 =	sadd.s32 $0x850, s17  }
0x173: {  	[hbm4b:s18+s3] =	stream.linear.scatter [tilespmem:s16], [sflag:$0x1], $0x80, $0x38;
	[tilespmem:$0x10800] =	vst v63  }
0x174: {  	s16 =	ssub.s32 $0xF278, s14;
	s18 =	sadd.s32 $0x860, s17  }
0x175: {  	[hbm4b:s18+s3] =	stream.linear.scatter [tilespmem:s16], [sflag:$0x1], $0x80, $0x38;
	[tilespmem:$0x10800] =	vst v63  }
0x176: {  	s17 =	sadd.s32 $0x870, s17;
	s18 =	ssub.s32 $0x102F8, s14  }
0x177: {  	[hbm4b:s17+s3] =	stream.linear.scatter [tilespmem:s18], [sflag:$0x1], $0x80, $0x38;
	[tilespmem:$0x10800] =	vst v63  }
0x178: {  	s18 =	ssub.s32 $0xBF8, s14;
	s17 =	sadd.s32 s15, s31  }
0x179: {  	[hbm4b:s17+s3] =	stream.linear.scatter [tilespmem:s18], [sflag:$0x1], $0x80, $0x38;
	[tilespmem:$0x10800] =	vst v63  }
0x17a: {  	s16 =	ssub.s32 $0x1C78, s14;
	s18 =	sadd.s32 $0x10, s17  }
0x17b: {  	[hbm4b:s18+s3] =	stream.linear.scatter [tilespmem:s16], [sflag:$0x1], $0x80, $0x38;
	[tilespmem:$0x10800] =	vst v63  }
0x17c: {  	s16 =	ssub.s32 $0x2CF8, s14;
	s18 =	sadd.s32 $0x20, s17  }
0x17d: {  	[hbm4b:s18+s3] =	stream.linear.scatter [tilespmem:s16], [sflag:$0x1], $0x80, $0x38;
	[tilespmem:$0x10800] =	vst v63  }
0x17e: {  	s16 =	ssub.s32 $0x3D78, s14;
	s18 =	sadd.s32 $0x30, s17  }
0x17f: {  	[hbm4b:s18+s3] =	stream.linear.scatter [tilespmem:s16], [sflag:$0x1], $0x80, $0x38;
	[tilespmem:$0x10800] =	vst v63  }
0x180: {  	s16 =	ssub.s32 $0x4DF8, s14;
	s18 =	sadd.s32 $0x40, s17  }
0x181: {  	[hbm4b:s18+s3] =	stream.linear.scatter [tilespmem:s16], [sflag:$0x1], $0x80, $0x38;
	[tilespmem:$0x10800] =	vst v63  }
0x182: {  	s16 =	ssub.s32 $0x5E78, s14;
	s18 =	sadd.s32 $0x50, s17  }
0x183: {  	[hbm4b:s18+s3] =	stream.linear.scatter [tilespmem:s16], [sflag:$0x1], $0x80, $0x38;
	[tilespmem:$0x10800] =	vst v63  }
0x184: {  	s16 =	ssub.s32 $0x6EF8, s14;
	s18 =	sadd.s32 $0x60, s17  }
0x185: {  	[hbm4b:s18+s3] =	stream.linear.scatter [tilespmem:s16], [sflag:$0x1], $0x80, $0x38;
	[tilespmem:$0x10800] =	vst v63  }
0x186: {  	s16 =	ssub.s32 $0x7F78, s14;
	s18 =	sadd.s32 $0x70, s17  }
0x187: {  	[hbm4b:s18+s3] =	stream.linear.scatter [tilespmem:s16], [sflag:$0x1], $0x80, $0x38;
	[tilespmem:$0x10800] =	vst v63  }
0x188: {  	s16 =	ssub.s32 $0x8FF8, s14;
	s18 =	sadd.s32 $0x800, s17  }
0x189: {  	[hbm4b:s18+s3] =	stream.linear.scatter [tilespmem:s16], [sflag:$0x1], $0x80, $0x38;
	[tilespmem:$0x10800] =	vst v63  }
0x18a: {  	s16 =	ssub.s32 $0xA078, s14;
	s18 =	sadd.s32 $0x810, s17  }
0x18b: {  	[hbm4b:s18+s3] =	stream.linear.scatter [tilespmem:s16], [sflag:$0x1], $0x80, $0x38;
	[tilespmem:$0x10800] =	vst v63  }
0x18c: {  	s16 =	ssub.s32 $0xB0F8, s14;
	s18 =	sadd.s32 $0x820, s17  }
0x18d: {  	[hbm4b:s18+s3] =	stream.linear.scatter [tilespmem:s16], [sflag:$0x1], $0x80, $0x38;
	[tilespmem:$0x10800] =	vst v63  }
0x18e: {  	s16 =	ssub.s32 $0xC178, s14;
	s18 =	sadd.s32 $0x830, s17  }
0x18f: {  	[hbm4b:s18+s3] =	stream.linear.scatter [tilespmem:s16], [sflag:$0x1], $0x80, $0x38;
	[tilespmem:$0x10800] =	vst v63  }
0x190: {  	s16 =	ssub.s32 $0xD1F8, s14;
	s18 =	sadd.s32 $0x840, s17  }
0x191: {  	[hbm4b:s18+s3] =	stream.linear.scatter [tilespmem:s16], [sflag:$0x1], $0x80, $0x38;
	[tilespmem:$0x10800] =	vst v63  }
0x192: {  	s16 =	ssub.s32 $0xE278, s14;
	s18 =	sadd.s32 $0x850, s17  }
0x193: {  	[hbm4b:s18+s3] =	stream.linear.scatter [tilespmem:s16], [sflag:$0x1], $0x80, $0x38;
	[tilespmem:$0x10800] =	vst v63  }
0x194: {  	s16 =	ssub.s32 $0xF2F8, s14;
	s18 =	sadd.s32 $0x860, s17  }
0x195: {  	[hbm4b:s18+s3] =	stream.linear.scatter [tilespmem:s16], [sflag:$0x1], $0x80, $0x38;
	[tilespmem:$0x10800] =	vst v63  }
0x196: {  	s17 =	sadd.s32 $0x870, s17;
	s18 =	ssub.s32 $0x10378, s14  }
0x197: {  	[hbm4b:s17+s3] =	stream.linear.scatter [tilespmem:s18], [sflag:$0x1], $0x80, $0x38;
	[tilespmem:$0x10800] =	vst v63  }
0x198: {  	s18 =	ssub.s32 $0xC78, s14;
	s17 =	sadd.s32 s15, s1  }
0x199: {  	[hbm4b:s17+s3] =	stream.linear.scatter [tilespmem:s18], [sflag:$0x1], $0x80, $0x38;
	[tilespmem:$0x10800] =	vst v63  }
0x19a: {  	s16 =	ssub.s32 $0x1CF8, s14;
	s18 =	sadd.s32 $0x10, s17  }
0x19b: {  	[hbm4b:s18+s3] =	stream.linear.scatter [tilespmem:s16], [sflag:$0x1], $0x80, $0x38;
	[tilespmem:$0x10800] =	vst v63  }
0x19c: {  	s16 =	ssub.s32 $0x2D78, s14;
	s18 =	sadd.s32 $0x20, s17  }
0x19d: {  	[hbm4b:s18+s3] =	stream.linear.scatter [tilespmem:s16], [sflag:$0x1], $0x80, $0x38;
	[tilespmem:$0x10800] =	vst v63  }
0x19e: {  	s16 =	ssub.s32 $0x3DF8, s14;
	s18 =	sadd.s32 $0x30, s17  }
0x19f: {  	[hbm4b:s18+s3] =	stream.linear.scatter [tilespmem:s16], [sflag:$0x1], $0x80, $0x38;
	[tilespmem:$0x10800] =	vst v63  }
0x1a0: {  	s16 =	ssub.s32 $0x4E78, s14;
	s18 =	sadd.s32 $0x40, s17  }
0x1a1: {  	[hbm4b:s18+s3] =	stream.linear.scatter [tilespmem:s16], [sflag:$0x1], $0x80, $0x38;
	[tilespmem:$0x10800] =	vst v63  }
0x1a2: {  	s16 =	ssub.s32 $0x5EF8, s14;
	s18 =	sadd.s32 $0x50, s17  }
0x1a3: {  	[hbm4b:s18+s3] =	stream.linear.scatter [tilespmem:s16], [sflag:$0x1], $0x80, $0x38;
	[tilespmem:$0x10800] =	vst v63  }
0x1a4: {  	s16 =	ssub.s32 $0x6F78, s14;
	s18 =	sadd.s32 $0x60, s17  }
0x1a5: {  	[hbm4b:s18+s3] =	stream.linear.scatter [tilespmem:s16], [sflag:$0x1], $0x80, $0x38;
	[tilespmem:$0x10800] =	vst v63  }
0x1a6: {  	s16 =	ssub.s32 $0x7FF8, s14;
	s18 =	sadd.s32 $0x70, s17  }
0x1a7: {  	[hbm4b:s18+s3] =	stream.linear.scatter [tilespmem:s16], [sflag:$0x1], $0x80, $0x38;
	[tilespmem:$0x10800] =	vst v63  }
0x1a8: {  	s16 =	ssub.s32 $0x9078, s14;
	s18 =	sadd.s32 $0x800, s17  }
0x1a9: {  	[hbm4b:s18+s3] =	stream.linear.scatter [tilespmem:s16], [sflag:$0x1], $0x80, $0x38;
	[tilespmem:$0x10800] =	vst v63  }
0x1aa: {  	s16 =	ssub.s32 $0xA0F8, s14;
	s18 =	sadd.s32 $0x810, s17  }
0x1ab: {  	[hbm4b:s18+s3] =	stream.linear.scatter [tilespmem:s16], [sflag:$0x1], $0x80, $0x38;
	[tilespmem:$0x10800] =	vst v63  }
0x1ac: {  	s16 =	ssub.s32 $0xB178, s14;
	s18 =	sadd.s32 $0x820, s17  }
0x1ad: {  	[hbm4b:s18+s3] =	stream.linear.scatter [tilespmem:s16], [sflag:$0x1], $0x80, $0x38;
	[tilespmem:$0x10800] =	vst v63  }
0x1ae: {  	s16 =	ssub.s32 $0xC1F8, s14;
	s18 =	sadd.s32 $0x830, s17  }
0x1af: {  	[hbm4b:s18+s3] =	stream.linear.scatter [tilespmem:s16], [sflag:$0x1], $0x80, $0x38;
	[tilespmem:$0x10800] =	vst v63  }
0x1b0: {  	s16 =	ssub.s32 $0xD278, s14;
	s18 =	sadd.s32 $0x840, s17  }
0x1b1: {  	[hbm4b:s18+s3] =	stream.linear.scatter [tilespmem:s16], [sflag:$0x1], $0x80, $0x38;
	[tilespmem:$0x10800] =	vst v63  }
0x1b2: {  	s16 =	ssub.s32 $0xE2F8, s14;
	s18 =	sadd.s32 $0x850, s17  }
0x1b3: {  	[hbm4b:s18+s3] =	stream.linear.scatter [tilespmem:s16], [sflag:$0x1], $0x80, $0x38;
	[tilespmem:$0x10800] =	vst v63  }
0x1b4: {  	s16 =	ssub.s32 $0xF378, s14;
	s18 =	sadd.s32 $0x860, s17  }
0x1b5: {  	[hbm4b:s18+s3] =	stream.linear.scatter [tilespmem:s16], [sflag:$0x1], $0x80, $0x38;
	[tilespmem:$0x10800] =	vst v63  }
0x1b6: {  	s17 =	sadd.s32 $0x870, s17;
	s18 =	ssub.s32 $0x103F8, s14  }
0x1b7: {  	[hbm4b:s17+s3] =	stream.linear.scatter [tilespmem:s18], [sflag:$0x1], $0x80, $0x38;
	[tilespmem:$0x10800] =	vst v63  }
0x1b8: {  	s18 =	ssub.s32 $0xCF8, s14;
	s17 =	sadd.s32 s15, s0  }
0x1b9: {  	[hbm4b:s17+s3] =	stream.linear.scatter [tilespmem:s18], [sflag:$0x1], $0x80, $0x38;
	[tilespmem:$0x10800] =	vst v63  }
0x1ba: {  	s16 =	ssub.s32 $0x1D78, s14;
	s18 =	sadd.s32 $0x10, s17  }
0x1bb: {  	[hbm4b:s18+s3] =	stream.linear.scatter [tilespmem:s16], [sflag:$0x1], $0x80, $0x38;
	[tilespmem:$0x10800] =	vst v63  }
0x1bc: {  	s16 =	ssub.s32 $0x2DF8, s14;
	s18 =	sadd.s32 $0x20, s17  }
0x1bd: {  	[hbm4b:s18+s3] =	stream.linear.scatter [tilespmem:s16], [sflag:$0x1], $0x80, $0x38;
	[tilespmem:$0x10800] =	vst v63  }
0x1be: {  	s16 =	ssub.s32 $0x3E78, s14;
	s18 =	sadd.s32 $0x30, s17  }
0x1bf: {  	[hbm4b:s18+s3] =	stream.linear.scatter [tilespmem:s16], [sflag:$0x1], $0x80, $0x38;
	[tilespmem:$0x10800] =	vst v63  }
0x1c0: {  	s16 =	ssub.s32 $0x4EF8, s14;
	s18 =	sadd.s32 $0x40, s17  }
0x1c1: {  	[hbm4b:s18+s3] =	stream.linear.scatter [tilespmem:s16], [sflag:$0x1], $0x80, $0x38;
	[tilespmem:$0x10800] =	vst v63  }
0x1c2: {  	s16 =	ssub.s32 $0x5F78, s14;
	s18 =	sadd.s32 $0x50, s17  }
0x1c3: {  	[hbm4b:s18+s3] =	stream.linear.scatter [tilespmem:s16], [sflag:$0x1], $0x80, $0x38;
	[tilespmem:$0x10800] =	vst v63  }
0x1c4: {  	s16 =	ssub.s32 $0x6FF8, s14;
	s18 =	sadd.s32 $0x60, s17  }
0x1c5: {  	[hbm4b:s18+s3] =	stream.linear.scatter [tilespmem:s16], [sflag:$0x1], $0x80, $0x38;
	[tilespmem:$0x10800] =	vst v63  }
0x1c6: {  	s16 =	ssub.s32 $0x8078, s14;
	s18 =	sadd.s32 $0x70, s17  }
0x1c7: {  	[hbm4b:s18+s3] =	stream.linear.scatter [tilespmem:s16], [sflag:$0x1], $0x80, $0x38;
	[tilespmem:$0x10800] =	vst v63  }
0x1c8: {  	s16 =	ssub.s32 $0x90F8, s14;
	s18 =	sadd.s32 $0x800, s17  }
0x1c9: {  	[hbm4b:s18+s3] =	stream.linear.scatter [tilespmem:s16], [sflag:$0x1], $0x80, $0x38;
	[tilespmem:$0x10800] =	vst v63  }
0x1ca: {  	s16 =	ssub.s32 $0xA178, s14;
	s18 =	sadd.s32 $0x810, s17  }
0x1cb: {  	[hbm4b:s18+s3] =	stream.linear.scatter [tilespmem:s16], [sflag:$0x1], $0x80, $0x38;
	[tilespmem:$0x10800] =	vst v63  }
0x1cc: {  	s16 =	ssub.s32 $0xB1F8, s14;
	s18 =	sadd.s32 $0x820, s17  }
0x1cd: {  	[hbm4b:s18+s3] =	stream.linear.scatter [tilespmem:s16], [sflag:$0x1], $0x80, $0x38;
	[tilespmem:$0x10800] =	vst v63  }
0x1ce: {  	s16 =	ssub.s32 $0xC278, s14;
	s18 =	sadd.s32 $0x830, s17  }
0x1cf: {  	[hbm4b:s18+s3] =	stream.linear.scatter [tilespmem:s16], [sflag:$0x1], $0x80, $0x38;
	[tilespmem:$0x10800] =	vst v63  }
0x1d0: {  	s16 =	ssub.s32 $0xD2F8, s14;
	s18 =	sadd.s32 $0x840, s17  }
0x1d1: {  	[hbm4b:s18+s3] =	stream.linear.scatter [tilespmem:s16], [sflag:$0x1], $0x80, $0x38;
	[tilespmem:$0x10800] =	vst v63  }
0x1d2: {  	s16 =	ssub.s32 $0xE378, s14;
	s18 =	sadd.s32 $0x850, s17  }
0x1d3: {  	[hbm4b:s18+s3] =	stream.linear.scatter [tilespmem:s16], [sflag:$0x1], $0x80, $0x38;
	[tilespmem:$0x10800] =	vst v63  }
0x1d4: {  	s16 =	ssub.s32 $0xF3F8, s14;
	s18 =	sadd.s32 $0x860, s17  }
0x1d5: {  	[hbm4b:s18+s3] =	stream.linear.scatter [tilespmem:s16], [sflag:$0x1], $0x80, $0x38;
	[tilespmem:$0x10800] =	vst v63  }
0x1d6: {  	s17 =	sadd.s32 $0x870, s17;
	s18 =	ssub.s32 $0x10478, s14  }
0x1d7: {  	[hbm4b:s17+s3] =	stream.linear.scatter [tilespmem:s18], [sflag:$0x1], $0x80, $0x38;
	[tilespmem:$0x10800] =	vst v63  }
0x1d8: {  	s18 =	ssub.s32 $0xD78, s14;
	s17 =	sadd.s32 s15, s5  }
0x1d9: {  	[hbm4b:s17+s3] =	stream.linear.scatter [tilespmem:s18], [sflag:$0x1], $0x80, $0x38;
	[tilespmem:$0x10800] =	vst v63  }
0x1da: {  	s16 =	ssub.s32 $0x1DF8, s14;
	s18 =	sadd.s32 $0x10, s17  }
0x1db: {  	[hbm4b:s18+s3] =	stream.linear.scatter [tilespmem:s16], [sflag:$0x1], $0x80, $0x38;
	[tilespmem:$0x10800] =	vst v63  }
0x1dc: {  	s16 =	ssub.s32 $0x2E78, s14;
	s18 =	sadd.s32 $0x20, s17  }
0x1dd: {  	[hbm4b:s18+s3] =	stream.linear.scatter [tilespmem:s16], [sflag:$0x1], $0x80, $0x38;
	[tilespmem:$0x10800] =	vst v63  }
0x1de: {  	s16 =	ssub.s32 $0x3EF8, s14;
	s18 =	sadd.s32 $0x30, s17  }
0x1df: {  	[hbm4b:s18+s3] =	stream.linear.scatter [tilespmem:s16], [sflag:$0x1], $0x80, $0x38;
	[tilespmem:$0x10800] =	vst v63  }
0x1e0: {  	s16 =	ssub.s32 $0x4F78, s14;
	s18 =	sadd.s32 $0x40, s17  }
0x1e1: {  	[hbm4b:s18+s3] =	stream.linear.scatter [tilespmem:s16], [sflag:$0x1], $0x80, $0x38;
	[tilespmem:$0x10800] =	vst v63  }
0x1e2: {  	s16 =	ssub.s32 $0x5FF8, s14;
	s18 =	sadd.s32 $0x50, s17  }
0x1e3: {  	[hbm4b:s18+s3] =	stream.linear.scatter [tilespmem:s16], [sflag:$0x1], $0x80, $0x38;
	[tilespmem:$0x10800] =	vst v63  }
0x1e4: {  	s16 =	ssub.s32 $0x7078, s14;
	s18 =	sadd.s32 $0x60, s17  }
0x1e5: {  	[hbm4b:s18+s3] =	stream.linear.scatter [tilespmem:s16], [sflag:$0x1], $0x80, $0x38;
	[tilespmem:$0x10800] =	vst v63  }
0x1e6: {  	s16 =	ssub.s32 $0x80F8, s14;
	s18 =	sadd.s32 $0x70, s17  }
0x1e7: {  	[hbm4b:s18+s3] =	stream.linear.scatter [tilespmem:s16], [sflag:$0x1], $0x80, $0x38;
	[tilespmem:$0x10800] =	vst v63  }
0x1e8: {  	s16 =	ssub.s32 $0x9178, s14;
	s18 =	sadd.s32 $0x800, s17  }
0x1e9: {  	[hbm4b:s18+s3] =	stream.linear.scatter [tilespmem:s16], [sflag:$0x1], $0x80, $0x38;
	[tilespmem:$0x10800] =	vst v63  }
0x1ea: {  	s16 =	ssub.s32 $0xA1F8, s14;
	s18 =	sadd.s32 $0x810, s17  }
0x1eb: {  	[hbm4b:s18+s3] =	stream.linear.scatter [tilespmem:s16], [sflag:$0x1], $0x80, $0x38;
	[tilespmem:$0x10800] =	vst v63  }
0x1ec: {  	s16 =	ssub.s32 $0xB278, s14;
	s18 =	sadd.s32 $0x820, s17  }
0x1ed: {  	[hbm4b:s18+s3] =	stream.linear.scatter [tilespmem:s16], [sflag:$0x1], $0x80, $0x38;
	[tilespmem:$0x10800] =	vst v63  }
0x1ee: {  	s16 =	ssub.s32 $0xC2F8, s14;
	s18 =	sadd.s32 $0x830, s17  }
0x1ef: {  	[hbm4b:s18+s3] =	stream.linear.scatter [tilespmem:s16], [sflag:$0x1], $0x80, $0x38;
	[tilespmem:$0x10800] =	vst v63  }
0x1f0: {  	s16 =	ssub.s32 $0xD378, s14;
	s18 =	sadd.s32 $0x840, s17  }
0x1f1: {  	[hbm4b:s18+s3] =	stream.linear.scatter [tilespmem:s16], [sflag:$0x1], $0x80, $0x38;
	[tilespmem:$0x10800] =	vst v63  }
0x1f2: {  	s16 =	ssub.s32 $0xE3F8, s14;
	s18 =	sadd.s32 $0x850, s17  }
0x1f3: {  	[hbm4b:s18+s3] =	stream.linear.scatter [tilespmem:s16], [sflag:$0x1], $0x80, $0x38;
	[tilespmem:$0x10800] =	vst v63  }
0x1f4: {  	s16 =	ssub.s32 $0xF478, s14;
	s18 =	sadd.s32 $0x860, s17  }
0x1f5: {  	[hbm4b:s18+s3] =	stream.linear.scatter [tilespmem:s16], [sflag:$0x1], $0x80, $0x38;
	[tilespmem:$0x10800] =	vst v63  }
0x1f6: {  	s17 =	sadd.s32 $0x870, s17;
	s18 =	ssub.s32 $0x104F8, s14  }
0x1f7: {  	[hbm4b:s17+s3] =	stream.linear.scatter [tilespmem:s18], [sflag:$0x1], $0x80, $0x38;
	[tilespmem:$0x10800] =	vst v63  }
0x1f8: {  	s18 =	ssub.s32 $0xDF8, s14;
	s17 =	sadd.s32 s15, s6  }
0x1f9: {  	[hbm4b:s17+s3] =	stream.linear.scatter [tilespmem:s18], [sflag:$0x1], $0x80, $0x38;
	[tilespmem:$0x10800] =	vst v63  }
0x1fa: {  	s16 =	ssub.s32 $0x1E78, s14;
	s18 =	sadd.s32 $0x10, s17  }
0x1fb: {  	[hbm4b:s18+s3] =	stream.linear.scatter [tilespmem:s16], [sflag:$0x1], $0x80, $0x38;
	[tilespmem:$0x10800] =	vst v63  }
0x1fc: {  	s16 =	ssub.s32 $0x2EF8, s14;
	s18 =	sadd.s32 $0x20, s17  }
0x1fd: {  	[hbm4b:s18+s3] =	stream.linear.scatter [tilespmem:s16], [sflag:$0x1], $0x80, $0x38;
	[tilespmem:$0x10800] =	vst v63  }
0x1fe: {  	s16 =	ssub.s32 $0x3F78, s14;
	s18 =	sadd.s32 $0x30, s17  }
0x1ff: {  	[hbm4b:s18+s3] =	stream.linear.scatter [tilespmem:s16], [sflag:$0x1], $0x80, $0x38;
	[tilespmem:$0x10800] =	vst v63  }
0x200: {  	s16 =	ssub.s32 $0x4FF8, s14;
	s18 =	sadd.s32 $0x40, s17  }
0x201: {  	[hbm4b:s18+s3] =	stream.linear.scatter [tilespmem:s16], [sflag:$0x1], $0x80, $0x38;
	[tilespmem:$0x10800] =	vst v63  }
0x202: {  	s16 =	ssub.s32 $0x6078, s14;
	s18 =	sadd.s32 $0x50, s17  }
0x203: {  	[hbm4b:s18+s3] =	stream.linear.scatter [tilespmem:s16], [sflag:$0x1], $0x80, $0x38;
	[tilespmem:$0x10800] =	vst v63  }
0x204: {  	s16 =	ssub.s32 $0x70F8, s14;
	s18 =	sadd.s32 $0x60, s17  }
0x205: {  	[hbm4b:s18+s3] =	stream.linear.scatter [tilespmem:s16], [sflag:$0x1], $0x80, $0x38;
	[tilespmem:$0x10800] =	vst v63  }
0x206: {  	s16 =	ssub.s32 $0x8178, s14;
	s18 =	sadd.s32 $0x70, s17  }
0x207: {  	[hbm4b:s18+s3] =	stream.linear.scatter [tilespmem:s16], [sflag:$0x1], $0x80, $0x38;
	[tilespmem:$0x10800] =	vst v63  }
0x208: {  	s16 =	ssub.s32 $0x91F8, s14;
	s18 =	sadd.s32 $0x800, s17  }
0x209: {  	[hbm4b:s18+s3] =	stream.linear.scatter [tilespmem:s16], [sflag:$0x1], $0x80, $0x38;
	[tilespmem:$0x10800] =	vst v63  }
0x20a: {  	s16 =	ssub.s32 $0xA278, s14;
	s18 =	sadd.s32 $0x810, s17  }
0x20b: {  	[hbm4b:s18+s3] =	stream.linear.scatter [tilespmem:s16], [sflag:$0x1], $0x80, $0x38;
	[tilespmem:$0x10800] =	vst v63  }
0x20c: {  	s16 =	ssub.s32 $0xB2F8, s14;
	s18 =	sadd.s32 $0x820, s17  }
0x20d: {  	[hbm4b:s18+s3] =	stream.linear.scatter [tilespmem:s16], [sflag:$0x1], $0x80, $0x38;
	[tilespmem:$0x10800] =	vst v63  }
0x20e: {  	s16 =	ssub.s32 $0xC378, s14;
	s18 =	sadd.s32 $0x830, s17  }
0x20f: {  	[hbm4b:s18+s3] =	stream.linear.scatter [tilespmem:s16], [sflag:$0x1], $0x80, $0x38;
	[tilespmem:$0x10800] =	vst v63  }
0x210: {  	s16 =	ssub.s32 $0xD3F8, s14;
	s18 =	sadd.s32 $0x840, s17  }
0x211: {  	[hbm4b:s18+s3] =	stream.linear.scatter [tilespmem:s16], [sflag:$0x1], $0x80, $0x38;
	[tilespmem:$0x10800] =	vst v63  }
0x212: {  	s16 =	ssub.s32 $0xE478, s14;
	s18 =	sadd.s32 $0x850, s17  }
0x213: {  	[hbm4b:s18+s3] =	stream.linear.scatter [tilespmem:s16], [sflag:$0x1], $0x80, $0x38;
	[tilespmem:$0x10800] =	vst v63  }
0x214: {  	s16 =	ssub.s32 $0xF4F8, s14;
	s18 =	sadd.s32 $0x860, s17  }
0x215: {  	[hbm4b:s18+s3] =	stream.linear.scatter [tilespmem:s16], [sflag:$0x1], $0x80, $0x38;
	[tilespmem:$0x10800] =	vst v63  }
0x216: {  	s17 =	sadd.s32 $0x870, s17;
	s18 =	ssub.s32 $0x10578, s14  }
0x217: {  	[hbm4b:s17+s3] =	stream.linear.scatter [tilespmem:s18], [sflag:$0x1], $0x80, $0x38;
	[tilespmem:$0x10800] =	vst v63  }
0x218: {  	s18 =	ssub.s32 $0xE78, s14;
	s17 =	sadd.s32 s15, s7  }
0x219: {  	[hbm4b:s17+s3] =	stream.linear.scatter [tilespmem:s18], [sflag:$0x1], $0x80, $0x38;
	[tilespmem:$0x10800] =	vst v63  }
0x21a: {  	s16 =	ssub.s32 $0x1EF8, s14;
	s18 =	sadd.s32 $0x10, s17  }
0x21b: {  	[hbm4b:s18+s3] =	stream.linear.scatter [tilespmem:s16], [sflag:$0x1], $0x80, $0x38;
	[tilespmem:$0x10800] =	vst v63  }
0x21c: {  	s16 =	ssub.s32 $0x2F78, s14;
	s18 =	sadd.s32 $0x20, s17  }
0x21d: {  	[hbm4b:s18+s3] =	stream.linear.scatter [tilespmem:s16], [sflag:$0x1], $0x80, $0x38;
	[tilespmem:$0x10800] =	vst v63  }
0x21e: {  	s16 =	ssub.s32 $0x3FF8, s14;
	s18 =	sadd.s32 $0x30, s17  }
0x21f: {  	[hbm4b:s18+s3] =	stream.linear.scatter [tilespmem:s16], [sflag:$0x1], $0x80, $0x38;
	[tilespmem:$0x10800] =	vst v63  }
0x220: {  	s16 =	ssub.s32 $0x5078, s14;
	s18 =	sadd.s32 $0x40, s17  }
0x221: {  	[hbm4b:s18+s3] =	stream.linear.scatter [tilespmem:s16], [sflag:$0x1], $0x80, $0x38;
	[tilespmem:$0x10800] =	vst v63  }
0x222: {  	s16 =	ssub.s32 $0x60F8, s14;
	s18 =	sadd.s32 $0x50, s17  }
0x223: {  	[hbm4b:s18+s3] =	stream.linear.scatter [tilespmem:s16], [sflag:$0x1], $0x80, $0x38;
	[tilespmem:$0x10800] =	vst v63  }
0x224: {  	s16 =	ssub.s32 $0x7178, s14;
	s18 =	sadd.s32 $0x60, s17  }
0x225: {  	[hbm4b:s18+s3] =	stream.linear.scatter [tilespmem:s16], [sflag:$0x1], $0x80, $0x38;
	[tilespmem:$0x10800] =	vst v63  }
0x226: {  	s16 =	ssub.s32 $0x81F8, s14;
	s18 =	sadd.s32 $0x70, s17  }
0x227: {  	[hbm4b:s18+s3] =	stream.linear.scatter [tilespmem:s16], [sflag:$0x1], $0x80, $0x38;
	[tilespmem:$0x10800] =	vst v63  }
0x228: {  	s16 =	ssub.s32 $0x9278, s14;
	s18 =	sadd.s32 $0x800, s17  }
0x229: {  	[hbm4b:s18+s3] =	stream.linear.scatter [tilespmem:s16], [sflag:$0x1], $0x80, $0x38;
	[tilespmem:$0x10800] =	vst v63  }
0x22a: {  	s16 =	ssub.s32 $0xA2F8, s14;
	s18 =	sadd.s32 $0x810, s17  }
0x22b: {  	[hbm4b:s18+s3] =	stream.linear.scatter [tilespmem:s16], [sflag:$0x1], $0x80, $0x38;
	[tilespmem:$0x10800] =	vst v63  }
0x22c: {  	s16 =	ssub.s32 $0xB378, s14;
	s18 =	sadd.s32 $0x820, s17  }
0x22d: {  	[hbm4b:s18+s3] =	stream.linear.scatter [tilespmem:s16], [sflag:$0x1], $0x80, $0x38;
	[tilespmem:$0x10800] =	vst v63  }
0x22e: {  	s16 =	ssub.s32 $0xC3F8, s14;
	s18 =	sadd.s32 $0x830, s17  }
0x22f: {  	[hbm4b:s18+s3] =	stream.linear.scatter [tilespmem:s16], [sflag:$0x1], $0x80, $0x38;
	[tilespmem:$0x10800] =	vst v63  }
0x230: {  	s16 =	ssub.s32 $0xD478, s14;
	s18 =	sadd.s32 $0x840, s17  }
0x231: {  	[hbm4b:s18+s3] =	stream.linear.scatter [tilespmem:s16], [sflag:$0x1], $0x80, $0x38;
	[tilespmem:$0x10800] =	vst v63  }
0x232: {  	s16 =	ssub.s32 $0xE4F8, s14;
	s18 =	sadd.s32 $0x850, s17  }
0x233: {  	[hbm4b:s18+s3] =	stream.linear.scatter [tilespmem:s16], [sflag:$0x1], $0x80, $0x38;
	[tilespmem:$0x10800] =	vst v63  }
0x234: {  	s16 =	ssub.s32 $0xF578, s14;
	s18 =	sadd.s32 $0x860, s17  }
0x235: {  	[hbm4b:s18+s3] =	stream.linear.scatter [tilespmem:s16], [sflag:$0x1], $0x80, $0x38;
	[tilespmem:$0x10800] =	vst v63  }
0x236: {  	s17 =	sadd.s32 $0x870, s17;
	s18 =	ssub.s32 $0x105F8, s14  }
0x237: {  	[hbm4b:s17+s3] =	stream.linear.scatter [tilespmem:s18], [sflag:$0x1], $0x80, $0x38;
	[tilespmem:$0x10800] =	vst v63  }
0x238: {  	s18 =	ssub.s32 $0xEF8, s14;
	s17 =	sadd.s32 s15, s8  }
0x239: {  	[hbm4b:s17+s3] =	stream.linear.scatter [tilespmem:s18], [sflag:$0x1], $0x80, $0x38;
	[tilespmem:$0x10800] =	vst v63  }
0x23a: {  	s16 =	ssub.s32 $0x1F78, s14;
	s18 =	sadd.s32 $0x10, s17  }
0x23b: {  	[hbm4b:s18+s3] =	stream.linear.scatter [tilespmem:s16], [sflag:$0x1], $0x80, $0x38;
	[tilespmem:$0x10800] =	vst v63  }
0x23c: {  	s16 =	ssub.s32 $0x2FF8, s14;
	s18 =	sadd.s32 $0x20, s17  }
0x23d: {  	[hbm4b:s18+s3] =	stream.linear.scatter [tilespmem:s16], [sflag:$0x1], $0x80, $0x38;
	[tilespmem:$0x10800] =	vst v63  }
0x23e: {  	s16 =	ssub.s32 $0x4078, s14;
	s18 =	sadd.s32 $0x30, s17  }
0x23f: {  	[hbm4b:s18+s3] =	stream.linear.scatter [tilespmem:s16], [sflag:$0x1], $0x80, $0x38;
	[tilespmem:$0x10800] =	vst v63  }
0x240: {  	s16 =	ssub.s32 $0x50F8, s14;
	s18 =	sadd.s32 $0x40, s17  }
0x241: {  	[hbm4b:s18+s3] =	stream.linear.scatter [tilespmem:s16], [sflag:$0x1], $0x80, $0x38;
	[tilespmem:$0x10800] =	vst v63  }
0x242: {  	s16 =	ssub.s32 $0x6178, s14;
	s18 =	sadd.s32 $0x50, s17  }
0x243: {  	[hbm4b:s18+s3] =	stream.linear.scatter [tilespmem:s16], [sflag:$0x1], $0x80, $0x38;
	[tilespmem:$0x10800] =	vst v63  }
0x244: {  	s16 =	ssub.s32 $0x71F8, s14;
	s18 =	sadd.s32 $0x60, s17  }
0x245: {  	[hbm4b:s18+s3] =	stream.linear.scatter [tilespmem:s16], [sflag:$0x1], $0x80, $0x38;
	[tilespmem:$0x10800] =	vst v63  }
0x246: {  	s16 =	ssub.s32 $0x8278, s14;
	s18 =	sadd.s32 $0x70, s17  }
0x247: {  	[hbm4b:s18+s3] =	stream.linear.scatter [tilespmem:s16], [sflag:$0x1], $0x80, $0x38;
	[tilespmem:$0x10800] =	vst v63  }
0x248: {  	s16 =	ssub.s32 $0x92F8, s14;
	s18 =	sadd.s32 $0x800, s17  }
0x249: {  	[hbm4b:s18+s3] =	stream.linear.scatter [tilespmem:s16], [sflag:$0x1], $0x80, $0x38;
	[tilespmem:$0x10800] =	vst v63  }
0x24a: {  	s16 =	ssub.s32 $0xA378, s14;
	s18 =	sadd.s32 $0x810, s17  }
0x24b: {  	[hbm4b:s18+s3] =	stream.linear.scatter [tilespmem:s16], [sflag:$0x1], $0x80, $0x38;
	[tilespmem:$0x10800] =	vst v63  }
0x24c: {  	s16 =	ssub.s32 $0xB3F8, s14;
	s18 =	sadd.s32 $0x820, s17  }
0x24d: {  	[hbm4b:s18+s3] =	stream.linear.scatter [tilespmem:s16], [sflag:$0x1], $0x80, $0x38;
	[tilespmem:$0x10800] =	vst v63  }
0x24e: {  	s16 =	ssub.s32 $0xC478, s14;
	s18 =	sadd.s32 $0x830, s17  }
0x24f: {  	[hbm4b:s18+s3] =	stream.linear.scatter [tilespmem:s16], [sflag:$0x1], $0x80, $0x38;
	[tilespmem:$0x10800] =	vst v63  }
0x250: {  	s16 =	ssub.s32 $0xD4F8, s14;
	s18 =	sadd.s32 $0x840, s17  }
0x251: {  	[hbm4b:s18+s3] =	stream.linear.scatter [tilespmem:s16], [sflag:$0x1], $0x80, $0x38;
	[tilespmem:$0x10800] =	vst v63  }
0x252: {  	s16 =	ssub.s32 $0xE578, s14;
	s18 =	sadd.s32 $0x850, s17  }
0x253: {  	[hbm4b:s18+s3] =	stream.linear.scatter [tilespmem:s16], [sflag:$0x1], $0x80, $0x38;
	[tilespmem:$0x10800] =	vst v63  }
0x254: {  	s16 =	ssub.s32 $0xF5F8, s14;
	s18 =	sadd.s32 $0x860, s17  }
0x255: {  	[hbm4b:s18+s3] =	stream.linear.scatter [tilespmem:s16], [sflag:$0x1], $0x80, $0x38;
	[tilespmem:$0x10800] =	vst v63  }
0x256: {  	s17 =	sadd.s32 $0x870, s17;
	s18 =	ssub.s32 $0x10678, s14  }
0x257: {  	[hbm4b:s17+s3] =	stream.linear.scatter [tilespmem:s18], [sflag:$0x1], $0x80, $0x38;
	[tilespmem:$0x10800] =	vst v63  }
0x258: {  	s15 =	sadd.s32 s15, s9;
	s18 =	ssub.s32 $0xF78, s14  }
0x259: {  	[hbm4b:s15+s3] =	stream.linear.scatter [tilespmem:s18], [sflag:$0x1], $0x80, $0x38;
	[tilespmem:$0x10800] =	vst v63  }
0x25a: {  	s17 =	ssub.s32 $0x1FF8, s14;
	s18 =	sadd.s32 $0x10, s15  }
0x25b: {  	[hbm4b:s18+s3] =	stream.linear.scatter [tilespmem:s17], [sflag:$0x1], $0x80, $0x38;
	[tilespmem:$0x10800] =	vst v63  }
0x25c: {  	s17 =	ssub.s32 $0x3078, s14;
	s18 =	sadd.s32 $0x20, s15  }
0x25d: {  	[hbm4b:s18+s3] =	stream.linear.scatter [tilespmem:s17], [sflag:$0x1], $0x80, $0x38;
	[tilespmem:$0x10800] =	vst v63  }
0x25e: {  	s17 =	ssub.s32 $0x40F8, s14;
	s18 =	sadd.s32 $0x30, s15  }
0x25f: {  	[hbm4b:s18+s3] =	stream.linear.scatter [tilespmem:s17], [sflag:$0x1], $0x80, $0x38;
	[tilespmem:$0x10800] =	vst v63  }
0x260: {  	s17 =	ssub.s32 $0x5178, s14;
	s18 =	sadd.s32 $0x40, s15  }
0x261: {  	[hbm4b:s18+s3] =	stream.linear.scatter [tilespmem:s17], [sflag:$0x1], $0x80, $0x38;
	[tilespmem:$0x10800] =	vst v63  }
0x262: {  	s17 =	ssub.s32 $0x61F8, s14;
	s18 =	sadd.s32 $0x50, s15  }
0x263: {  	[hbm4b:s18+s3] =	stream.linear.scatter [tilespmem:s17], [sflag:$0x1], $0x80, $0x38;
	[tilespmem:$0x10800] =	vst v63  }
0x264: {  	s17 =	ssub.s32 $0x7278, s14;
	s18 =	sadd.s32 $0x60, s15  }
0x265: {  	[hbm4b:s18+s3] =	stream.linear.scatter [tilespmem:s17], [sflag:$0x1], $0x80, $0x38;
	[tilespmem:$0x10800] =	vst v63  }
0x266: {  	s17 =	ssub.s32 $0x82F8, s14;
	s18 =	sadd.s32 $0x70, s15  }
0x267: {  	[hbm4b:s18+s3] =	stream.linear.scatter [tilespmem:s17], [sflag:$0x1], $0x80, $0x38;
	[tilespmem:$0x10800] =	vst v63  }
0x268: {  	s17 =	ssub.s32 $0x9378, s14;
	s18 =	sadd.s32 $0x800, s15  }
0x269: {  	[hbm4b:s18+s3] =	stream.linear.scatter [tilespmem:s17], [sflag:$0x1], $0x80, $0x38;
	[tilespmem:$0x10800] =	vst v63  }
0x26a: {  	s17 =	ssub.s32 $0xA3F8, s14;
	s18 =	sadd.s32 $0x810, s15  }
0x26b: {  	[hbm4b:s18+s3] =	stream.linear.scatter [tilespmem:s17], [sflag:$0x1], $0x80, $0x38;
	[tilespmem:$0x10800] =	vst v63  }
0x26c: {  	s17 =	ssub.s32 $0xB478, s14;
	s18 =	sadd.s32 $0x820, s15  }
0x26d: {  	[hbm4b:s18+s3] =	stream.linear.scatter [tilespmem:s17], [sflag:$0x1], $0x80, $0x38;
	[tilespmem:$0x10800] =	vst v63  }
0x26e: {  	s17 =	ssub.s32 $0xC4F8, s14;
	s18 =	sadd.s32 $0x830, s15  }
0x26f: {  	[hbm4b:s18+s3] =	stream.linear.scatter [tilespmem:s17], [sflag:$0x1], $0x80, $0x38;
	[tilespmem:$0x10800] =	vst v63  }
0x270: {  	s17 =	ssub.s32 $0xD578, s14;
	s18 =	sadd.s32 $0x840, s15  }
0x271: {  	[hbm4b:s18+s3] =	stream.linear.scatter [tilespmem:s17], [sflag:$0x1], $0x80, $0x38;
	[tilespmem:$0x10800] =	vst v63  }
0x272: {  	s17 =	ssub.s32 $0xE5F8, s14;
	s18 =	sadd.s32 $0x850, s15  }
0x273: {  	[hbm4b:s18+s3] =	stream.linear.scatter [tilespmem:s17], [sflag:$0x1], $0x80, $0x38;
	[tilespmem:$0x10800] =	vst v63  }
0x274: {  	s13 =	sor.u32 $0x2, s13;
	s17 =	ssub.s32 $0xF678, s14;
	s18 =	sadd.s32 $0x860, s15  }
0x275: {  	[hbm4b:s18+s3] =	stream.linear.scatter [tilespmem:s17], [sflag:$0x1], $0x80, $0x38;
	[tilespmem:$0x10800] =	vst v63  }
0x276: {  	s14 =	ssub.s32 $0x106F8, s14;
	s15 =	sadd.s32 $0x870, s15;
	s17 =	sshll.u32 s13, $0xE  }
0x277: {  	[hbm4b:s15+s3] =	stream.linear.scatter [tilespmem:s14], [sflag:$0x1], $0x80, $0x38;
	[tilespmem:$0x10800] =	vst v63  }
0x278: {  	s14 =	sadd.s32 s21, s17  }
0x279: {  	s13 =	sshll.u32 s13, $0x3;
	s14 =	sshrl.u32 s14, $0x3  }
0x27a: {  	s18 =	ssub.s32 $0x7F8, s13;
	s16 =	sadd.s32 s2, s14  }
0x27b: {  	[hbm4b:s16+s3] =	stream.linear.scatter [tilespmem:s18], [sflag:$0x1], $0x80, $0x38;
	[tilespmem:$0x10800] =	vst v63  }
0x27c: {  	s17 =	ssub.s32 $0x1878, s13;
	s18 =	sadd.s32 $0x10, s16  }
0x27d: {  	[hbm4b:s18+s3] =	stream.linear.scatter [tilespmem:s17], [sflag:$0x1], $0x80, $0x38;
	[tilespmem:$0x10800] =	vst v63  }
0x27e: {  	s17 =	ssub.s32 $0x28F8, s13;
	s18 =	sadd.s32 $0x20, s16  }
0x27f: {  	[hbm4b:s18+s3] =	stream.linear.scatter [tilespmem:s17], [sflag:$0x1], $0x80, $0x38;
	[tilespmem:$0x10800] =	vst v63  }
0x280: {  	s17 =	ssub.s32 $0x3978, s13;
	s18 =	sadd.s32 $0x30, s16  }
0x281: {  	[hbm4b:s18+s3] =	stream.linear.scatter [tilespmem:s17], [sflag:$0x1], $0x80, $0x38;
	[tilespmem:$0x10800] =	vst v63  }
0x282: {  	s17 =	ssub.s32 $0x49F8, s13;
	s18 =	sadd.s32 $0x40, s16  }
0x283: {  	[hbm4b:s18+s3] =	stream.linear.scatter [tilespmem:s17], [sflag:$0x1], $0x80, $0x38;
	[tilespmem:$0x10800] =	vst v63  }
0x284: {  	s17 =	ssub.s32 $0x5A78, s13;
	s18 =	sadd.s32 $0x50, s16  }
0x285: {  	[hbm4b:s18+s3] =	stream.linear.scatter [tilespmem:s17], [sflag:$0x1], $0x80, $0x38;
	[tilespmem:$0x10800] =	vst v63  }
0x286: {  	s17 =	ssub.s32 $0x6AF8, s13;
	s18 =	sadd.s32 $0x60, s16  }
0x287: {  	[hbm4b:s18+s3] =	stream.linear.scatter [tilespmem:s17], [sflag:$0x1], $0x80, $0x38;
	[tilespmem:$0x10800] =	vst v63  }
0x288: {  	s17 =	ssub.s32 $0x7B78, s13;
	s18 =	sadd.s32 $0x70, s16  }
0x289: {  	[hbm4b:s18+s3] =	stream.linear.scatter [tilespmem:s17], [sflag:$0x1], $0x80, $0x38;
	[tilespmem:$0x10800] =	vst v63  }
0x28a: {  	s17 =	ssub.s32 $0x8BF8, s13;
	s18 =	sadd.s32 $0x800, s16  }
0x28b: {  	[hbm4b:s18+s3] =	stream.linear.scatter [tilespmem:s17], [sflag:$0x1], $0x80, $0x38;
	[tilespmem:$0x10800] =	vst v63  }
0x28c: {  	s17 =	ssub.s32 $0x9C78, s13;
	s18 =	sadd.s32 $0x810, s16  }
0x28d: {  	[hbm4b:s18+s3] =	stream.linear.scatter [tilespmem:s17], [sflag:$0x1], $0x80, $0x38;
	[tilespmem:$0x10800] =	vst v63  }
0x28e: {  	s17 =	ssub.s32 $0xACF8, s13;
	s18 =	sadd.s32 $0x820, s16  }
0x28f: {  	[hbm4b:s18+s3] =	stream.linear.scatter [tilespmem:s17], [sflag:$0x1], $0x80, $0x38;
	[tilespmem:$0x10800] =	vst v63  }
0x290: {  	s17 =	ssub.s32 $0xBD78, s13;
	s18 =	sadd.s32 $0x830, s16  }
0x291: {  	[hbm4b:s18+s3] =	stream.linear.scatter [tilespmem:s17], [sflag:$0x1], $0x80, $0x38;
	[tilespmem:$0x10800] =	vst v63  }
0x292: {  	s17 =	ssub.s32 $0xCDF8, s13;
	s18 =	sadd.s32 $0x840, s16  }
0x293: {  	[hbm4b:s18+s3] =	stream.linear.scatter [tilespmem:s17], [sflag:$0x1], $0x80, $0x38;
	[tilespmem:$0x10800] =	vst v63  }
0x294: {  	s17 =	ssub.s32 $0xDE78, s13;
	s18 =	sadd.s32 $0x850, s16  }
0x295: {  	[hbm4b:s18+s3] =	stream.linear.scatter [tilespmem:s17], [sflag:$0x1], $0x80, $0x38;
	[tilespmem:$0x10800] =	vst v63  }
0x296: {  	s17 =	ssub.s32 $0xEEF8, s13;
	s18 =	sadd.s32 $0x860, s16  }
0x297: {  	[hbm4b:s18+s3] =	stream.linear.scatter [tilespmem:s17], [sflag:$0x1], $0x80, $0x38;
	[tilespmem:$0x10800] =	vst v63  }
0x298: {  	s16 =	sadd.s32 $0x870, s16;
	s17 =	ssub.s32 $0xFF78, s13  }
0x299: {  	[hbm4b:s16+s3] =	stream.linear.scatter [tilespmem:s17], [sflag:$0x1], $0x80, $0x38;
	[tilespmem:$0x10800] =	vst v63  }
0x29a: {  	s18 =	ssub.s32 $0x878, s13;
	s16 =	sadd.s32 s14, s22  }
0x29b: {  	[hbm4b:s16+s3] =	stream.linear.scatter [tilespmem:s18], [sflag:$0x1], $0x80, $0x38;
	[tilespmem:$0x10800] =	vst v63  }
0x29c: {  	s17 =	ssub.s32 $0x18F8, s13;
	s18 =	sadd.s32 $0x10, s16  }
0x29d: {  	[hbm4b:s18+s3] =	stream.linear.scatter [tilespmem:s17], [sflag:$0x1], $0x80, $0x38;
	[tilespmem:$0x10800] =	vst v63  }
0x29e: {  	s17 =	ssub.s32 $0x2978, s13;
	s18 =	sadd.s32 $0x20, s16  }
0x29f: {  	[hbm4b:s18+s3] =	stream.linear.scatter [tilespmem:s17], [sflag:$0x1], $0x80, $0x38;
	[tilespmem:$0x10800] =	vst v63  }
0x2a0: {  	s17 =	ssub.s32 $0x39F8, s13;
	s18 =	sadd.s32 $0x30, s16  }
0x2a1: {  	[hbm4b:s18+s3] =	stream.linear.scatter [tilespmem:s17], [sflag:$0x1], $0x80, $0x38;
	[tilespmem:$0x10800] =	vst v63  }
0x2a2: {  	s17 =	ssub.s32 $0x4A78, s13;
	s18 =	sadd.s32 $0x40, s16  }
0x2a3: {  	[hbm4b:s18+s3] =	stream.linear.scatter [tilespmem:s17], [sflag:$0x1], $0x80, $0x38;
	[tilespmem:$0x10800] =	vst v63  }
0x2a4: {  	s17 =	ssub.s32 $0x5AF8, s13;
	s18 =	sadd.s32 $0x50, s16  }
0x2a5: {  	[hbm4b:s18+s3] =	stream.linear.scatter [tilespmem:s17], [sflag:$0x1], $0x80, $0x38;
	[tilespmem:$0x10800] =	vst v63  }
0x2a6: {  	s17 =	ssub.s32 $0x6B78, s13;
	s18 =	sadd.s32 $0x60, s16  }
0x2a7: {  	[hbm4b:s18+s3] =	stream.linear.scatter [tilespmem:s17], [sflag:$0x1], $0x80, $0x38;
	[tilespmem:$0x10800] =	vst v63  }
0x2a8: {  	s17 =	ssub.s32 $0x7BF8, s13;
	s18 =	sadd.s32 $0x70, s16  }
0x2a9: {  	[hbm4b:s18+s3] =	stream.linear.scatter [tilespmem:s17], [sflag:$0x1], $0x80, $0x38;
	[tilespmem:$0x10800] =	vst v63  }
0x2aa: {  	s17 =	ssub.s32 $0x8C78, s13;
	s18 =	sadd.s32 $0x800, s16  }
0x2ab: {  	[hbm4b:s18+s3] =	stream.linear.scatter [tilespmem:s17], [sflag:$0x1], $0x80, $0x38;
	[tilespmem:$0x10800] =	vst v63  }
0x2ac: {  	s17 =	ssub.s32 $0x9CF8, s13;
	s18 =	sadd.s32 $0x810, s16  }
0x2ad: {  	[hbm4b:s18+s3] =	stream.linear.scatter [tilespmem:s17], [sflag:$0x1], $0x80, $0x38;
	[tilespmem:$0x10800] =	vst v63  }
0x2ae: {  	s17 =	ssub.s32 $0xAD78, s13;
	s18 =	sadd.s32 $0x820, s16  }
0x2af: {  	[hbm4b:s18+s3] =	stream.linear.scatter [tilespmem:s17], [sflag:$0x1], $0x80, $0x38;
	[tilespmem:$0x10800] =	vst v63  }
0x2b0: {  	s17 =	ssub.s32 $0xBDF8, s13;
	s18 =	sadd.s32 $0x830, s16  }
0x2b1: {  	[hbm4b:s18+s3] =	stream.linear.scatter [tilespmem:s17], [sflag:$0x1], $0x80, $0x38;
	[tilespmem:$0x10800] =	vst v63  }
0x2b2: {  	s17 =	ssub.s32 $0xCE78, s13;
	s18 =	sadd.s32 $0x840, s16  }
0x2b3: {  	[hbm4b:s18+s3] =	stream.linear.scatter [tilespmem:s17], [sflag:$0x1], $0x80, $0x38;
	[tilespmem:$0x10800] =	vst v63  }
0x2b4: {  	s17 =	ssub.s32 $0xDEF8, s13;
	s18 =	sadd.s32 $0x850, s16  }
0x2b5: {  	[hbm4b:s18+s3] =	stream.linear.scatter [tilespmem:s17], [sflag:$0x1], $0x80, $0x38;
	[tilespmem:$0x10800] =	vst v63  }
0x2b6: {  	s17 =	ssub.s32 $0xEF78, s13;
	s18 =	sadd.s32 $0x860, s16  }
0x2b7: {  	[hbm4b:s18+s3] =	stream.linear.scatter [tilespmem:s17], [sflag:$0x1], $0x80, $0x38;
	[tilespmem:$0x10800] =	vst v63  }
0x2b8: {  	s16 =	sadd.s32 $0x870, s16;
	s17 =	ssub.s32 $0xFFF8, s13  }
0x2b9: {  	[hbm4b:s16+s3] =	stream.linear.scatter [tilespmem:s17], [sflag:$0x1], $0x80, $0x38;
	[tilespmem:$0x10800] =	vst v63  }
0x2ba: {  	s18 =	ssub.s32 $0x8F8, s13;
	s16 =	sadd.s32 s14, s23  }
0x2bb: {  	[hbm4b:s16+s3] =	stream.linear.scatter [tilespmem:s18], [sflag:$0x1], $0x80, $0x38;
	[tilespmem:$0x10800] =	vst v63  }
0x2bc: {  	s17 =	ssub.s32 $0x1978, s13;
	s18 =	sadd.s32 $0x10, s16  }
0x2bd: {  	[hbm4b:s18+s3] =	stream.linear.scatter [tilespmem:s17], [sflag:$0x1], $0x80, $0x38;
	[tilespmem:$0x10800] =	vst v63  }
0x2be: {  	s17 =	ssub.s32 $0x29F8, s13;
	s18 =	sadd.s32 $0x20, s16  }
0x2bf: {  	[hbm4b:s18+s3] =	stream.linear.scatter [tilespmem:s17], [sflag:$0x1], $0x80, $0x38;
	[tilespmem:$0x10800] =	vst v63  }
0x2c0: {  	s17 =	ssub.s32 $0x3A78, s13;
	s18 =	sadd.s32 $0x30, s16  }
0x2c1: {  	[hbm4b:s18+s3] =	stream.linear.scatter [tilespmem:s17], [sflag:$0x1], $0x80, $0x38;
	[tilespmem:$0x10800] =	vst v63  }
0x2c2: {  	s17 =	ssub.s32 $0x4AF8, s13;
	s18 =	sadd.s32 $0x40, s16  }
0x2c3: {  	[hbm4b:s18+s3] =	stream.linear.scatter [tilespmem:s17], [sflag:$0x1], $0x80, $0x38;
	[tilespmem:$0x10800] =	vst v63  }
0x2c4: {  	s17 =	ssub.s32 $0x5B78, s13;
	s18 =	sadd.s32 $0x50, s16  }
0x2c5: {  	[hbm4b:s18+s3] =	stream.linear.scatter [tilespmem:s17], [sflag:$0x1], $0x80, $0x38;
	[tilespmem:$0x10800] =	vst v63  }
0x2c6: {  	s17 =	ssub.s32 $0x6BF8, s13;
	s18 =	sadd.s32 $0x60, s16  }
0x2c7: {  	[hbm4b:s18+s3] =	stream.linear.scatter [tilespmem:s17], [sflag:$0x1], $0x80, $0x38;
	[tilespmem:$0x10800] =	vst v63  }
0x2c8: {  	s17 =	ssub.s32 $0x7C78, s13;
	s18 =	sadd.s32 $0x70, s16  }
0x2c9: {  	[hbm4b:s18+s3] =	stream.linear.scatter [tilespmem:s17], [sflag:$0x1], $0x80, $0x38;
	[tilespmem:$0x10800] =	vst v63  }
0x2ca: {  	s17 =	ssub.s32 $0x8CF8, s13;
	s18 =	sadd.s32 $0x800, s16  }
0x2cb: {  	[hbm4b:s18+s3] =	stream.linear.scatter [tilespmem:s17], [sflag:$0x1], $0x80, $0x38;
	[tilespmem:$0x10800] =	vst v63  }
0x2cc: {  	s17 =	ssub.s32 $0x9D78, s13;
	s18 =	sadd.s32 $0x810, s16  }
0x2cd: {  	[hbm4b:s18+s3] =	stream.linear.scatter [tilespmem:s17], [sflag:$0x1], $0x80, $0x38;
	[tilespmem:$0x10800] =	vst v63  }
0x2ce: {  	s17 =	ssub.s32 $0xADF8, s13;
	s18 =	sadd.s32 $0x820, s16  }
0x2cf: {  	[hbm4b:s18+s3] =	stream.linear.scatter [tilespmem:s17], [sflag:$0x1], $0x80, $0x38;
	[tilespmem:$0x10800] =	vst v63  }
0x2d0: {  	s17 =	ssub.s32 $0xBE78, s13;
	s18 =	sadd.s32 $0x830, s16  }
0x2d1: {  	[hbm4b:s18+s3] =	stream.linear.scatter [tilespmem:s17], [sflag:$0x1], $0x80, $0x38;
	[tilespmem:$0x10800] =	vst v63  }
0x2d2: {  	s17 =	ssub.s32 $0xCEF8, s13;
	s18 =	sadd.s32 $0x840, s16  }
0x2d3: {  	[hbm4b:s18+s3] =	stream.linear.scatter [tilespmem:s17], [sflag:$0x1], $0x80, $0x38;
	[tilespmem:$0x10800] =	vst v63  }
0x2d4: {  	s17 =	ssub.s32 $0xDF78, s13;
	s18 =	sadd.s32 $0x850, s16  }
0x2d5: {  	[hbm4b:s18+s3] =	stream.linear.scatter [tilespmem:s17], [sflag:$0x1], $0x80, $0x38;
	[tilespmem:$0x10800] =	vst v63  }
0x2d6: {  	s17 =	ssub.s32 $0xEFF8, s13;
	s18 =	sadd.s32 $0x860, s16  }
0x2d7: {  	[hbm4b:s18+s3] =	stream.linear.scatter [tilespmem:s17], [sflag:$0x1], $0x80, $0x38;
	[tilespmem:$0x10800] =	vst v63  }
0x2d8: {  	s16 =	sadd.s32 $0x870, s16;
	s17 =	ssub.s32 $0x10078, s13  }
0x2d9: {  	[hbm4b:s16+s3] =	stream.linear.scatter [tilespmem:s17], [sflag:$0x1], $0x80, $0x38;
	[tilespmem:$0x10800] =	vst v63  }
0x2da: {  	s18 =	ssub.s32 $0x978, s13;
	s16 =	sadd.s32 s14, s24  }
0x2db: {  	[hbm4b:s16+s3] =	stream.linear.scatter [tilespmem:s18], [sflag:$0x1], $0x80, $0x38;
	[tilespmem:$0x10800] =	vst v63  }
0x2dc: {  	s17 =	ssub.s32 $0x19F8, s13;
	s18 =	sadd.s32 $0x10, s16  }
0x2dd: {  	[hbm4b:s18+s3] =	stream.linear.scatter [tilespmem:s17], [sflag:$0x1], $0x80, $0x38;
	[tilespmem:$0x10800] =	vst v63  }
0x2de: {  	s17 =	ssub.s32 $0x2A78, s13;
	s18 =	sadd.s32 $0x20, s16  }
0x2df: {  	[hbm4b:s18+s3] =	stream.linear.scatter [tilespmem:s17], [sflag:$0x1], $0x80, $0x38;
	[tilespmem:$0x10800] =	vst v63  }
0x2e0: {  	s17 =	ssub.s32 $0x3AF8, s13;
	s18 =	sadd.s32 $0x30, s16  }
0x2e1: {  	[hbm4b:s18+s3] =	stream.linear.scatter [tilespmem:s17], [sflag:$0x1], $0x80, $0x38;
	[tilespmem:$0x10800] =	vst v63  }
0x2e2: {  	s17 =	ssub.s32 $0x4B78, s13;
	s18 =	sadd.s32 $0x40, s16  }
0x2e3: {  	[hbm4b:s18+s3] =	stream.linear.scatter [tilespmem:s17], [sflag:$0x1], $0x80, $0x38;
	[tilespmem:$0x10800] =	vst v63  }
0x2e4: {  	s17 =	ssub.s32 $0x5BF8, s13;
	s18 =	sadd.s32 $0x50, s16  }
0x2e5: {  	[hbm4b:s18+s3] =	stream.linear.scatter [tilespmem:s17], [sflag:$0x1], $0x80, $0x38;
	[tilespmem:$0x10800] =	vst v63  }
0x2e6: {  	s17 =	ssub.s32 $0x6C78, s13;
	s18 =	sadd.s32 $0x60, s16  }
0x2e7: {  	[hbm4b:s18+s3] =	stream.linear.scatter [tilespmem:s17], [sflag:$0x1], $0x80, $0x38;
	[tilespmem:$0x10800] =	vst v63  }
0x2e8: {  	s17 =	ssub.s32 $0x7CF8, s13;
	s18 =	sadd.s32 $0x70, s16  }
0x2e9: {  	[hbm4b:s18+s3] =	stream.linear.scatter [tilespmem:s17], [sflag:$0x1], $0x80, $0x38;
	[tilespmem:$0x10800] =	vst v63  }
0x2ea: {  	s17 =	ssub.s32 $0x8D78, s13;
	s18 =	sadd.s32 $0x800, s16  }
0x2eb: {  	[hbm4b:s18+s3] =	stream.linear.scatter [tilespmem:s17], [sflag:$0x1], $0x80, $0x38;
	[tilespmem:$0x10800] =	vst v63  }
0x2ec: {  	s17 =	ssub.s32 $0x9DF8, s13;
	s18 =	sadd.s32 $0x810, s16  }
0x2ed: {  	[hbm4b:s18+s3] =	stream.linear.scatter [tilespmem:s17], [sflag:$0x1], $0x80, $0x38;
	[tilespmem:$0x10800] =	vst v63  }
0x2ee: {  	s17 =	ssub.s32 $0xAE78, s13;
	s18 =	sadd.s32 $0x820, s16  }
0x2ef: {  	[hbm4b:s18+s3] =	stream.linear.scatter [tilespmem:s17], [sflag:$0x1], $0x80, $0x38;
	[tilespmem:$0x10800] =	vst v63  }
0x2f0: {  	s17 =	ssub.s32 $0xBEF8, s13;
	s18 =	sadd.s32 $0x830, s16  }
0x2f1: {  	[hbm4b:s18+s3] =	stream.linear.scatter [tilespmem:s17], [sflag:$0x1], $0x80, $0x38;
	[tilespmem:$0x10800] =	vst v63  }
0x2f2: {  	s17 =	ssub.s32 $0xCF78, s13;
	s18 =	sadd.s32 $0x840, s16  }
0x2f3: {  	[hbm4b:s18+s3] =	stream.linear.scatter [tilespmem:s17], [sflag:$0x1], $0x80, $0x38;
	[tilespmem:$0x10800] =	vst v63  }
0x2f4: {  	s17 =	ssub.s32 $0xDFF8, s13;
	s18 =	sadd.s32 $0x850, s16  }
0x2f5: {  	[hbm4b:s18+s3] =	stream.linear.scatter [tilespmem:s17], [sflag:$0x1], $0x80, $0x38;
	[tilespmem:$0x10800] =	vst v63  }
0x2f6: {  	s17 =	ssub.s32 $0xF078, s13;
	s18 =	sadd.s32 $0x860, s16  }
0x2f7: {  	[hbm4b:s18+s3] =	stream.linear.scatter [tilespmem:s17], [sflag:$0x1], $0x80, $0x38;
	[tilespmem:$0x10800] =	vst v63  }
0x2f8: {  	s16 =	sadd.s32 $0x870, s16;
	s17 =	ssub.s32 $0x100F8, s13  }
0x2f9: {  	[hbm4b:s16+s3] =	stream.linear.scatter [tilespmem:s17], [sflag:$0x1], $0x80, $0x38;
	[tilespmem:$0x10800] =	vst v63  }
0x2fa: {  	s18 =	ssub.s32 $0x9F8, s13;
	s16 =	sadd.s32 s14, s26  }
0x2fb: {  	[hbm4b:s16+s3] =	stream.linear.scatter [tilespmem:s18], [sflag:$0x1], $0x80, $0x38;
	[tilespmem:$0x10800] =	vst v63  }
0x2fc: {  	s17 =	ssub.s32 $0x1A78, s13;
	s18 =	sadd.s32 $0x10, s16  }
0x2fd: {  	[hbm4b:s18+s3] =	stream.linear.scatter [tilespmem:s17], [sflag:$0x1], $0x80, $0x38;
	[tilespmem:$0x10800] =	vst v63  }
0x2fe: {  	s17 =	ssub.s32 $0x2AF8, s13;
	s18 =	sadd.s32 $0x20, s16  }
0x2ff: {  	[hbm4b:s18+s3] =	stream.linear.scatter [tilespmem:s17], [sflag:$0x1], $0x80, $0x38;
	[tilespmem:$0x10800] =	vst v63  }
0x300: {  	s17 =	ssub.s32 $0x3B78, s13;
	s18 =	sadd.s32 $0x30, s16  }
0x301: {  	[hbm4b:s18+s3] =	stream.linear.scatter [tilespmem:s17], [sflag:$0x1], $0x80, $0x38;
	[tilespmem:$0x10800] =	vst v63  }
0x302: {  	s17 =	ssub.s32 $0x4BF8, s13;
	s18 =	sadd.s32 $0x40, s16  }
0x303: {  	[hbm4b:s18+s3] =	stream.linear.scatter [tilespmem:s17], [sflag:$0x1], $0x80, $0x38;
	[tilespmem:$0x10800] =	vst v63  }
0x304: {  	s17 =	ssub.s32 $0x5C78, s13;
	s18 =	sadd.s32 $0x50, s16  }
0x305: {  	[hbm4b:s18+s3] =	stream.linear.scatter [tilespmem:s17], [sflag:$0x1], $0x80, $0x38;
	[tilespmem:$0x10800] =	vst v63  }
0x306: {  	s17 =	ssub.s32 $0x6CF8, s13;
	s18 =	sadd.s32 $0x60, s16  }
0x307: {  	[hbm4b:s18+s3] =	stream.linear.scatter [tilespmem:s17], [sflag:$0x1], $0x80, $0x38;
	[tilespmem:$0x10800] =	vst v63  }
0x308: {  	s17 =	ssub.s32 $0x7D78, s13;
	s18 =	sadd.s32 $0x70, s16  }
0x309: {  	[hbm4b:s18+s3] =	stream.linear.scatter [tilespmem:s17], [sflag:$0x1], $0x80, $0x38;
	[tilespmem:$0x10800] =	vst v63  }
0x30a: {  	s17 =	ssub.s32 $0x8DF8, s13;
	s18 =	sadd.s32 $0x800, s16  }
0x30b: {  	[hbm4b:s18+s3] =	stream.linear.scatter [tilespmem:s17], [sflag:$0x1], $0x80, $0x38;
	[tilespmem:$0x10800] =	vst v63  }
0x30c: {  	s17 =	ssub.s32 $0x9E78, s13;
	s18 =	sadd.s32 $0x810, s16  }
0x30d: {  	[hbm4b:s18+s3] =	stream.linear.scatter [tilespmem:s17], [sflag:$0x1], $0x80, $0x38;
	[tilespmem:$0x10800] =	vst v63  }
0x30e: {  	s17 =	ssub.s32 $0xAEF8, s13;
	s18 =	sadd.s32 $0x820, s16  }
0x30f: {  	[hbm4b:s18+s3] =	stream.linear.scatter [tilespmem:s17], [sflag:$0x1], $0x80, $0x38;
	[tilespmem:$0x10800] =	vst v63  }
0x310: {  	s17 =	ssub.s32 $0xBF78, s13;
	s18 =	sadd.s32 $0x830, s16  }
0x311: {  	[hbm4b:s18+s3] =	stream.linear.scatter [tilespmem:s17], [sflag:$0x1], $0x80, $0x38;
	[tilespmem:$0x10800] =	vst v63  }
0x312: {  	s17 =	ssub.s32 $0xCFF8, s13;
	s18 =	sadd.s32 $0x840, s16  }
0x313: {  	[hbm4b:s18+s3] =	stream.linear.scatter [tilespmem:s17], [sflag:$0x1], $0x80, $0x38;
	[tilespmem:$0x10800] =	vst v63  }
0x314: {  	s17 =	ssub.s32 $0xE078, s13;
	s18 =	sadd.s32 $0x850, s16  }
0x315: {  	[hbm4b:s18+s3] =	stream.linear.scatter [tilespmem:s17], [sflag:$0x1], $0x80, $0x38;
	[tilespmem:$0x10800] =	vst v63  }
0x316: {  	s17 =	ssub.s32 $0xF0F8, s13;
	s18 =	sadd.s32 $0x860, s16  }
0x317: {  	[hbm4b:s18+s3] =	stream.linear.scatter [tilespmem:s17], [sflag:$0x1], $0x80, $0x38;
	[tilespmem:$0x10800] =	vst v63  }
0x318: {  	s16 =	sadd.s32 $0x870, s16;
	s17 =	ssub.s32 $0x10178, s13  }
0x319: {  	[hbm4b:s16+s3] =	stream.linear.scatter [tilespmem:s17], [sflag:$0x1], $0x80, $0x38;
	[tilespmem:$0x10800] =	vst v63  }
0x31a: {  	s18 =	ssub.s32 $0xA78, s13;
	s16 =	sadd.s32 s14, s28  }
0x31b: {  	[hbm4b:s16+s3] =	stream.linear.scatter [tilespmem:s18], [sflag:$0x1], $0x80, $0x38;
	[tilespmem:$0x10800] =	vst v63  }
0x31c: {  	s17 =	ssub.s32 $0x1AF8, s13;
	s18 =	sadd.s32 $0x10, s16  }
0x31d: {  	[hbm4b:s18+s3] =	stream.linear.scatter [tilespmem:s17], [sflag:$0x1], $0x80, $0x38;
	[tilespmem:$0x10800] =	vst v63  }
0x31e: {  	s17 =	ssub.s32 $0x2B78, s13;
	s18 =	sadd.s32 $0x20, s16  }
0x31f: {  	[hbm4b:s18+s3] =	stream.linear.scatter [tilespmem:s17], [sflag:$0x1], $0x80, $0x38;
	[tilespmem:$0x10800] =	vst v63  }
0x320: {  	s17 =	ssub.s32 $0x3BF8, s13;
	s18 =	sadd.s32 $0x30, s16  }
0x321: {  	[hbm4b:s18+s3] =	stream.linear.scatter [tilespmem:s17], [sflag:$0x1], $0x80, $0x38;
	[tilespmem:$0x10800] =	vst v63  }
0x322: {  	s17 =	ssub.s32 $0x4C78, s13;
	s18 =	sadd.s32 $0x40, s16  }
0x323: {  	[hbm4b:s18+s3] =	stream.linear.scatter [tilespmem:s17], [sflag:$0x1], $0x80, $0x38;
	[tilespmem:$0x10800] =	vst v63  }
0x324: {  	s17 =	ssub.s32 $0x5CF8, s13;
	s18 =	sadd.s32 $0x50, s16  }
0x325: {  	[hbm4b:s18+s3] =	stream.linear.scatter [tilespmem:s17], [sflag:$0x1], $0x80, $0x38;
	[tilespmem:$0x10800] =	vst v63  }
0x326: {  	s17 =	ssub.s32 $0x6D78, s13;
	s18 =	sadd.s32 $0x60, s16  }
0x327: {  	[hbm4b:s18+s3] =	stream.linear.scatter [tilespmem:s17], [sflag:$0x1], $0x80, $0x38;
	[tilespmem:$0x10800] =	vst v63  }
0x328: {  	s17 =	ssub.s32 $0x7DF8, s13;
	s18 =	sadd.s32 $0x70, s16  }
0x329: {  	[hbm4b:s18+s3] =	stream.linear.scatter [tilespmem:s17], [sflag:$0x1], $0x80, $0x38;
	[tilespmem:$0x10800] =	vst v63  }
0x32a: {  	s17 =	ssub.s32 $0x8E78, s13;
	s18 =	sadd.s32 $0x800, s16  }
0x32b: {  	[hbm4b:s18+s3] =	stream.linear.scatter [tilespmem:s17], [sflag:$0x1], $0x80, $0x38;
	[tilespmem:$0x10800] =	vst v63  }
0x32c: {  	s17 =	ssub.s32 $0x9EF8, s13;
	s18 =	sadd.s32 $0x810, s16  }
0x32d: {  	[hbm4b:s18+s3] =	stream.linear.scatter [tilespmem:s17], [sflag:$0x1], $0x80, $0x38;
	[tilespmem:$0x10800] =	vst v63  }
0x32e: {  	s17 =	ssub.s32 $0xAF78, s13;
	s18 =	sadd.s32 $0x820, s16  }
0x32f: {  	[hbm4b:s18+s3] =	stream.linear.scatter [tilespmem:s17], [sflag:$0x1], $0x80, $0x38;
	[tilespmem:$0x10800] =	vst v63  }
0x330: {  	s17 =	ssub.s32 $0xBFF8, s13;
	s18 =	sadd.s32 $0x830, s16  }
0x331: {  	[hbm4b:s18+s3] =	stream.linear.scatter [tilespmem:s17], [sflag:$0x1], $0x80, $0x38;
	[tilespmem:$0x10800] =	vst v63  }
0x332: {  	s17 =	ssub.s32 $0xD078, s13;
	s18 =	sadd.s32 $0x840, s16  }
0x333: {  	[hbm4b:s18+s3] =	stream.linear.scatter [tilespmem:s17], [sflag:$0x1], $0x80, $0x38;
	[tilespmem:$0x10800] =	vst v63  }
0x334: {  	s17 =	ssub.s32 $0xE0F8, s13;
	s18 =	sadd.s32 $0x850, s16  }
0x335: {  	[hbm4b:s18+s3] =	stream.linear.scatter [tilespmem:s17], [sflag:$0x1], $0x80, $0x38;
	[tilespmem:$0x10800] =	vst v63  }
0x336: {  	s17 =	ssub.s32 $0xF178, s13;
	s18 =	sadd.s32 $0x860, s16  }
0x337: {  	[hbm4b:s18+s3] =	stream.linear.scatter [tilespmem:s17], [sflag:$0x1], $0x80, $0x38;
	[tilespmem:$0x10800] =	vst v63  }
0x338: {  	s16 =	sadd.s32 $0x870, s16;
	s17 =	ssub.s32 $0x101F8, s13  }
0x339: {  	[hbm4b:s16+s3] =	stream.linear.scatter [tilespmem:s17], [sflag:$0x1], $0x80, $0x38;
	[tilespmem:$0x10800] =	vst v63  }
0x33a: {  	s18 =	ssub.s32 $0xAF8, s13;
	s16 =	sadd.s32 s14, s29  }
0x33b: {  	[hbm4b:s16+s3] =	stream.linear.scatter [tilespmem:s18], [sflag:$0x1], $0x80, $0x38;
	[tilespmem:$0x10800] =	vst v63  }
0x33c: {  	s17 =	ssub.s32 $0x1B78, s13;
	s18 =	sadd.s32 $0x10, s16  }
0x33d: {  	[hbm4b:s18+s3] =	stream.linear.scatter [tilespmem:s17], [sflag:$0x1], $0x80, $0x38;
	[tilespmem:$0x10800] =	vst v63  }
0x33e: {  	s17 =	ssub.s32 $0x2BF8, s13;
	s18 =	sadd.s32 $0x20, s16  }
0x33f: {  	[hbm4b:s18+s3] =	stream.linear.scatter [tilespmem:s17], [sflag:$0x1], $0x80, $0x38;
	[tilespmem:$0x10800] =	vst v63  }
0x340: {  	s17 =	ssub.s32 $0x3C78, s13;
	s18 =	sadd.s32 $0x30, s16  }
0x341: {  	[hbm4b:s18+s3] =	stream.linear.scatter [tilespmem:s17], [sflag:$0x1], $0x80, $0x38;
	[tilespmem:$0x10800] =	vst v63  }
0x342: {  	s17 =	ssub.s32 $0x4CF8, s13;
	s18 =	sadd.s32 $0x40, s16  }
0x343: {  	[hbm4b:s18+s3] =	stream.linear.scatter [tilespmem:s17], [sflag:$0x1], $0x80, $0x38;
	[tilespmem:$0x10800] =	vst v63  }
0x344: {  	s17 =	ssub.s32 $0x5D78, s13;
	s18 =	sadd.s32 $0x50, s16  }
0x345: {  	[hbm4b:s18+s3] =	stream.linear.scatter [tilespmem:s17], [sflag:$0x1], $0x80, $0x38;
	[tilespmem:$0x10800] =	vst v63  }
0x346: {  	s17 =	ssub.s32 $0x6DF8, s13;
	s18 =	sadd.s32 $0x60, s16  }
0x347: {  	[hbm4b:s18+s3] =	stream.linear.scatter [tilespmem:s17], [sflag:$0x1], $0x80, $0x38;
	[tilespmem:$0x10800] =	vst v63  }
0x348: {  	s17 =	ssub.s32 $0x7E78, s13;
	s18 =	sadd.s32 $0x70, s16  }
0x349: {  	[hbm4b:s18+s3] =	stream.linear.scatter [tilespmem:s17], [sflag:$0x1], $0x80, $0x38;
	[tilespmem:$0x10800] =	vst v63  }
0x34a: {  	s17 =	ssub.s32 $0x8EF8, s13;
	s18 =	sadd.s32 $0x800, s16  }
0x34b: {  	[hbm4b:s18+s3] =	stream.linear.scatter [tilespmem:s17], [sflag:$0x1], $0x80, $0x38;
	[tilespmem:$0x10800] =	vst v63  }
0x34c: {  	s17 =	ssub.s32 $0x9F78, s13;
	s18 =	sadd.s32 $0x810, s16  }
0x34d: {  	[hbm4b:s18+s3] =	stream.linear.scatter [tilespmem:s17], [sflag:$0x1], $0x80, $0x38;
	[tilespmem:$0x10800] =	vst v63  }
0x34e: {  	s17 =	ssub.s32 $0xAFF8, s13;
	s18 =	sadd.s32 $0x820, s16  }
0x34f: {  	[hbm4b:s18+s3] =	stream.linear.scatter [tilespmem:s17], [sflag:$0x1], $0x80, $0x38;
	[tilespmem:$0x10800] =	vst v63  }
0x350: {  	s17 =	ssub.s32 $0xC078, s13;
	s18 =	sadd.s32 $0x830, s16  }
0x351: {  	[hbm4b:s18+s3] =	stream.linear.scatter [tilespmem:s17], [sflag:$0x1], $0x80, $0x38;
	[tilespmem:$0x10800] =	vst v63  }
0x352: {  	s17 =	ssub.s32 $0xD0F8, s13;
	s18 =	sadd.s32 $0x840, s16  }
0x353: {  	[hbm4b:s18+s3] =	stream.linear.scatter [tilespmem:s17], [sflag:$0x1], $0x80, $0x38;
	[tilespmem:$0x10800] =	vst v63  }
0x354: {  	s17 =	ssub.s32 $0xE178, s13;
	s18 =	sadd.s32 $0x850, s16  }
0x355: {  	[hbm4b:s18+s3] =	stream.linear.scatter [tilespmem:s17], [sflag:$0x1], $0x80, $0x38;
	[tilespmem:$0x10800] =	vst v63  }
0x356: {  	s17 =	ssub.s32 $0xF1F8, s13;
	s18 =	sadd.s32 $0x860, s16  }
0x357: {  	[hbm4b:s18+s3] =	stream.linear.scatter [tilespmem:s17], [sflag:$0x1], $0x80, $0x38;
	[tilespmem:$0x10800] =	vst v63  }
0x358: {  	s16 =	sadd.s32 $0x870, s16;
	s17 =	ssub.s32 $0x10278, s13  }
0x359: {  	[hbm4b:s16+s3] =	stream.linear.scatter [tilespmem:s17], [sflag:$0x1], $0x80, $0x38;
	[tilespmem:$0x10800] =	vst v63  }
0x35a: {  	s18 =	ssub.s32 $0xB78, s13;
	s16 =	sadd.s32 s14, s30  }
0x35b: {  	[hbm4b:s16+s3] =	stream.linear.scatter [tilespmem:s18], [sflag:$0x1], $0x80, $0x38;
	[tilespmem:$0x10800] =	vst v63  }
0x35c: {  	s17 =	ssub.s32 $0x1BF8, s13;
	s18 =	sadd.s32 $0x10, s16  }
0x35d: {  	[hbm4b:s18+s3] =	stream.linear.scatter [tilespmem:s17], [sflag:$0x1], $0x80, $0x38;
	[tilespmem:$0x10800] =	vst v63  }
0x35e: {  	s17 =	ssub.s32 $0x2C78, s13;
	s18 =	sadd.s32 $0x20, s16  }
0x35f: {  	[hbm4b:s18+s3] =	stream.linear.scatter [tilespmem:s17], [sflag:$0x1], $0x80, $0x38;
	[tilespmem:$0x10800] =	vst v63  }
0x360: {  	s17 =	ssub.s32 $0x3CF8, s13;
	s18 =	sadd.s32 $0x30, s16  }
0x361: {  	[hbm4b:s18+s3] =	stream.linear.scatter [tilespmem:s17], [sflag:$0x1], $0x80, $0x38;
	[tilespmem:$0x10800] =	vst v63  }
0x362: {  	s17 =	ssub.s32 $0x4D78, s13;
	s18 =	sadd.s32 $0x40, s16  }
0x363: {  	[hbm4b:s18+s3] =	stream.linear.scatter [tilespmem:s17], [sflag:$0x1], $0x80, $0x38;
	[tilespmem:$0x10800] =	vst v63  }
0x364: {  	s17 =	ssub.s32 $0x5DF8, s13;
	s18 =	sadd.s32 $0x50, s16  }
0x365: {  	[hbm4b:s18+s3] =	stream.linear.scatter [tilespmem:s17], [sflag:$0x1], $0x80, $0x38;
	[tilespmem:$0x10800] =	vst v63  }
0x366: {  	s17 =	ssub.s32 $0x6E78, s13;
	s18 =	sadd.s32 $0x60, s16  }
0x367: {  	[hbm4b:s18+s3] =	stream.linear.scatter [tilespmem:s17], [sflag:$0x1], $0x80, $0x38;
	[tilespmem:$0x10800] =	vst v63  }
0x368: {  	s17 =	ssub.s32 $0x7EF8, s13;
	s18 =	sadd.s32 $0x70, s16  }
0x369: {  	[hbm4b:s18+s3] =	stream.linear.scatter [tilespmem:s17], [sflag:$0x1], $0x80, $0x38;
	[tilespmem:$0x10800] =	vst v63  }
0x36a: {  	s17 =	ssub.s32 $0x8F78, s13;
	s18 =	sadd.s32 $0x800, s16  }
0x36b: {  	[hbm4b:s18+s3] =	stream.linear.scatter [tilespmem:s17], [sflag:$0x1], $0x80, $0x38;
	[tilespmem:$0x10800] =	vst v63  }
0x36c: {  	s17 =	ssub.s32 $0x9FF8, s13;
	s18 =	sadd.s32 $0x810, s16  }
0x36d: {  	[hbm4b:s18+s3] =	stream.linear.scatter [tilespmem:s17], [sflag:$0x1], $0x80, $0x38;
	[tilespmem:$0x10800] =	vst v63  }
0x36e: {  	s17 =	ssub.s32 $0xB078, s13;
	s18 =	sadd.s32 $0x820, s16  }
0x36f: {  	[hbm4b:s18+s3] =	stream.linear.scatter [tilespmem:s17], [sflag:$0x1], $0x80, $0x38;
	[tilespmem:$0x10800] =	vst v63  }
0x370: {  	s17 =	ssub.s32 $0xC0F8, s13;
	s18 =	sadd.s32 $0x830, s16  }
0x371: {  	[hbm4b:s18+s3] =	stream.linear.scatter [tilespmem:s17], [sflag:$0x1], $0x80, $0x38;
	[tilespmem:$0x10800] =	vst v63  }
0x372: {  	s17 =	ssub.s32 $0xD178, s13;
	s18 =	sadd.s32 $0x840, s16  }
0x373: {  	[hbm4b:s18+s3] =	stream.linear.scatter [tilespmem:s17], [sflag:$0x1], $0x80, $0x38;
	[tilespmem:$0x10800] =	vst v63  }
0x374: {  	s17 =	ssub.s32 $0xE1F8, s13;
	s18 =	sadd.s32 $0x850, s16  }
0x375: {  	[hbm4b:s18+s3] =	stream.linear.scatter [tilespmem:s17], [sflag:$0x1], $0x80, $0x38;
	[tilespmem:$0x10800] =	vst v63  }
0x376: {  	s17 =	ssub.s32 $0xF278, s13;
	s18 =	sadd.s32 $0x860, s16  }
0x377: {  	[hbm4b:s18+s3] =	stream.linear.scatter [tilespmem:s17], [sflag:$0x1], $0x80, $0x38;
	[tilespmem:$0x10800] =	vst v63  }
0x378: {  	s16 =	sadd.s32 $0x870, s16;
	s17 =	ssub.s32 $0x102F8, s13  }
0x379: {  	[hbm4b:s16+s3] =	stream.linear.scatter [tilespmem:s17], [sflag:$0x1], $0x80, $0x38;
	[tilespmem:$0x10800] =	vst v63  }
0x37a: {  	s18 =	ssub.s32 $0xBF8, s13;
	s16 =	sadd.s32 s14, s31  }
0x37b: {  	[hbm4b:s16+s3] =	stream.linear.scatter [tilespmem:s18], [sflag:$0x1], $0x80, $0x38;
	[tilespmem:$0x10800] =	vst v63  }
0x37c: {  	s17 =	ssub.s32 $0x1C78, s13;
	s18 =	sadd.s32 $0x10, s16  }
0x37d: {  	[hbm4b:s18+s3] =	stream.linear.scatter [tilespmem:s17], [sflag:$0x1], $0x80, $0x38;
	[tilespmem:$0x10800] =	vst v63  }
0x37e: {  	s17 =	ssub.s32 $0x2CF8, s13;
	s18 =	sadd.s32 $0x20, s16  }
0x37f: {  	[hbm4b:s18+s3] =	stream.linear.scatter [tilespmem:s17], [sflag:$0x1], $0x80, $0x38;
	[tilespmem:$0x10800] =	vst v63  }
0x380: {  	s17 =	ssub.s32 $0x3D78, s13;
	s18 =	sadd.s32 $0x30, s16  }
0x381: {  	[hbm4b:s18+s3] =	stream.linear.scatter [tilespmem:s17], [sflag:$0x1], $0x80, $0x38;
	[tilespmem:$0x10800] =	vst v63  }
0x382: {  	s17 =	ssub.s32 $0x4DF8, s13;
	s18 =	sadd.s32 $0x40, s16  }
0x383: {  	[hbm4b:s18+s3] =	stream.linear.scatter [tilespmem:s17], [sflag:$0x1], $0x80, $0x38;
	[tilespmem:$0x10800] =	vst v63  }
0x384: {  	s17 =	ssub.s32 $0x5E78, s13;
	s18 =	sadd.s32 $0x50, s16  }
0x385: {  	[hbm4b:s18+s3] =	stream.linear.scatter [tilespmem:s17], [sflag:$0x1], $0x80, $0x38;
	[tilespmem:$0x10800] =	vst v63  }
0x386: {  	s17 =	ssub.s32 $0x6EF8, s13;
	s18 =	sadd.s32 $0x60, s16  }
0x387: {  	[hbm4b:s18+s3] =	stream.linear.scatter [tilespmem:s17], [sflag:$0x1], $0x80, $0x38;
	[tilespmem:$0x10800] =	vst v63  }
0x388: {  	s17 =	ssub.s32 $0x7F78, s13;
	s18 =	sadd.s32 $0x70, s16  }
0x389: {  	[hbm4b:s18+s3] =	stream.linear.scatter [tilespmem:s17], [sflag:$0x1], $0x80, $0x38;
	[tilespmem:$0x10800] =	vst v63  }
0x38a: {  	s17 =	ssub.s32 $0x8FF8, s13;
	s18 =	sadd.s32 $0x800, s16  }
0x38b: {  	[hbm4b:s18+s3] =	stream.linear.scatter [tilespmem:s17], [sflag:$0x1], $0x80, $0x38;
	[tilespmem:$0x10800] =	vst v63  }
0x38c: {  	s17 =	ssub.s32 $0xA078, s13;
	s18 =	sadd.s32 $0x810, s16  }
0x38d: {  	[hbm4b:s18+s3] =	stream.linear.scatter [tilespmem:s17], [sflag:$0x1], $0x80, $0x38;
	[tilespmem:$0x10800] =	vst v63  }
0x38e: {  	s17 =	ssub.s32 $0xB0F8, s13;
	s18 =	sadd.s32 $0x820, s16  }
0x38f: {  	[hbm4b:s18+s3] =	stream.linear.scatter [tilespmem:s17], [sflag:$0x1], $0x80, $0x38;
	[tilespmem:$0x10800] =	vst v63  }
0x390: {  	s17 =	ssub.s32 $0xC178, s13;
	s18 =	sadd.s32 $0x830, s16  }
0x391: {  	[hbm4b:s18+s3] =	stream.linear.scatter [tilespmem:s17], [sflag:$0x1], $0x80, $0x38;
	[tilespmem:$0x10800] =	vst v63  }
0x392: {  	s17 =	ssub.s32 $0xD1F8, s13;
	s18 =	sadd.s32 $0x840, s16  }
0x393: {  	[hbm4b:s18+s3] =	stream.linear.scatter [tilespmem:s17], [sflag:$0x1], $0x80, $0x38;
	[tilespmem:$0x10800] =	vst v63  }
0x394: {  	s17 =	ssub.s32 $0xE278, s13;
	s18 =	sadd.s32 $0x850, s16  }
0x395: {  	[hbm4b:s18+s3] =	stream.linear.scatter [tilespmem:s17], [sflag:$0x1], $0x80, $0x38;
	[tilespmem:$0x10800] =	vst v63  }
0x396: {  	s17 =	ssub.s32 $0xF2F8, s13;
	s18 =	sadd.s32 $0x860, s16  }
0x397: {  	[hbm4b:s18+s3] =	stream.linear.scatter [tilespmem:s17], [sflag:$0x1], $0x80, $0x38;
	[tilespmem:$0x10800] =	vst v63  }
0x398: {  	s16 =	sadd.s32 $0x870, s16;
	s17 =	ssub.s32 $0x10378, s13  }
0x399: {  	[hbm4b:s16+s3] =	stream.linear.scatter [tilespmem:s17], [sflag:$0x1], $0x80, $0x38;
	[tilespmem:$0x10800] =	vst v63  }
0x39a: {  	s18 =	ssub.s32 $0xC78, s13;
	s16 =	sadd.s32 s14, s1  }
0x39b: {  	[hbm4b:s16+s3] =	stream.linear.scatter [tilespmem:s18], [sflag:$0x1], $0x80, $0x38;
	[tilespmem:$0x10800] =	vst v63  }
0x39c: {  	s17 =	ssub.s32 $0x1CF8, s13;
	s18 =	sadd.s32 $0x10, s16  }
0x39d: {  	[hbm4b:s18+s3] =	stream.linear.scatter [tilespmem:s17], [sflag:$0x1], $0x80, $0x38;
	[tilespmem:$0x10800] =	vst v63  }
0x39e: {  	s17 =	ssub.s32 $0x2D78, s13;
	s18 =	sadd.s32 $0x20, s16  }
0x39f: {  	[hbm4b:s18+s3] =	stream.linear.scatter [tilespmem:s17], [sflag:$0x1], $0x80, $0x38;
	[tilespmem:$0x10800] =	vst v63  }
0x3a0: {  	s17 =	ssub.s32 $0x3DF8, s13;
	s18 =	sadd.s32 $0x30, s16  }
0x3a1: {  	[hbm4b:s18+s3] =	stream.linear.scatter [tilespmem:s17], [sflag:$0x1], $0x80, $0x38;
	[tilespmem:$0x10800] =	vst v63  }
0x3a2: {  	s17 =	ssub.s32 $0x4E78, s13;
	s18 =	sadd.s32 $0x40, s16  }
0x3a3: {  	[hbm4b:s18+s3] =	stream.linear.scatter [tilespmem:s17], [sflag:$0x1], $0x80, $0x38;
	[tilespmem:$0x10800] =	vst v63  }
0x3a4: {  	s17 =	ssub.s32 $0x5EF8, s13;
	s18 =	sadd.s32 $0x50, s16  }
0x3a5: {  	[hbm4b:s18+s3] =	stream.linear.scatter [tilespmem:s17], [sflag:$0x1], $0x80, $0x38;
	[tilespmem:$0x10800] =	vst v63  }
0x3a6: {  	s17 =	ssub.s32 $0x6F78, s13;
	s18 =	sadd.s32 $0x60, s16  }
0x3a7: {  	[hbm4b:s18+s3] =	stream.linear.scatter [tilespmem:s17], [sflag:$0x1], $0x80, $0x38;
	[tilespmem:$0x10800] =	vst v63  }
0x3a8: {  	s17 =	ssub.s32 $0x7FF8, s13;
	s18 =	sadd.s32 $0x70, s16  }
0x3a9: {  	[hbm4b:s18+s3] =	stream.linear.scatter [tilespmem:s17], [sflag:$0x1], $0x80, $0x38;
	[tilespmem:$0x10800] =	vst v63  }
0x3aa: {  	s17 =	ssub.s32 $0x9078, s13;
	s18 =	sadd.s32 $0x800, s16  }
0x3ab: {  	[hbm4b:s18+s3] =	stream.linear.scatter [tilespmem:s17], [sflag:$0x1], $0x80, $0x38;
	[tilespmem:$0x10800] =	vst v63  }
0x3ac: {  	s17 =	ssub.s32 $0xA0F8, s13;
	s18 =	sadd.s32 $0x810, s16  }
0x3ad: {  	[hbm4b:s18+s3] =	stream.linear.scatter [tilespmem:s17], [sflag:$0x1], $0x80, $0x38;
	[tilespmem:$0x10800] =	vst v63  }
0x3ae: {  	s17 =	ssub.s32 $0xB178, s13;
	s18 =	sadd.s32 $0x820, s16  }
0x3af: {  	[hbm4b:s18+s3] =	stream.linear.scatter [tilespmem:s17], [sflag:$0x1], $0x80, $0x38;
	[tilespmem:$0x10800] =	vst v63  }
0x3b0: {  	s17 =	ssub.s32 $0xC1F8, s13;
	s18 =	sadd.s32 $0x830, s16  }
0x3b1: {  	[hbm4b:s18+s3] =	stream.linear.scatter [tilespmem:s17], [sflag:$0x1], $0x80, $0x38;
	[tilespmem:$0x10800] =	vst v63  }
0x3b2: {  	s17 =	ssub.s32 $0xD278, s13;
	s18 =	sadd.s32 $0x840, s16  }
0x3b3: {  	[hbm4b:s18+s3] =	stream.linear.scatter [tilespmem:s17], [sflag:$0x1], $0x80, $0x38;
	[tilespmem:$0x10800] =	vst v63  }
0x3b4: {  	s17 =	ssub.s32 $0xE2F8, s13;
	s18 =	sadd.s32 $0x850, s16  }
0x3b5: {  	[hbm4b:s18+s3] =	stream.linear.scatter [tilespmem:s17], [sflag:$0x1], $0x80, $0x38;
	[tilespmem:$0x10800] =	vst v63  }
0x3b6: {  	s17 =	ssub.s32 $0xF378, s13;
	s18 =	sadd.s32 $0x860, s16  }
0x3b7: {  	[hbm4b:s18+s3] =	stream.linear.scatter [tilespmem:s17], [sflag:$0x1], $0x80, $0x38;
	[tilespmem:$0x10800] =	vst v63  }
0x3b8: {  	s16 =	sadd.s32 $0x870, s16;
	s17 =	ssub.s32 $0x103F8, s13  }
0x3b9: {  	[hbm4b:s16+s3] =	stream.linear.scatter [tilespmem:s17], [sflag:$0x1], $0x80, $0x38;
	[tilespmem:$0x10800] =	vst v63  }
0x3ba: {  	s18 =	ssub.s32 $0xCF8, s13;
	s16 =	sadd.s32 s14, s0  }
0x3bb: {  	[hbm4b:s16+s3] =	stream.linear.scatter [tilespmem:s18], [sflag:$0x1], $0x80, $0x38;
	[tilespmem:$0x10800] =	vst v63  }
0x3bc: {  	s17 =	ssub.s32 $0x1D78, s13;
	s18 =	sadd.s32 $0x10, s16  }
0x3bd: {  	[hbm4b:s18+s3] =	stream.linear.scatter [tilespmem:s17], [sflag:$0x1], $0x80, $0x38;
	[tilespmem:$0x10800] =	vst v63  }
0x3be: {  	s17 =	ssub.s32 $0x2DF8, s13;
	s18 =	sadd.s32 $0x20, s16  }
0x3bf: {  	[hbm4b:s18+s3] =	stream.linear.scatter [tilespmem:s17], [sflag:$0x1], $0x80, $0x38;
	[tilespmem:$0x10800] =	vst v63  }
0x3c0: {  	s17 =	ssub.s32 $0x3E78, s13;
	s18 =	sadd.s32 $0x30, s16  }
0x3c1: {  	[hbm4b:s18+s3] =	stream.linear.scatter [tilespmem:s17], [sflag:$0x1], $0x80, $0x38;
	[tilespmem:$0x10800] =	vst v63  }
0x3c2: {  	s17 =	ssub.s32 $0x4EF8, s13;
	s18 =	sadd.s32 $0x40, s16  }
0x3c3: {  	[hbm4b:s18+s3] =	stream.linear.scatter [tilespmem:s17], [sflag:$0x1], $0x80, $0x38;
	[tilespmem:$0x10800] =	vst v63  }
0x3c4: {  	s17 =	ssub.s32 $0x5F78, s13;
	s18 =	sadd.s32 $0x50, s16  }
0x3c5: {  	[hbm4b:s18+s3] =	stream.linear.scatter [tilespmem:s17], [sflag:$0x1], $0x80, $0x38;
	[tilespmem:$0x10800] =	vst v63  }
0x3c6: {  	s17 =	ssub.s32 $0x6FF8, s13;
	s18 =	sadd.s32 $0x60, s16  }
0x3c7: {  	[hbm4b:s18+s3] =	stream.linear.scatter [tilespmem:s17], [sflag:$0x1], $0x80, $0x38;
	[tilespmem:$0x10800] =	vst v63  }
0x3c8: {  	s17 =	ssub.s32 $0x8078, s13;
	s18 =	sadd.s32 $0x70, s16  }
0x3c9: {  	[hbm4b:s18+s3] =	stream.linear.scatter [tilespmem:s17], [sflag:$0x1], $0x80, $0x38;
	[tilespmem:$0x10800] =	vst v63  }
0x3ca: {  	s17 =	ssub.s32 $0x90F8, s13;
	s18 =	sadd.s32 $0x800, s16  }
0x3cb: {  	[hbm4b:s18+s3] =	stream.linear.scatter [tilespmem:s17], [sflag:$0x1], $0x80, $0x38;
	[tilespmem:$0x10800] =	vst v63  }
0x3cc: {  	s17 =	ssub.s32 $0xA178, s13;
	s18 =	sadd.s32 $0x810, s16  }
0x3cd: {  	[hbm4b:s18+s3] =	stream.linear.scatter [tilespmem:s17], [sflag:$0x1], $0x80, $0x38;
	[tilespmem:$0x10800] =	vst v63  }
0x3ce: {  	s17 =	ssub.s32 $0xB1F8, s13;
	s18 =	sadd.s32 $0x820, s16  }
0x3cf: {  	[hbm4b:s18+s3] =	stream.linear.scatter [tilespmem:s17], [sflag:$0x1], $0x80, $0x38;
	[tilespmem:$0x10800] =	vst v63  }
0x3d0: {  	s17 =	ssub.s32 $0xC278, s13;
	s18 =	sadd.s32 $0x830, s16  }
0x3d1: {  	[hbm4b:s18+s3] =	stream.linear.scatter [tilespmem:s17], [sflag:$0x1], $0x80, $0x38;
	[tilespmem:$0x10800] =	vst v63  }
0x3d2: {  	s17 =	ssub.s32 $0xD2F8, s13;
	s18 =	sadd.s32 $0x840, s16  }
0x3d3: {  	[hbm4b:s18+s3] =	stream.linear.scatter [tilespmem:s17], [sflag:$0x1], $0x80, $0x38;
	[tilespmem:$0x10800] =	vst v63  }
0x3d4: {  	s17 =	ssub.s32 $0xE378, s13;
	s18 =	sadd.s32 $0x850, s16  }
0x3d5: {  	[hbm4b:s18+s3] =	stream.linear.scatter [tilespmem:s17], [sflag:$0x1], $0x80, $0x38;
	[tilespmem:$0x10800] =	vst v63  }
0x3d6: {  	s17 =	ssub.s32 $0xF3F8, s13;
	s18 =	sadd.s32 $0x860, s16  }
0x3d7: {  	[hbm4b:s18+s3] =	stream.linear.scatter [tilespmem:s17], [sflag:$0x1], $0x80, $0x38;
	[tilespmem:$0x10800] =	vst v63  }
0x3d8: {  	s16 =	sadd.s32 $0x870, s16;
	s17 =	ssub.s32 $0x10478, s13  }
0x3d9: {  	[hbm4b:s16+s3] =	stream.linear.scatter [tilespmem:s17], [sflag:$0x1], $0x80, $0x38;
	[tilespmem:$0x10800] =	vst v63  }
0x3da: {  	s18 =	ssub.s32 $0xD78, s13;
	s16 =	sadd.s32 s14, s5  }
0x3db: {  	[hbm4b:s16+s3] =	stream.linear.scatter [tilespmem:s18], [sflag:$0x1], $0x80, $0x38;
	[tilespmem:$0x10800] =	vst v63  }
0x3dc: {  	s17 =	ssub.s32 $0x1DF8, s13;
	s18 =	sadd.s32 $0x10, s16  }
0x3dd: {  	[hbm4b:s18+s3] =	stream.linear.scatter [tilespmem:s17], [sflag:$0x1], $0x80, $0x38;
	[tilespmem:$0x10800] =	vst v63  }
0x3de: {  	s17 =	ssub.s32 $0x2E78, s13;
	s18 =	sadd.s32 $0x20, s16  }
0x3df: {  	[hbm4b:s18+s3] =	stream.linear.scatter [tilespmem:s17], [sflag:$0x1], $0x80, $0x38;
	[tilespmem:$0x10800] =	vst v63  }
0x3e0: {  	s17 =	ssub.s32 $0x3EF8, s13;
	s18 =	sadd.s32 $0x30, s16  }
0x3e1: {  	[hbm4b:s18+s3] =	stream.linear.scatter [tilespmem:s17], [sflag:$0x1], $0x80, $0x38;
	[tilespmem:$0x10800] =	vst v63  }
0x3e2: {  	s17 =	ssub.s32 $0x4F78, s13;
	s18 =	sadd.s32 $0x40, s16  }
0x3e3: {  	[hbm4b:s18+s3] =	stream.linear.scatter [tilespmem:s17], [sflag:$0x1], $0x80, $0x38;
	[tilespmem:$0x10800] =	vst v63  }
0x3e4: {  	s17 =	ssub.s32 $0x5FF8, s13;
	s18 =	sadd.s32 $0x50, s16  }
0x3e5: {  	[hbm4b:s18+s3] =	stream.linear.scatter [tilespmem:s17], [sflag:$0x1], $0x80, $0x38;
	[tilespmem:$0x10800] =	vst v63  }
0x3e6: {  	s17 =	ssub.s32 $0x7078, s13;
	s18 =	sadd.s32 $0x60, s16  }
0x3e7: {  	[hbm4b:s18+s3] =	stream.linear.scatter [tilespmem:s17], [sflag:$0x1], $0x80, $0x38;
	[tilespmem:$0x10800] =	vst v63  }
0x3e8: {  	s17 =	ssub.s32 $0x80F8, s13;
	s18 =	sadd.s32 $0x70, s16  }
0x3e9: {  	[hbm4b:s18+s3] =	stream.linear.scatter [tilespmem:s17], [sflag:$0x1], $0x80, $0x38;
	[tilespmem:$0x10800] =	vst v63  }
0x3ea: {  	s17 =	ssub.s32 $0x9178, s13;
	s18 =	sadd.s32 $0x800, s16  }
0x3eb: {  	[hbm4b:s18+s3] =	stream.linear.scatter [tilespmem:s17], [sflag:$0x1], $0x80, $0x38;
	[tilespmem:$0x10800] =	vst v63  }
0x3ec: {  	s17 =	ssub.s32 $0xA1F8, s13;
	s18 =	sadd.s32 $0x810, s16  }
0x3ed: {  	[hbm4b:s18+s3] =	stream.linear.scatter [tilespmem:s17], [sflag:$0x1], $0x80, $0x38;
	[tilespmem:$0x10800] =	vst v63  }
0x3ee: {  	s17 =	ssub.s32 $0xB278, s13;
	s18 =	sadd.s32 $0x820, s16  }
0x3ef: {  	[hbm4b:s18+s3] =	stream.linear.scatter [tilespmem:s17], [sflag:$0x1], $0x80, $0x38;
	[tilespmem:$0x10800] =	vst v63  }
0x3f0: {  	s17 =	ssub.s32 $0xC2F8, s13;
	s18 =	sadd.s32 $0x830, s16  }
0x3f1: {  	[hbm4b:s18+s3] =	stream.linear.scatter [tilespmem:s17], [sflag:$0x1], $0x80, $0x38;
	[tilespmem:$0x10800] =	vst v63  }
0x3f2: {  	s17 =	ssub.s32 $0xD378, s13;
	s18 =	sadd.s32 $0x840, s16  }
0x3f3: {  	[hbm4b:s18+s3] =	stream.linear.scatter [tilespmem:s17], [sflag:$0x1], $0x80, $0x38;
	[tilespmem:$0x10800] =	vst v63  }
0x3f4: {  	s17 =	ssub.s32 $0xE3F8, s13;
	s18 =	sadd.s32 $0x850, s16  }
0x3f5: {  	[hbm4b:s18+s3] =	stream.linear.scatter [tilespmem:s17], [sflag:$0x1], $0x80, $0x38;
	[tilespmem:$0x10800] =	vst v63  }
0x3f6: {  	s17 =	ssub.s32 $0xF478, s13;
	s18 =	sadd.s32 $0x860, s16  }
0x3f7: {  	[hbm4b:s18+s3] =	stream.linear.scatter [tilespmem:s17], [sflag:$0x1], $0x80, $0x38;
	[tilespmem:$0x10800] =	vst v63  }
0x3f8: {  	s16 =	sadd.s32 $0x870, s16;
	s17 =	ssub.s32 $0x104F8, s13  }
0x3f9: {  	[hbm4b:s16+s3] =	stream.linear.scatter [tilespmem:s17], [sflag:$0x1], $0x80, $0x38;
	[tilespmem:$0x10800] =	vst v63  }
0x3fa: {  	s18 =	ssub.s32 $0xDF8, s13;
	s16 =	sadd.s32 s14, s6  }
0x3fb: {  	[hbm4b:s16+s3] =	stream.linear.scatter [tilespmem:s18], [sflag:$0x1], $0x80, $0x38;
	[tilespmem:$0x10800] =	vst v63  }
0x3fc: {  	s17 =	ssub.s32 $0x1E78, s13;
	s18 =	sadd.s32 $0x10, s16  }
0x3fd: {  	[hbm4b:s18+s3] =	stream.linear.scatter [tilespmem:s17], [sflag:$0x1], $0x80, $0x38;
	[tilespmem:$0x10800] =	vst v63  }
0x3fe: {  	s17 =	ssub.s32 $0x2EF8, s13;
	s18 =	sadd.s32 $0x20, s16  }
0x3ff: {  	[hbm4b:s18+s3] =	stream.linear.scatter [tilespmem:s17], [sflag:$0x1], $0x80, $0x38;
	[tilespmem:$0x10800] =	vst v63  }
0x400: {  	s17 =	ssub.s32 $0x3F78, s13;
	s18 =	sadd.s32 $0x30, s16  }
0x401: {  	[hbm4b:s18+s3] =	stream.linear.scatter [tilespmem:s17], [sflag:$0x1], $0x80, $0x38;
	[tilespmem:$0x10800] =	vst v63  }
0x402: {  	s17 =	ssub.s32 $0x4FF8, s13;
	s18 =	sadd.s32 $0x40, s16  }
0x403: {  	[hbm4b:s18+s3] =	stream.linear.scatter [tilespmem:s17], [sflag:$0x1], $0x80, $0x38;
	[tilespmem:$0x10800] =	vst v63  }
0x404: {  	s17 =	ssub.s32 $0x6078, s13;
	s18 =	sadd.s32 $0x50, s16  }
0x405: {  	[hbm4b:s18+s3] =	stream.linear.scatter [tilespmem:s17], [sflag:$0x1], $0x80, $0x38;
	[tilespmem:$0x10800] =	vst v63  }
0x406: {  	s17 =	ssub.s32 $0x70F8, s13;
	s18 =	sadd.s32 $0x60, s16  }
0x407: {  	[hbm4b:s18+s3] =	stream.linear.scatter [tilespmem:s17], [sflag:$0x1], $0x80, $0x38;
	[tilespmem:$0x10800] =	vst v63  }
0x408: {  	s17 =	ssub.s32 $0x8178, s13;
	s18 =	sadd.s32 $0x70, s16  }
0x409: {  	[hbm4b:s18+s3] =	stream.linear.scatter [tilespmem:s17], [sflag:$0x1], $0x80, $0x38;
	[tilespmem:$0x10800] =	vst v63  }
0x40a: {  	s17 =	ssub.s32 $0x91F8, s13;
	s18 =	sadd.s32 $0x800, s16  }
0x40b: {  	[hbm4b:s18+s3] =	stream.linear.scatter [tilespmem:s17], [sflag:$0x1], $0x80, $0x38;
	[tilespmem:$0x10800] =	vst v63  }
0x40c: {  	s17 =	ssub.s32 $0xA278, s13;
	s18 =	sadd.s32 $0x810, s16  }
0x40d: {  	[hbm4b:s18+s3] =	stream.linear.scatter [tilespmem:s17], [sflag:$0x1], $0x80, $0x38;
	[tilespmem:$0x10800] =	vst v63  }
0x40e: {  	s17 =	ssub.s32 $0xB2F8, s13;
	s18 =	sadd.s32 $0x820, s16  }
0x40f: {  	[hbm4b:s18+s3] =	stream.linear.scatter [tilespmem:s17], [sflag:$0x1], $0x80, $0x38;
	[tilespmem:$0x10800] =	vst v63  }
0x410: {  	s17 =	ssub.s32 $0xC378, s13;
	s18 =	sadd.s32 $0x830, s16  }
0x411: {  	[hbm4b:s18+s3] =	stream.linear.scatter [tilespmem:s17], [sflag:$0x1], $0x80, $0x38;
	[tilespmem:$0x10800] =	vst v63  }
0x412: {  	s17 =	ssub.s32 $0xD3F8, s13;
	s18 =	sadd.s32 $0x840, s16  }
0x413: {  	[hbm4b:s18+s3] =	stream.linear.scatter [tilespmem:s17], [sflag:$0x1], $0x80, $0x38;
	[tilespmem:$0x10800] =	vst v63  }
0x414: {  	s17 =	ssub.s32 $0xE478, s13;
	s18 =	sadd.s32 $0x850, s16  }
0x415: {  	[hbm4b:s18+s3] =	stream.linear.scatter [tilespmem:s17], [sflag:$0x1], $0x80, $0x38;
	[tilespmem:$0x10800] =	vst v63  }
0x416: {  	s17 =	ssub.s32 $0xF4F8, s13;
	s18 =	sadd.s32 $0x860, s16  }
0x417: {  	[hbm4b:s18+s3] =	stream.linear.scatter [tilespmem:s17], [sflag:$0x1], $0x80, $0x38;
	[tilespmem:$0x10800] =	vst v63  }
0x418: {  	s16 =	sadd.s32 $0x870, s16;
	s17 =	ssub.s32 $0x10578, s13  }
0x419: {  	[hbm4b:s16+s3] =	stream.linear.scatter [tilespmem:s17], [sflag:$0x1], $0x80, $0x38;
	[tilespmem:$0x10800] =	vst v63  }
0x41a: {  	s18 =	ssub.s32 $0xE78, s13;
	s16 =	sadd.s32 s14, s7  }
0x41b: {  	[hbm4b:s16+s3] =	stream.linear.scatter [tilespmem:s18], [sflag:$0x1], $0x80, $0x38;
	[tilespmem:$0x10800] =	vst v63  }
0x41c: {  	s17 =	ssub.s32 $0x1EF8, s13;
	s18 =	sadd.s32 $0x10, s16  }
0x41d: {  	[hbm4b:s18+s3] =	stream.linear.scatter [tilespmem:s17], [sflag:$0x1], $0x80, $0x38;
	[tilespmem:$0x10800] =	vst v63  }
0x41e: {  	s17 =	ssub.s32 $0x2F78, s13;
	s18 =	sadd.s32 $0x20, s16  }
0x41f: {  	[hbm4b:s18+s3] =	stream.linear.scatter [tilespmem:s17], [sflag:$0x1], $0x80, $0x38;
	[tilespmem:$0x10800] =	vst v63  }
0x420: {  	s17 =	ssub.s32 $0x3FF8, s13;
	s18 =	sadd.s32 $0x30, s16  }
0x421: {  	[hbm4b:s18+s3] =	stream.linear.scatter [tilespmem:s17], [sflag:$0x1], $0x80, $0x38;
	[tilespmem:$0x10800] =	vst v63  }
0x422: {  	s17 =	ssub.s32 $0x5078, s13;
	s18 =	sadd.s32 $0x40, s16  }
0x423: {  	[hbm4b:s18+s3] =	stream.linear.scatter [tilespmem:s17], [sflag:$0x1], $0x80, $0x38;
	[tilespmem:$0x10800] =	vst v63  }
0x424: {  	s17 =	ssub.s32 $0x60F8, s13;
	s18 =	sadd.s32 $0x50, s16  }
0x425: {  	[hbm4b:s18+s3] =	stream.linear.scatter [tilespmem:s17], [sflag:$0x1], $0x80, $0x38;
	[tilespmem:$0x10800] =	vst v63  }
0x426: {  	s17 =	ssub.s32 $0x7178, s13;
	s18 =	sadd.s32 $0x60, s16  }
0x427: {  	[hbm4b:s18+s3] =	stream.linear.scatter [tilespmem:s17], [sflag:$0x1], $0x80, $0x38;
	[tilespmem:$0x10800] =	vst v63  }
0x428: {  	s17 =	ssub.s32 $0x81F8, s13;
	s18 =	sadd.s32 $0x70, s16  }
0x429: {  	[hbm4b:s18+s3] =	stream.linear.scatter [tilespmem:s17], [sflag:$0x1], $0x80, $0x38;
	[tilespmem:$0x10800] =	vst v63  }
0x42a: {  	s17 =	ssub.s32 $0x9278, s13;
	s18 =	sadd.s32 $0x800, s16  }
0x42b: {  	[hbm4b:s18+s3] =	stream.linear.scatter [tilespmem:s17], [sflag:$0x1], $0x80, $0x38;
	[tilespmem:$0x10800] =	vst v63  }
0x42c: {  	s17 =	ssub.s32 $0xA2F8, s13;
	s18 =	sadd.s32 $0x810, s16  }
0x42d: {  	[hbm4b:s18+s3] =	stream.linear.scatter [tilespmem:s17], [sflag:$0x1], $0x80, $0x38;
	[tilespmem:$0x10800] =	vst v63  }
0x42e: {  	s17 =	ssub.s32 $0xB378, s13;
	s18 =	sadd.s32 $0x820, s16  }
0x42f: {  	[hbm4b:s18+s3] =	stream.linear.scatter [tilespmem:s17], [sflag:$0x1], $0x80, $0x38;
	[tilespmem:$0x10800] =	vst v63  }
0x430: {  	s17 =	ssub.s32 $0xC3F8, s13;
	s18 =	sadd.s32 $0x830, s16  }
0x431: {  	[hbm4b:s18+s3] =	stream.linear.scatter [tilespmem:s17], [sflag:$0x1], $0x80, $0x38;
	[tilespmem:$0x10800] =	vst v63  }
0x432: {  	s17 =	ssub.s32 $0xD478, s13;
	s18 =	sadd.s32 $0x840, s16  }
0x433: {  	[hbm4b:s18+s3] =	stream.linear.scatter [tilespmem:s17], [sflag:$0x1], $0x80, $0x38;
	[tilespmem:$0x10800] =	vst v63  }
0x434: {  	s17 =	ssub.s32 $0xE4F8, s13;
	s18 =	sadd.s32 $0x850, s16  }
0x435: {  	[hbm4b:s18+s3] =	stream.linear.scatter [tilespmem:s17], [sflag:$0x1], $0x80, $0x38;
	[tilespmem:$0x10800] =	vst v63  }
0x436: {  	s17 =	ssub.s32 $0xF578, s13;
	s18 =	sadd.s32 $0x860, s16  }
0x437: {  	[hbm4b:s18+s3] =	stream.linear.scatter [tilespmem:s17], [sflag:$0x1], $0x80, $0x38;
	[tilespmem:$0x10800] =	vst v63  }
0x438: {  	s16 =	sadd.s32 $0x870, s16;
	s17 =	ssub.s32 $0x105F8, s13  }
0x439: {  	[hbm4b:s16+s3] =	stream.linear.scatter [tilespmem:s17], [sflag:$0x1], $0x80, $0x38;
	[tilespmem:$0x10800] =	vst v63  }
0x43a: {  	s18 =	ssub.s32 $0xEF8, s13;
	s16 =	sadd.s32 s14, s8  }
0x43b: {  	[hbm4b:s16+s3] =	stream.linear.scatter [tilespmem:s18], [sflag:$0x1], $0x80, $0x38;
	[tilespmem:$0x10800] =	vst v63  }
0x43c: {  	s17 =	ssub.s32 $0x1F78, s13;
	s18 =	sadd.s32 $0x10, s16  }
0x43d: {  	[hbm4b:s18+s3] =	stream.linear.scatter [tilespmem:s17], [sflag:$0x1], $0x80, $0x38;
	[tilespmem:$0x10800] =	vst v63  }
0x43e: {  	s17 =	ssub.s32 $0x2FF8, s13;
	s18 =	sadd.s32 $0x20, s16  }
0x43f: {  	[hbm4b:s18+s3] =	stream.linear.scatter [tilespmem:s17], [sflag:$0x1], $0x80, $0x38;
	[tilespmem:$0x10800] =	vst v63  }
0x440: {  	s17 =	ssub.s32 $0x4078, s13;
	s18 =	sadd.s32 $0x30, s16  }
0x441: {  	[hbm4b:s18+s3] =	stream.linear.scatter [tilespmem:s17], [sflag:$0x1], $0x80, $0x38;
	[tilespmem:$0x10800] =	vst v63  }
0x442: {  	s17 =	ssub.s32 $0x50F8, s13;
	s18 =	sadd.s32 $0x40, s16  }
0x443: {  	[hbm4b:s18+s3] =	stream.linear.scatter [tilespmem:s17], [sflag:$0x1], $0x80, $0x38;
	[tilespmem:$0x10800] =	vst v63  }
0x444: {  	s17 =	ssub.s32 $0x6178, s13;
	s18 =	sadd.s32 $0x50, s16  }
0x445: {  	[hbm4b:s18+s3] =	stream.linear.scatter [tilespmem:s17], [sflag:$0x1], $0x80, $0x38;
	[tilespmem:$0x10800] =	vst v63  }
0x446: {  	s17 =	ssub.s32 $0x71F8, s13;
	s18 =	sadd.s32 $0x60, s16  }
0x447: {  	[hbm4b:s18+s3] =	stream.linear.scatter [tilespmem:s17], [sflag:$0x1], $0x80, $0x38;
	[tilespmem:$0x10800] =	vst v63  }
0x448: {  	s17 =	ssub.s32 $0x8278, s13;
	s18 =	sadd.s32 $0x70, s16  }
0x449: {  	[hbm4b:s18+s3] =	stream.linear.scatter [tilespmem:s17], [sflag:$0x1], $0x80, $0x38;
	[tilespmem:$0x10800] =	vst v63  }
0x44a: {  	s17 =	ssub.s32 $0x92F8, s13;
	s18 =	sadd.s32 $0x800, s16  }
0x44b: {  	[hbm4b:s18+s3] =	stream.linear.scatter [tilespmem:s17], [sflag:$0x1], $0x80, $0x38;
	[tilespmem:$0x10800] =	vst v63  }
0x44c: {  	s17 =	ssub.s32 $0xA378, s13;
	s18 =	sadd.s32 $0x810, s16  }
0x44d: {  	[hbm4b:s18+s3] =	stream.linear.scatter [tilespmem:s17], [sflag:$0x1], $0x80, $0x38;
	[tilespmem:$0x10800] =	vst v63  }
0x44e: {  	s17 =	ssub.s32 $0xB3F8, s13;
	s18 =	sadd.s32 $0x820, s16  }
0x44f: {  	[hbm4b:s18+s3] =	stream.linear.scatter [tilespmem:s17], [sflag:$0x1], $0x80, $0x38;
	[tilespmem:$0x10800] =	vst v63  }
0x450: {  	s17 =	ssub.s32 $0xC478, s13;
	s18 =	sadd.s32 $0x830, s16  }
0x451: {  	[hbm4b:s18+s3] =	stream.linear.scatter [tilespmem:s17], [sflag:$0x1], $0x80, $0x38;
	[tilespmem:$0x10800] =	vst v63  }
0x452: {  	s17 =	ssub.s32 $0xD4F8, s13;
	s18 =	sadd.s32 $0x840, s16  }
0x453: {  	[hbm4b:s18+s3] =	stream.linear.scatter [tilespmem:s17], [sflag:$0x1], $0x80, $0x38;
	[tilespmem:$0x10800] =	vst v63  }
0x454: {  	s17 =	ssub.s32 $0xE578, s13;
	s18 =	sadd.s32 $0x850, s16  }
0x455: {  	[hbm4b:s18+s3] =	stream.linear.scatter [tilespmem:s17], [sflag:$0x1], $0x80, $0x38;
	[tilespmem:$0x10800] =	vst v63  }
0x456: {  	s17 =	ssub.s32 $0xF5F8, s13;
	s18 =	sadd.s32 $0x860, s16  }
0x457: {  	[hbm4b:s18+s3] =	stream.linear.scatter [tilespmem:s17], [sflag:$0x1], $0x80, $0x38;
	[tilespmem:$0x10800] =	vst v63  }
0x458: {  	s16 =	sadd.s32 $0x870, s16;
	s18 =	ssub.s32 $0x10678, s13  }
0x459: {  	[hbm4b:s16+s3] =	stream.linear.scatter [tilespmem:s18], [sflag:$0x1], $0x80, $0x38;
	[tilespmem:$0x10800] =	vst v63  }
0x45a: {  	s14 =	sadd.s32 s14, s9;
	s16 =	ssub.s32 $0xF78, s13  }
0x45b: {  	[hbm4b:s14+s3] =	stream.linear.scatter [tilespmem:s16], [sflag:$0x1], $0x80, $0x38;
	[tilespmem:$0x10800] =	vst v63  }
0x45c: {  	s17 =	ssub.s32 $0x1FF8, s13;
	s18 =	sadd.s32 $0x10, s14  }
0x45d: {  	[hbm4b:s18+s3] =	stream.linear.scatter [tilespmem:s17], [sflag:$0x1], $0x80, $0x38;
	[tilespmem:$0x10800] =	vst v63  }
0x45e: {  	s17 =	ssub.s32 $0x3078, s13;
	s18 =	sadd.s32 $0x20, s14  }
0x45f: {  	[hbm4b:s18+s3] =	stream.linear.scatter [tilespmem:s17], [sflag:$0x1], $0x80, $0x38;
	[tilespmem:$0x10800] =	vst v63  }
0x460: {  	s17 =	ssub.s32 $0x40F8, s13;
	s18 =	sadd.s32 $0x30, s14  }
0x461: {  	[hbm4b:s18+s3] =	stream.linear.scatter [tilespmem:s17], [sflag:$0x1], $0x80, $0x38;
	[tilespmem:$0x10800] =	vst v63  }
0x462: {  	s17 =	ssub.s32 $0x5178, s13;
	s18 =	sadd.s32 $0x40, s14  }
0x463: {  	[hbm4b:s18+s3] =	stream.linear.scatter [tilespmem:s17], [sflag:$0x1], $0x80, $0x38;
	[tilespmem:$0x10800] =	vst v63  }
0x464: {  	s17 =	ssub.s32 $0x61F8, s13;
	s18 =	sadd.s32 $0x50, s14  }
0x465: {  	[hbm4b:s18+s3] =	stream.linear.scatter [tilespmem:s17], [sflag:$0x1], $0x80, $0x38;
	[tilespmem:$0x10800] =	vst v63  }
0x466: {  	s17 =	ssub.s32 $0x7278, s13;
	s18 =	sadd.s32 $0x60, s14  }
0x467: {  	[hbm4b:s18+s3] =	stream.linear.scatter [tilespmem:s17], [sflag:$0x1], $0x80, $0x38;
	[tilespmem:$0x10800] =	vst v63  }
0x468: {  	s17 =	ssub.s32 $0x82F8, s13;
	s18 =	sadd.s32 $0x70, s14  }
0x469: {  	[hbm4b:s18+s3] =	stream.linear.scatter [tilespmem:s17], [sflag:$0x1], $0x80, $0x38;
	[tilespmem:$0x10800] =	vst v63  }
0x46a: {  	s17 =	ssub.s32 $0x9378, s13;
	s18 =	sadd.s32 $0x800, s14  }
0x46b: {  	[hbm4b:s18+s3] =	stream.linear.scatter [tilespmem:s17], [sflag:$0x1], $0x80, $0x38;
	[tilespmem:$0x10800] =	vst v63  }
0x46c: {  	s17 =	ssub.s32 $0xA3F8, s13;
	s18 =	sadd.s32 $0x810, s14  }
0x46d: {  	[hbm4b:s18+s3] =	stream.linear.scatter [tilespmem:s17], [sflag:$0x1], $0x80, $0x38;
	[tilespmem:$0x10800] =	vst v63  }
0x46e: {  	s17 =	ssub.s32 $0xB478, s13;
	s18 =	sadd.s32 $0x820, s14  }
0x46f: {  	[hbm4b:s18+s3] =	stream.linear.scatter [tilespmem:s17], [sflag:$0x1], $0x80, $0x38;
	[tilespmem:$0x10800] =	vst v63  }
0x470: {  	s17 =	ssub.s32 $0xC4F8, s13;
	s18 =	sadd.s32 $0x830, s14  }
0x471: {  	[hbm4b:s18+s3] =	stream.linear.scatter [tilespmem:s17], [sflag:$0x1], $0x80, $0x38;
	[tilespmem:$0x10800] =	vst v63  }
0x472: {  	s17 =	ssub.s32 $0xD578, s13;
	s18 =	sadd.s32 $0x840, s14  }
0x473: {  	[hbm4b:s18+s3] =	stream.linear.scatter [tilespmem:s17], [sflag:$0x1], $0x80, $0x38;
	[tilespmem:$0x10800] =	vst v63  }
0x474: {  	s17 =	ssub.s32 $0xE5F8, s13;
	s18 =	sadd.s32 $0x850, s14  }
0x475: {  	[hbm4b:s18+s3] =	stream.linear.scatter [tilespmem:s17], [sflag:$0x1], $0x80, $0x38;
	[tilespmem:$0x10800] =	vst v63  }
0x476: {  	s17 =	ssub.s32 $0xF678, s13;
	s18 =	sadd.s32 $0x860, s14  }
0x477: {  	[hbm4b:s18+s3] =	stream.linear.scatter [tilespmem:s17], [sflag:$0x1], $0x80, $0x38;
	[tilespmem:$0x10800] =	vst v63  }
0x478: {  	s13 =	ssub.s32 $0x106F8, s13;
	s14 =	sadd.s32 $0x870, s14  }
0x479: {  	[hbm4b:s14+s3] =	stream.linear.scatter [tilespmem:s13], [sflag:$0x1], $0x80, $0x38;
	[tilespmem:$0x10800] =	vst v63  }
0x47a: {  	_ =	swait.ge [sflag:s4], $0x800  }
0x47b: {  	[sflag:s4] =	ssyncset.done $0x0  }
0x47c: {  	[sflag:s4] =	ssyncadd.s32 $0xFFFFF800  }
0x47d: {  	_ =	swait.ge [sflag:s4], $0x800  }
0x47e: {  	[sflag:s4] =	ssyncset.done $0x0  }
0x47f: {  	[sflag:s4] =	ssyncadd.s32 $0xFFFFF800  }
0x480: {  	_ =	swait.ge [sflag:s4], $0x800  }
0x481: {  	[sflag:s4] =	ssyncset.done $0x0  }
0x482: {  	[sflag:s4] =	ssyncadd.s32 $0xFFFFF800  }
0x483: {  	_ =	swait.ge [sflag:s4], $0x800  }
0x484: {  	[sflag:s4] =	ssyncset.done $0x0  }
0x485: {  	[sflag:s4] =	ssyncadd.s32 $0xFFFFF800  }
0x486: {  	_ =	swait.ge [sflag:s4], $0x800  }
0x487: {  	[sflag:s4] =	ssyncset.done $0x0  }
0x488: {  	[sflag:s4] =	ssyncadd.s32 $0xFFFFF800  }
0x489: {  	_ =	swait.ge [sflag:s4], $0x800  }
0x48a: {  	[sflag:s4] =	ssyncset.done $0x0  }
0x48b: {  	[sflag:s4] =	ssyncadd.s32 $0xFFFFF800  }
0x48c: {  	_ =	swait.ge [sflag:s4], $0x800  }
0x48d: {  	[sflag:s4] =	ssyncset.done $0x0  }
0x48e: {  	[sflag:s4] =	ssyncadd.s32 $0xFFFFF800  }
0x48f: {  	_ =	swait.ge [sflag:s4], $0x800  }
0x490: {  	[sflag:s4] =	ssyncset.done $0x0  }
0x491: {  	[sflag:s4] =	ssyncadd.s32 $0xFFFFF800  }
0x492: {  	_ =	swait.ge [sflag:s4], $0x800  }
0x493: {  	[sflag:s4] =	ssyncset.done $0x0  }
0x494: {  	[sflag:s4] =	ssyncadd.s32 $0xFFFFF800  }
0x495: {  	_ =	swait.ge [sflag:s4], $0x800  }
0x496: {  	[sflag:s4] =	ssyncset.done $0x0  }
0x497: {  	[sflag:s4] =	ssyncadd.s32 $0xFFFFF800  }
0x498: {  	_ =	swait.ge [sflag:s4], $0x800  }
0x499: {  	[sflag:s4] =	ssyncset.done $0x0  }
0x49a: {  	[sflag:s4] =	ssyncadd.s32 $0xFFFFF800  }
0x49b: {  	_ =	swait.ge [sflag:s4], $0x800  }
0x49c: {  	[sflag:s4] =	ssyncset.done $0x0  }
0x49d: {  	[sflag:s4] =	ssyncadd.s32 $0xFFFFF800  }
0x49e: {  	_ =	swait.ge [sflag:s4], $0x800  }
0x49f: {  	[sflag:s4] =	ssyncset.done $0x0  }
0x4a0: {  	[sflag:s4] =	ssyncadd.s32 $0xFFFFF800  }
0x4a1: {  	_ =	swait.ge [sflag:s4], $0x800  }
0x4a2: {  	[sflag:s4] =	ssyncset.done $0x0  }
0x4a3: {  	[sflag:s4] =	ssyncadd.s32 $0xFFFFF800  }
0x4a4: {  	_ =	swait.ge [sflag:s4], $0x800  }
0x4a5: {  	[sflag:s4] =	ssyncset.done $0x0  }
0x4a6: {  	[sflag:s4] =	ssyncadd.s32 $0xFFFFF800  }
0x4a7: {  	_ =	swait.ge [sflag:s4], $0x800  }
0x4a8: {  	[sflag:s4] =	ssyncset.done $0x0  }
0x4a9: {  	[sflag:s4] =	ssyncadd.s32 $0xFFFFF800  }
0x4aa: {  	_ =	swait.ge [sflag:s4], $0x800  }
0x4ab: {  	[sflag:s4] =	ssyncset.done $0x0  }
0x4ac: {  	[sflag:s4] =	ssyncadd.s32 $0xFFFFF800  }
0x4ad: {  	_ =	swait.ge [sflag:s4], $0x800  }
0x4ae: {  	[sflag:s4] =	ssyncset.done $0x0  }
0x4af: {  	[sflag:s4] =	ssyncadd.s32 $0xFFFFF800  }
0x4b0: {  	_ =	swait.ge [sflag:s4], $0x800  }
0x4b1: {  	[sflag:s4] =	ssyncset.done $0x0  }
0x4b2: {  	[sflag:s4] =	ssyncadd.s32 $0xFFFFF800  }
0x4b3: {  	_ =	swait.ge [sflag:s4], $0x800  }
0x4b4: {  	[sflag:s4] =	ssyncset.done $0x0  }
0x4b5: {  	[sflag:s4] =	ssyncadd.s32 $0xFFFFF800  }
0x4b6: {  	_ =	swait.ge [sflag:s4], $0x800  }
0x4b7: {  	[sflag:s4] =	ssyncset.done $0x0  }
0x4b8: {  	[sflag:s4] =	ssyncadd.s32 $0xFFFFF800  }
0x4b9: {  	_ =	swait.ge [sflag:s4], $0x800  }
0x4ba: {  	[sflag:s4] =	ssyncset.done $0x0  }
0x4bb: {  	[sflag:s4] =	ssyncadd.s32 $0xFFFFF800  }
0x4bc: {  	_ =	swait.ge [sflag:s4], $0x800  }
0x4bd: {  	[sflag:s4] =	ssyncset.done $0x0  }
0x4be: {  	[sflag:s4] =	ssyncadd.s32 $0xFFFFF800  }
0x4bf: {  	_ =	swait.ge [sflag:s4], $0x800  }
0x4c0: {  	[sflag:s4] =	ssyncset.done $0x0  }
0x4c1: {  	[sflag:s4] =	ssyncadd.s32 $0xFFFFF800  }
0x4c2: {  	_ =	swait.ge [sflag:s4], $0x800  }
0x4c3: {  	[sflag:s4] =	ssyncset.done $0x0  }
0x4c4: {  	[sflag:s4] =	ssyncadd.s32 $0xFFFFF800  }
0x4c5: {  	_ =	swait.ge [sflag:s4], $0x800  }
0x4c6: {  	[sflag:s4] =	ssyncset.done $0x0  }
0x4c7: {  	[sflag:s4] =	ssyncadd.s32 $0xFFFFF800  }
0x4c8: {  	_ =	swait.ge [sflag:s4], $0x800  }
0x4c9: {  	[sflag:s4] =	ssyncset.done $0x0  }
0x4ca: {  	[sflag:s4] =	ssyncadd.s32 $0xFFFFF800  }
0x4cb: {  	_ =	swait.ge [sflag:s4], $0x800  }
0x4cc: {  	[sflag:s4] =	ssyncset.done $0x0  }
0x4cd: {  	[sflag:s4] =	ssyncadd.s32 $0xFFFFF800  }
0x4ce: {  	_ =	swait.ge [sflag:s4], $0x800  }
0x4cf: {  	[sflag:s4] =	ssyncset.done $0x0  }
0x4d0: {  	[sflag:s4] =	ssyncadd.s32 $0xFFFFF800  }
0x4d1: {  	_ =	swait.ge [sflag:s4], $0x800  }
0x4d2: {  	[sflag:s4] =	ssyncset.done $0x0  }
0x4d3: {  	[sflag:s4] =	ssyncadd.s32 $0xFFFFF800  }
0x4d4: {  	p0 =	sne.s32 s12, $0x1F;
	_ =	swait.ge [sflag:s4], $0x800  }
.Ltmp0:
0x4d5: {  	[sflag:s4] =	ssyncset.done $0x0;
	(pc) =	sbr.rel @p0 .LBB2_2-.Ltmp0, $4  }
0x4d6: {  	[sflag:s4] =	ssyncadd.s32 $0xFFFFF800  }
0x4d7: {  	_ =	swait.ge [sflag:s4], $0x800  }
0x4d8: {  	[sflag:s4] =	ssyncset.done $0x0  }
0x4d9: {  	s12 =	sadd.s32 $0x1, s12;
	[sflag:s4] =	ssyncadd.s32 $0xFFFFF800  }
0x4da: {  	s10 =	sadd.s32 $0x1, s10  }
0x4db: {  	p0 =	sne.s32 s10, s25  }
.Ltmp1:
0x4dc: {  	_ = 	snop;
	(pc) =	sbr.rel @p0 .LBB2_1-.Ltmp1, $1  }
0x4dd: {  	_ =	sdelay $0x3  }
0x4de: {  	_ =	sfence.sel $0x180000  }
0x4df: {  	[bflag:$0x0] =	sbarrier.arrive $0xFFFF  }
0x4e0: {  	_ =	strace $0x90000047  }
0x4e1: {  	s0 =	stileid.u32;
	[bflag:$0x2] =	sbarrier.arrive $0xFFFF  }
0x4e2: {  	p0 =	sne.s32 s0, $0x0;
	s0 =	rddreg [dreg:$0x2]  }
0x4e3: {  	s0 =	sadd.s32 @!p0 $0x100000, s0  }
0x4e4: {  	[sflag:s0] =	ssyncadd.tile.s32 @!p0 $0x1;
	_ =	shalt  }
.Lfunc_end2:
_tile_overlayer_lowered:
.L_overlay_start_2:
0x4e5: {  	(tag) =	ssettag $0x2  }
0x4e6: {  	s0 =	rddreg [dreg:$0x0];
	s2 =	stileid.u32  }
0x4e7: {  	s1 =	rddreg [dreg:$0x1];
	p0 =	sne.s32 s2, $0x0  }
0x4e8: {  	s3 =	rddreg [dreg:$0x2];
	[bflag:$0x3] =	sbarrier.arrive $0xFFFF;
	s2 =	simm.s32 @!p0 $0x1C02  }
0x4e9: {  	[timem:s3], [sflag:s2] =	dma.local @!p0 [hbm:s0], s1  }
0x4ea: {  	s0 =	simm.s32 @!p0 $0x2  }
0x4eb: {  	_ =	swait.ge @!p0 [sflag:s0], s1  }
0x4ec: {  	s1 =	ssub.s32 @!p0 $0x0, s1;
	[sflag:s0] =	ssyncset.done @!p0 $0x0  }
0x4ed: {  	[sflag:s0] =	ssyncadd.s32 @!p0 s1  }
0x4ee: {  	[bflag:$0x3] =	sbarrier.arrive $0xFFFF  }
0x4ef: {  	_ =	shalt  }

</sc_bundles>
